<compile_context>
chip_gen: v7x
topology: tpu7x:2x2x1
jax: 0.10.2.dev20260603
libtpu: 0.0.44.dev20260713+nightly
codegen_flags: <defaults>
</compile_context>

<pallas_src>
import jax
import jax.numpy as jnp
from jax import lax
from jax.experimental import pallas as pl
from jax.experimental.pallas import tpu as pltpu
from jax.experimental.pallas import tpu_sc as plsc

_K = 256
_B = 128
_N = 32768
_L = 16
_NC = 2
_NS = 16
_NW = _NC * _NS
_RPW = _B // _NW
_NCHUNK = _N // _L
_NBUCK = 256
_NV = _K // _L
_MIN_I32 = -2147483648


def _lanes():
    return lax.iota(jnp.int32, _L)


def _pcnt(mask):
    return plsc.all_reduce_population_count(mask)


def _fill_zero(ref, nwords):
    zero = jnp.zeros((_L,), jnp.int32)

    def body(i):
        ref[pl.ds(i * _L, _L)] = zero

    plsc.parallel_loop(0, nwords // _L, unroll=8)(body)


def _scan_down(hist, need_v):
    zero16 = jnp.zeros((_L,), jnp.int32)

    def body(i, carry):
        cum_v, fb_v = carry
        c = 15 - i
        base = c * _L
        parts = [hist[pl.ds(l * _NBUCK + base, _L)] for l in range(_L)]
        while len(parts) > 1:
            parts = [parts[k] + parts[k + 1]
                     for k in range(0, len(parts), 2)]
        rev = lax.rev(parts[0], (0,))
        cs = plsc.cumsum(rev)
        tot_v = jnp.full((_L,), cs[_L - 1], jnp.int32)
        hit = (cum_v + cs) >= need_v
        p_v = plsc.all_reduce_ffs(hit)
        any_v = _pcnt(hit) > 0
        b_here_v = (base + (_L - 1)) - p_v
        take = jnp.logical_and(fb_v < 0, any_v)
        fb_v = jnp.where(take, b_here_v, fb_v)
        return cum_v + tot_v, fb_v

    _, fb_v = plsc.parallel_loop(
        0, 16, carry=(zero16, zero16 - 1))(body)
    return fb_v


def _sc_body(x_hbm, mask_hbm, idx_hbm,
             krow, mrow, cand, hist_a, hist_b, sel, selkey, skey2, outidx,
             sem_in, sem_mout, sem_iout):
    lanes = _lanes()
    lane_base = lanes * jnp.int32(_NBUCK)
    ones = jnp.ones((_L,), jnp.int32)
    neg_ones = -ones
    zero16 = jnp.zeros((_L,), jnp.int32)
    k_v = jnp.full((_L,), _K, jnp.int32)

    cid = lax.axis_index("c")
    sid = lax.axis_index("s")
    wid = sid * _NC + cid
    row0 = wid * _RPW

    _fill_zero(hist_b, _NBUCK * _L)
    pltpu.async_copy(x_hbm.at[row0], krow, sem_in)

    def row_body(r, rcarry):
        row = row0 + r
        _fill_zero(hist_a, _NBUCK * _L)
        pltpu.make_async_copy(x_hbm.at[row], krow, sem_in).wait()

        def phase1(i):
            xb = krow[pl.ds(i * _L, _L)]
            b = plsc.bitcast(xb, jnp.int32)
            ku = b ^ ((b >> 31) | jnp.int32(_MIN_I32))
            krow[pl.ds(i * _L, _L)] = plsc.bitcast(ku, jnp.float32)
            kuu = plsc.bitcast(ku, jnp.uint32)
            bucket = plsc.bitcast(kuu >> 24, jnp.int32)
            plsc.addupdate_scatter(hist_a, [lane_base + bucket], ones)

        plsc.parallel_loop(0, _NCHUNK, unroll=4)(phase1)

        b1_v = _scan_down(hist_a, k_v)

        @pl.when(r > 0)
        def _():
            pltpu.make_async_copy(mrow, mask_hbm.at[row], sem_mout).wait()
            pltpu.make_async_copy(outidx, idx_hbm.at[row], sem_iout).wait()

        def phase2(i, coff_v):
            kb = plsc.bitcast(krow[pl.ds(i * _L, _L)], jnp.uint32)
            bucket = plsc.bitcast(kb >> 24, jnp.int32)
            iv = i * _L + lanes
            mgt = bucket > b1_v
            mge = bucket >= b1_v
            mrow[pl.ds(i * _L, _L)] = jnp.where(mgt, ones, zero16)
            plsc.store_compressed(cand.at[pl.ds(coff_v[0], _L)], iv,
                                  mask=mge)
            return coff_v + _pcnt(mge)

        coff_v = plsc.parallel_loop(0, _NCHUNK, unroll=4,
                                    carry=zero16)(phase2)
        m = coff_v[0]

        def fsplit(j, carry):
            soff_v, koff_v = carry
            pos = j * _L + lanes
            valid = pos < coff_v
            iv = cand[pl.ds(j * _L, _L)]
            kv = plsc.load_gather(krow, [iv], mask=valid)
            kb = plsc.bitcast(kv, jnp.uint32)
            bucket = plsc.bitcast(kb >> 24, jnp.int32)
            mwin = jnp.logical_and(bucket > b1_v, valid)
            mkeep = jnp.logical_and(bucket == b1_v, valid)
            plsc.store_compressed(sel.at[pl.ds(soff_v[0], _L)], iv,
                                  mask=mwin)
            plsc.store_compressed(cand.at[pl.ds(koff_v[0], _L)], iv,
                                  mask=mkeep)
            return soff_v + _pcnt(mwin), koff_v + _pcnt(mkeep)

        soff_v, koff_v = plsc.parallel_loop(
            0, (m + _L - 1) // _L, carry=(zero16, zero16))(fsplit)
        m_v = koff_v
        m = m_v[0]
        need_v = k_v - soff_v

        for lvl in (2, 3, 4):
            shift = jnp.uint32(32 - 8 * lvl)
            nchunks = (m + _L - 1) // _L

            def fhist(j, m_v=m_v, shift=shift):
                pos = j * _L + lanes
                valid = pos < m_v
                iv = cand[pl.ds(j * _L, _L)]
                kv = plsc.load_gather(krow, [iv], mask=valid)
                kb = plsc.bitcast(kv, jnp.uint32)
                byte = plsc.bitcast((kb >> shift) & jnp.uint32(0xFF),
                                    jnp.int32)
                plsc.addupdate_scatter(hist_b, [lane_base + byte], ones,
                                       mask=valid)

            plsc.parallel_loop(0, nchunks)(fhist)
            bl_v = _scan_down(hist_b, need_v)

            def fcomp(j, carry, m_v=m_v, shift=shift, bl_v=bl_v):
                soff_v, koff_v = carry
                pos = j * _L + lanes
                valid = pos < m_v
                iv = cand[pl.ds(j * _L, _L)]
                kv = plsc.load_gather(krow, [iv], mask=valid)
                kb = plsc.bitcast(kv, jnp.uint32)
                byte = plsc.bitcast((kb >> shift) & jnp.uint32(0xFF),
                                    jnp.int32)
                plsc.addupdate_scatter(hist_b, [lane_base + byte], neg_ones,
                                       mask=valid)
                mwin = jnp.logical_and(byte > bl_v, valid)
                mkeep = jnp.logical_and(byte == bl_v, valid)
                plsc.store_compressed(sel.at[pl.ds(soff_v[0], _L)], iv,
                                      mask=mwin)
                plsc.store_compressed(cand.at[pl.ds(koff_v[0], _L)], iv,
                                      mask=mkeep)
                return soff_v + _pcnt(mwin), koff_v + _pcnt(mkeep)

            soff_v, koff_v = plsc.parallel_loop(
                0, nchunks, carry=(soff_v, zero16))(fcomp)
            m_v = koff_v
            m = m_v[0]
            need_v = k_v - soff_v

        tie_base = soff_v[0]

        def ftie(j):
            pos = j * _L + lanes
            valid = pos < need_v
            iv = cand[pl.ds(j * _L, _L)]
            plsc.store_compressed(sel.at[pl.ds(tie_base + j * _L, _L)], iv,
                                  mask=valid)

        plsc.parallel_loop(0, (need_v[0] + _L - 1) // _L)(ftie)

        def fmsc(jb):
            iv = sel[pl.ds(jb * _L, _L)]
            plsc.store_scatter(mrow, [iv], ones)

        plsc.parallel_loop(0, _NV)(fmsc)
        pltpu.async_copy(mrow, mask_hbm.at[row], sem_mout)

        def fgath(jb):
            ivb = sel[pl.ds(jb * _L, _L)]
            kvb = plsc.load_gather(krow, [ivb])
            selkey[pl.ds(jb * _L, _L)] = plsc.bitcast(kvb, jnp.int32)

        plsc.parallel_loop(0, _NV)(fgath)

        @pl.when(r + 1 < _RPW)
        def _():
            pltpu.async_copy(x_hbm.at[row + 1], krow, sem_in)

        bk = [plsc.bitcast(selkey[pl.ds(v * _L, _L)], jnp.uint32)
              for v in range(_NV)]
        bv = [lanes + v * _L for v in range(_NV)]
        for v in range(_NV):
            bk[v], bv[v] = plsc.sort_key_val(bk[v], bv[v],
                                             descending=(v & 1) == 1)
        for kk in (32, 64, 128, 256):
            j = kk // 2
            while j >= _L:
                vj = j // _L
                for v in range(_NV):
                    p = v ^ vj
                    if p > v:
                        up = ((v * _L) & kk) == 0
                        ka, kb, va, vb = bk[v], bk[p], bv[v], bv[p]
                        mle = (ka <= kb) if up else (kb <= ka)
                        bk[v] = jnp.where(mle, ka, kb)
                        bk[p] = jnp.where(mle, kb, ka)
                        bv[v] = jnp.where(mle, va, vb)
                        bv[p] = jnp.where(mle, vb, va)
                j //= 2
            for v in range(_NV):
                up = ((v * _L) & kk) == 0
                bk[v], bv[v] = plsc.sort_key_val(bk[v], bv[v],
                                                 descending=not up)

        skey2[pl.ds(_K, _L)] = zero16
        for v in range(_NV):
            skey2[pl.ds(v * _L, _L)] = plsc.bitcast(bk[v], jnp.int32)
        tiem = skey2[pl.ds(0, _L)] == skey2[pl.ds(1, _L)]
        for v in range(1, _NV):
            a = skey2[pl.ds(v * _L, _L)] == skey2[pl.ds(v * _L + 1, _L)]
            tiem = jnp.logical_or(tiem, a)
        prev = skey2[pl.ds(_L - 1, _L)] == skey2[pl.ds(_L, _L)]
        tiem = jnp.logical_or(tiem, prev)
        any_tie = _pcnt(tiem)[0] > 0

        def fast_path():
            for v in range(_NV):
                rank = (_K - 1 - v * _L) - lanes
                orig = plsc.load_gather(sel, [bv[v]])
                plsc.store_scatter(outidx, [rank], orig)

        def tie_path():
            def frank(ib, c):
                vkey = plsc.bitcast(selkey[pl.ds(ib * _L, _L)], jnp.uint32)

                def fge(jb, acc):
                    kj16 = selkey[pl.ds(jb * _L, _L)]
                    for l in range(_L):
                        kjs = plsc.bitcast(
                            jnp.full((_L,), kj16[l], jnp.int32), jnp.uint32)
                        acc = acc + jnp.where(kjs >= vkey, ones, zero16)
                    return acc

                def fgt(jb, acc):
                    kj16 = selkey[pl.ds(jb * _L, _L)]
                    for l in range(_L):
                        kjs = plsc.bitcast(
                            jnp.full((_L,), kj16[l], jnp.int32), jnp.uint32)
                        acc = acc + jnp.where(kjs > vkey, ones, zero16)
                    return acc

                acc = lax.fori_loop(0, ib, fge, zero16)
                acc = lax.fori_loop(ib + 1, _NV, fgt, acc)
                kd16 = selkey[pl.ds(ib * _L, _L)]
                for l in range(_L):
                    kjs = plsc.bitcast(
                        jnp.full((_L,), kd16[l], jnp.int32), jnp.uint32)
                    hit = jnp.where(l < lanes, kjs >= vkey, kjs > vkey)
                    acc = acc + jnp.where(hit, ones, zero16)
                plsc.store_scatter(outidx, [acc], sel[pl.ds(ib * _L, _L)])
                return c

            lax.fori_loop(0, _NV, frank, 0)

        lax.cond(any_tie, tie_path, fast_path)

        pltpu.async_copy(outidx, idx_hbm.at[row], sem_iout)
        return rcarry

    lax.fori_loop(0, _RPW, row_body, 0)
    last = row0 + _RPW - 1
    pltpu.make_async_copy(mrow, mask_hbm.at[last], sem_mout).wait()
    pltpu.make_async_copy(outidx, idx_hbm.at[last], sem_iout).wait()


_topk_call = pl.kernel(
    _sc_body,
    out_type=(
        jax.ShapeDtypeStruct((_B, _N), jnp.int32),
        jax.ShapeDtypeStruct((_B, _K), jnp.int32),
    ),
    mesh=plsc.VectorSubcoreMesh(
        core_axis_name="c", subcore_axis_name="s",
        num_cores=_NC, num_subcores=_NS),
    compiler_params=pltpu.CompilerParams(needs_layout_passes=False),
    scratch_types=[
        pltpu.VMEM((_N,), jnp.float32),
        pltpu.VMEM((_N,), jnp.int32),
        pltpu.VMEM((_N + _L,), jnp.int32),
        pltpu.VMEM((_NBUCK * _L,), jnp.int32),
        pltpu.VMEM((_NBUCK * _L,), jnp.int32),
        pltpu.VMEM((_K + _L,), jnp.int32),
        pltpu.VMEM((_K + _L,), jnp.int32),
        pltpu.VMEM((_K + _L,), jnp.int32),
        pltpu.VMEM((_K,), jnp.int32),
        pltpu.SemaphoreType.DMA,
        pltpu.SemaphoreType.DMA,
        pltpu.SemaphoreType.DMA,
    ],
)


def kernel(x):
    mask_i32, idx = _topk_call(x)
    return mask_i32.astype(jnp.bool_), idx

# --- scband reference (transcript-rebuilt; emitter-appended) ---
"""Pipeline reference for scband-top-k-83940840833380 (READ-ONLY COPY).

The authoritative reference and input builder live on the scoring server;
editing this copy changes nothing except your own understanding.
"""

import jax, jax.numpy as jnp
import numpy as np

K = 256

def setup_inputs(seed: int = 0) -> dict:
    key = jax.random.key(seed)
    x = jax.random.normal(key, (128, 32768), dtype=jnp.float32)
    return {"x": x}

def reference(x):
    # torch.topk(x, k, dim=-1) -> values, indices; we only need indices for the mask
    _, idx = jax.lax.top_k(x, K)
    B = x.shape[0]
    batch_idx = jnp.arange(B)[:, None]
    mask = jnp.zeros(x.shape, dtype=jnp.bool_)
    mask = mask.at[batch_idx, idx].set(True)
    return (mask, idx)

if __name__ == "__main__":
    import jax
    _d = setup_inputs()
    print(jax.jit(kernel)(*tuple(_d.values())))

</pallas_src>

<mosaic_0001>
#map = affine_map<(d0, d1) -> (0, 0)>
module attributes {stable_mosaic.version = 14 : i64} {
  func.func @_sc_body(%arg0: i32, %arg1: i32, %arg2: memref<128x32768xf32, #tpu.memory_space<hbm>>, %arg3: memref<128x32768xi32, #tpu.memory_space<hbm>>, %arg4: memref<128x256xi32, #tpu.memory_space<hbm>>, %arg5: memref<32768xf32, #tpu.memory_space<vmem>>, %arg6: memref<32768xi32, #tpu.memory_space<vmem>>, %arg7: memref<32784xi32, #tpu.memory_space<vmem>>, %arg8: memref<4096xi32, #tpu.memory_space<vmem>>, %arg9: memref<4096xi32, #tpu.memory_space<vmem>>, %arg10: memref<272xi32, #tpu.memory_space<vmem>>, %arg11: memref<272xi32, #tpu.memory_space<vmem>>, %arg12: memref<272xi32, #tpu.memory_space<vmem>>, %arg13: memref<256xi32, #tpu.memory_space<vmem>>, %arg14: memref<!tpu.dma_semaphore, #tpu.memory_space<semaphore_mem>>, %arg15: memref<!tpu.dma_semaphore, #tpu.memory_space<semaphore_mem>>, %arg16: memref<!tpu.dma_semaphore, #tpu.memory_space<semaphore_mem>>) attributes {dimension_semantics = [#tpu.dimension_semantics<core_parallel>, #tpu.dimension_semantics<subcore_parallel>], iteration_bounds = array<i64: 2, 16>, scalar_prefetch = 0 : i64, scratch_operands = 12 : i64, tpu.core_type = #tpu.core_type<sc_vector_subcore>, window_params = [{transform_indices = #map}, {transform_indices = #map}, {transform_indices = #map}]} {
    %iota3A = tpu.iota {dimensions = array<i32: 0>} : vector<16xi32>
    %mul3A = arith.constant 256 : i32
    %mul3A_0 = vector.broadcast %mul3A : i32 to vector<16xi32>
    %mul3A_1 = arith.muli %iota3A, %mul3A_0 : vector<16xi32>
    %broadcast_in_dim3A = arith.constant 1 : i32
    %broadcast_in_dim3A_2 = vector.broadcast %broadcast_in_dim3A : i32 to vector<16xi32>
    %neg3A = arith.constant 0 : i32
    %neg3A_3 = vector.broadcast %neg3A : i32 to vector<16xi32>
    %neg3A_4 = arith.subi %neg3A_3, %broadcast_in_dim3A_2 : vector<16xi32>
    %broadcast_in_dim3A_5 = arith.constant 0 : i32
    %broadcast_in_dim3A_6 = vector.broadcast %broadcast_in_dim3A_5 : i32 to vector<16xi32>
    %broadcast_in_dim3A_7 = arith.constant 256 : i32
    %broadcast_in_dim3A_8 = vector.broadcast %broadcast_in_dim3A_7 : i32 to vector<16xi32>
    %mul3A_9 = arith.constant 2 : i32
    %mul3A_10 = arith.muli %arg1, %mul3A_9 : i32
    %add3A = arith.addi %mul3A_10, %arg0 : i32
    %mul3A_11 = arith.constant 4 : i32
    %mul3A_12 = arith.muli %add3A, %mul3A_11 : i32
    %broadcast_in_dim3A_13 = arith.constant 0 : i32
    %broadcast_in_dim3A_14 = vector.broadcast %broadcast_in_dim3A_13 : i32 to vector<16xi32>
    %parallel_loop3A = arith.constant 0 : i32
    %parallel_loop3A_15 = arith.constant 256 : i32
    %parallel_loop3A_16 = arith.constant 1 : i32
    scf.for %parallel_loop3A_41 = %parallel_loop3A to %parallel_loop3A_15 step %parallel_loop3A_16  : i32 {
      %parallel_loop3A_42 = arith.constant 16 : i32
      %parallel_loop3A_43 = arith.muli %parallel_loop3A_41, %parallel_loop3A_42 : i32
      %parallel_loop3A_44 = arith.index_cast %parallel_loop3A_43 : i32 to index
      %parallel_loop3A_45 = tpu.vector_load %arg9[%parallel_loop3A_44] {strides = array<i32>} : memref<4096xi32, #tpu.memory_space<vmem>>, vector<16xi32>,
      tpu.vector_store %arg9[%parallel_loop3A_44], %broadcast_in_dim3A_14 {strides = array<i32>} : memref<4096xi32, #tpu.memory_space<vmem>>, vector<16xi32>,
    } {sc.loop_unroll_factor = 8 : i64, sc.parallel_access}
    %dma_start3A = arith.constant 0 : i32
    %dma_start3A_17 = tpu.memref_slice %arg2[%mul3A_12, %dma_start3A] : memref<128x32768xf32, #tpu.memory_space<hbm>> -> memref<1x32768xf32, #tpu.memory_space<hbm>>
    %dma_start3A_18 = tpu.memref_squeeze %dma_start3A_17 : memref<1x32768xf32, #tpu.memory_space<hbm>> -> memref<32768xf32, #tpu.memory_space<hbm>>
    %dma_start3A_19 = arith.constant 0 : i32
    %dma_start3A_20 = tpu.memref_slice %arg2[%mul3A_12, %dma_start3A_19] : memref<128x32768xf32, #tpu.memory_space<hbm>> -> memref<1x32768xf32, #tpu.memory_space<hbm>>
    %dma_start3A_21 = tpu.memref_squeeze %dma_start3A_20 : memref<1x32768xf32, #tpu.memory_space<hbm>> -> memref<32768xf32, #tpu.memory_space<hbm>>
    tpu.enqueue_dma source(%dma_start3A_21 : memref<32768xf32, #tpu.memory_space<hbm>>) target(%arg5 : memref<32768xf32, #tpu.memory_space<vmem>>) target_semaphore(%arg14 : memref<!tpu.dma_semaphore, #tpu.memory_space<semaphore_mem>>)
    %scan3A = arith.constant 0 : i32
    %scan3A_22 = arith.constant 0 : i32
    %scan3A_23 = arith.constant 4 : i32
    %scan3A_24 = arith.addi %scan3A_22, %scan3A_23 : i32
    %scan3A_25 = arith.constant 1 : i32
    scf.for %scan3A_41 = %scan3A_22 to %scan3A_24 step %scan3A_25  : i32 {
      %add3A_42 = arith.addi %mul3A_12, %scan3A_41 : i32
      %broadcast_in_dim3A_43 = arith.constant 0 : i32
      %broadcast_in_dim3A_44 = vector.broadcast %broadcast_in_dim3A_43 : i32 to vector<16xi32>
      %parallel_loop3A_45 = arith.constant 0 : i32
      %parallel_loop3A_46 = arith.constant 256 : i32
      %parallel_loop3A_47 = arith.constant 1 : i32
      scf.for %parallel_loop3A_1265 = %parallel_loop3A_45 to %parallel_loop3A_46 step %parallel_loop3A_47  : i32 {
        %parallel_loop3A_1266 = arith.constant 16 : i32
        %parallel_loop3A_1267 = arith.muli %parallel_loop3A_1265, %parallel_loop3A_1266 : i32
        %parallel_loop3A_1268 = arith.index_cast %parallel_loop3A_1267 : i32 to index
        %parallel_loop3A_1269 = tpu.vector_load %arg8[%parallel_loop3A_1268] {strides = array<i32>} : memref<4096xi32, #tpu.memory_space<vmem>>, vector<16xi32>,
        tpu.vector_store %arg8[%parallel_loop3A_1268], %broadcast_in_dim3A_44 {strides = array<i32>} : memref<4096xi32, #tpu.memory_space<vmem>>, vector<16xi32>,
      } {sc.loop_unroll_factor = 8 : i64, sc.parallel_access}
      %dma_wait3A_48 = arith.constant 0 : i32
      %dma_wait3A_49 = tpu.memref_slice %arg2[%add3A_42, %dma_wait3A_48] : memref<128x32768xf32, #tpu.memory_space<hbm>> -> memref<1x32768xf32, #tpu.memory_space<hbm>>
      %dma_wait3A_50 = tpu.memref_squeeze %dma_wait3A_49 : memref<1x32768xf32, #tpu.memory_space<hbm>> -> memref<32768xf32, #tpu.memory_space<hbm>>
      %dma_wait3A_51 = arith.constant 0 : i32
      %dma_wait3A_52 = tpu.memref_slice %arg2[%add3A_42, %dma_wait3A_51] : memref<128x32768xf32, #tpu.memory_space<hbm>> -> memref<1x32768xf32, #tpu.memory_space<hbm>>
      %dma_wait3A_53 = tpu.memref_squeeze %dma_wait3A_52 : memref<1x32768xf32, #tpu.memory_space<hbm>> -> memref<32768xf32, #tpu.memory_space<hbm>>
      tpu.wait_dma2 semaphore(%arg14 : memref<!tpu.dma_semaphore, #tpu.memory_space<semaphore_mem>>) src(%dma_wait3A_53 : memref<32768xf32, #tpu.memory_space<hbm>>) dst(%arg5 : memref<32768xf32, #tpu.memory_space<vmem>>)
      %parallel_loop3A_54 = arith.constant 0 : i32
      %parallel_loop3A_55 = arith.constant 2048 : i32
      %parallel_loop3A_56 = arith.constant 1 : i32
      scf.for %parallel_loop3A_1265 = %parallel_loop3A_54 to %parallel_loop3A_55 step %parallel_loop3A_56  : i32 {
        %parallel_loop3A_1266 = arith.constant 16 : i32
        %parallel_loop3A_1267 = arith.muli %parallel_loop3A_1265, %parallel_loop3A_1266 : i32
        %parallel_loop3A_1268 = arith.index_cast %parallel_loop3A_1267 : i32 to index
        %parallel_loop3A_1269 = tpu.vector_load %arg5[%parallel_loop3A_1268] {strides = array<i32>} : memref<32768xf32, #tpu.memory_space<vmem>>, vector<16xf32>,
        %parallel_loop3A_1270 = vector.bitcast %parallel_loop3A_1269 : vector<16xf32> to vector<16xi32>
        %parallel_loop3A_1271 = arith.constant 31 : i32
        %parallel_loop3A_1272 = vector.broadcast %parallel_loop3A_1271 : i32 to vector<16xi32>
        %parallel_loop3A_1273 = arith.shrsi %parallel_loop3A_1270, %parallel_loop3A_1272 : vector<16xi32>
        %parallel_loop3A_1274 = arith.constant -2147483648 : i32
        %parallel_loop3A_1275 = vector.broadcast %parallel_loop3A_1274 : i32 to vector<16xi32>
        %parallel_loop3A_1276 = arith.ori %parallel_loop3A_1273, %parallel_loop3A_1275 : vector<16xi32>
        %parallel_loop3A_1277 = arith.xori %parallel_loop3A_1270, %parallel_loop3A_1276 : vector<16xi32>
        %parallel_loop3A_1278 = vector.bitcast %parallel_loop3A_1277 : vector<16xi32> to vector<16xf32>
        %parallel_loop3A_1279 = arith.constant 16 : i32
        %parallel_loop3A_1280 = arith.muli %parallel_loop3A_1265, %parallel_loop3A_1279 : i32
        %parallel_loop3A_1281 = arith.index_cast %parallel_loop3A_1280 : i32 to index
        %parallel_loop3A_1282 = tpu.vector_load %arg5[%parallel_loop3A_1281] {strides = array<i32>} : memref<32768xf32, #tpu.memory_space<vmem>>, vector<16xf32>,
        tpu.vector_store %arg5[%parallel_loop3A_1281], %parallel_loop3A_1278 {strides = array<i32>} : memref<32768xf32, #tpu.memory_space<vmem>>, vector<16xf32>,
        %parallel_loop3A_1283 = vector.bitcast %parallel_loop3A_1277 : vector<16xi32> to vector<16xi32>
        %parallel_loop3A_1284 = arith.constant 24 : i32
        %parallel_loop3A_1285 = vector.broadcast %parallel_loop3A_1284 : i32 to vector<16xi32>
        %parallel_loop3A_1286 = arith.shrui %parallel_loop3A_1283, %parallel_loop3A_1285 : vector<16xi32>
        %parallel_loop3A_1287 = vector.bitcast %parallel_loop3A_1286 : vector<16xi32> to vector<16xi32>
        %parallel_loop3A_1288 = arith.addi %mul3A_1, %parallel_loop3A_1287 : vector<16xi32>
        tpu.vector_store_idx %arg8[%parallel_loop3A_1288], %broadcast_in_dim3A_2 {add = true} : memref<4096xi32, #tpu.memory_space<vmem>>[vector<16xi32>], vector<16xi32>,
      } {sc.loop_unroll_factor = 4 : i64, sc.parallel_access}
      %broadcast_in_dim3A_57 = arith.constant 0 : i32
      %broadcast_in_dim3A_58 = vector.broadcast %broadcast_in_dim3A_57 : i32 to vector<16xi32>
      %sub3A_59 = arith.constant 1 : i32
      %sub3A_60 = vector.broadcast %sub3A_59 : i32 to vector<16xi32>
      %sub3A_61 = arith.subi %broadcast_in_dim3A_58, %sub3A_60 : vector<16xi32>
      %parallel_loop3A_62 = arith.constant 0 : i32
      %parallel_loop3A_63 = arith.constant 16 : i32
      %parallel_loop3A_64 = arith.constant 1 : i32
      %parallel_loop3A_65:2 = scf.for %parallel_loop3A_1265 = %parallel_loop3A_62 to %parallel_loop3A_63 step %parallel_loop3A_64 iter_args(%parallel_loop3A_1266 = %broadcast_in_dim3A_58, %parallel_loop3A_1267 = %sub3A_61) -> (vector<16xi32>, vector<16xi32>)  : i32 {
        %parallel_loop3A_1268 = arith.constant 15 : i32
        %parallel_loop3A_1269 = arith.subi %parallel_loop3A_1268, %parallel_loop3A_1265 : i32
        %parallel_loop3A_1270 = arith.constant 16 : i32
        %parallel_loop3A_1271 = arith.muli %parallel_loop3A_1269, %parallel_loop3A_1270 : i32
        %parallel_loop3A_1272 = arith.constant 0 : i32
        %parallel_loop3A_1273 = arith.addi %parallel_loop3A_1272, %parallel_loop3A_1271 : i32
        %parallel_loop3A_1274 = arith.index_cast %parallel_loop3A_1273 : i32 to index
        %parallel_loop3A_1275 = tpu.vector_load %arg8[%parallel_loop3A_1274] {strides = array<i32>} : memref<4096xi32, #tpu.memory_space<vmem>>, vector<16xi32>,
        %parallel_loop3A_1276 = arith.constant 256 : i32
        %parallel_loop3A_1277 = arith.addi %parallel_loop3A_1276, %parallel_loop3A_1271 : i32
        %parallel_loop3A_1278 = arith.index_cast %parallel_loop3A_1277 : i32 to index
        %parallel_loop3A_1279 = tpu.vector_load %arg8[%parallel_loop3A_1278] {strides = array<i32>} : memref<4096xi32, #tpu.memory_space<vmem>>, vector<16xi32>,
        %parallel_loop3A_1280 = arith.constant 512 : i32
        %parallel_loop3A_1281 = arith.addi %parallel_loop3A_1280, %parallel_loop3A_1271 : i32
        %parallel_loop3A_1282 = arith.index_cast %parallel_loop3A_1281 : i32 to index
        %parallel_loop3A_1283 = tpu.vector_load %arg8[%parallel_loop3A_1282] {strides = array<i32>} : memref<4096xi32, #tpu.memory_space<vmem>>, vector<16xi32>,
        %parallel_loop3A_1284 = arith.constant 768 : i32
        %parallel_loop3A_1285 = arith.addi %parallel_loop3A_1284, %parallel_loop3A_1271 : i32
        %parallel_loop3A_1286 = arith.index_cast %parallel_loop3A_1285 : i32 to index
        %parallel_loop3A_1287 = tpu.vector_load %arg8[%parallel_loop3A_1286] {strides = array<i32>} : memref<4096xi32, #tpu.memory_space<vmem>>, vector<16xi32>,
        %parallel_loop3A_1288 = arith.constant 1024 : i32
        %parallel_loop3A_1289 = arith.addi %parallel_loop3A_1288, %parallel_loop3A_1271 : i32
        %parallel_loop3A_1290 = arith.index_cast %parallel_loop3A_1289 : i32 to index
        %parallel_loop3A_1291 = tpu.vector_load %arg8[%parallel_loop3A_1290] {strides = array<i32>} : memref<4096xi32, #tpu.memory_space<vmem>>, vector<16xi32>,
        %parallel_loop3A_1292 = arith.constant 1280 : i32
        %parallel_loop3A_1293 = arith.addi %parallel_loop3A_1292, %parallel_loop3A_1271 : i32
        %parallel_loop3A_1294 = arith.index_cast %parallel_loop3A_1293 : i32 to index
        %parallel_loop3A_1295 = tpu.vector_load %arg8[%parallel_loop3A_1294] {strides = array<i32>} : memref<4096xi32, #tpu.memory_space<vmem>>, vector<16xi32>,
        %parallel_loop3A_1296 = arith.constant 1536 : i32
        %parallel_loop3A_1297 = arith.addi %parallel_loop3A_1296, %parallel_loop3A_1271 : i32
        %parallel_loop3A_1298 = arith.index_cast %parallel_loop3A_1297 : i32 to index
        %parallel_loop3A_1299 = tpu.vector_load %arg8[%parallel_loop3A_1298] {strides = array<i32>} : memref<4096xi32, #tpu.memory_space<vmem>>, vector<16xi32>,
        %parallel_loop3A_1300 = arith.constant 1792 : i32
        %parallel_loop3A_1301 = arith.addi %parallel_loop3A_1300, %parallel_loop3A_1271 : i32
        %parallel_loop3A_1302 = arith.index_cast %parallel_loop3A_1301 : i32 to index
        %parallel_loop3A_1303 = tpu.vector_load %arg8[%parallel_loop3A_1302] {strides = array<i32>} : memref<4096xi32, #tpu.memory_space<vmem>>, vector<16xi32>,
        %parallel_loop3A_1304 = arith.constant 2048 : i32
        %parallel_loop3A_1305 = arith.addi %parallel_loop3A_1304, %parallel_loop3A_1271 : i32
        %parallel_loop3A_1306 = arith.index_cast %parallel_loop3A_1305 : i32 to index
        %parallel_loop3A_1307 = tpu.vector_load %arg8[%parallel_loop3A_1306] {strides = array<i32>} : memref<4096xi32, #tpu.memory_space<vmem>>, vector<16xi32>,
        %parallel_loop3A_1308 = arith.constant 2304 : i32
        %parallel_loop3A_1309 = arith.addi %parallel_loop3A_1308, %parallel_loop3A_1271 : i32
        %parallel_loop3A_1310 = arith.index_cast %parallel_loop3A_1309 : i32 to index
        %parallel_loop3A_1311 = tpu.vector_load %arg8[%parallel_loop3A_1310] {strides = array<i32>} : memref<4096xi32, #tpu.memory_space<vmem>>, vector<16xi32>,
        %parallel_loop3A_1312 = arith.constant 2560 : i32
        %parallel_loop3A_1313 = arith.addi %parallel_loop3A_1312, %parallel_loop3A_1271 : i32
        %parallel_loop3A_1314 = arith.index_cast %parallel_loop3A_1313 : i32 to index
        %parallel_loop3A_1315 = tpu.vector_load %arg8[%parallel_loop3A_1314] {strides = array<i32>} : memref<4096xi32, #tpu.memory_space<vmem>>, vector<16xi32>,
        %parallel_loop3A_1316 = arith.constant 2816 : i32
        %parallel_loop3A_1317 = arith.addi %parallel_loop3A_1316, %parallel_loop3A_1271 : i32
        %parallel_loop3A_1318 = arith.index_cast %parallel_loop3A_1317 : i32 to index
        %parallel_loop3A_1319 = tpu.vector_load %arg8[%parallel_loop3A_1318] {strides = array<i32>} : memref<4096xi32, #tpu.memory_space<vmem>>, vector<16xi32>,
        %parallel_loop3A_1320 = arith.constant 3072 : i32
        %parallel_loop3A_1321 = arith.addi %parallel_loop3A_1320, %parallel_loop3A_1271 : i32
        %parallel_loop3A_1322 = arith.index_cast %parallel_loop3A_1321 : i32 to index
        %parallel_loop3A_1323 = tpu.vector_load %arg8[%parallel_loop3A_1322] {strides = array<i32>} : memref<4096xi32, #tpu.memory_space<vmem>>, vector<16xi32>,
        %parallel_loop3A_1324 = arith.constant 3328 : i32
        %parallel_loop3A_1325 = arith.addi %parallel_loop3A_1324, %parallel_loop3A_1271 : i32
        %parallel_loop3A_1326 = arith.index_cast %parallel_loop3A_1325 : i32 to index
        %parallel_loop3A_1327 = tpu.vector_load %arg8[%parallel_loop3A_1326] {strides = array<i32>} : memref<4096xi32, #tpu.memory_space<vmem>>, vector<16xi32>,
        %parallel_loop3A_1328 = arith.constant 3584 : i32
        %parallel_loop3A_1329 = arith.addi %parallel_loop3A_1328, %parallel_loop3A_1271 : i32
        %parallel_loop3A_1330 = arith.index_cast %parallel_loop3A_1329 : i32 to index
        %parallel_loop3A_1331 = tpu.vector_load %arg8[%parallel_loop3A_1330] {strides = array<i32>} : memref<4096xi32, #tpu.memory_space<vmem>>, vector<16xi32>,
        %parallel_loop3A_1332 = arith.constant 3840 : i32
        %parallel_loop3A_1333 = arith.addi %parallel_loop3A_1332, %parallel_loop3A_1271 : i32
        %parallel_loop3A_1334 = arith.index_cast %parallel_loop3A_1333 : i32 to index
        %parallel_loop3A_1335 = tpu.vector_load %arg8[%parallel_loop3A_1334] {strides = array<i32>} : memref<4096xi32, #tpu.memory_space<vmem>>, vector<16xi32>,
        %parallel_loop3A_1336 = arith.addi %parallel_loop3A_1275, %parallel_loop3A_1279 : vector<16xi32>
        %parallel_loop3A_1337 = arith.addi %parallel_loop3A_1283, %parallel_loop3A_1287 : vector<16xi32>
        %parallel_loop3A_1338 = arith.addi %parallel_loop3A_1291, %parallel_loop3A_1295 : vector<16xi32>
        %parallel_loop3A_1339 = arith.addi %parallel_loop3A_1299, %parallel_loop3A_1303 : vector<16xi32>
        %parallel_loop3A_1340 = arith.addi %parallel_loop3A_1307, %parallel_loop3A_1311 : vector<16xi32>
        %parallel_loop3A_1341 = arith.addi %parallel_loop3A_1315, %parallel_loop3A_1319 : vector<16xi32>
        %parallel_loop3A_1342 = arith.addi %parallel_loop3A_1323, %parallel_loop3A_1327 : vector<16xi32>
        %parallel_loop3A_1343 = arith.addi %parallel_loop3A_1331, %parallel_loop3A_1335 : vector<16xi32>
        %parallel_loop3A_1344 = arith.addi %parallel_loop3A_1336, %parallel_loop3A_1337 : vector<16xi32>
        %parallel_loop3A_1345 = arith.addi %parallel_loop3A_1338, %parallel_loop3A_1339 : vector<16xi32>
        %parallel_loop3A_1346 = arith.addi %parallel_loop3A_1340, %parallel_loop3A_1341 : vector<16xi32>
        %parallel_loop3A_1347 = arith.addi %parallel_loop3A_1342, %parallel_loop3A_1343 : vector<16xi32>
        %parallel_loop3A_1348 = arith.addi %parallel_loop3A_1344, %parallel_loop3A_1345 : vector<16xi32>
        %parallel_loop3A_1349 = arith.addi %parallel_loop3A_1346, %parallel_loop3A_1347 : vector<16xi32>
        %parallel_loop3A_1350 = arith.addi %parallel_loop3A_1348, %parallel_loop3A_1349 : vector<16xi32>
        %parallel_loop3A_1351 = arith.constant 15 : i32
        %parallel_loop3A_1352 = vector.broadcast %parallel_loop3A_1351 : i32 to vector<16xi32>
        %parallel_loop3A_1353 = tpu.iota {dimensions = array<i32: 0>} : vector<16xi32>
        %parallel_loop3A_1354 = arith.subi %parallel_loop3A_1352, %parallel_loop3A_1353 : vector<16xi32>
        %parallel_loop3A_1355 = tpu.dynamic_gather %parallel_loop3A_1350[%parallel_loop3A_1354] in [0] : vector<16xi32>, vector<16xi32> -> vector<16xi32>
        %parallel_loop3A_1356 = arith.constant true
        %parallel_loop3A_1357 = vector.broadcast %parallel_loop3A_1356 : i1 to vector<16xi1>
        %parallel_loop3A_1358 = tpu.scan <sum>, %parallel_loop3A_1355 masked %parallel_loop3A_1357 : vector<16xi32>, vector<16xi1> -> vector<16xi32>
        %parallel_loop3A_1359 = vector.extract_strided_slice %parallel_loop3A_1358 {offsets = [15], sizes = [1], strides = [1]} : vector<16xi32> to vector<1xi32>
        %parallel_loop3A_1360 = vector.extract %parallel_loop3A_1359[0] : i32 from vector<1xi32>
        %parallel_loop3A_1361 = vector.broadcast %parallel_loop3A_1360 : i32 to vector<16xi32>
        %parallel_loop3A_1362 = arith.addi %parallel_loop3A_1266, %parallel_loop3A_1358 : vector<16xi32>
        %parallel_loop3A_1363 = arith.cmpi sge, %parallel_loop3A_1362, %broadcast_in_dim3A_8 : vector<16xi32>
        %parallel_loop3A_1364 = tpu.all_reduce %parallel_loop3A_1363 {dim = 0 : i64, kind = #tpu.reduction_kind<find_first_set>} : vector<16xi1> -> vector<16xi32>
        %parallel_loop3A_1365 = tpu.all_reduce %parallel_loop3A_1363 {dim = 0 : i64, kind = #tpu.reduction_kind<sum>} : vector<16xi1> -> vector<16xi32>
        %parallel_loop3A_1366 = arith.constant 0 : i32
        %parallel_loop3A_1367 = vector.broadcast %parallel_loop3A_1366 : i32 to vector<16xi32>
        %parallel_loop3A_1368 = arith.cmpi sgt, %parallel_loop3A_1365, %parallel_loop3A_1367 : vector<16xi32>
        %parallel_loop3A_1369 = arith.constant 15 : i32
        %parallel_loop3A_1370 = arith.addi %parallel_loop3A_1271, %parallel_loop3A_1369 : i32
        %parallel_loop3A_1371 = vector.broadcast %parallel_loop3A_1370 : i32 to vector<16xi32>
        %parallel_loop3A_1372 = arith.subi %parallel_loop3A_1371, %parallel_loop3A_1364 : vector<16xi32>
        %parallel_loop3A_1373 = arith.constant 0 : i32
        %parallel_loop3A_1374 = vector.broadcast %parallel_loop3A_1373 : i32 to vector<16xi32>
        %parallel_loop3A_1375 = arith.cmpi slt, %parallel_loop3A_1267, %parallel_loop3A_1374 : vector<16xi32>
        %parallel_loop3A_1376 = arith.andi %parallel_loop3A_1375, %parallel_loop3A_1368 : vector<16xi1>
        %parallel_loop3A_1377 = arith.select %parallel_loop3A_1376, %parallel_loop3A_1372, %parallel_loop3A_1267 : vector<16xi1>, vector<16xi32>
        %parallel_loop3A_1378 = arith.addi %parallel_loop3A_1266, %parallel_loop3A_1361 : vector<16xi32>
        scf.yield %parallel_loop3A_1378, %parallel_loop3A_1377 : vector<16xi32>, vector<16xi32>
      } {sc.loop_unroll_factor = 1 : i64, sc.parallel_access}
      %gt3A = arith.constant 0 : i32
      %gt3A_66 = arith.cmpi sgt, %scan3A_41, %gt3A : i32
      %convert_element_type3A = arith.extui %gt3A_66 : i1 to i32
      %cond3A = arith.constant 0 : i32
      %cond3A_67 = arith.cmpi ne, %convert_element_type3A, %cond3A : i32
      scf.if %cond3A_67 {
        %dma_wait3A_1265 = arith.constant 0 : i32
        %dma_wait3A_1266 = tpu.memref_slice %arg3[%add3A_42, %dma_wait3A_1265] : memref<128x32768xi32, #tpu.memory_space<hbm>> -> memref<1x32768xi32, #tpu.memory_space<hbm>>
        %dma_wait3A_1267 = tpu.memref_squeeze %dma_wait3A_1266 : memref<1x32768xi32, #tpu.memory_space<hbm>> -> memref<32768xi32, #tpu.memory_space<hbm>>
        %dma_wait3A_1268 = arith.constant 0 : i32
        %dma_wait3A_1269 = tpu.memref_slice %arg3[%add3A_42, %dma_wait3A_1268] : memref<128x32768xi32, #tpu.memory_space<hbm>> -> memref<1x32768xi32, #tpu.memory_space<hbm>>
        %dma_wait3A_1270 = tpu.memref_squeeze %dma_wait3A_1269 : memref<1x32768xi32, #tpu.memory_space<hbm>> -> memref<32768xi32, #tpu.memory_space<hbm>>
        tpu.wait_dma2 semaphore(%arg15 : memref<!tpu.dma_semaphore, #tpu.memory_space<semaphore_mem>>) src(%arg6 : memref<32768xi32, #tpu.memory_space<vmem>>) dst(%dma_wait3A_1270 : memref<32768xi32, #tpu.memory_space<hbm>>)
        %dma_wait3A_1271 = arith.constant 0 : i32
        %dma_wait3A_1272 = tpu.memref_slice %arg4[%add3A_42, %dma_wait3A_1271] : memref<128x256xi32, #tpu.memory_space<hbm>> -> memref<1x256xi32, #tpu.memory_space<hbm>>
        %dma_wait3A_1273 = tpu.memref_squeeze %dma_wait3A_1272 : memref<1x256xi32, #tpu.memory_space<hbm>> -> memref<256xi32, #tpu.memory_space<hbm>>
        %dma_wait3A_1274 = arith.constant 0 : i32
        %dma_wait3A_1275 = tpu.memref_slice %arg4[%add3A_42, %dma_wait3A_1274] : memref<128x256xi32, #tpu.memory_space<hbm>> -> memref<1x256xi32, #tpu.memory_space<hbm>>
        %dma_wait3A_1276 = tpu.memref_squeeze %dma_wait3A_1275 : memref<1x256xi32, #tpu.memory_space<hbm>> -> memref<256xi32, #tpu.memory_space<hbm>>
        tpu.wait_dma2 semaphore(%arg16 : memref<!tpu.dma_semaphore, #tpu.memory_space<semaphore_mem>>) src(%arg13 : memref<256xi32, #tpu.memory_space<vmem>>) dst(%dma_wait3A_1276 : memref<256xi32, #tpu.memory_space<hbm>>)
      } else {
      }
      %parallel_loop3A_68 = arith.constant 0 : i32
      %parallel_loop3A_69 = arith.constant 2048 : i32
      %parallel_loop3A_70 = arith.constant 1 : i32
      %parallel_loop3A_71 = scf.for %parallel_loop3A_1265 = %parallel_loop3A_68 to %parallel_loop3A_69 step %parallel_loop3A_70 iter_args(%parallel_loop3A_1266 = %broadcast_in_dim3A_6) -> (vector<16xi32>)  : i32 {
        %parallel_loop3A_1267 = arith.constant 16 : i32
        %parallel_loop3A_1268 = arith.muli %parallel_loop3A_1265, %parallel_loop3A_1267 : i32
        %parallel_loop3A_1269 = arith.index_cast %parallel_loop3A_1268 : i32 to index
        %parallel_loop3A_1270 = tpu.vector_load %arg5[%parallel_loop3A_1269] {strides = array<i32>} : memref<32768xf32, #tpu.memory_space<vmem>>, vector<16xf32>,
        %parallel_loop3A_1271 = vector.bitcast %parallel_loop3A_1270 : vector<16xf32> to vector<16xi32>
        %parallel_loop3A_1272 = arith.constant 24 : i32
        %parallel_loop3A_1273 = vector.broadcast %parallel_loop3A_1272 : i32 to vector<16xi32>
        %parallel_loop3A_1274 = arith.shrui %parallel_loop3A_1271, %parallel_loop3A_1273 : vector<16xi32>
        %parallel_loop3A_1275 = vector.bitcast %parallel_loop3A_1274 : vector<16xi32> to vector<16xi32>
        %parallel_loop3A_1276 = arith.constant 16 : i32
        %parallel_loop3A_1277 = arith.muli %parallel_loop3A_1265, %parallel_loop3A_1276 : i32
        %parallel_loop3A_1278 = vector.broadcast %parallel_loop3A_1277 : i32 to vector<16xi32>
        %parallel_loop3A_1279 = arith.addi %parallel_loop3A_1278, %iota3A : vector<16xi32>
        %parallel_loop3A_1280 = arith.cmpi sgt, %parallel_loop3A_1275, %parallel_loop3A_65#1 : vector<16xi32>
        %parallel_loop3A_1281 = arith.cmpi sge, %parallel_loop3A_1275, %parallel_loop3A_65#1 : vector<16xi32>
        %parallel_loop3A_1282 = arith.select %parallel_loop3A_1280, %broadcast_in_dim3A_2, %broadcast_in_dim3A_6 : vector<16xi1>, vector<16xi32>
        %parallel_loop3A_1283 = arith.constant 16 : i32
        %parallel_loop3A_1284 = arith.muli %parallel_loop3A_1265, %parallel_loop3A_1283 : i32
        %parallel_loop3A_1285 = arith.index_cast %parallel_loop3A_1284 : i32 to index
        %parallel_loop3A_1286 = tpu.vector_load %arg6[%parallel_loop3A_1285] {strides = array<i32>} : memref<32768xi32, #tpu.memory_space<vmem>>, vector<16xi32>,
        tpu.vector_store %arg6[%parallel_loop3A_1285], %parallel_loop3A_1282 {strides = array<i32>} : memref<32768xi32, #tpu.memory_space<vmem>>, vector<16xi32>,
        %parallel_loop3A_1287 = vector.extract_strided_slice %parallel_loop3A_1266 {offsets = [0], sizes = [1], strides = [1]} : vector<16xi32> to vector<1xi32>
        %parallel_loop3A_1288 = vector.extract %parallel_loop3A_1287[0] : i32 from vector<1xi32>
        %parallel_loop3A_1289 = arith.index_cast %parallel_loop3A_1288 : i32 to index
        %parallel_loop3A_1290 = tpu.vector_load %arg7[%parallel_loop3A_1289] masked %parallel_loop3A_1281 {strides = array<i32>} : memref<32784xi32, #tpu.memory_space<vmem>>, vector<16xi32>, vector<16xi1>
        tpu.vector_store %arg7[%parallel_loop3A_1289], %parallel_loop3A_1279 masked %parallel_loop3A_1281 {strides = array<i32>} : memref<32784xi32, #tpu.memory_space<vmem>>, vector<16xi32>, vector<16xi1>
        %parallel_loop3A_1291 = tpu.all_reduce %parallel_loop3A_1281 {dim = 0 : i64, kind = #tpu.reduction_kind<sum>} : vector<16xi1> -> vector<16xi32>
        %parallel_loop3A_1292 = arith.addi %parallel_loop3A_1266, %parallel_loop3A_1291 : vector<16xi32>
        scf.yield %parallel_loop3A_1292 : vector<16xi32>
      } {sc.loop_unroll_factor = 4 : i64, sc.parallel_access}
      %slice3A = vector.extract_strided_slice %parallel_loop3A_71 {offsets = [0], sizes = [1], strides = [1]} : vector<16xi32> to vector<1xi32>
      %squeeze3A = vector.extract %slice3A[0] : i32 from vector<1xi32>
      %add3A_72 = arith.constant 16 : i32
      %add3A_73 = arith.addi %squeeze3A, %add3A_72 : i32
      %sub3A_74 = arith.constant 1 : i32
      %sub3A_75 = arith.subi %add3A_73, %sub3A_74 : i32
      %jit3A = arith.constant 16 : i32
      %div3A = arith.divsi %sub3A_75, %jit3A : i32
      %sign3A = arith.constant 0 : i32
      %sign3A_76 = arith.cmpi sgt, %sub3A_75, %sign3A : i32
      %sign3A_77 = arith.extui %sign3A_76 : i1 to i32
      %sign3A_78 = arith.constant 0 : i32
      %sign3A_79 = arith.cmpi slt, %sub3A_75, %sign3A_78 : i32
      %sign3A_80 = arith.extui %sign3A_79 : i1 to i32
      %sign3A_81 = arith.subi %sign3A_77, %sign3A_80 : i32
      %sign3A_82 = arith.constant 0 : i32
      %sign3A_83 = arith.cmpi sgt, %jit3A, %sign3A_82 : i32
      %sign3A_84 = arith.extui %sign3A_83 : i1 to i32
      %sign3A_85 = arith.constant 0 : i32
      %sign3A_86 = arith.cmpi slt, %jit3A, %sign3A_85 : i32
      %sign3A_87 = arith.extui %sign3A_86 : i1 to i32
      %sign3A_88 = arith.subi %sign3A_84, %sign3A_87 : i32
      %ne3A = arith.cmpi ne, %sign3A_81, %sign3A_88 : i32
      %rem3A = arith.remsi %sub3A_75, %jit3A : i32
      %ne3A_89 = arith.constant 0 : i32
      %ne3A_90 = arith.cmpi ne, %rem3A, %ne3A_89 : i32
      %and3A = arith.andi %ne3A, %ne3A_90 : i1
      %sub3A_91 = arith.constant 1 : i32
      %sub3A_92 = arith.subi %div3A, %sub3A_91 : i32
      %select_n3A = arith.select %and3A, %sub3A_92, %div3A : i32
      %parallel_loop3A_93 = arith.constant 0 : i32
      %parallel_loop3A_94 = arith.constant 1 : i32
      %parallel_loop3A_95:2 = scf.for %parallel_loop3A_1265 = %parallel_loop3A_93 to %select_n3A step %parallel_loop3A_94 iter_args(%parallel_loop3A_1266 = %broadcast_in_dim3A_6, %parallel_loop3A_1267 = %broadcast_in_dim3A_6) -> (vector<16xi32>, vector<16xi32>)  : i32 {
        %parallel_loop3A_1268 = arith.constant 16 : i32
        %parallel_loop3A_1269 = arith.muli %parallel_loop3A_1265, %parallel_loop3A_1268 : i32
        %parallel_loop3A_1270 = vector.broadcast %parallel_loop3A_1269 : i32 to vector<16xi32>
        %parallel_loop3A_1271 = arith.addi %parallel_loop3A_1270, %iota3A : vector<16xi32>
        %parallel_loop3A_1272 = arith.cmpi slt, %parallel_loop3A_1271, %parallel_loop3A_71 : vector<16xi32>
        %parallel_loop3A_1273 = arith.constant 16 : i32
        %parallel_loop3A_1274 = arith.muli %parallel_loop3A_1265, %parallel_loop3A_1273 : i32
        %parallel_loop3A_1275 = arith.index_cast %parallel_loop3A_1274 : i32 to index
        %parallel_loop3A_1276 = tpu.vector_load %arg7[%parallel_loop3A_1275] {strides = array<i32>} : memref<32784xi32, #tpu.memory_space<vmem>>, vector<16xi32>,
        %parallel_loop3A_1277 = tpu.vector_load_idx %arg5[%parallel_loop3A_1276] masked %parallel_loop3A_1272 : memref<32768xf32, #tpu.memory_space<vmem>>[vector<16xi32>], vector<16xf32>, vector<16xi1>
        %parallel_loop3A_1278 = vector.bitcast %parallel_loop3A_1277 : vector<16xf32> to vector<16xi32>
        %parallel_loop3A_1279 = arith.constant 24 : i32
        %parallel_loop3A_1280 = vector.broadcast %parallel_loop3A_1279 : i32 to vector<16xi32>
        %parallel_loop3A_1281 = arith.shrui %parallel_loop3A_1278, %parallel_loop3A_1280 : vector<16xi32>
        %parallel_loop3A_1282 = vector.bitcast %parallel_loop3A_1281 : vector<16xi32> to vector<16xi32>
        %parallel_loop3A_1283 = arith.cmpi sgt, %parallel_loop3A_1282, %parallel_loop3A_65#1 : vector<16xi32>
        %parallel_loop3A_1284 = arith.andi %parallel_loop3A_1283, %parallel_loop3A_1272 : vector<16xi1>
        %parallel_loop3A_1285 = arith.cmpi eq, %parallel_loop3A_1282, %parallel_loop3A_65#1 : vector<16xi32>
        %parallel_loop3A_1286 = arith.andi %parallel_loop3A_1285, %parallel_loop3A_1272 : vector<16xi1>
        %parallel_loop3A_1287 = vector.extract_strided_slice %parallel_loop3A_1266 {offsets = [0], sizes = [1], strides = [1]} : vector<16xi32> to vector<1xi32>
        %parallel_loop3A_1288 = vector.extract %parallel_loop3A_1287[0] : i32 from vector<1xi32>
        %parallel_loop3A_1289 = arith.index_cast %parallel_loop3A_1288 : i32 to index
        %parallel_loop3A_1290 = tpu.vector_load %arg10[%parallel_loop3A_1289] masked %parallel_loop3A_1284 {strides = array<i32>} : memref<272xi32, #tpu.memory_space<vmem>>, vector<16xi32>, vector<16xi1>
        tpu.vector_store %arg10[%parallel_loop3A_1289], %parallel_loop3A_1276 masked %parallel_loop3A_1284 {strides = array<i32>} : memref<272xi32, #tpu.memory_space<vmem>>, vector<16xi32>, vector<16xi1>
        %parallel_loop3A_1291 = vector.extract_strided_slice %parallel_loop3A_1267 {offsets = [0], sizes = [1], strides = [1]} : vector<16xi32> to vector<1xi32>
        %parallel_loop3A_1292 = vector.extract %parallel_loop3A_1291[0] : i32 from vector<1xi32>
        %parallel_loop3A_1293 = arith.index_cast %parallel_loop3A_1292 : i32 to index
        %parallel_loop3A_1294 = tpu.vector_load %arg7[%parallel_loop3A_1293] masked %parallel_loop3A_1286 {strides = array<i32>} : memref<32784xi32, #tpu.memory_space<vmem>>, vector<16xi32>, vector<16xi1>
        tpu.vector_store %arg7[%parallel_loop3A_1293], %parallel_loop3A_1276 masked %parallel_loop3A_1286 {strides = array<i32>} : memref<32784xi32, #tpu.memory_space<vmem>>, vector<16xi32>, vector<16xi1>
        %parallel_loop3A_1295 = tpu.all_reduce %parallel_loop3A_1284 {dim = 0 : i64, kind = #tpu.reduction_kind<sum>} : vector<16xi1> -> vector<16xi32>
        %parallel_loop3A_1296 = arith.addi %parallel_loop3A_1266, %parallel_loop3A_1295 : vector<16xi32>
        %parallel_loop3A_1297 = tpu.all_reduce %parallel_loop3A_1286 {dim = 0 : i64, kind = #tpu.reduction_kind<sum>} : vector<16xi1> -> vector<16xi32>
        %parallel_loop3A_1298 = arith.addi %parallel_loop3A_1267, %parallel_loop3A_1297 : vector<16xi32>
        scf.yield %parallel_loop3A_1296, %parallel_loop3A_1298 : vector<16xi32>, vector<16xi32>
      } {sc.loop_unroll_factor = 1 : i64, sc.parallel_access}
      %slice3A_96 = vector.extract_strided_slice %parallel_loop3A_95#1 {offsets = [0], sizes = [1], strides = [1]} : vector<16xi32> to vector<1xi32>
      %squeeze3A_97 = vector.extract %slice3A_96[0] : i32 from vector<1xi32>
      %sub3A_98 = arith.subi %broadcast_in_dim3A_8, %parallel_loop3A_95#0 : vector<16xi32>
      %add3A_99 = arith.constant 16 : i32
      %add3A_100 = arith.addi %squeeze3A_97, %add3A_99 : i32
      %sub3A_101 = arith.constant 1 : i32
      %sub3A_102 = arith.subi %add3A_100, %sub3A_101 : i32
      %jit3A_103 = arith.constant 16 : i32
      %div3A_104 = arith.divsi %sub3A_102, %jit3A_103 : i32
      %sign3A_105 = arith.constant 0 : i32
      %sign3A_106 = arith.cmpi sgt, %sub3A_102, %sign3A_105 : i32
      %sign3A_107 = arith.extui %sign3A_106 : i1 to i32
      %sign3A_108 = arith.constant 0 : i32
      %sign3A_109 = arith.cmpi slt, %sub3A_102, %sign3A_108 : i32
      %sign3A_110 = arith.extui %sign3A_109 : i1 to i32
      %sign3A_111 = arith.subi %sign3A_107, %sign3A_110 : i32
      %sign3A_112 = arith.constant 0 : i32
      %sign3A_113 = arith.cmpi sgt, %jit3A_103, %sign3A_112 : i32
      %sign3A_114 = arith.extui %sign3A_113 : i1 to i32
      %sign3A_115 = arith.constant 0 : i32
      %sign3A_116 = arith.cmpi slt, %jit3A_103, %sign3A_115 : i32
      %sign3A_117 = arith.extui %sign3A_116 : i1 to i32
      %sign3A_118 = arith.subi %sign3A_114, %sign3A_117 : i32
      %ne3A_119 = arith.cmpi ne, %sign3A_111, %sign3A_118 : i32
      %rem3A_120 = arith.remsi %sub3A_102, %jit3A_103 : i32
      %ne3A_121 = arith.constant 0 : i32
      %ne3A_122 = arith.cmpi ne, %rem3A_120, %ne3A_121 : i32
      %and3A_123 = arith.andi %ne3A_119, %ne3A_122 : i1
      %sub3A_124 = arith.constant 1 : i32
      %sub3A_125 = arith.subi %div3A_104, %sub3A_124 : i32
      %select_n3A_126 = arith.select %and3A_123, %sub3A_125, %div3A_104 : i32
      %parallel_loop3A_127 = arith.constant 0 : i32
      %parallel_loop3A_128 = arith.constant 1 : i32
      %parallel_loop3A_129 = arith.constant 16 : i32
      scf.for %parallel_loop3A_1265 = %parallel_loop3A_127 to %select_n3A_126 step %parallel_loop3A_128  : i32 {
        %parallel_loop3A_1266 = arith.constant 16 : i32
        %parallel_loop3A_1267 = arith.muli %parallel_loop3A_1265, %parallel_loop3A_1266 : i32
        %parallel_loop3A_1268 = vector.broadcast %parallel_loop3A_1267 : i32 to vector<16xi32>
        %parallel_loop3A_1269 = arith.addi %parallel_loop3A_1268, %iota3A : vector<16xi32>
        %parallel_loop3A_1270 = arith.cmpi slt, %parallel_loop3A_1269, %parallel_loop3A_95#1 : vector<16xi32>
        %parallel_loop3A_1271 = arith.constant 16 : i32
        %parallel_loop3A_1272 = arith.muli %parallel_loop3A_1265, %parallel_loop3A_1271 : i32
        %parallel_loop3A_1273 = arith.index_cast %parallel_loop3A_1272 : i32 to index
        %parallel_loop3A_1274 = tpu.vector_load %arg7[%parallel_loop3A_1273] {strides = array<i32>} : memref<32784xi32, #tpu.memory_space<vmem>>, vector<16xi32>,
        %parallel_loop3A_1275 = tpu.vector_load_idx %arg5[%parallel_loop3A_1274] masked %parallel_loop3A_1270 : memref<32768xf32, #tpu.memory_space<vmem>>[vector<16xi32>], vector<16xf32>, vector<16xi1>
        %parallel_loop3A_1276 = vector.bitcast %parallel_loop3A_1275 : vector<16xf32> to vector<16xi32>
        %parallel_loop3A_1277 = vector.broadcast %parallel_loop3A_129 : i32 to vector<16xi32>
        %parallel_loop3A_1278 = arith.shrui %parallel_loop3A_1276, %parallel_loop3A_1277 : vector<16xi32>
        %parallel_loop3A_1279 = arith.constant 255 : i32
        %parallel_loop3A_1280 = vector.broadcast %parallel_loop3A_1279 : i32 to vector<16xi32>
        %parallel_loop3A_1281 = arith.andi %parallel_loop3A_1278, %parallel_loop3A_1280 : vector<16xi32>
        %parallel_loop3A_1282 = vector.bitcast %parallel_loop3A_1281 : vector<16xi32> to vector<16xi32>
        %parallel_loop3A_1283 = arith.addi %mul3A_1, %parallel_loop3A_1282 : vector<16xi32>
        tpu.vector_store_idx %arg9[%parallel_loop3A_1283], %broadcast_in_dim3A_2 masked %parallel_loop3A_1270 {add = true} : memref<4096xi32, #tpu.memory_space<vmem>>[vector<16xi32>], vector<16xi32>, vector<16xi1>
      } {sc.loop_unroll_factor = 1 : i64, sc.parallel_access}
      %broadcast_in_dim3A_130 = arith.constant 0 : i32
      %broadcast_in_dim3A_131 = vector.broadcast %broadcast_in_dim3A_130 : i32 to vector<16xi32>
      %sub3A_132 = arith.constant 1 : i32
      %sub3A_133 = vector.broadcast %sub3A_132 : i32 to vector<16xi32>
      %sub3A_134 = arith.subi %broadcast_in_dim3A_131, %sub3A_133 : vector<16xi32>
      %parallel_loop3A_135 = arith.constant 0 : i32
      %parallel_loop3A_136 = arith.constant 16 : i32
      %parallel_loop3A_137 = arith.constant 1 : i32
      %parallel_loop3A_138:2 = scf.for %parallel_loop3A_1265 = %parallel_loop3A_135 to %parallel_loop3A_136 step %parallel_loop3A_137 iter_args(%parallel_loop3A_1266 = %broadcast_in_dim3A_131, %parallel_loop3A_1267 = %sub3A_134) -> (vector<16xi32>, vector<16xi32>)  : i32 {
        %parallel_loop3A_1268 = arith.constant 15 : i32
        %parallel_loop3A_1269 = arith.subi %parallel_loop3A_1268, %parallel_loop3A_1265 : i32
        %parallel_loop3A_1270 = arith.constant 16 : i32
        %parallel_loop3A_1271 = arith.muli %parallel_loop3A_1269, %parallel_loop3A_1270 : i32
        %parallel_loop3A_1272 = arith.constant 0 : i32
        %parallel_loop3A_1273 = arith.addi %parallel_loop3A_1272, %parallel_loop3A_1271 : i32
        %parallel_loop3A_1274 = arith.index_cast %parallel_loop3A_1273 : i32 to index
        %parallel_loop3A_1275 = tpu.vector_load %arg9[%parallel_loop3A_1274] {strides = array<i32>} : memref<4096xi32, #tpu.memory_space<vmem>>, vector<16xi32>,
        %parallel_loop3A_1276 = arith.constant 256 : i32
        %parallel_loop3A_1277 = arith.addi %parallel_loop3A_1276, %parallel_loop3A_1271 : i32
        %parallel_loop3A_1278 = arith.index_cast %parallel_loop3A_1277 : i32 to index
        %parallel_loop3A_1279 = tpu.vector_load %arg9[%parallel_loop3A_1278] {strides = array<i32>} : memref<4096xi32, #tpu.memory_space<vmem>>, vector<16xi32>,
        %parallel_loop3A_1280 = arith.constant 512 : i32
        %parallel_loop3A_1281 = arith.addi %parallel_loop3A_1280, %parallel_loop3A_1271 : i32
        %parallel_loop3A_1282 = arith.index_cast %parallel_loop3A_1281 : i32 to index
        %parallel_loop3A_1283 = tpu.vector_load %arg9[%parallel_loop3A_1282] {strides = array<i32>} : memref<4096xi32, #tpu.memory_space<vmem>>, vector<16xi32>,
        %parallel_loop3A_1284 = arith.constant 768 : i32
        %parallel_loop3A_1285 = arith.addi %parallel_loop3A_1284, %parallel_loop3A_1271 : i32
        %parallel_loop3A_1286 = arith.index_cast %parallel_loop3A_1285 : i32 to index
        %parallel_loop3A_1287 = tpu.vector_load %arg9[%parallel_loop3A_1286] {strides = array<i32>} : memref<4096xi32, #tpu.memory_space<vmem>>, vector<16xi32>,
        %parallel_loop3A_1288 = arith.constant 1024 : i32
        %parallel_loop3A_1289 = arith.addi %parallel_loop3A_1288, %parallel_loop3A_1271 : i32
        %parallel_loop3A_1290 = arith.index_cast %parallel_loop3A_1289 : i32 to index
        %parallel_loop3A_1291 = tpu.vector_load %arg9[%parallel_loop3A_1290] {strides = array<i32>} : memref<4096xi32, #tpu.memory_space<vmem>>, vector<16xi32>,
        %parallel_loop3A_1292 = arith.constant 1280 : i32
        %parallel_loop3A_1293 = arith.addi %parallel_loop3A_1292, %parallel_loop3A_1271 : i32
        %parallel_loop3A_1294 = arith.index_cast %parallel_loop3A_1293 : i32 to index
        %parallel_loop3A_1295 = tpu.vector_load %arg9[%parallel_loop3A_1294] {strides = array<i32>} : memref<4096xi32, #tpu.memory_space<vmem>>, vector<16xi32>,
        %parallel_loop3A_1296 = arith.constant 1536 : i32
        %parallel_loop3A_1297 = arith.addi %parallel_loop3A_1296, %parallel_loop3A_1271 : i32
        %parallel_loop3A_1298 = arith.index_cast %parallel_loop3A_1297 : i32 to index
        %parallel_loop3A_1299 = tpu.vector_load %arg9[%parallel_loop3A_1298] {strides = array<i32>} : memref<4096xi32, #tpu.memory_space<vmem>>, vector<16xi32>,
        %parallel_loop3A_1300 = arith.constant 1792 : i32
        %parallel_loop3A_1301 = arith.addi %parallel_loop3A_1300, %parallel_loop3A_1271 : i32
        %parallel_loop3A_1302 = arith.index_cast %parallel_loop3A_1301 : i32 to index
        %parallel_loop3A_1303 = tpu.vector_load %arg9[%parallel_loop3A_1302] {strides = array<i32>} : memref<4096xi32, #tpu.memory_space<vmem>>, vector<16xi32>,
        %parallel_loop3A_1304 = arith.constant 2048 : i32
        %parallel_loop3A_1305 = arith.addi %parallel_loop3A_1304, %parallel_loop3A_1271 : i32
        %parallel_loop3A_1306 = arith.index_cast %parallel_loop3A_1305 : i32 to index
        %parallel_loop3A_1307 = tpu.vector_load %arg9[%parallel_loop3A_1306] {strides = array<i32>} : memref<4096xi32, #tpu.memory_space<vmem>>, vector<16xi32>,
        %parallel_loop3A_1308 = arith.constant 2304 : i32
        %parallel_loop3A_1309 = arith.addi %parallel_loop3A_1308, %parallel_loop3A_1271 : i32
        %parallel_loop3A_1310 = arith.index_cast %parallel_loop3A_1309 : i32 to index
        %parallel_loop3A_1311 = tpu.vector_load %arg9[%parallel_loop3A_1310] {strides = array<i32>} : memref<4096xi32, #tpu.memory_space<vmem>>, vector<16xi32>,
        %parallel_loop3A_1312 = arith.constant 2560 : i32
        %parallel_loop3A_1313 = arith.addi %parallel_loop3A_1312, %parallel_loop3A_1271 : i32
        %parallel_loop3A_1314 = arith.index_cast %parallel_loop3A_1313 : i32 to index
        %parallel_loop3A_1315 = tpu.vector_load %arg9[%parallel_loop3A_1314] {strides = array<i32>} : memref<4096xi32, #tpu.memory_space<vmem>>, vector<16xi32>,
        %parallel_loop3A_1316 = arith.constant 2816 : i32
        %parallel_loop3A_1317 = arith.addi %parallel_loop3A_1316, %parallel_loop3A_1271 : i32
        %parallel_loop3A_1318 = arith.index_cast %parallel_loop3A_1317 : i32 to index
        %parallel_loop3A_1319 = tpu.vector_load %arg9[%parallel_loop3A_1318] {strides = array<i32>} : memref<4096xi32, #tpu.memory_space<vmem>>, vector<16xi32>,
        %parallel_loop3A_1320 = arith.constant 3072 : i32
        %parallel_loop3A_1321 = arith.addi %parallel_loop3A_1320, %parallel_loop3A_1271 : i32
        %parallel_loop3A_1322 = arith.index_cast %parallel_loop3A_1321 : i32 to index
        %parallel_loop3A_1323 = tpu.vector_load %arg9[%parallel_loop3A_1322] {strides = array<i32>} : memref<4096xi32, #tpu.memory_space<vmem>>, vector<16xi32>,
        %parallel_loop3A_1324 = arith.constant 3328 : i32
        %parallel_loop3A_1325 = arith.addi %parallel_loop3A_1324, %parallel_loop3A_1271 : i32
        %parallel_loop3A_1326 = arith.index_cast %parallel_loop3A_1325 : i32 to index
        %parallel_loop3A_1327 = tpu.vector_load %arg9[%parallel_loop3A_1326] {strides = array<i32>} : memref<4096xi32, #tpu.memory_space<vmem>>, vector<16xi32>,
        %parallel_loop3A_1328 = arith.constant 3584 : i32
        %parallel_loop3A_1329 = arith.addi %parallel_loop3A_1328, %parallel_loop3A_1271 : i32
        %parallel_loop3A_1330 = arith.index_cast %parallel_loop3A_1329 : i32 to index
        %parallel_loop3A_1331 = tpu.vector_load %arg9[%parallel_loop3A_1330] {strides = array<i32>} : memref<4096xi32, #tpu.memory_space<vmem>>, vector<16xi32>,
        %parallel_loop3A_1332 = arith.constant 3840 : i32
        %parallel_loop3A_1333 = arith.addi %parallel_loop3A_1332, %parallel_loop3A_1271 : i32
        %parallel_loop3A_1334 = arith.index_cast %parallel_loop3A_1333 : i32 to index
        %parallel_loop3A_1335 = tpu.vector_load %arg9[%parallel_loop3A_1334] {strides = array<i32>} : memref<4096xi32, #tpu.memory_space<vmem>>, vector<16xi32>,
        %parallel_loop3A_1336 = arith.addi %parallel_loop3A_1275, %parallel_loop3A_1279 : vector<16xi32>
        %parallel_loop3A_1337 = arith.addi %parallel_loop3A_1283, %parallel_loop3A_1287 : vector<16xi32>
        %parallel_loop3A_1338 = arith.addi %parallel_loop3A_1291, %parallel_loop3A_1295 : vector<16xi32>
        %parallel_loop3A_1339 = arith.addi %parallel_loop3A_1299, %parallel_loop3A_1303 : vector<16xi32>
        %parallel_loop3A_1340 = arith.addi %parallel_loop3A_1307, %parallel_loop3A_1311 : vector<16xi32>
        %parallel_loop3A_1341 = arith.addi %parallel_loop3A_1315, %parallel_loop3A_1319 : vector<16xi32>
        %parallel_loop3A_1342 = arith.addi %parallel_loop3A_1323, %parallel_loop3A_1327 : vector<16xi32>
        %parallel_loop3A_1343 = arith.addi %parallel_loop3A_1331, %parallel_loop3A_1335 : vector<16xi32>
        %parallel_loop3A_1344 = arith.addi %parallel_loop3A_1336, %parallel_loop3A_1337 : vector<16xi32>
        %parallel_loop3A_1345 = arith.addi %parallel_loop3A_1338, %parallel_loop3A_1339 : vector<16xi32>
        %parallel_loop3A_1346 = arith.addi %parallel_loop3A_1340, %parallel_loop3A_1341 : vector<16xi32>
        %parallel_loop3A_1347 = arith.addi %parallel_loop3A_1342, %parallel_loop3A_1343 : vector<16xi32>
        %parallel_loop3A_1348 = arith.addi %parallel_loop3A_1344, %parallel_loop3A_1345 : vector<16xi32>
        %parallel_loop3A_1349 = arith.addi %parallel_loop3A_1346, %parallel_loop3A_1347 : vector<16xi32>
        %parallel_loop3A_1350 = arith.addi %parallel_loop3A_1348, %parallel_loop3A_1349 : vector<16xi32>
        %parallel_loop3A_1351 = arith.constant 15 : i32
        %parallel_loop3A_1352 = vector.broadcast %parallel_loop3A_1351 : i32 to vector<16xi32>
        %parallel_loop3A_1353 = tpu.iota {dimensions = array<i32: 0>} : vector<16xi32>
        %parallel_loop3A_1354 = arith.subi %parallel_loop3A_1352, %parallel_loop3A_1353 : vector<16xi32>
        %parallel_loop3A_1355 = tpu.dynamic_gather %parallel_loop3A_1350[%parallel_loop3A_1354] in [0] : vector<16xi32>, vector<16xi32> -> vector<16xi32>
        %parallel_loop3A_1356 = arith.constant true
        %parallel_loop3A_1357 = vector.broadcast %parallel_loop3A_1356 : i1 to vector<16xi1>
        %parallel_loop3A_1358 = tpu.scan <sum>, %parallel_loop3A_1355 masked %parallel_loop3A_1357 : vector<16xi32>, vector<16xi1> -> vector<16xi32>
        %parallel_loop3A_1359 = vector.extract_strided_slice %parallel_loop3A_1358 {offsets = [15], sizes = [1], strides = [1]} : vector<16xi32> to vector<1xi32>
        %parallel_loop3A_1360 = vector.extract %parallel_loop3A_1359[0] : i32 from vector<1xi32>
        %parallel_loop3A_1361 = vector.broadcast %parallel_loop3A_1360 : i32 to vector<16xi32>
        %parallel_loop3A_1362 = arith.addi %parallel_loop3A_1266, %parallel_loop3A_1358 : vector<16xi32>
        %parallel_loop3A_1363 = arith.cmpi sge, %parallel_loop3A_1362, %sub3A_98 : vector<16xi32>
        %parallel_loop3A_1364 = tpu.all_reduce %parallel_loop3A_1363 {dim = 0 : i64, kind = #tpu.reduction_kind<find_first_set>} : vector<16xi1> -> vector<16xi32>
        %parallel_loop3A_1365 = tpu.all_reduce %parallel_loop3A_1363 {dim = 0 : i64, kind = #tpu.reduction_kind<sum>} : vector<16xi1> -> vector<16xi32>
        %parallel_loop3A_1366 = arith.constant 0 : i32
        %parallel_loop3A_1367 = vector.broadcast %parallel_loop3A_1366 : i32 to vector<16xi32>
        %parallel_loop3A_1368 = arith.cmpi sgt, %parallel_loop3A_1365, %parallel_loop3A_1367 : vector<16xi32>
        %parallel_loop3A_1369 = arith.constant 15 : i32
        %parallel_loop3A_1370 = arith.addi %parallel_loop3A_1271, %parallel_loop3A_1369 : i32
        %parallel_loop3A_1371 = vector.broadcast %parallel_loop3A_1370 : i32 to vector<16xi32>
        %parallel_loop3A_1372 = arith.subi %parallel_loop3A_1371, %parallel_loop3A_1364 : vector<16xi32>
        %parallel_loop3A_1373 = arith.constant 0 : i32
        %parallel_loop3A_1374 = vector.broadcast %parallel_loop3A_1373 : i32 to vector<16xi32>
        %parallel_loop3A_1375 = arith.cmpi slt, %parallel_loop3A_1267, %parallel_loop3A_1374 : vector<16xi32>
        %parallel_loop3A_1376 = arith.andi %parallel_loop3A_1375, %parallel_loop3A_1368 : vector<16xi1>
        %parallel_loop3A_1377 = arith.select %parallel_loop3A_1376, %parallel_loop3A_1372, %parallel_loop3A_1267 : vector<16xi1>, vector<16xi32>
        %parallel_loop3A_1378 = arith.addi %parallel_loop3A_1266, %parallel_loop3A_1361 : vector<16xi32>
        scf.yield %parallel_loop3A_1378, %parallel_loop3A_1377 : vector<16xi32>, vector<16xi32>
      } {sc.loop_unroll_factor = 1 : i64, sc.parallel_access}
      %parallel_loop3A_139 = arith.constant 0 : i32
      %parallel_loop3A_140 = arith.constant 1 : i32
      %parallel_loop3A_141 = arith.constant 16 : i32
      %parallel_loop3A_142:2 = scf.for %parallel_loop3A_1265 = %parallel_loop3A_139 to %select_n3A_126 step %parallel_loop3A_140 iter_args(%parallel_loop3A_1266 = %parallel_loop3A_95#0, %parallel_loop3A_1267 = %broadcast_in_dim3A_6) -> (vector<16xi32>, vector<16xi32>)  : i32 {
        %parallel_loop3A_1268 = arith.constant 16 : i32
        %parallel_loop3A_1269 = arith.muli %parallel_loop3A_1265, %parallel_loop3A_1268 : i32
        %parallel_loop3A_1270 = vector.broadcast %parallel_loop3A_1269 : i32 to vector<16xi32>
        %parallel_loop3A_1271 = arith.addi %parallel_loop3A_1270, %iota3A : vector<16xi32>
        %parallel_loop3A_1272 = arith.cmpi slt, %parallel_loop3A_1271, %parallel_loop3A_95#1 : vector<16xi32>
        %parallel_loop3A_1273 = arith.constant 16 : i32
        %parallel_loop3A_1274 = arith.muli %parallel_loop3A_1265, %parallel_loop3A_1273 : i32
        %parallel_loop3A_1275 = arith.index_cast %parallel_loop3A_1274 : i32 to index
        %parallel_loop3A_1276 = tpu.vector_load %arg7[%parallel_loop3A_1275] {strides = array<i32>} : memref<32784xi32, #tpu.memory_space<vmem>>, vector<16xi32>,
        %parallel_loop3A_1277 = tpu.vector_load_idx %arg5[%parallel_loop3A_1276] masked %parallel_loop3A_1272 : memref<32768xf32, #tpu.memory_space<vmem>>[vector<16xi32>], vector<16xf32>, vector<16xi1>
        %parallel_loop3A_1278 = vector.bitcast %parallel_loop3A_1277 : vector<16xf32> to vector<16xi32>
        %parallel_loop3A_1279 = vector.broadcast %parallel_loop3A_141 : i32 to vector<16xi32>
        %parallel_loop3A_1280 = arith.shrui %parallel_loop3A_1278, %parallel_loop3A_1279 : vector<16xi32>
        %parallel_loop3A_1281 = arith.constant 255 : i32
        %parallel_loop3A_1282 = vector.broadcast %parallel_loop3A_1281 : i32 to vector<16xi32>
        %parallel_loop3A_1283 = arith.andi %parallel_loop3A_1280, %parallel_loop3A_1282 : vector<16xi32>
        %parallel_loop3A_1284 = vector.bitcast %parallel_loop3A_1283 : vector<16xi32> to vector<16xi32>
        %parallel_loop3A_1285 = arith.addi %mul3A_1, %parallel_loop3A_1284 : vector<16xi32>
        tpu.vector_store_idx %arg9[%parallel_loop3A_1285], %neg3A_4 masked %parallel_loop3A_1272 {add = true} : memref<4096xi32, #tpu.memory_space<vmem>>[vector<16xi32>], vector<16xi32>, vector<16xi1>
        %parallel_loop3A_1286 = arith.cmpi sgt, %parallel_loop3A_1284, %parallel_loop3A_138#1 : vector<16xi32>
        %parallel_loop3A_1287 = arith.andi %parallel_loop3A_1286, %parallel_loop3A_1272 : vector<16xi1>
        %parallel_loop3A_1288 = arith.cmpi eq, %parallel_loop3A_1284, %parallel_loop3A_138#1 : vector<16xi32>
        %parallel_loop3A_1289 = arith.andi %parallel_loop3A_1288, %parallel_loop3A_1272 : vector<16xi1>
        %parallel_loop3A_1290 = vector.extract_strided_slice %parallel_loop3A_1266 {offsets = [0], sizes = [1], strides = [1]} : vector<16xi32> to vector<1xi32>
        %parallel_loop3A_1291 = vector.extract %parallel_loop3A_1290[0] : i32 from vector<1xi32>
        %parallel_loop3A_1292 = arith.index_cast %parallel_loop3A_1291 : i32 to index
        %parallel_loop3A_1293 = tpu.vector_load %arg10[%parallel_loop3A_1292] masked %parallel_loop3A_1287 {strides = array<i32>} : memref<272xi32, #tpu.memory_space<vmem>>, vector<16xi32>, vector<16xi1>
        tpu.vector_store %arg10[%parallel_loop3A_1292], %parallel_loop3A_1276 masked %parallel_loop3A_1287 {strides = array<i32>} : memref<272xi32, #tpu.memory_space<vmem>>, vector<16xi32>, vector<16xi1>
        %parallel_loop3A_1294 = vector.extract_strided_slice %parallel_loop3A_1267 {offsets = [0], sizes = [1], strides = [1]} : vector<16xi32> to vector<1xi32>
        %parallel_loop3A_1295 = vector.extract %parallel_loop3A_1294[0] : i32 from vector<1xi32>
        %parallel_loop3A_1296 = arith.index_cast %parallel_loop3A_1295 : i32 to index
        %parallel_loop3A_1297 = tpu.vector_load %arg7[%parallel_loop3A_1296] masked %parallel_loop3A_1289 {strides = array<i32>} : memref<32784xi32, #tpu.memory_space<vmem>>, vector<16xi32>, vector<16xi1>
        tpu.vector_store %arg7[%parallel_loop3A_1296], %parallel_loop3A_1276 masked %parallel_loop3A_1289 {strides = array<i32>} : memref<32784xi32, #tpu.memory_space<vmem>>, vector<16xi32>, vector<16xi1>
        %parallel_loop3A_1298 = tpu.all_reduce %parallel_loop3A_1287 {dim = 0 : i64, kind = #tpu.reduction_kind<sum>} : vector<16xi1> -> vector<16xi32>
        %parallel_loop3A_1299 = arith.addi %parallel_loop3A_1266, %parallel_loop3A_1298 : vector<16xi32>
        %parallel_loop3A_1300 = tpu.all_reduce %parallel_loop3A_1289 {dim = 0 : i64, kind = #tpu.reduction_kind<sum>} : vector<16xi1> -> vector<16xi32>
        %parallel_loop3A_1301 = arith.addi %parallel_loop3A_1267, %parallel_loop3A_1300 : vector<16xi32>
        scf.yield %parallel_loop3A_1299, %parallel_loop3A_1301 : vector<16xi32>, vector<16xi32>
      } {sc.loop_unroll_factor = 1 : i64, sc.parallel_access}
      %slice3A_143 = vector.extract_strided_slice %parallel_loop3A_142#1 {offsets = [0], sizes = [1], strides = [1]} : vector<16xi32> to vector<1xi32>
      %squeeze3A_144 = vector.extract %slice3A_143[0] : i32 from vector<1xi32>
      %sub3A_145 = arith.subi %broadcast_in_dim3A_8, %parallel_loop3A_142#0 : vector<16xi32>
      %add3A_146 = arith.constant 16 : i32
      %add3A_147 = arith.addi %squeeze3A_144, %add3A_146 : i32
      %sub3A_148 = arith.constant 1 : i32
      %sub3A_149 = arith.subi %add3A_147, %sub3A_148 : i32
      %jit3A_150 = arith.constant 16 : i32
      %div3A_151 = arith.divsi %sub3A_149, %jit3A_150 : i32
      %sign3A_152 = arith.constant 0 : i32
      %sign3A_153 = arith.cmpi sgt, %sub3A_149, %sign3A_152 : i32
      %sign3A_154 = arith.extui %sign3A_153 : i1 to i32
      %sign3A_155 = arith.constant 0 : i32
      %sign3A_156 = arith.cmpi slt, %sub3A_149, %sign3A_155 : i32
      %sign3A_157 = arith.extui %sign3A_156 : i1 to i32
      %sign3A_158 = arith.subi %sign3A_154, %sign3A_157 : i32
      %sign3A_159 = arith.constant 0 : i32
      %sign3A_160 = arith.cmpi sgt, %jit3A_150, %sign3A_159 : i32
      %sign3A_161 = arith.extui %sign3A_160 : i1 to i32
      %sign3A_162 = arith.constant 0 : i32
      %sign3A_163 = arith.cmpi slt, %jit3A_150, %sign3A_162 : i32
      %sign3A_164 = arith.extui %sign3A_163 : i1 to i32
      %sign3A_165 = arith.subi %sign3A_161, %sign3A_164 : i32
      %ne3A_166 = arith.cmpi ne, %sign3A_158, %sign3A_165 : i32
      %rem3A_167 = arith.remsi %sub3A_149, %jit3A_150 : i32
      %ne3A_168 = arith.constant 0 : i32
      %ne3A_169 = arith.cmpi ne, %rem3A_167, %ne3A_168 : i32
      %and3A_170 = arith.andi %ne3A_166, %ne3A_169 : i1
      %sub3A_171 = arith.constant 1 : i32
      %sub3A_172 = arith.subi %div3A_151, %sub3A_171 : i32
      %select_n3A_173 = arith.select %and3A_170, %sub3A_172, %div3A_151 : i32
      %parallel_loop3A_174 = arith.constant 0 : i32
      %parallel_loop3A_175 = arith.constant 1 : i32
      %parallel_loop3A_176 = arith.constant 8 : i32
      scf.for %parallel_loop3A_1265 = %parallel_loop3A_174 to %select_n3A_173 step %parallel_loop3A_175  : i32 {
        %parallel_loop3A_1266 = arith.constant 16 : i32
        %parallel_loop3A_1267 = arith.muli %parallel_loop3A_1265, %parallel_loop3A_1266 : i32
        %parallel_loop3A_1268 = vector.broadcast %parallel_loop3A_1267 : i32 to vector<16xi32>
        %parallel_loop3A_1269 = arith.addi %parallel_loop3A_1268, %iota3A : vector<16xi32>
        %parallel_loop3A_1270 = arith.cmpi slt, %parallel_loop3A_1269, %parallel_loop3A_142#1 : vector<16xi32>
        %parallel_loop3A_1271 = arith.constant 16 : i32
        %parallel_loop3A_1272 = arith.muli %parallel_loop3A_1265, %parallel_loop3A_1271 : i32
        %parallel_loop3A_1273 = arith.index_cast %parallel_loop3A_1272 : i32 to index
        %parallel_loop3A_1274 = tpu.vector_load %arg7[%parallel_loop3A_1273] {strides = array<i32>} : memref<32784xi32, #tpu.memory_space<vmem>>, vector<16xi32>,
        %parallel_loop3A_1275 = tpu.vector_load_idx %arg5[%parallel_loop3A_1274] masked %parallel_loop3A_1270 : memref<32768xf32, #tpu.memory_space<vmem>>[vector<16xi32>], vector<16xf32>, vector<16xi1>
        %parallel_loop3A_1276 = vector.bitcast %parallel_loop3A_1275 : vector<16xf32> to vector<16xi32>
        %parallel_loop3A_1277 = vector.broadcast %parallel_loop3A_176 : i32 to vector<16xi32>
        %parallel_loop3A_1278 = arith.shrui %parallel_loop3A_1276, %parallel_loop3A_1277 : vector<16xi32>
        %parallel_loop3A_1279 = arith.constant 255 : i32
        %parallel_loop3A_1280 = vector.broadcast %parallel_loop3A_1279 : i32 to vector<16xi32>
        %parallel_loop3A_1281 = arith.andi %parallel_loop3A_1278, %parallel_loop3A_1280 : vector<16xi32>
        %parallel_loop3A_1282 = vector.bitcast %parallel_loop3A_1281 : vector<16xi32> to vector<16xi32>
        %parallel_loop3A_1283 = arith.addi %mul3A_1, %parallel_loop3A_1282 : vector<16xi32>
        tpu.vector_store_idx %arg9[%parallel_loop3A_1283], %broadcast_in_dim3A_2 masked %parallel_loop3A_1270 {add = true} : memref<4096xi32, #tpu.memory_space<vmem>>[vector<16xi32>], vector<16xi32>, vector<16xi1>
      } {sc.loop_unroll_factor = 1 : i64, sc.parallel_access}
      %broadcast_in_dim3A_177 = arith.constant 0 : i32
      %broadcast_in_dim3A_178 = vector.broadcast %broadcast_in_dim3A_177 : i32 to vector<16xi32>
      %sub3A_179 = arith.constant 1 : i32
      %sub3A_180 = vector.broadcast %sub3A_179 : i32 to vector<16xi32>
      %sub3A_181 = arith.subi %broadcast_in_dim3A_178, %sub3A_180 : vector<16xi32>
      %parallel_loop3A_182 = arith.constant 0 : i32
      %parallel_loop3A_183 = arith.constant 16 : i32
      %parallel_loop3A_184 = arith.constant 1 : i32
      %parallel_loop3A_185:2 = scf.for %parallel_loop3A_1265 = %parallel_loop3A_182 to %parallel_loop3A_183 step %parallel_loop3A_184 iter_args(%parallel_loop3A_1266 = %broadcast_in_dim3A_178, %parallel_loop3A_1267 = %sub3A_181) -> (vector<16xi32>, vector<16xi32>)  : i32 {
        %parallel_loop3A_1268 = arith.constant 15 : i32
        %parallel_loop3A_1269 = arith.subi %parallel_loop3A_1268, %parallel_loop3A_1265 : i32
        %parallel_loop3A_1270 = arith.constant 16 : i32
        %parallel_loop3A_1271 = arith.muli %parallel_loop3A_1269, %parallel_loop3A_1270 : i32
        %parallel_loop3A_1272 = arith.constant 0 : i32
        %parallel_loop3A_1273 = arith.addi %parallel_loop3A_1272, %parallel_loop3A_1271 : i32
        %parallel_loop3A_1274 = arith.index_cast %parallel_loop3A_1273 : i32 to index
        %parallel_loop3A_1275 = tpu.vector_load %arg9[%parallel_loop3A_1274] {strides = array<i32>} : memref<4096xi32, #tpu.memory_space<vmem>>, vector<16xi32>,
        %parallel_loop3A_1276 = arith.constant 256 : i32
        %parallel_loop3A_1277 = arith.addi %parallel_loop3A_1276, %parallel_loop3A_1271 : i32
        %parallel_loop3A_1278 = arith.index_cast %parallel_loop3A_1277 : i32 to index
        %parallel_loop3A_1279 = tpu.vector_load %arg9[%parallel_loop3A_1278] {strides = array<i32>} : memref<4096xi32, #tpu.memory_space<vmem>>, vector<16xi32>,
        %parallel_loop3A_1280 = arith.constant 512 : i32
        %parallel_loop3A_1281 = arith.addi %parallel_loop3A_1280, %parallel_loop3A_1271 : i32
        %parallel_loop3A_1282 = arith.index_cast %parallel_loop3A_1281 : i32 to index
        %parallel_loop3A_1283 = tpu.vector_load %arg9[%parallel_loop3A_1282] {strides = array<i32>} : memref<4096xi32, #tpu.memory_space<vmem>>, vector<16xi32>,
        %parallel_loop3A_1284 = arith.constant 768 : i32
        %parallel_loop3A_1285 = arith.addi %parallel_loop3A_1284, %parallel_loop3A_1271 : i32
        %parallel_loop3A_1286 = arith.index_cast %parallel_loop3A_1285 : i32 to index
        %parallel_loop3A_1287 = tpu.vector_load %arg9[%parallel_loop3A_1286] {strides = array<i32>} : memref<4096xi32, #tpu.memory_space<vmem>>, vector<16xi32>,
        %parallel_loop3A_1288 = arith.constant 1024 : i32
        %parallel_loop3A_1289 = arith.addi %parallel_loop3A_1288, %parallel_loop3A_1271 : i32
        %parallel_loop3A_1290 = arith.index_cast %parallel_loop3A_1289 : i32 to index
        %parallel_loop3A_1291 = tpu.vector_load %arg9[%parallel_loop3A_1290] {strides = array<i32>} : memref<4096xi32, #tpu.memory_space<vmem>>, vector<16xi32>,
        %parallel_loop3A_1292 = arith.constant 1280 : i32
        %parallel_loop3A_1293 = arith.addi %parallel_loop3A_1292, %parallel_loop3A_1271 : i32
        %parallel_loop3A_1294 = arith.index_cast %parallel_loop3A_1293 : i32 to index
        %parallel_loop3A_1295 = tpu.vector_load %arg9[%parallel_loop3A_1294] {strides = array<i32>} : memref<4096xi32, #tpu.memory_space<vmem>>, vector<16xi32>,
        %parallel_loop3A_1296 = arith.constant 1536 : i32
        %parallel_loop3A_1297 = arith.addi %parallel_loop3A_1296, %parallel_loop3A_1271 : i32
        %parallel_loop3A_1298 = arith.index_cast %parallel_loop3A_1297 : i32 to index
        %parallel_loop3A_1299 = tpu.vector_load %arg9[%parallel_loop3A_1298] {strides = array<i32>} : memref<4096xi32, #tpu.memory_space<vmem>>, vector<16xi32>,
        %parallel_loop3A_1300 = arith.constant 1792 : i32
        %parallel_loop3A_1301 = arith.addi %parallel_loop3A_1300, %parallel_loop3A_1271 : i32
        %parallel_loop3A_1302 = arith.index_cast %parallel_loop3A_1301 : i32 to index
        %parallel_loop3A_1303 = tpu.vector_load %arg9[%parallel_loop3A_1302] {strides = array<i32>} : memref<4096xi32, #tpu.memory_space<vmem>>, vector<16xi32>,
        %parallel_loop3A_1304 = arith.constant 2048 : i32
        %parallel_loop3A_1305 = arith.addi %parallel_loop3A_1304, %parallel_loop3A_1271 : i32
        %parallel_loop3A_1306 = arith.index_cast %parallel_loop3A_1305 : i32 to index
        %parallel_loop3A_1307 = tpu.vector_load %arg9[%parallel_loop3A_1306] {strides = array<i32>} : memref<4096xi32, #tpu.memory_space<vmem>>, vector<16xi32>,
        %parallel_loop3A_1308 = arith.constant 2304 : i32
        %parallel_loop3A_1309 = arith.addi %parallel_loop3A_1308, %parallel_loop3A_1271 : i32
        %parallel_loop3A_1310 = arith.index_cast %parallel_loop3A_1309 : i32 to index
        %parallel_loop3A_1311 = tpu.vector_load %arg9[%parallel_loop3A_1310] {strides = array<i32>} : memref<4096xi32, #tpu.memory_space<vmem>>, vector<16xi32>,
        %parallel_loop3A_1312 = arith.constant 2560 : i32
        %parallel_loop3A_1313 = arith.addi %parallel_loop3A_1312, %parallel_loop3A_1271 : i32
        %parallel_loop3A_1314 = arith.index_cast %parallel_loop3A_1313 : i32 to index
        %parallel_loop3A_1315 = tpu.vector_load %arg9[%parallel_loop3A_1314] {strides = array<i32>} : memref<4096xi32, #tpu.memory_space<vmem>>, vector<16xi32>,
        %parallel_loop3A_1316 = arith.constant 2816 : i32
        %parallel_loop3A_1317 = arith.addi %parallel_loop3A_1316, %parallel_loop3A_1271 : i32
        %parallel_loop3A_1318 = arith.index_cast %parallel_loop3A_1317 : i32 to index
        %parallel_loop3A_1319 = tpu.vector_load %arg9[%parallel_loop3A_1318] {strides = array<i32>} : memref<4096xi32, #tpu.memory_space<vmem>>, vector<16xi32>,
        %parallel_loop3A_1320 = arith.constant 3072 : i32
        %parallel_loop3A_1321 = arith.addi %parallel_loop3A_1320, %parallel_loop3A_1271 : i32
        %parallel_loop3A_1322 = arith.index_cast %parallel_loop3A_1321 : i32 to index
        %parallel_loop3A_1323 = tpu.vector_load %arg9[%parallel_loop3A_1322] {strides = array<i32>} : memref<4096xi32, #tpu.memory_space<vmem>>, vector<16xi32>,
        %parallel_loop3A_1324 = arith.constant 3328 : i32
        %parallel_loop3A_1325 = arith.addi %parallel_loop3A_1324, %parallel_loop3A_1271 : i32
        %parallel_loop3A_1326 = arith.index_cast %parallel_loop3A_1325 : i32 to index
        %parallel_loop3A_1327 = tpu.vector_load %arg9[%parallel_loop3A_1326] {strides = array<i32>} : memref<4096xi32, #tpu.memory_space<vmem>>, vector<16xi32>,
        %parallel_loop3A_1328 = arith.constant 3584 : i32
        %parallel_loop3A_1329 = arith.addi %parallel_loop3A_1328, %parallel_loop3A_1271 : i32
        %parallel_loop3A_1330 = arith.index_cast %parallel_loop3A_1329 : i32 to index
        %parallel_loop3A_1331 = tpu.vector_load %arg9[%parallel_loop3A_1330] {strides = array<i32>} : memref<4096xi32, #tpu.memory_space<vmem>>, vector<16xi32>,
        %parallel_loop3A_1332 = arith.constant 3840 : i32
        %parallel_loop3A_1333 = arith.addi %parallel_loop3A_1332, %parallel_loop3A_1271 : i32
        %parallel_loop3A_1334 = arith.index_cast %parallel_loop3A_1333 : i32 to index
        %parallel_loop3A_1335 = tpu.vector_load %arg9[%parallel_loop3A_1334] {strides = array<i32>} : memref<4096xi32, #tpu.memory_space<vmem>>, vector<16xi32>,
        %parallel_loop3A_1336 = arith.addi %parallel_loop3A_1275, %parallel_loop3A_1279 : vector<16xi32>
        %parallel_loop3A_1337 = arith.addi %parallel_loop3A_1283, %parallel_loop3A_1287 : vector<16xi32>
        %parallel_loop3A_1338 = arith.addi %parallel_loop3A_1291, %parallel_loop3A_1295 : vector<16xi32>
        %parallel_loop3A_1339 = arith.addi %parallel_loop3A_1299, %parallel_loop3A_1303 : vector<16xi32>
        %parallel_loop3A_1340 = arith.addi %parallel_loop3A_1307, %parallel_loop3A_1311 : vector<16xi32>
        %parallel_loop3A_1341 = arith.addi %parallel_loop3A_1315, %parallel_loop3A_1319 : vector<16xi32>
        %parallel_loop3A_1342 = arith.addi %parallel_loop3A_1323, %parallel_loop3A_1327 : vector<16xi32>
        %parallel_loop3A_1343 = arith.addi %parallel_loop3A_1331, %parallel_loop3A_1335 : vector<16xi32>
        %parallel_loop3A_1344 = arith.addi %parallel_loop3A_1336, %parallel_loop3A_1337 : vector<16xi32>
        %parallel_loop3A_1345 = arith.addi %parallel_loop3A_1338, %parallel_loop3A_1339 : vector<16xi32>
        %parallel_loop3A_1346 = arith.addi %parallel_loop3A_1340, %parallel_loop3A_1341 : vector<16xi32>
        %parallel_loop3A_1347 = arith.addi %parallel_loop3A_1342, %parallel_loop3A_1343 : vector<16xi32>
        %parallel_loop3A_1348 = arith.addi %parallel_loop3A_1344, %parallel_loop3A_1345 : vector<16xi32>
        %parallel_loop3A_1349 = arith.addi %parallel_loop3A_1346, %parallel_loop3A_1347 : vector<16xi32>
        %parallel_loop3A_1350 = arith.addi %parallel_loop3A_1348, %parallel_loop3A_1349 : vector<16xi32>
        %parallel_loop3A_1351 = arith.constant 15 : i32
        %parallel_loop3A_1352 = vector.broadcast %parallel_loop3A_1351 : i32 to vector<16xi32>
        %parallel_loop3A_1353 = tpu.iota {dimensions = array<i32: 0>} : vector<16xi32>
        %parallel_loop3A_1354 = arith.subi %parallel_loop3A_1352, %parallel_loop3A_1353 : vector<16xi32>
        %parallel_loop3A_1355 = tpu.dynamic_gather %parallel_loop3A_1350[%parallel_loop3A_1354] in [0] : vector<16xi32>, vector<16xi32> -> vector<16xi32>
        %parallel_loop3A_1356 = arith.constant true
        %parallel_loop3A_1357 = vector.broadcast %parallel_loop3A_1356 : i1 to vector<16xi1>
        %parallel_loop3A_1358 = tpu.scan <sum>, %parallel_loop3A_1355 masked %parallel_loop3A_1357 : vector<16xi32>, vector<16xi1> -> vector<16xi32>
        %parallel_loop3A_1359 = vector.extract_strided_slice %parallel_loop3A_1358 {offsets = [15], sizes = [1], strides = [1]} : vector<16xi32> to vector<1xi32>
        %parallel_loop3A_1360 = vector.extract %parallel_loop3A_1359[0] : i32 from vector<1xi32>
        %parallel_loop3A_1361 = vector.broadcast %parallel_loop3A_1360 : i32 to vector<16xi32>
        %parallel_loop3A_1362 = arith.addi %parallel_loop3A_1266, %parallel_loop3A_1358 : vector<16xi32>
        %parallel_loop3A_1363 = arith.cmpi sge, %parallel_loop3A_1362, %sub3A_145 : vector<16xi32>
        %parallel_loop3A_1364 = tpu.all_reduce %parallel_loop3A_1363 {dim = 0 : i64, kind = #tpu.reduction_kind<find_first_set>} : vector<16xi1> -> vector<16xi32>
        %parallel_loop3A_1365 = tpu.all_reduce %parallel_loop3A_1363 {dim = 0 : i64, kind = #tpu.reduction_kind<sum>} : vector<16xi1> -> vector<16xi32>
        %parallel_loop3A_1366 = arith.constant 0 : i32
        %parallel_loop3A_1367 = vector.broadcast %parallel_loop3A_1366 : i32 to vector<16xi32>
        %parallel_loop3A_1368 = arith.cmpi sgt, %parallel_loop3A_1365, %parallel_loop3A_1367 : vector<16xi32>
        %parallel_loop3A_1369 = arith.constant 15 : i32
        %parallel_loop3A_1370 = arith.addi %parallel_loop3A_1271, %parallel_loop3A_1369 : i32
        %parallel_loop3A_1371 = vector.broadcast %parallel_loop3A_1370 : i32 to vector<16xi32>
        %parallel_loop3A_1372 = arith.subi %parallel_loop3A_1371, %parallel_loop3A_1364 : vector<16xi32>
        %parallel_loop3A_1373 = arith.constant 0 : i32
        %parallel_loop3A_1374 = vector.broadcast %parallel_loop3A_1373 : i32 to vector<16xi32>
        %parallel_loop3A_1375 = arith.cmpi slt, %parallel_loop3A_1267, %parallel_loop3A_1374 : vector<16xi32>
        %parallel_loop3A_1376 = arith.andi %parallel_loop3A_1375, %parallel_loop3A_1368 : vector<16xi1>
        %parallel_loop3A_1377 = arith.select %parallel_loop3A_1376, %parallel_loop3A_1372, %parallel_loop3A_1267 : vector<16xi1>, vector<16xi32>
        %parallel_loop3A_1378 = arith.addi %parallel_loop3A_1266, %parallel_loop3A_1361 : vector<16xi32>
        scf.yield %parallel_loop3A_1378, %parallel_loop3A_1377 : vector<16xi32>, vector<16xi32>
      } {sc.loop_unroll_factor = 1 : i64, sc.parallel_access}
      %parallel_loop3A_186 = arith.constant 0 : i32
      %parallel_loop3A_187 = arith.constant 1 : i32
      %parallel_loop3A_188 = arith.constant 8 : i32
      %parallel_loop3A_189:2 = scf.for %parallel_loop3A_1265 = %parallel_loop3A_186 to %select_n3A_173 step %parallel_loop3A_187 iter_args(%parallel_loop3A_1266 = %parallel_loop3A_142#0, %parallel_loop3A_1267 = %broadcast_in_dim3A_6) -> (vector<16xi32>, vector<16xi32>)  : i32 {
        %parallel_loop3A_1268 = arith.constant 16 : i32
        %parallel_loop3A_1269 = arith.muli %parallel_loop3A_1265, %parallel_loop3A_1268 : i32
        %parallel_loop3A_1270 = vector.broadcast %parallel_loop3A_1269 : i32 to vector<16xi32>
        %parallel_loop3A_1271 = arith.addi %parallel_loop3A_1270, %iota3A : vector<16xi32>
        %parallel_loop3A_1272 = arith.cmpi slt, %parallel_loop3A_1271, %parallel_loop3A_142#1 : vector<16xi32>
        %parallel_loop3A_1273 = arith.constant 16 : i32
        %parallel_loop3A_1274 = arith.muli %parallel_loop3A_1265, %parallel_loop3A_1273 : i32
        %parallel_loop3A_1275 = arith.index_cast %parallel_loop3A_1274 : i32 to index
        %parallel_loop3A_1276 = tpu.vector_load %arg7[%parallel_loop3A_1275] {strides = array<i32>} : memref<32784xi32, #tpu.memory_space<vmem>>, vector<16xi32>,
        %parallel_loop3A_1277 = tpu.vector_load_idx %arg5[%parallel_loop3A_1276] masked %parallel_loop3A_1272 : memref<32768xf32, #tpu.memory_space<vmem>>[vector<16xi32>], vector<16xf32>, vector<16xi1>
        %parallel_loop3A_1278 = vector.bitcast %parallel_loop3A_1277 : vector<16xf32> to vector<16xi32>
        %parallel_loop3A_1279 = vector.broadcast %parallel_loop3A_188 : i32 to vector<16xi32>
        %parallel_loop3A_1280 = arith.shrui %parallel_loop3A_1278, %parallel_loop3A_1279 : vector<16xi32>
        %parallel_loop3A_1281 = arith.constant 255 : i32
        %parallel_loop3A_1282 = vector.broadcast %parallel_loop3A_1281 : i32 to vector<16xi32>
        %parallel_loop3A_1283 = arith.andi %parallel_loop3A_1280, %parallel_loop3A_1282 : vector<16xi32>
        %parallel_loop3A_1284 = vector.bitcast %parallel_loop3A_1283 : vector<16xi32> to vector<16xi32>
        %parallel_loop3A_1285 = arith.addi %mul3A_1, %parallel_loop3A_1284 : vector<16xi32>
        tpu.vector_store_idx %arg9[%parallel_loop3A_1285], %neg3A_4 masked %parallel_loop3A_1272 {add = true} : memref<4096xi32, #tpu.memory_space<vmem>>[vector<16xi32>], vector<16xi32>, vector<16xi1>
        %parallel_loop3A_1286 = arith.cmpi sgt, %parallel_loop3A_1284, %parallel_loop3A_185#1 : vector<16xi32>
        %parallel_loop3A_1287 = arith.andi %parallel_loop3A_1286, %parallel_loop3A_1272 : vector<16xi1>
        %parallel_loop3A_1288 = arith.cmpi eq, %parallel_loop3A_1284, %parallel_loop3A_185#1 : vector<16xi32>
        %parallel_loop3A_1289 = arith.andi %parallel_loop3A_1288, %parallel_loop3A_1272 : vector<16xi1>
        %parallel_loop3A_1290 = vector.extract_strided_slice %parallel_loop3A_1266 {offsets = [0], sizes = [1], strides = [1]} : vector<16xi32> to vector<1xi32>
        %parallel_loop3A_1291 = vector.extract %parallel_loop3A_1290[0] : i32 from vector<1xi32>
        %parallel_loop3A_1292 = arith.index_cast %parallel_loop3A_1291 : i32 to index
        %parallel_loop3A_1293 = tpu.vector_load %arg10[%parallel_loop3A_1292] masked %parallel_loop3A_1287 {strides = array<i32>} : memref<272xi32, #tpu.memory_space<vmem>>, vector<16xi32>, vector<16xi1>
        tpu.vector_store %arg10[%parallel_loop3A_1292], %parallel_loop3A_1276 masked %parallel_loop3A_1287 {strides = array<i32>} : memref<272xi32, #tpu.memory_space<vmem>>, vector<16xi32>, vector<16xi1>
        %parallel_loop3A_1294 = vector.extract_strided_slice %parallel_loop3A_1267 {offsets = [0], sizes = [1], strides = [1]} : vector<16xi32> to vector<1xi32>
        %parallel_loop3A_1295 = vector.extract %parallel_loop3A_1294[0] : i32 from vector<1xi32>
        %parallel_loop3A_1296 = arith.index_cast %parallel_loop3A_1295 : i32 to index
        %parallel_loop3A_1297 = tpu.vector_load %arg7[%parallel_loop3A_1296] masked %parallel_loop3A_1289 {strides = array<i32>} : memref<32784xi32, #tpu.memory_space<vmem>>, vector<16xi32>, vector<16xi1>
        tpu.vector_store %arg7[%parallel_loop3A_1296], %parallel_loop3A_1276 masked %parallel_loop3A_1289 {strides = array<i32>} : memref<32784xi32, #tpu.memory_space<vmem>>, vector<16xi32>, vector<16xi1>
        %parallel_loop3A_1298 = tpu.all_reduce %parallel_loop3A_1287 {dim = 0 : i64, kind = #tpu.reduction_kind<sum>} : vector<16xi1> -> vector<16xi32>
        %parallel_loop3A_1299 = arith.addi %parallel_loop3A_1266, %parallel_loop3A_1298 : vector<16xi32>
        %parallel_loop3A_1300 = tpu.all_reduce %parallel_loop3A_1289 {dim = 0 : i64, kind = #tpu.reduction_kind<sum>} : vector<16xi1> -> vector<16xi32>
        %parallel_loop3A_1301 = arith.addi %parallel_loop3A_1267, %parallel_loop3A_1300 : vector<16xi32>
        scf.yield %parallel_loop3A_1299, %parallel_loop3A_1301 : vector<16xi32>, vector<16xi32>
      } {sc.loop_unroll_factor = 1 : i64, sc.parallel_access}
      %slice3A_190 = vector.extract_strided_slice %parallel_loop3A_189#1 {offsets = [0], sizes = [1], strides = [1]} : vector<16xi32> to vector<1xi32>
      %squeeze3A_191 = vector.extract %slice3A_190[0] : i32 from vector<1xi32>
      %sub3A_192 = arith.subi %broadcast_in_dim3A_8, %parallel_loop3A_189#0 : vector<16xi32>
      %add3A_193 = arith.constant 16 : i32
      %add3A_194 = arith.addi %squeeze3A_191, %add3A_193 : i32
      %sub3A_195 = arith.constant 1 : i32
      %sub3A_196 = arith.subi %add3A_194, %sub3A_195 : i32
      %jit3A_197 = arith.constant 16 : i32
      %div3A_198 = arith.divsi %sub3A_196, %jit3A_197 : i32
      %sign3A_199 = arith.constant 0 : i32
      %sign3A_200 = arith.cmpi sgt, %sub3A_196, %sign3A_199 : i32
      %sign3A_201 = arith.extui %sign3A_200 : i1 to i32
      %sign3A_202 = arith.constant 0 : i32
      %sign3A_203 = arith.cmpi slt, %sub3A_196, %sign3A_202 : i32
      %sign3A_204 = arith.extui %sign3A_203 : i1 to i32
      %sign3A_205 = arith.subi %sign3A_201, %sign3A_204 : i32
      %sign3A_206 = arith.constant 0 : i32
      %sign3A_207 = arith.cmpi sgt, %jit3A_197, %sign3A_206 : i32
      %sign3A_208 = arith.extui %sign3A_207 : i1 to i32
      %sign3A_209 = arith.constant 0 : i32
      %sign3A_210 = arith.cmpi slt, %jit3A_197, %sign3A_209 : i32
      %sign3A_211 = arith.extui %sign3A_210 : i1 to i32
      %sign3A_212 = arith.subi %sign3A_208, %sign3A_211 : i32
      %ne3A_213 = arith.cmpi ne, %sign3A_205, %sign3A_212 : i32
      %rem3A_214 = arith.remsi %sub3A_196, %jit3A_197 : i32
      %ne3A_215 = arith.constant 0 : i32
      %ne3A_216 = arith.cmpi ne, %rem3A_214, %ne3A_215 : i32
      %and3A_217 = arith.andi %ne3A_213, %ne3A_216 : i1
      %sub3A_218 = arith.constant 1 : i32
      %sub3A_219 = arith.subi %div3A_198, %sub3A_218 : i32
      %select_n3A_220 = arith.select %and3A_217, %sub3A_219, %div3A_198 : i32
      %parallel_loop3A_221 = arith.constant 0 : i32
      %parallel_loop3A_222 = arith.constant 1 : i32
      %parallel_loop3A_223 = arith.constant 0 : i32
      scf.for %parallel_loop3A_1265 = %parallel_loop3A_221 to %select_n3A_220 step %parallel_loop3A_222  : i32 {
        %parallel_loop3A_1266 = arith.constant 16 : i32
        %parallel_loop3A_1267 = arith.muli %parallel_loop3A_1265, %parallel_loop3A_1266 : i32
        %parallel_loop3A_1268 = vector.broadcast %parallel_loop3A_1267 : i32 to vector<16xi32>
        %parallel_loop3A_1269 = arith.addi %parallel_loop3A_1268, %iota3A : vector<16xi32>
        %parallel_loop3A_1270 = arith.cmpi slt, %parallel_loop3A_1269, %parallel_loop3A_189#1 : vector<16xi32>
        %parallel_loop3A_1271 = arith.constant 16 : i32
        %parallel_loop3A_1272 = arith.muli %parallel_loop3A_1265, %parallel_loop3A_1271 : i32
        %parallel_loop3A_1273 = arith.index_cast %parallel_loop3A_1272 : i32 to index
        %parallel_loop3A_1274 = tpu.vector_load %arg7[%parallel_loop3A_1273] {strides = array<i32>} : memref<32784xi32, #tpu.memory_space<vmem>>, vector<16xi32>,
        %parallel_loop3A_1275 = tpu.vector_load_idx %arg5[%parallel_loop3A_1274] masked %parallel_loop3A_1270 : memref<32768xf32, #tpu.memory_space<vmem>>[vector<16xi32>], vector<16xf32>, vector<16xi1>
        %parallel_loop3A_1276 = vector.bitcast %parallel_loop3A_1275 : vector<16xf32> to vector<16xi32>
        %parallel_loop3A_1277 = vector.broadcast %parallel_loop3A_223 : i32 to vector<16xi32>
        %parallel_loop3A_1278 = arith.shrui %parallel_loop3A_1276, %parallel_loop3A_1277 : vector<16xi32>
        %parallel_loop3A_1279 = arith.constant 255 : i32
        %parallel_loop3A_1280 = vector.broadcast %parallel_loop3A_1279 : i32 to vector<16xi32>
        %parallel_loop3A_1281 = arith.andi %parallel_loop3A_1278, %parallel_loop3A_1280 : vector<16xi32>
        %parallel_loop3A_1282 = vector.bitcast %parallel_loop3A_1281 : vector<16xi32> to vector<16xi32>
        %parallel_loop3A_1283 = arith.addi %mul3A_1, %parallel_loop3A_1282 : vector<16xi32>
        tpu.vector_store_idx %arg9[%parallel_loop3A_1283], %broadcast_in_dim3A_2 masked %parallel_loop3A_1270 {add = true} : memref<4096xi32, #tpu.memory_space<vmem>>[vector<16xi32>], vector<16xi32>, vector<16xi1>
      } {sc.loop_unroll_factor = 1 : i64, sc.parallel_access}
      %broadcast_in_dim3A_224 = arith.constant 0 : i32
      %broadcast_in_dim3A_225 = vector.broadcast %broadcast_in_dim3A_224 : i32 to vector<16xi32>
      %sub3A_226 = arith.constant 1 : i32
      %sub3A_227 = vector.broadcast %sub3A_226 : i32 to vector<16xi32>
      %sub3A_228 = arith.subi %broadcast_in_dim3A_225, %sub3A_227 : vector<16xi32>
      %parallel_loop3A_229 = arith.constant 0 : i32
      %parallel_loop3A_230 = arith.constant 16 : i32
      %parallel_loop3A_231 = arith.constant 1 : i32
      %parallel_loop3A_232:2 = scf.for %parallel_loop3A_1265 = %parallel_loop3A_229 to %parallel_loop3A_230 step %parallel_loop3A_231 iter_args(%parallel_loop3A_1266 = %broadcast_in_dim3A_225, %parallel_loop3A_1267 = %sub3A_228) -> (vector<16xi32>, vector<16xi32>)  : i32 {
        %parallel_loop3A_1268 = arith.constant 15 : i32
        %parallel_loop3A_1269 = arith.subi %parallel_loop3A_1268, %parallel_loop3A_1265 : i32
        %parallel_loop3A_1270 = arith.constant 16 : i32
        %parallel_loop3A_1271 = arith.muli %parallel_loop3A_1269, %parallel_loop3A_1270 : i32
        %parallel_loop3A_1272 = arith.constant 0 : i32
        %parallel_loop3A_1273 = arith.addi %parallel_loop3A_1272, %parallel_loop3A_1271 : i32
        %parallel_loop3A_1274 = arith.index_cast %parallel_loop3A_1273 : i32 to index
        %parallel_loop3A_1275 = tpu.vector_load %arg9[%parallel_loop3A_1274] {strides = array<i32>} : memref<4096xi32, #tpu.memory_space<vmem>>, vector<16xi32>,
        %parallel_loop3A_1276 = arith.constant 256 : i32
        %parallel_loop3A_1277 = arith.addi %parallel_loop3A_1276, %parallel_loop3A_1271 : i32
        %parallel_loop3A_1278 = arith.index_cast %parallel_loop3A_1277 : i32 to index
        %parallel_loop3A_1279 = tpu.vector_load %arg9[%parallel_loop3A_1278] {strides = array<i32>} : memref<4096xi32, #tpu.memory_space<vmem>>, vector<16xi32>,
        %parallel_loop3A_1280 = arith.constant 512 : i32
        %parallel_loop3A_1281 = arith.addi %parallel_loop3A_1280, %parallel_loop3A_1271 : i32
        %parallel_loop3A_1282 = arith.index_cast %parallel_loop3A_1281 : i32 to index
        %parallel_loop3A_1283 = tpu.vector_load %arg9[%parallel_loop3A_1282] {strides = array<i32>} : memref<4096xi32, #tpu.memory_space<vmem>>, vector<16xi32>,
        %parallel_loop3A_1284 = arith.constant 768 : i32
        %parallel_loop3A_1285 = arith.addi %parallel_loop3A_1284, %parallel_loop3A_1271 : i32
        %parallel_loop3A_1286 = arith.index_cast %parallel_loop3A_1285 : i32 to index
        %parallel_loop3A_1287 = tpu.vector_load %arg9[%parallel_loop3A_1286] {strides = array<i32>} : memref<4096xi32, #tpu.memory_space<vmem>>, vector<16xi32>,
        %parallel_loop3A_1288 = arith.constant 1024 : i32
        %parallel_loop3A_1289 = arith.addi %parallel_loop3A_1288, %parallel_loop3A_1271 : i32
        %parallel_loop3A_1290 = arith.index_cast %parallel_loop3A_1289 : i32 to index
        %parallel_loop3A_1291 = tpu.vector_load %arg9[%parallel_loop3A_1290] {strides = array<i32>} : memref<4096xi32, #tpu.memory_space<vmem>>, vector<16xi32>,
        %parallel_loop3A_1292 = arith.constant 1280 : i32
        %parallel_loop3A_1293 = arith.addi %parallel_loop3A_1292, %parallel_loop3A_1271 : i32
        %parallel_loop3A_1294 = arith.index_cast %parallel_loop3A_1293 : i32 to index
        %parallel_loop3A_1295 = tpu.vector_load %arg9[%parallel_loop3A_1294] {strides = array<i32>} : memref<4096xi32, #tpu.memory_space<vmem>>, vector<16xi32>,
        %parallel_loop3A_1296 = arith.constant 1536 : i32
        %parallel_loop3A_1297 = arith.addi %parallel_loop3A_1296, %parallel_loop3A_1271 : i32
        %parallel_loop3A_1298 = arith.index_cast %parallel_loop3A_1297 : i32 to index
        %parallel_loop3A_1299 = tpu.vector_load %arg9[%parallel_loop3A_1298] {strides = array<i32>} : memref<4096xi32, #tpu.memory_space<vmem>>, vector<16xi32>,
        %parallel_loop3A_1300 = arith.constant 1792 : i32
        %parallel_loop3A_1301 = arith.addi %parallel_loop3A_1300, %parallel_loop3A_1271 : i32
        %parallel_loop3A_1302 = arith.index_cast %parallel_loop3A_1301 : i32 to index
        %parallel_loop3A_1303 = tpu.vector_load %arg9[%parallel_loop3A_1302] {strides = array<i32>} : memref<4096xi32, #tpu.memory_space<vmem>>, vector<16xi32>,
        %parallel_loop3A_1304 = arith.constant 2048 : i32
        %parallel_loop3A_1305 = arith.addi %parallel_loop3A_1304, %parallel_loop3A_1271 : i32
        %parallel_loop3A_1306 = arith.index_cast %parallel_loop3A_1305 : i32 to index
        %parallel_loop3A_1307 = tpu.vector_load %arg9[%parallel_loop3A_1306] {strides = array<i32>} : memref<4096xi32, #tpu.memory_space<vmem>>, vector<16xi32>,
        %parallel_loop3A_1308 = arith.constant 2304 : i32
        %parallel_loop3A_1309 = arith.addi %parallel_loop3A_1308, %parallel_loop3A_1271 : i32
        %parallel_loop3A_1310 = arith.index_cast %parallel_loop3A_1309 : i32 to index
        %parallel_loop3A_1311 = tpu.vector_load %arg9[%parallel_loop3A_1310] {strides = array<i32>} : memref<4096xi32, #tpu.memory_space<vmem>>, vector<16xi32>,
        %parallel_loop3A_1312 = arith.constant 2560 : i32
        %parallel_loop3A_1313 = arith.addi %parallel_loop3A_1312, %parallel_loop3A_1271 : i32
        %parallel_loop3A_1314 = arith.index_cast %parallel_loop3A_1313 : i32 to index
        %parallel_loop3A_1315 = tpu.vector_load %arg9[%parallel_loop3A_1314] {strides = array<i32>} : memref<4096xi32, #tpu.memory_space<vmem>>, vector<16xi32>,
        %parallel_loop3A_1316 = arith.constant 2816 : i32
        %parallel_loop3A_1317 = arith.addi %parallel_loop3A_1316, %parallel_loop3A_1271 : i32
        %parallel_loop3A_1318 = arith.index_cast %parallel_loop3A_1317 : i32 to index
        %parallel_loop3A_1319 = tpu.vector_load %arg9[%parallel_loop3A_1318] {strides = array<i32>} : memref<4096xi32, #tpu.memory_space<vmem>>, vector<16xi32>,
        %parallel_loop3A_1320 = arith.constant 3072 : i32
        %parallel_loop3A_1321 = arith.addi %parallel_loop3A_1320, %parallel_loop3A_1271 : i32
        %parallel_loop3A_1322 = arith.index_cast %parallel_loop3A_1321 : i32 to index
        %parallel_loop3A_1323 = tpu.vector_load %arg9[%parallel_loop3A_1322] {strides = array<i32>} : memref<4096xi32, #tpu.memory_space<vmem>>, vector<16xi32>,
        %parallel_loop3A_1324 = arith.constant 3328 : i32
        %parallel_loop3A_1325 = arith.addi %parallel_loop3A_1324, %parallel_loop3A_1271 : i32
        %parallel_loop3A_1326 = arith.index_cast %parallel_loop3A_1325 : i32 to index
        %parallel_loop3A_1327 = tpu.vector_load %arg9[%parallel_loop3A_1326] {strides = array<i32>} : memref<4096xi32, #tpu.memory_space<vmem>>, vector<16xi32>,
        %parallel_loop3A_1328 = arith.constant 3584 : i32
        %parallel_loop3A_1329 = arith.addi %parallel_loop3A_1328, %parallel_loop3A_1271 : i32
        %parallel_loop3A_1330 = arith.index_cast %parallel_loop3A_1329 : i32 to index
        %parallel_loop3A_1331 = tpu.vector_load %arg9[%parallel_loop3A_1330] {strides = array<i32>} : memref<4096xi32, #tpu.memory_space<vmem>>, vector<16xi32>,
        %parallel_loop3A_1332 = arith.constant 3840 : i32
        %parallel_loop3A_1333 = arith.addi %parallel_loop3A_1332, %parallel_loop3A_1271 : i32
        %parallel_loop3A_1334 = arith.index_cast %parallel_loop3A_1333 : i32 to index
        %parallel_loop3A_1335 = tpu.vector_load %arg9[%parallel_loop3A_1334] {strides = array<i32>} : memref<4096xi32, #tpu.memory_space<vmem>>, vector<16xi32>,
        %parallel_loop3A_1336 = arith.addi %parallel_loop3A_1275, %parallel_loop3A_1279 : vector<16xi32>
        %parallel_loop3A_1337 = arith.addi %parallel_loop3A_1283, %parallel_loop3A_1287 : vector<16xi32>
        %parallel_loop3A_1338 = arith.addi %parallel_loop3A_1291, %parallel_loop3A_1295 : vector<16xi32>
        %parallel_loop3A_1339 = arith.addi %parallel_loop3A_1299, %parallel_loop3A_1303 : vector<16xi32>
        %parallel_loop3A_1340 = arith.addi %parallel_loop3A_1307, %parallel_loop3A_1311 : vector<16xi32>
        %parallel_loop3A_1341 = arith.addi %parallel_loop3A_1315, %parallel_loop3A_1319 : vector<16xi32>
        %parallel_loop3A_1342 = arith.addi %parallel_loop3A_1323, %parallel_loop3A_1327 : vector<16xi32>
        %parallel_loop3A_1343 = arith.addi %parallel_loop3A_1331, %parallel_loop3A_1335 : vector<16xi32>
        %parallel_loop3A_1344 = arith.addi %parallel_loop3A_1336, %parallel_loop3A_1337 : vector<16xi32>
        %parallel_loop3A_1345 = arith.addi %parallel_loop3A_1338, %parallel_loop3A_1339 : vector<16xi32>
        %parallel_loop3A_1346 = arith.addi %parallel_loop3A_1340, %parallel_loop3A_1341 : vector<16xi32>
        %parallel_loop3A_1347 = arith.addi %parallel_loop3A_1342, %parallel_loop3A_1343 : vector<16xi32>
        %parallel_loop3A_1348 = arith.addi %parallel_loop3A_1344, %parallel_loop3A_1345 : vector<16xi32>
        %parallel_loop3A_1349 = arith.addi %parallel_loop3A_1346, %parallel_loop3A_1347 : vector<16xi32>
        %parallel_loop3A_1350 = arith.addi %parallel_loop3A_1348, %parallel_loop3A_1349 : vector<16xi32>
        %parallel_loop3A_1351 = arith.constant 15 : i32
        %parallel_loop3A_1352 = vector.broadcast %parallel_loop3A_1351 : i32 to vector<16xi32>
        %parallel_loop3A_1353 = tpu.iota {dimensions = array<i32: 0>} : vector<16xi32>
        %parallel_loop3A_1354 = arith.subi %parallel_loop3A_1352, %parallel_loop3A_1353 : vector<16xi32>
        %parallel_loop3A_1355 = tpu.dynamic_gather %parallel_loop3A_1350[%parallel_loop3A_1354] in [0] : vector<16xi32>, vector<16xi32> -> vector<16xi32>
        %parallel_loop3A_1356 = arith.constant true
        %parallel_loop3A_1357 = vector.broadcast %parallel_loop3A_1356 : i1 to vector<16xi1>
        %parallel_loop3A_1358 = tpu.scan <sum>, %parallel_loop3A_1355 masked %parallel_loop3A_1357 : vector<16xi32>, vector<16xi1> -> vector<16xi32>
        %parallel_loop3A_1359 = vector.extract_strided_slice %parallel_loop3A_1358 {offsets = [15], sizes = [1], strides = [1]} : vector<16xi32> to vector<1xi32>
        %parallel_loop3A_1360 = vector.extract %parallel_loop3A_1359[0] : i32 from vector<1xi32>
        %parallel_loop3A_1361 = vector.broadcast %parallel_loop3A_1360 : i32 to vector<16xi32>
        %parallel_loop3A_1362 = arith.addi %parallel_loop3A_1266, %parallel_loop3A_1358 : vector<16xi32>
        %parallel_loop3A_1363 = arith.cmpi sge, %parallel_loop3A_1362, %sub3A_192 : vector<16xi32>
        %parallel_loop3A_1364 = tpu.all_reduce %parallel_loop3A_1363 {dim = 0 : i64, kind = #tpu.reduction_kind<find_first_set>} : vector<16xi1> -> vector<16xi32>
        %parallel_loop3A_1365 = tpu.all_reduce %parallel_loop3A_1363 {dim = 0 : i64, kind = #tpu.reduction_kind<sum>} : vector<16xi1> -> vector<16xi32>
        %parallel_loop3A_1366 = arith.constant 0 : i32
        %parallel_loop3A_1367 = vector.broadcast %parallel_loop3A_1366 : i32 to vector<16xi32>
        %parallel_loop3A_1368 = arith.cmpi sgt, %parallel_loop3A_1365, %parallel_loop3A_1367 : vector<16xi32>
        %parallel_loop3A_1369 = arith.constant 15 : i32
        %parallel_loop3A_1370 = arith.addi %parallel_loop3A_1271, %parallel_loop3A_1369 : i32
        %parallel_loop3A_1371 = vector.broadcast %parallel_loop3A_1370 : i32 to vector<16xi32>
        %parallel_loop3A_1372 = arith.subi %parallel_loop3A_1371, %parallel_loop3A_1364 : vector<16xi32>
        %parallel_loop3A_1373 = arith.constant 0 : i32
        %parallel_loop3A_1374 = vector.broadcast %parallel_loop3A_1373 : i32 to vector<16xi32>
        %parallel_loop3A_1375 = arith.cmpi slt, %parallel_loop3A_1267, %parallel_loop3A_1374 : vector<16xi32>
        %parallel_loop3A_1376 = arith.andi %parallel_loop3A_1375, %parallel_loop3A_1368 : vector<16xi1>
        %parallel_loop3A_1377 = arith.select %parallel_loop3A_1376, %parallel_loop3A_1372, %parallel_loop3A_1267 : vector<16xi1>, vector<16xi32>
        %parallel_loop3A_1378 = arith.addi %parallel_loop3A_1266, %parallel_loop3A_1361 : vector<16xi32>
        scf.yield %parallel_loop3A_1378, %parallel_loop3A_1377 : vector<16xi32>, vector<16xi32>
      } {sc.loop_unroll_factor = 1 : i64, sc.parallel_access}
      %parallel_loop3A_233 = arith.constant 0 : i32
      %parallel_loop3A_234 = arith.constant 1 : i32
      %parallel_loop3A_235 = arith.constant 0 : i32
      %parallel_loop3A_236:2 = scf.for %parallel_loop3A_1265 = %parallel_loop3A_233 to %select_n3A_220 step %parallel_loop3A_234 iter_args(%parallel_loop3A_1266 = %parallel_loop3A_189#0, %parallel_loop3A_1267 = %broadcast_in_dim3A_6) -> (vector<16xi32>, vector<16xi32>)  : i32 {
        %parallel_loop3A_1268 = arith.constant 16 : i32
        %parallel_loop3A_1269 = arith.muli %parallel_loop3A_1265, %parallel_loop3A_1268 : i32
        %parallel_loop3A_1270 = vector.broadcast %parallel_loop3A_1269 : i32 to vector<16xi32>
        %parallel_loop3A_1271 = arith.addi %parallel_loop3A_1270, %iota3A : vector<16xi32>
        %parallel_loop3A_1272 = arith.cmpi slt, %parallel_loop3A_1271, %parallel_loop3A_189#1 : vector<16xi32>
        %parallel_loop3A_1273 = arith.constant 16 : i32
        %parallel_loop3A_1274 = arith.muli %parallel_loop3A_1265, %parallel_loop3A_1273 : i32
        %parallel_loop3A_1275 = arith.index_cast %parallel_loop3A_1274 : i32 to index
        %parallel_loop3A_1276 = tpu.vector_load %arg7[%parallel_loop3A_1275] {strides = array<i32>} : memref<32784xi32, #tpu.memory_space<vmem>>, vector<16xi32>,
        %parallel_loop3A_1277 = tpu.vector_load_idx %arg5[%parallel_loop3A_1276] masked %parallel_loop3A_1272 : memref<32768xf32, #tpu.memory_space<vmem>>[vector<16xi32>], vector<16xf32>, vector<16xi1>
        %parallel_loop3A_1278 = vector.bitcast %parallel_loop3A_1277 : vector<16xf32> to vector<16xi32>
        %parallel_loop3A_1279 = vector.broadcast %parallel_loop3A_235 : i32 to vector<16xi32>
        %parallel_loop3A_1280 = arith.shrui %parallel_loop3A_1278, %parallel_loop3A_1279 : vector<16xi32>
        %parallel_loop3A_1281 = arith.constant 255 : i32
        %parallel_loop3A_1282 = vector.broadcast %parallel_loop3A_1281 : i32 to vector<16xi32>
        %parallel_loop3A_1283 = arith.andi %parallel_loop3A_1280, %parallel_loop3A_1282 : vector<16xi32>
        %parallel_loop3A_1284 = vector.bitcast %parallel_loop3A_1283 : vector<16xi32> to vector<16xi32>
        %parallel_loop3A_1285 = arith.addi %mul3A_1, %parallel_loop3A_1284 : vector<16xi32>
        tpu.vector_store_idx %arg9[%parallel_loop3A_1285], %neg3A_4 masked %parallel_loop3A_1272 {add = true} : memref<4096xi32, #tpu.memory_space<vmem>>[vector<16xi32>], vector<16xi32>, vector<16xi1>
        %parallel_loop3A_1286 = arith.cmpi sgt, %parallel_loop3A_1284, %parallel_loop3A_232#1 : vector<16xi32>
        %parallel_loop3A_1287 = arith.andi %parallel_loop3A_1286, %parallel_loop3A_1272 : vector<16xi1>
        %parallel_loop3A_1288 = arith.cmpi eq, %parallel_loop3A_1284, %parallel_loop3A_232#1 : vector<16xi32>
        %parallel_loop3A_1289 = arith.andi %parallel_loop3A_1288, %parallel_loop3A_1272 : vector<16xi1>
        %parallel_loop3A_1290 = vector.extract_strided_slice %parallel_loop3A_1266 {offsets = [0], sizes = [1], strides = [1]} : vector<16xi32> to vector<1xi32>
        %parallel_loop3A_1291 = vector.extract %parallel_loop3A_1290[0] : i32 from vector<1xi32>
        %parallel_loop3A_1292 = arith.index_cast %parallel_loop3A_1291 : i32 to index
        %parallel_loop3A_1293 = tpu.vector_load %arg10[%parallel_loop3A_1292] masked %parallel_loop3A_1287 {strides = array<i32>} : memref<272xi32, #tpu.memory_space<vmem>>, vector<16xi32>, vector<16xi1>
        tpu.vector_store %arg10[%parallel_loop3A_1292], %parallel_loop3A_1276 masked %parallel_loop3A_1287 {strides = array<i32>} : memref<272xi32, #tpu.memory_space<vmem>>, vector<16xi32>, vector<16xi1>
        %parallel_loop3A_1294 = vector.extract_strided_slice %parallel_loop3A_1267 {offsets = [0], sizes = [1], strides = [1]} : vector<16xi32> to vector<1xi32>
        %parallel_loop3A_1295 = vector.extract %parallel_loop3A_1294[0] : i32 from vector<1xi32>
        %parallel_loop3A_1296 = arith.index_cast %parallel_loop3A_1295 : i32 to index
        %parallel_loop3A_1297 = tpu.vector_load %arg7[%parallel_loop3A_1296] masked %parallel_loop3A_1289 {strides = array<i32>} : memref<32784xi32, #tpu.memory_space<vmem>>, vector<16xi32>, vector<16xi1>
        tpu.vector_store %arg7[%parallel_loop3A_1296], %parallel_loop3A_1276 masked %parallel_loop3A_1289 {strides = array<i32>} : memref<32784xi32, #tpu.memory_space<vmem>>, vector<16xi32>, vector<16xi1>
        %parallel_loop3A_1298 = tpu.all_reduce %parallel_loop3A_1287 {dim = 0 : i64, kind = #tpu.reduction_kind<sum>} : vector<16xi1> -> vector<16xi32>
        %parallel_loop3A_1299 = arith.addi %parallel_loop3A_1266, %parallel_loop3A_1298 : vector<16xi32>
        %parallel_loop3A_1300 = tpu.all_reduce %parallel_loop3A_1289 {dim = 0 : i64, kind = #tpu.reduction_kind<sum>} : vector<16xi1> -> vector<16xi32>
        %parallel_loop3A_1301 = arith.addi %parallel_loop3A_1267, %parallel_loop3A_1300 : vector<16xi32>
        scf.yield %parallel_loop3A_1299, %parallel_loop3A_1301 : vector<16xi32>, vector<16xi32>
      } {sc.loop_unroll_factor = 1 : i64, sc.parallel_access}
      %slice3A_237 = vector.extract_strided_slice %parallel_loop3A_236#1 {offsets = [0], sizes = [1], strides = [1]} : vector<16xi32> to vector<1xi32>
      %squeeze3A_238 = vector.extract %slice3A_237[0] : i32 from vector<1xi32>
      %sub3A_239 = arith.subi %broadcast_in_dim3A_8, %parallel_loop3A_236#0 : vector<16xi32>
      %slice3A_240 = vector.extract_strided_slice %parallel_loop3A_236#0 {offsets = [0], sizes = [1], strides = [1]} : vector<16xi32> to vector<1xi32>
      %squeeze3A_241 = vector.extract %slice3A_240[0] : i32 from vector<1xi32>
      %slice3A_242 = vector.extract_strided_slice %sub3A_239 {offsets = [0], sizes = [1], strides = [1]} : vector<16xi32> to vector<1xi32>
      %squeeze3A_243 = vector.extract %slice3A_242[0] : i32 from vector<1xi32>
      %add3A_244 = arith.constant 16 : i32
      %add3A_245 = arith.addi %squeeze3A_243, %add3A_244 : i32
      %sub3A_246 = arith.constant 1 : i32
      %sub3A_247 = arith.subi %add3A_245, %sub3A_246 : i32
      %jit3A_248 = arith.constant 16 : i32
      %div3A_249 = arith.divsi %sub3A_247, %jit3A_248 : i32
      %sign3A_250 = arith.constant 0 : i32
      %sign3A_251 = arith.cmpi sgt, %sub3A_247, %sign3A_250 : i32
      %sign3A_252 = arith.extui %sign3A_251 : i1 to i32
      %sign3A_253 = arith.constant 0 : i32
      %sign3A_254 = arith.cmpi slt, %sub3A_247, %sign3A_253 : i32
      %sign3A_255 = arith.extui %sign3A_254 : i1 to i32
      %sign3A_256 = arith.subi %sign3A_252, %sign3A_255 : i32
      %sign3A_257 = arith.constant 0 : i32
      %sign3A_258 = arith.cmpi sgt, %jit3A_248, %sign3A_257 : i32
      %sign3A_259 = arith.extui %sign3A_258 : i1 to i32
      %sign3A_260 = arith.constant 0 : i32
      %sign3A_261 = arith.cmpi slt, %jit3A_248, %sign3A_260 : i32
      %sign3A_262 = arith.extui %sign3A_261 : i1 to i32
      %sign3A_263 = arith.subi %sign3A_259, %sign3A_262 : i32
      %ne3A_264 = arith.cmpi ne, %sign3A_256, %sign3A_263 : i32
      %rem3A_265 = arith.remsi %sub3A_247, %jit3A_248 : i32
      %ne3A_266 = arith.constant 0 : i32
      %ne3A_267 = arith.cmpi ne, %rem3A_265, %ne3A_266 : i32
      %and3A_268 = arith.andi %ne3A_264, %ne3A_267 : i1
      %sub3A_269 = arith.constant 1 : i32
      %sub3A_270 = arith.subi %div3A_249, %sub3A_269 : i32
      %select_n3A_271 = arith.select %and3A_268, %sub3A_270, %div3A_249 : i32
      %parallel_loop3A_272 = arith.constant 0 : i32
      %parallel_loop3A_273 = arith.constant 1 : i32
      scf.for %parallel_loop3A_1265 = %parallel_loop3A_272 to %select_n3A_271 step %parallel_loop3A_273  : i32 {
        %parallel_loop3A_1266 = arith.constant 16 : i32
        %parallel_loop3A_1267 = arith.muli %parallel_loop3A_1265, %parallel_loop3A_1266 : i32
        %parallel_loop3A_1268 = vector.broadcast %parallel_loop3A_1267 : i32 to vector<16xi32>
        %parallel_loop3A_1269 = arith.addi %parallel_loop3A_1268, %iota3A : vector<16xi32>
        %parallel_loop3A_1270 = arith.cmpi slt, %parallel_loop3A_1269, %sub3A_239 : vector<16xi32>
        %parallel_loop3A_1271 = arith.constant 16 : i32
        %parallel_loop3A_1272 = arith.muli %parallel_loop3A_1265, %parallel_loop3A_1271 : i32
        %parallel_loop3A_1273 = arith.index_cast %parallel_loop3A_1272 : i32 to index
        %parallel_loop3A_1274 = tpu.vector_load %arg7[%parallel_loop3A_1273] {strides = array<i32>} : memref<32784xi32, #tpu.memory_space<vmem>>, vector<16xi32>,
        %parallel_loop3A_1275 = arith.constant 16 : i32
        %parallel_loop3A_1276 = arith.muli %parallel_loop3A_1265, %parallel_loop3A_1275 : i32
        %parallel_loop3A_1277 = arith.addi %squeeze3A_241, %parallel_loop3A_1276 : i32
        %parallel_loop3A_1278 = arith.index_cast %parallel_loop3A_1277 : i32 to index
        %parallel_loop3A_1279 = tpu.vector_load %arg10[%parallel_loop3A_1278] masked %parallel_loop3A_1270 {strides = array<i32>} : memref<272xi32, #tpu.memory_space<vmem>>, vector<16xi32>, vector<16xi1>
        tpu.vector_store %arg10[%parallel_loop3A_1278], %parallel_loop3A_1274 masked %parallel_loop3A_1270 {strides = array<i32>} : memref<272xi32, #tpu.memory_space<vmem>>, vector<16xi32>, vector<16xi1>
      } {sc.loop_unroll_factor = 1 : i64, sc.parallel_access}
      %parallel_loop3A_274 = arith.constant 0 : i32
      %parallel_loop3A_275 = arith.constant 16 : i32
      %parallel_loop3A_276 = arith.constant 1 : i32
      scf.for %parallel_loop3A_1265 = %parallel_loop3A_274 to %parallel_loop3A_275 step %parallel_loop3A_276  : i32 {
        %parallel_loop3A_1266 = arith.constant 16 : i32
        %parallel_loop3A_1267 = arith.muli %parallel_loop3A_1265, %parallel_loop3A_1266 : i32
        %parallel_loop3A_1268 = arith.index_cast %parallel_loop3A_1267 : i32 to index
        %parallel_loop3A_1269 = tpu.vector_load %arg10[%parallel_loop3A_1268] {strides = array<i32>} : memref<272xi32, #tpu.memory_space<vmem>>, vector<16xi32>,
        tpu.vector_store_idx %arg6[%parallel_loop3A_1269], %broadcast_in_dim3A_2 : memref<32768xi32, #tpu.memory_space<vmem>>[vector<16xi32>], vector<16xi32>,
      } {sc.loop_unroll_factor = 1 : i64, sc.parallel_access}
      %dma_start3A_277 = arith.constant 0 : i32
      %dma_start3A_278 = tpu.memref_slice %arg3[%add3A_42, %dma_start3A_277] : memref<128x32768xi32, #tpu.memory_space<hbm>> -> memref<1x32768xi32, #tpu.memory_space<hbm>>
      %dma_start3A_279 = tpu.memref_squeeze %dma_start3A_278 : memref<1x32768xi32, #tpu.memory_space<hbm>> -> memref<32768xi32, #tpu.memory_space<hbm>>
      %dma_start3A_280 = arith.constant 0 : i32
      %dma_start3A_281 = tpu.memref_slice %arg3[%add3A_42, %dma_start3A_280] : memref<128x32768xi32, #tpu.memory_space<hbm>> -> memref<1x32768xi32, #tpu.memory_space<hbm>>
      %dma_start3A_282 = tpu.memref_squeeze %dma_start3A_281 : memref<1x32768xi32, #tpu.memory_space<hbm>> -> memref<32768xi32, #tpu.memory_space<hbm>>
      tpu.enqueue_dma source(%arg6 : memref<32768xi32, #tpu.memory_space<vmem>>) target(%dma_start3A_282 : memref<32768xi32, #tpu.memory_space<hbm>>) target_semaphore(%arg15 : memref<!tpu.dma_semaphore, #tpu.memory_space<semaphore_mem>>)
      %parallel_loop3A_283 = arith.constant 0 : i32
      %parallel_loop3A_284 = arith.constant 16 : i32
      %parallel_loop3A_285 = arith.constant 1 : i32
      scf.for %parallel_loop3A_1265 = %parallel_loop3A_283 to %parallel_loop3A_284 step %parallel_loop3A_285  : i32 {
        %parallel_loop3A_1266 = arith.constant 16 : i32
        %parallel_loop3A_1267 = arith.muli %parallel_loop3A_1265, %parallel_loop3A_1266 : i32
        %parallel_loop3A_1268 = arith.index_cast %parallel_loop3A_1267 : i32 to index
        %parallel_loop3A_1269 = tpu.vector_load %arg10[%parallel_loop3A_1268] {strides = array<i32>} : memref<272xi32, #tpu.memory_space<vmem>>, vector<16xi32>,
        %parallel_loop3A_1270 = tpu.vector_load_idx %arg5[%parallel_loop3A_1269] : memref<32768xf32, #tpu.memory_space<vmem>>[vector<16xi32>], vector<16xf32>,
        %parallel_loop3A_1271 = vector.bitcast %parallel_loop3A_1270 : vector<16xf32> to vector<16xi32>
        %parallel_loop3A_1272 = arith.constant 16 : i32
        %parallel_loop3A_1273 = arith.muli %parallel_loop3A_1265, %parallel_loop3A_1272 : i32
        %parallel_loop3A_1274 = arith.index_cast %parallel_loop3A_1273 : i32 to index
        %parallel_loop3A_1275 = tpu.vector_load %arg11[%parallel_loop3A_1274] {strides = array<i32>} : memref<272xi32, #tpu.memory_space<vmem>>, vector<16xi32>,
        tpu.vector_store %arg11[%parallel_loop3A_1274], %parallel_loop3A_1271 {strides = array<i32>} : memref<272xi32, #tpu.memory_space<vmem>>, vector<16xi32>,
      } {sc.loop_unroll_factor = 1 : i64, sc.parallel_access}
      %add3A_286 = arith.constant 1 : i32
      %add3A_287 = arith.addi %scan3A_41, %add3A_286 : i32
      %lt3A = arith.constant 4 : i32
      %lt3A_288 = arith.cmpi slt, %add3A_287, %lt3A : i32
      %convert_element_type3A_289 = arith.extui %lt3A_288 : i1 to i32
      %cond3A_290 = arith.constant 0 : i32
      %cond3A_291 = arith.cmpi ne, %convert_element_type3A_289, %cond3A_290 : i32
      scf.if %cond3A_291 {
        %add3A_1265 = arith.constant 1 : i32
        %add3A_1266 = arith.addi %add3A_42, %add3A_1265 : i32
        %dma_start3A_1267 = arith.constant 0 : i32
        %dma_start3A_1268 = tpu.memref_slice %arg2[%add3A_1266, %dma_start3A_1267] : memref<128x32768xf32, #tpu.memory_space<hbm>> -> memref<1x32768xf32, #tpu.memory_space<hbm>>
        %dma_start3A_1269 = tpu.memref_squeeze %dma_start3A_1268 : memref<1x32768xf32, #tpu.memory_space<hbm>> -> memref<32768xf32, #tpu.memory_space<hbm>>
        %dma_start3A_1270 = arith.constant 0 : i32
        %dma_start3A_1271 = tpu.memref_slice %arg2[%add3A_1266, %dma_start3A_1270] : memref<128x32768xf32, #tpu.memory_space<hbm>> -> memref<1x32768xf32, #tpu.memory_space<hbm>>
        %dma_start3A_1272 = tpu.memref_squeeze %dma_start3A_1271 : memref<1x32768xf32, #tpu.memory_space<hbm>> -> memref<32768xf32, #tpu.memory_space<hbm>>
        tpu.enqueue_dma source(%dma_start3A_1272 : memref<32768xf32, #tpu.memory_space<hbm>>) target(%arg5 : memref<32768xf32, #tpu.memory_space<vmem>>) target_semaphore(%arg14 : memref<!tpu.dma_semaphore, #tpu.memory_space<semaphore_mem>>)
      } else {
      }
      %get3A = arith.constant 0 : index
      %get3A_292 = tpu.vector_load %arg11[%get3A] {strides = array<i32>} : memref<272xi32, #tpu.memory_space<vmem>>, vector<16xi32>,
      %bitcast3A = vector.bitcast %get3A_292 : vector<16xi32> to vector<16xi32>
      %get3A_293 = arith.constant 16 : index
      %get3A_294 = tpu.vector_load %arg11[%get3A_293] {strides = array<i32>} : memref<272xi32, #tpu.memory_space<vmem>>, vector<16xi32>,
      %bitcast3A_295 = vector.bitcast %get3A_294 : vector<16xi32> to vector<16xi32>
      %get3A_296 = arith.constant 32 : index
      %get3A_297 = tpu.vector_load %arg11[%get3A_296] {strides = array<i32>} : memref<272xi32, #tpu.memory_space<vmem>>, vector<16xi32>,
      %bitcast3A_298 = vector.bitcast %get3A_297 : vector<16xi32> to vector<16xi32>
      %get3A_299 = arith.constant 48 : index
      %get3A_300 = tpu.vector_load %arg11[%get3A_299] {strides = array<i32>} : memref<272xi32, #tpu.memory_space<vmem>>, vector<16xi32>,
      %bitcast3A_301 = vector.bitcast %get3A_300 : vector<16xi32> to vector<16xi32>
      %get3A_302 = arith.constant 64 : index
      %get3A_303 = tpu.vector_load %arg11[%get3A_302] {strides = array<i32>} : memref<272xi32, #tpu.memory_space<vmem>>, vector<16xi32>,
      %bitcast3A_304 = vector.bitcast %get3A_303 : vector<16xi32> to vector<16xi32>
      %get3A_305 = arith.constant 80 : index
      %get3A_306 = tpu.vector_load %arg11[%get3A_305] {strides = array<i32>} : memref<272xi32, #tpu.memory_space<vmem>>, vector<16xi32>,
      %bitcast3A_307 = vector.bitcast %get3A_306 : vector<16xi32> to vector<16xi32>
      %get3A_308 = arith.constant 96 : index
      %get3A_309 = tpu.vector_load %arg11[%get3A_308] {strides = array<i32>} : memref<272xi32, #tpu.memory_space<vmem>>, vector<16xi32>,
      %bitcast3A_310 = vector.bitcast %get3A_309 : vector<16xi32> to vector<16xi32>
      %get3A_311 = arith.constant 112 : index
      %get3A_312 = tpu.vector_load %arg11[%get3A_311] {strides = array<i32>} : memref<272xi32, #tpu.memory_space<vmem>>, vector<16xi32>,
      %bitcast3A_313 = vector.bitcast %get3A_312 : vector<16xi32> to vector<16xi32>
      %get3A_314 = arith.constant 128 : index
      %get3A_315 = tpu.vector_load %arg11[%get3A_314] {strides = array<i32>} : memref<272xi32, #tpu.memory_space<vmem>>, vector<16xi32>,
      %bitcast3A_316 = vector.bitcast %get3A_315 : vector<16xi32> to vector<16xi32>
      %get3A_317 = arith.constant 144 : index
      %get3A_318 = tpu.vector_load %arg11[%get3A_317] {strides = array<i32>} : memref<272xi32, #tpu.memory_space<vmem>>, vector<16xi32>,
      %bitcast3A_319 = vector.bitcast %get3A_318 : vector<16xi32> to vector<16xi32>
      %get3A_320 = arith.constant 160 : index
      %get3A_321 = tpu.vector_load %arg11[%get3A_320] {strides = array<i32>} : memref<272xi32, #tpu.memory_space<vmem>>, vector<16xi32>,
      %bitcast3A_322 = vector.bitcast %get3A_321 : vector<16xi32> to vector<16xi32>
      %get3A_323 = arith.constant 176 : index
      %get3A_324 = tpu.vector_load %arg11[%get3A_323] {strides = array<i32>} : memref<272xi32, #tpu.memory_space<vmem>>, vector<16xi32>,
      %bitcast3A_325 = vector.bitcast %get3A_324 : vector<16xi32> to vector<16xi32>
      %get3A_326 = arith.constant 192 : index
      %get3A_327 = tpu.vector_load %arg11[%get3A_326] {strides = array<i32>} : memref<272xi32, #tpu.memory_space<vmem>>, vector<16xi32>,
      %bitcast3A_328 = vector.bitcast %get3A_327 : vector<16xi32> to vector<16xi32>
      %get3A_329 = arith.constant 208 : index
      %get3A_330 = tpu.vector_load %arg11[%get3A_329] {strides = array<i32>} : memref<272xi32, #tpu.memory_space<vmem>>, vector<16xi32>,
      %bitcast3A_331 = vector.bitcast %get3A_330 : vector<16xi32> to vector<16xi32>
      %get3A_332 = arith.constant 224 : index
      %get3A_333 = tpu.vector_load %arg11[%get3A_332] {strides = array<i32>} : memref<272xi32, #tpu.memory_space<vmem>>, vector<16xi32>,
      %bitcast3A_334 = vector.bitcast %get3A_333 : vector<16xi32> to vector<16xi32>
      %get3A_335 = arith.constant 240 : index
      %get3A_336 = tpu.vector_load %arg11[%get3A_335] {strides = array<i32>} : memref<272xi32, #tpu.memory_space<vmem>>, vector<16xi32>,
      %bitcast3A_337 = vector.bitcast %get3A_336 : vector<16xi32> to vector<16xi32>
      %add3A_338 = arith.constant 0 : i32
      %add3A_339 = vector.broadcast %add3A_338 : i32 to vector<16xi32>
      %add3A_340 = arith.addi %iota3A, %add3A_339 : vector<16xi32>
      %add3A_341 = arith.constant 16 : i32
      %add3A_342 = vector.broadcast %add3A_341 : i32 to vector<16xi32>
      %add3A_343 = arith.addi %iota3A, %add3A_342 : vector<16xi32>
      %add3A_344 = arith.constant 32 : i32
      %add3A_345 = vector.broadcast %add3A_344 : i32 to vector<16xi32>
      %add3A_346 = arith.addi %iota3A, %add3A_345 : vector<16xi32>
      %add3A_347 = arith.constant 48 : i32
      %add3A_348 = vector.broadcast %add3A_347 : i32 to vector<16xi32>
      %add3A_349 = arith.addi %iota3A, %add3A_348 : vector<16xi32>
      %add3A_350 = arith.constant 64 : i32
      %add3A_351 = vector.broadcast %add3A_350 : i32 to vector<16xi32>
      %add3A_352 = arith.addi %iota3A, %add3A_351 : vector<16xi32>
      %add3A_353 = arith.constant 80 : i32
      %add3A_354 = vector.broadcast %add3A_353 : i32 to vector<16xi32>
      %add3A_355 = arith.addi %iota3A, %add3A_354 : vector<16xi32>
      %add3A_356 = arith.constant 96 : i32
      %add3A_357 = vector.broadcast %add3A_356 : i32 to vector<16xi32>
      %add3A_358 = arith.addi %iota3A, %add3A_357 : vector<16xi32>
      %add3A_359 = arith.constant 112 : i32
      %add3A_360 = vector.broadcast %add3A_359 : i32 to vector<16xi32>
      %add3A_361 = arith.addi %iota3A, %add3A_360 : vector<16xi32>
      %add3A_362 = arith.constant 128 : i32
      %add3A_363 = vector.broadcast %add3A_362 : i32 to vector<16xi32>
      %add3A_364 = arith.addi %iota3A, %add3A_363 : vector<16xi32>
      %add3A_365 = arith.constant 144 : i32
      %add3A_366 = vector.broadcast %add3A_365 : i32 to vector<16xi32>
      %add3A_367 = arith.addi %iota3A, %add3A_366 : vector<16xi32>
      %add3A_368 = arith.constant 160 : i32
      %add3A_369 = vector.broadcast %add3A_368 : i32 to vector<16xi32>
      %add3A_370 = arith.addi %iota3A, %add3A_369 : vector<16xi32>
      %add3A_371 = arith.constant 176 : i32
      %add3A_372 = vector.broadcast %add3A_371 : i32 to vector<16xi32>
      %add3A_373 = arith.addi %iota3A, %add3A_372 : vector<16xi32>
      %add3A_374 = arith.constant 192 : i32
      %add3A_375 = vector.broadcast %add3A_374 : i32 to vector<16xi32>
      %add3A_376 = arith.addi %iota3A, %add3A_375 : vector<16xi32>
      %add3A_377 = arith.constant 208 : i32
      %add3A_378 = vector.broadcast %add3A_377 : i32 to vector<16xi32>
      %add3A_379 = arith.addi %iota3A, %add3A_378 : vector<16xi32>
      %add3A_380 = arith.constant 224 : i32
      %add3A_381 = vector.broadcast %add3A_380 : i32 to vector<16xi32>
      %add3A_382 = arith.addi %iota3A, %add3A_381 : vector<16xi32>
      %add3A_383 = arith.constant 240 : i32
      %add3A_384 = vector.broadcast %add3A_383 : i32 to vector<16xi32>
      %add3A_385 = arith.addi %iota3A, %add3A_384 : vector<16xi32>
      %masked_sort3A = arith.constant dense<true> : vector<16xi1>
      %masked_sort3A_386, %masked_sort3A_387, %masked_sort3A_388 = tpu.sort %bitcast3A, %add3A_340 masked %masked_sort3A : (vector<16xi32>, vector<16xi32>, vector<16xi1>) -> (vector<16xi1>, vector<16xi32>, vector<16xi32>)
      %masked_sort3A_389 = arith.constant dense<true> : vector<16xi1>
      %masked_sort3A_390, %masked_sort3A_391, %masked_sort3A_392 = tpu.sort %bitcast3A_295, %add3A_343 masked %masked_sort3A_389 {descending = true} : (vector<16xi32>, vector<16xi32>, vector<16xi1>) -> (vector<16xi1>, vector<16xi32>, vector<16xi32>)
      %masked_sort3A_393 = arith.constant dense<true> : vector<16xi1>
      %masked_sort3A_394, %masked_sort3A_395, %masked_sort3A_396 = tpu.sort %bitcast3A_298, %add3A_346 masked %masked_sort3A_393 : (vector<16xi32>, vector<16xi32>, vector<16xi1>) -> (vector<16xi1>, vector<16xi32>, vector<16xi32>)
      %masked_sort3A_397 = arith.constant dense<true> : vector<16xi1>
      %masked_sort3A_398, %masked_sort3A_399, %masked_sort3A_400 = tpu.sort %bitcast3A_301, %add3A_349 masked %masked_sort3A_397 {descending = true} : (vector<16xi32>, vector<16xi32>, vector<16xi1>) -> (vector<16xi1>, vector<16xi32>, vector<16xi32>)
      %masked_sort3A_401 = arith.constant dense<true> : vector<16xi1>
      %masked_sort3A_402, %masked_sort3A_403, %masked_sort3A_404 = tpu.sort %bitcast3A_304, %add3A_352 masked %masked_sort3A_401 : (vector<16xi32>, vector<16xi32>, vector<16xi1>) -> (vector<16xi1>, vector<16xi32>, vector<16xi32>)
      %masked_sort3A_405 = arith.constant dense<true> : vector<16xi1>
      %masked_sort3A_406, %masked_sort3A_407, %masked_sort3A_408 = tpu.sort %bitcast3A_307, %add3A_355 masked %masked_sort3A_405 {descending = true} : (vector<16xi32>, vector<16xi32>, vector<16xi1>) -> (vector<16xi1>, vector<16xi32>, vector<16xi32>)
      %masked_sort3A_409 = arith.constant dense<true> : vector<16xi1>
      %masked_sort3A_410, %masked_sort3A_411, %masked_sort3A_412 = tpu.sort %bitcast3A_310, %add3A_358 masked %masked_sort3A_409 : (vector<16xi32>, vector<16xi32>, vector<16xi1>) -> (vector<16xi1>, vector<16xi32>, vector<16xi32>)
      %masked_sort3A_413 = arith.constant dense<true> : vector<16xi1>
      %masked_sort3A_414, %masked_sort3A_415, %masked_sort3A_416 = tpu.sort %bitcast3A_313, %add3A_361 masked %masked_sort3A_413 {descending = true} : (vector<16xi32>, vector<16xi32>, vector<16xi1>) -> (vector<16xi1>, vector<16xi32>, vector<16xi32>)
      %masked_sort3A_417 = arith.constant dense<true> : vector<16xi1>
      %masked_sort3A_418, %masked_sort3A_419, %masked_sort3A_420 = tpu.sort %bitcast3A_316, %add3A_364 masked %masked_sort3A_417 : (vector<16xi32>, vector<16xi32>, vector<16xi1>) -> (vector<16xi1>, vector<16xi32>, vector<16xi32>)
      %masked_sort3A_421 = arith.constant dense<true> : vector<16xi1>
      %masked_sort3A_422, %masked_sort3A_423, %masked_sort3A_424 = tpu.sort %bitcast3A_319, %add3A_367 masked %masked_sort3A_421 {descending = true} : (vector<16xi32>, vector<16xi32>, vector<16xi1>) -> (vector<16xi1>, vector<16xi32>, vector<16xi32>)
      %masked_sort3A_425 = arith.constant dense<true> : vector<16xi1>
      %masked_sort3A_426, %masked_sort3A_427, %masked_sort3A_428 = tpu.sort %bitcast3A_322, %add3A_370 masked %masked_sort3A_425 : (vector<16xi32>, vector<16xi32>, vector<16xi1>) -> (vector<16xi1>, vector<16xi32>, vector<16xi32>)
      %masked_sort3A_429 = arith.constant dense<true> : vector<16xi1>
      %masked_sort3A_430, %masked_sort3A_431, %masked_sort3A_432 = tpu.sort %bitcast3A_325, %add3A_373 masked %masked_sort3A_429 {descending = true} : (vector<16xi32>, vector<16xi32>, vector<16xi1>) -> (vector<16xi1>, vector<16xi32>, vector<16xi32>)
      %masked_sort3A_433 = arith.constant dense<true> : vector<16xi1>
      %masked_sort3A_434, %masked_sort3A_435, %masked_sort3A_436 = tpu.sort %bitcast3A_328, %add3A_376 masked %masked_sort3A_433 : (vector<16xi32>, vector<16xi32>, vector<16xi1>) -> (vector<16xi1>, vector<16xi32>, vector<16xi32>)
      %masked_sort3A_437 = arith.constant dense<true> : vector<16xi1>
      %masked_sort3A_438, %masked_sort3A_439, %masked_sort3A_440 = tpu.sort %bitcast3A_331, %add3A_379 masked %masked_sort3A_437 {descending = true} : (vector<16xi32>, vector<16xi32>, vector<16xi1>) -> (vector<16xi1>, vector<16xi32>, vector<16xi32>)
      %masked_sort3A_441 = arith.constant dense<true> : vector<16xi1>
      %masked_sort3A_442, %masked_sort3A_443, %masked_sort3A_444 = tpu.sort %bitcast3A_334, %add3A_382 masked %masked_sort3A_441 : (vector<16xi32>, vector<16xi32>, vector<16xi1>) -> (vector<16xi1>, vector<16xi32>, vector<16xi32>)
      %masked_sort3A_445 = arith.constant dense<true> : vector<16xi1>
      %masked_sort3A_446, %masked_sort3A_447, %masked_sort3A_448 = tpu.sort %bitcast3A_337, %add3A_385 masked %masked_sort3A_445 {descending = true} : (vector<16xi32>, vector<16xi32>, vector<16xi1>) -> (vector<16xi1>, vector<16xi32>, vector<16xi32>)
      %le3A = arith.cmpi ule, %masked_sort3A_387, %masked_sort3A_391 : vector<16xi32>
      %select_n3A_449 = arith.select %le3A, %masked_sort3A_387, %masked_sort3A_391 : vector<16xi1>, vector<16xi32>
      %select_n3A_450 = arith.select %le3A, %masked_sort3A_391, %masked_sort3A_387 : vector<16xi1>, vector<16xi32>
      %select_n3A_451 = arith.select %le3A, %masked_sort3A_388, %masked_sort3A_392 : vector<16xi1>, vector<16xi32>
      %select_n3A_452 = arith.select %le3A, %masked_sort3A_392, %masked_sort3A_388 : vector<16xi1>, vector<16xi32>
      %le3A_453 = arith.cmpi ule, %masked_sort3A_399, %masked_sort3A_395 : vector<16xi32>
      %select_n3A_454 = arith.select %le3A_453, %masked_sort3A_395, %masked_sort3A_399 : vector<16xi1>, vector<16xi32>
      %select_n3A_455 = arith.select %le3A_453, %masked_sort3A_399, %masked_sort3A_395 : vector<16xi1>, vector<16xi32>
      %select_n3A_456 = arith.select %le3A_453, %masked_sort3A_396, %masked_sort3A_400 : vector<16xi1>, vector<16xi32>
      %select_n3A_457 = arith.select %le3A_453, %masked_sort3A_400, %masked_sort3A_396 : vector<16xi1>, vector<16xi32>
      %le3A_458 = arith.cmpi ule, %masked_sort3A_403, %masked_sort3A_407 : vector<16xi32>
      %select_n3A_459 = arith.select %le3A_458, %masked_sort3A_403, %masked_sort3A_407 : vector<16xi1>, vector<16xi32>
      %select_n3A_460 = arith.select %le3A_458, %masked_sort3A_407, %masked_sort3A_403 : vector<16xi1>, vector<16xi32>
      %select_n3A_461 = arith.select %le3A_458, %masked_sort3A_404, %masked_sort3A_408 : vector<16xi1>, vector<16xi32>
      %select_n3A_462 = arith.select %le3A_458, %masked_sort3A_408, %masked_sort3A_404 : vector<16xi1>, vector<16xi32>
      %le3A_463 = arith.cmpi ule, %masked_sort3A_415, %masked_sort3A_411 : vector<16xi32>
      %select_n3A_464 = arith.select %le3A_463, %masked_sort3A_411, %masked_sort3A_415 : vector<16xi1>, vector<16xi32>
      %select_n3A_465 = arith.select %le3A_463, %masked_sort3A_415, %masked_sort3A_411 : vector<16xi1>, vector<16xi32>
      %select_n3A_466 = arith.select %le3A_463, %masked_sort3A_412, %masked_sort3A_416 : vector<16xi1>, vector<16xi32>
      %select_n3A_467 = arith.select %le3A_463, %masked_sort3A_416, %masked_sort3A_412 : vector<16xi1>, vector<16xi32>
      %le3A_468 = arith.cmpi ule, %masked_sort3A_419, %masked_sort3A_423 : vector<16xi32>
      %select_n3A_469 = arith.select %le3A_468, %masked_sort3A_419, %masked_sort3A_423 : vector<16xi1>, vector<16xi32>
      %select_n3A_470 = arith.select %le3A_468, %masked_sort3A_423, %masked_sort3A_419 : vector<16xi1>, vector<16xi32>
      %select_n3A_471 = arith.select %le3A_468, %masked_sort3A_420, %masked_sort3A_424 : vector<16xi1>, vector<16xi32>
      %select_n3A_472 = arith.select %le3A_468, %masked_sort3A_424, %masked_sort3A_420 : vector<16xi1>, vector<16xi32>
      %le3A_473 = arith.cmpi ule, %masked_sort3A_431, %masked_sort3A_427 : vector<16xi32>
      %select_n3A_474 = arith.select %le3A_473, %masked_sort3A_427, %masked_sort3A_431 : vector<16xi1>, vector<16xi32>
      %select_n3A_475 = arith.select %le3A_473, %masked_sort3A_431, %masked_sort3A_427 : vector<16xi1>, vector<16xi32>
      %select_n3A_476 = arith.select %le3A_473, %masked_sort3A_428, %masked_sort3A_432 : vector<16xi1>, vector<16xi32>
      %select_n3A_477 = arith.select %le3A_473, %masked_sort3A_432, %masked_sort3A_428 : vector<16xi1>, vector<16xi32>
      %le3A_478 = arith.cmpi ule, %masked_sort3A_435, %masked_sort3A_439 : vector<16xi32>
      %select_n3A_479 = arith.select %le3A_478, %masked_sort3A_435, %masked_sort3A_439 : vector<16xi1>, vector<16xi32>
      %select_n3A_480 = arith.select %le3A_478, %masked_sort3A_439, %masked_sort3A_435 : vector<16xi1>, vector<16xi32>
      %select_n3A_481 = arith.select %le3A_478, %masked_sort3A_436, %masked_sort3A_440 : vector<16xi1>, vector<16xi32>
      %select_n3A_482 = arith.select %le3A_478, %masked_sort3A_440, %masked_sort3A_436 : vector<16xi1>, vector<16xi32>
      %le3A_483 = arith.cmpi ule, %masked_sort3A_447, %masked_sort3A_443 : vector<16xi32>
      %select_n3A_484 = arith.select %le3A_483, %masked_sort3A_443, %masked_sort3A_447 : vector<16xi1>, vector<16xi32>
      %select_n3A_485 = arith.select %le3A_483, %masked_sort3A_447, %masked_sort3A_443 : vector<16xi1>, vector<16xi32>
      %select_n3A_486 = arith.select %le3A_483, %masked_sort3A_444, %masked_sort3A_448 : vector<16xi1>, vector<16xi32>
      %select_n3A_487 = arith.select %le3A_483, %masked_sort3A_448, %masked_sort3A_444 : vector<16xi1>, vector<16xi32>
      %masked_sort3A_488 = arith.constant dense<true> : vector<16xi1>
      %masked_sort3A_489, %masked_sort3A_490, %masked_sort3A_491 = tpu.sort %select_n3A_449, %select_n3A_451 masked %masked_sort3A_488 : (vector<16xi32>, vector<16xi32>, vector<16xi1>) -> (vector<16xi1>, vector<16xi32>, vector<16xi32>)
      %masked_sort3A_492 = arith.constant dense<true> : vector<16xi1>
      %masked_sort3A_493, %masked_sort3A_494, %masked_sort3A_495 = tpu.sort %select_n3A_450, %select_n3A_452 masked %masked_sort3A_492 : (vector<16xi32>, vector<16xi32>, vector<16xi1>) -> (vector<16xi1>, vector<16xi32>, vector<16xi32>)
      %masked_sort3A_496 = arith.constant dense<true> : vector<16xi1>
      %masked_sort3A_497, %masked_sort3A_498, %masked_sort3A_499 = tpu.sort %select_n3A_454, %select_n3A_456 masked %masked_sort3A_496 {descending = true} : (vector<16xi32>, vector<16xi32>, vector<16xi1>) -> (vector<16xi1>, vector<16xi32>, vector<16xi32>)
      %masked_sort3A_500 = arith.constant dense<true> : vector<16xi1>
      %masked_sort3A_501, %masked_sort3A_502, %masked_sort3A_503 = tpu.sort %select_n3A_455, %select_n3A_457 masked %masked_sort3A_500 {descending = true} : (vector<16xi32>, vector<16xi32>, vector<16xi1>) -> (vector<16xi1>, vector<16xi32>, vector<16xi32>)
      %masked_sort3A_504 = arith.constant dense<true> : vector<16xi1>
      %masked_sort3A_505, %masked_sort3A_506, %masked_sort3A_507 = tpu.sort %select_n3A_459, %select_n3A_461 masked %masked_sort3A_504 : (vector<16xi32>, vector<16xi32>, vector<16xi1>) -> (vector<16xi1>, vector<16xi32>, vector<16xi32>)
      %masked_sort3A_508 = arith.constant dense<true> : vector<16xi1>
      %masked_sort3A_509, %masked_sort3A_510, %masked_sort3A_511 = tpu.sort %select_n3A_460, %select_n3A_462 masked %masked_sort3A_508 : (vector<16xi32>, vector<16xi32>, vector<16xi1>) -> (vector<16xi1>, vector<16xi32>, vector<16xi32>)
      %masked_sort3A_512 = arith.constant dense<true> : vector<16xi1>
      %masked_sort3A_513, %masked_sort3A_514, %masked_sort3A_515 = tpu.sort %select_n3A_464, %select_n3A_466 masked %masked_sort3A_512 {descending = true} : (vector<16xi32>, vector<16xi32>, vector<16xi1>) -> (vector<16xi1>, vector<16xi32>, vector<16xi32>)
      %masked_sort3A_516 = arith.constant dense<true> : vector<16xi1>
      %masked_sort3A_517, %masked_sort3A_518, %masked_sort3A_519 = tpu.sort %select_n3A_465, %select_n3A_467 masked %masked_sort3A_516 {descending = true} : (vector<16xi32>, vector<16xi32>, vector<16xi1>) -> (vector<16xi1>, vector<16xi32>, vector<16xi32>)
      %masked_sort3A_520 = arith.constant dense<true> : vector<16xi1>
      %masked_sort3A_521, %masked_sort3A_522, %masked_sort3A_523 = tpu.sort %select_n3A_469, %select_n3A_471 masked %masked_sort3A_520 : (vector<16xi32>, vector<16xi32>, vector<16xi1>) -> (vector<16xi1>, vector<16xi32>, vector<16xi32>)
      %masked_sort3A_524 = arith.constant dense<true> : vector<16xi1>
      %masked_sort3A_525, %masked_sort3A_526, %masked_sort3A_527 = tpu.sort %select_n3A_470, %select_n3A_472 masked %masked_sort3A_524 : (vector<16xi32>, vector<16xi32>, vector<16xi1>) -> (vector<16xi1>, vector<16xi32>, vector<16xi32>)
      %masked_sort3A_528 = arith.constant dense<true> : vector<16xi1>
      %masked_sort3A_529, %masked_sort3A_530, %masked_sort3A_531 = tpu.sort %select_n3A_474, %select_n3A_476 masked %masked_sort3A_528 {descending = true} : (vector<16xi32>, vector<16xi32>, vector<16xi1>) -> (vector<16xi1>, vector<16xi32>, vector<16xi32>)
      %masked_sort3A_532 = arith.constant dense<true> : vector<16xi1>
      %masked_sort3A_533, %masked_sort3A_534, %masked_sort3A_535 = tpu.sort %select_n3A_475, %select_n3A_477 masked %masked_sort3A_532 {descending = true} : (vector<16xi32>, vector<16xi32>, vector<16xi1>) -> (vector<16xi1>, vector<16xi32>, vector<16xi32>)
      %masked_sort3A_536 = arith.constant dense<true> : vector<16xi1>
      %masked_sort3A_537, %masked_sort3A_538, %masked_sort3A_539 = tpu.sort %select_n3A_479, %select_n3A_481 masked %masked_sort3A_536 : (vector<16xi32>, vector<16xi32>, vector<16xi1>) -> (vector<16xi1>, vector<16xi32>, vector<16xi32>)
      %masked_sort3A_540 = arith.constant dense<true> : vector<16xi1>
      %masked_sort3A_541, %masked_sort3A_542, %masked_sort3A_543 = tpu.sort %select_n3A_480, %select_n3A_482 masked %masked_sort3A_540 : (vector<16xi32>, vector<16xi32>, vector<16xi1>) -> (vector<16xi1>, vector<16xi32>, vector<16xi32>)
      %masked_sort3A_544 = arith.constant dense<true> : vector<16xi1>
      %masked_sort3A_545, %masked_sort3A_546, %masked_sort3A_547 = tpu.sort %select_n3A_484, %select_n3A_486 masked %masked_sort3A_544 {descending = true} : (vector<16xi32>, vector<16xi32>, vector<16xi1>) -> (vector<16xi1>, vector<16xi32>, vector<16xi32>)
      %masked_sort3A_548 = arith.constant dense<true> : vector<16xi1>
      %masked_sort3A_549, %masked_sort3A_550, %masked_sort3A_551 = tpu.sort %select_n3A_485, %select_n3A_487 masked %masked_sort3A_548 {descending = true} : (vector<16xi32>, vector<16xi32>, vector<16xi1>) -> (vector<16xi1>, vector<16xi32>, vector<16xi32>)
      %le3A_552 = arith.cmpi ule, %masked_sort3A_490, %masked_sort3A_498 : vector<16xi32>
      %select_n3A_553 = arith.select %le3A_552, %masked_sort3A_490, %masked_sort3A_498 : vector<16xi1>, vector<16xi32>
      %select_n3A_554 = arith.select %le3A_552, %masked_sort3A_498, %masked_sort3A_490 : vector<16xi1>, vector<16xi32>
      %select_n3A_555 = arith.select %le3A_552, %masked_sort3A_491, %masked_sort3A_499 : vector<16xi1>, vector<16xi32>
      %select_n3A_556 = arith.select %le3A_552, %masked_sort3A_499, %masked_sort3A_491 : vector<16xi1>, vector<16xi32>
      %le3A_557 = arith.cmpi ule, %masked_sort3A_494, %masked_sort3A_502 : vector<16xi32>
      %select_n3A_558 = arith.select %le3A_557, %masked_sort3A_494, %masked_sort3A_502 : vector<16xi1>, vector<16xi32>
      %select_n3A_559 = arith.select %le3A_557, %masked_sort3A_502, %masked_sort3A_494 : vector<16xi1>, vector<16xi32>
      %select_n3A_560 = arith.select %le3A_557, %masked_sort3A_495, %masked_sort3A_503 : vector<16xi1>, vector<16xi32>
      %select_n3A_561 = arith.select %le3A_557, %masked_sort3A_503, %masked_sort3A_495 : vector<16xi1>, vector<16xi32>
      %le3A_562 = arith.cmpi ule, %masked_sort3A_514, %masked_sort3A_506 : vector<16xi32>
      %select_n3A_563 = arith.select %le3A_562, %masked_sort3A_506, %masked_sort3A_514 : vector<16xi1>, vector<16xi32>
      %select_n3A_564 = arith.select %le3A_562, %masked_sort3A_514, %masked_sort3A_506 : vector<16xi1>, vector<16xi32>
      %select_n3A_565 = arith.select %le3A_562, %masked_sort3A_507, %masked_sort3A_515 : vector<16xi1>, vector<16xi32>
      %select_n3A_566 = arith.select %le3A_562, %masked_sort3A_515, %masked_sort3A_507 : vector<16xi1>, vector<16xi32>
      %le3A_567 = arith.cmpi ule, %masked_sort3A_518, %masked_sort3A_510 : vector<16xi32>
      %select_n3A_568 = arith.select %le3A_567, %masked_sort3A_510, %masked_sort3A_518 : vector<16xi1>, vector<16xi32>
      %select_n3A_569 = arith.select %le3A_567, %masked_sort3A_518, %masked_sort3A_510 : vector<16xi1>, vector<16xi32>
      %select_n3A_570 = arith.select %le3A_567, %masked_sort3A_511, %masked_sort3A_519 : vector<16xi1>, vector<16xi32>
      %select_n3A_571 = arith.select %le3A_567, %masked_sort3A_519, %masked_sort3A_511 : vector<16xi1>, vector<16xi32>
      %le3A_572 = arith.cmpi ule, %masked_sort3A_522, %masked_sort3A_530 : vector<16xi32>
      %select_n3A_573 = arith.select %le3A_572, %masked_sort3A_522, %masked_sort3A_530 : vector<16xi1>, vector<16xi32>
      %select_n3A_574 = arith.select %le3A_572, %masked_sort3A_530, %masked_sort3A_522 : vector<16xi1>, vector<16xi32>
      %select_n3A_575 = arith.select %le3A_572, %masked_sort3A_523, %masked_sort3A_531 : vector<16xi1>, vector<16xi32>
      %select_n3A_576 = arith.select %le3A_572, %masked_sort3A_531, %masked_sort3A_523 : vector<16xi1>, vector<16xi32>
      %le3A_577 = arith.cmpi ule, %masked_sort3A_526, %masked_sort3A_534 : vector<16xi32>
      %select_n3A_578 = arith.select %le3A_577, %masked_sort3A_526, %masked_sort3A_534 : vector<16xi1>, vector<16xi32>
      %select_n3A_579 = arith.select %le3A_577, %masked_sort3A_534, %masked_sort3A_526 : vector<16xi1>, vector<16xi32>
      %select_n3A_580 = arith.select %le3A_577, %masked_sort3A_527, %masked_sort3A_535 : vector<16xi1>, vector<16xi32>
      %select_n3A_581 = arith.select %le3A_577, %masked_sort3A_535, %masked_sort3A_527 : vector<16xi1>, vector<16xi32>
      %le3A_582 = arith.cmpi ule, %masked_sort3A_546, %masked_sort3A_538 : vector<16xi32>
      %select_n3A_583 = arith.select %le3A_582, %masked_sort3A_538, %masked_sort3A_546 : vector<16xi1>, vector<16xi32>
      %select_n3A_584 = arith.select %le3A_582, %masked_sort3A_546, %masked_sort3A_538 : vector<16xi1>, vector<16xi32>
      %select_n3A_585 = arith.select %le3A_582, %masked_sort3A_539, %masked_sort3A_547 : vector<16xi1>, vector<16xi32>
      %select_n3A_586 = arith.select %le3A_582, %masked_sort3A_547, %masked_sort3A_539 : vector<16xi1>, vector<16xi32>
      %le3A_587 = arith.cmpi ule, %masked_sort3A_550, %masked_sort3A_542 : vector<16xi32>
      %select_n3A_588 = arith.select %le3A_587, %masked_sort3A_542, %masked_sort3A_550 : vector<16xi1>, vector<16xi32>
      %select_n3A_589 = arith.select %le3A_587, %masked_sort3A_550, %masked_sort3A_542 : vector<16xi1>, vector<16xi32>
      %select_n3A_590 = arith.select %le3A_587, %masked_sort3A_543, %masked_sort3A_551 : vector<16xi1>, vector<16xi32>
      %select_n3A_591 = arith.select %le3A_587, %masked_sort3A_551, %masked_sort3A_543 : vector<16xi1>, vector<16xi32>
      %le3A_592 = arith.cmpi ule, %select_n3A_553, %select_n3A_558 : vector<16xi32>
      %select_n3A_593 = arith.select %le3A_592, %select_n3A_553, %select_n3A_558 : vector<16xi1>, vector<16xi32>
      %select_n3A_594 = arith.select %le3A_592, %select_n3A_558, %select_n3A_553 : vector<16xi1>, vector<16xi32>
      %select_n3A_595 = arith.select %le3A_592, %select_n3A_555, %select_n3A_560 : vector<16xi1>, vector<16xi32>
      %select_n3A_596 = arith.select %le3A_592, %select_n3A_560, %select_n3A_555 : vector<16xi1>, vector<16xi32>
      %le3A_597 = arith.cmpi ule, %select_n3A_554, %select_n3A_559 : vector<16xi32>
      %select_n3A_598 = arith.select %le3A_597, %select_n3A_554, %select_n3A_559 : vector<16xi1>, vector<16xi32>
      %select_n3A_599 = arith.select %le3A_597, %select_n3A_559, %select_n3A_554 : vector<16xi1>, vector<16xi32>
      %select_n3A_600 = arith.select %le3A_597, %select_n3A_556, %select_n3A_561 : vector<16xi1>, vector<16xi32>
      %select_n3A_601 = arith.select %le3A_597, %select_n3A_561, %select_n3A_556 : vector<16xi1>, vector<16xi32>
      %le3A_602 = arith.cmpi ule, %select_n3A_568, %select_n3A_563 : vector<16xi32>
      %select_n3A_603 = arith.select %le3A_602, %select_n3A_563, %select_n3A_568 : vector<16xi1>, vector<16xi32>
      %select_n3A_604 = arith.select %le3A_602, %select_n3A_568, %select_n3A_563 : vector<16xi1>, vector<16xi32>
      %select_n3A_605 = arith.select %le3A_602, %select_n3A_565, %select_n3A_570 : vector<16xi1>, vector<16xi32>
      %select_n3A_606 = arith.select %le3A_602, %select_n3A_570, %select_n3A_565 : vector<16xi1>, vector<16xi32>
      %le3A_607 = arith.cmpi ule, %select_n3A_569, %select_n3A_564 : vector<16xi32>
      %select_n3A_608 = arith.select %le3A_607, %select_n3A_564, %select_n3A_569 : vector<16xi1>, vector<16xi32>
      %select_n3A_609 = arith.select %le3A_607, %select_n3A_569, %select_n3A_564 : vector<16xi1>, vector<16xi32>
      %select_n3A_610 = arith.select %le3A_607, %select_n3A_566, %select_n3A_571 : vector<16xi1>, vector<16xi32>
      %select_n3A_611 = arith.select %le3A_607, %select_n3A_571, %select_n3A_566 : vector<16xi1>, vector<16xi32>
      %le3A_612 = arith.cmpi ule, %select_n3A_573, %select_n3A_578 : vector<16xi32>
      %select_n3A_613 = arith.select %le3A_612, %select_n3A_573, %select_n3A_578 : vector<16xi1>, vector<16xi32>
      %select_n3A_614 = arith.select %le3A_612, %select_n3A_578, %select_n3A_573 : vector<16xi1>, vector<16xi32>
      %select_n3A_615 = arith.select %le3A_612, %select_n3A_575, %select_n3A_580 : vector<16xi1>, vector<16xi32>
      %select_n3A_616 = arith.select %le3A_612, %select_n3A_580, %select_n3A_575 : vector<16xi1>, vector<16xi32>
      %le3A_617 = arith.cmpi ule, %select_n3A_574, %select_n3A_579 : vector<16xi32>
      %select_n3A_618 = arith.select %le3A_617, %select_n3A_574, %select_n3A_579 : vector<16xi1>, vector<16xi32>
      %select_n3A_619 = arith.select %le3A_617, %select_n3A_579, %select_n3A_574 : vector<16xi1>, vector<16xi32>
      %select_n3A_620 = arith.select %le3A_617, %select_n3A_576, %select_n3A_581 : vector<16xi1>, vector<16xi32>
      %select_n3A_621 = arith.select %le3A_617, %select_n3A_581, %select_n3A_576 : vector<16xi1>, vector<16xi32>
      %le3A_622 = arith.cmpi ule, %select_n3A_588, %select_n3A_583 : vector<16xi32>
      %select_n3A_623 = arith.select %le3A_622, %select_n3A_583, %select_n3A_588 : vector<16xi1>, vector<16xi32>
      %select_n3A_624 = arith.select %le3A_622, %select_n3A_588, %select_n3A_583 : vector<16xi1>, vector<16xi32>
      %select_n3A_625 = arith.select %le3A_622, %select_n3A_585, %select_n3A_590 : vector<16xi1>, vector<16xi32>
      %select_n3A_626 = arith.select %le3A_622, %select_n3A_590, %select_n3A_585 : vector<16xi1>, vector<16xi32>
      %le3A_627 = arith.cmpi ule, %select_n3A_589, %select_n3A_584 : vector<16xi32>
      %select_n3A_628 = arith.select %le3A_627, %select_n3A_584, %select_n3A_589 : vector<16xi1>, vector<16xi32>
      %select_n3A_629 = arith.select %le3A_627, %select_n3A_589, %select_n3A_584 : vector<16xi1>, vector<16xi32>
      %select_n3A_630 = arith.select %le3A_627, %select_n3A_586, %select_n3A_591 : vector<16xi1>, vector<16xi32>
      %select_n3A_631 = arith.select %le3A_627, %select_n3A_591, %select_n3A_586 : vector<16xi1>, vector<16xi32>
      %masked_sort3A_632 = arith.constant dense<true> : vector<16xi1>
      %masked_sort3A_633, %masked_sort3A_634, %masked_sort3A_635 = tpu.sort %select_n3A_593, %select_n3A_595 masked %masked_sort3A_632 : (vector<16xi32>, vector<16xi32>, vector<16xi1>) -> (vector<16xi1>, vector<16xi32>, vector<16xi32>)
      %masked_sort3A_636 = arith.constant dense<true> : vector<16xi1>
      %masked_sort3A_637, %masked_sort3A_638, %masked_sort3A_639 = tpu.sort %select_n3A_594, %select_n3A_596 masked %masked_sort3A_636 : (vector<16xi32>, vector<16xi32>, vector<16xi1>) -> (vector<16xi1>, vector<16xi32>, vector<16xi32>)
      %masked_sort3A_640 = arith.constant dense<true> : vector<16xi1>
      %masked_sort3A_641, %masked_sort3A_642, %masked_sort3A_643 = tpu.sort %select_n3A_598, %select_n3A_600 masked %masked_sort3A_640 : (vector<16xi32>, vector<16xi32>, vector<16xi1>) -> (vector<16xi1>, vector<16xi32>, vector<16xi32>)
      %masked_sort3A_644 = arith.constant dense<true> : vector<16xi1>
      %masked_sort3A_645, %masked_sort3A_646, %masked_sort3A_647 = tpu.sort %select_n3A_599, %select_n3A_601 masked %masked_sort3A_644 : (vector<16xi32>, vector<16xi32>, vector<16xi1>) -> (vector<16xi1>, vector<16xi32>, vector<16xi32>)
      %masked_sort3A_648 = arith.constant dense<true> : vector<16xi1>
      %masked_sort3A_649, %masked_sort3A_650, %masked_sort3A_651 = tpu.sort %select_n3A_603, %select_n3A_605 masked %masked_sort3A_648 {descending = true} : (vector<16xi32>, vector<16xi32>, vector<16xi1>) -> (vector<16xi1>, vector<16xi32>, vector<16xi32>)
      %masked_sort3A_652 = arith.constant dense<true> : vector<16xi1>
      %masked_sort3A_653, %masked_sort3A_654, %masked_sort3A_655 = tpu.sort %select_n3A_604, %select_n3A_606 masked %masked_sort3A_652 {descending = true} : (vector<16xi32>, vector<16xi32>, vector<16xi1>) -> (vector<16xi1>, vector<16xi32>, vector<16xi32>)
      %masked_sort3A_656 = arith.constant dense<true> : vector<16xi1>
      %masked_sort3A_657, %masked_sort3A_658, %masked_sort3A_659 = tpu.sort %select_n3A_608, %select_n3A_610 masked %masked_sort3A_656 {descending = true} : (vector<16xi32>, vector<16xi32>, vector<16xi1>) -> (vector<16xi1>, vector<16xi32>, vector<16xi32>)
      %masked_sort3A_660 = arith.constant dense<true> : vector<16xi1>
      %masked_sort3A_661, %masked_sort3A_662, %masked_sort3A_663 = tpu.sort %select_n3A_609, %select_n3A_611 masked %masked_sort3A_660 {descending = true} : (vector<16xi32>, vector<16xi32>, vector<16xi1>) -> (vector<16xi1>, vector<16xi32>, vector<16xi32>)
      %masked_sort3A_664 = arith.constant dense<true> : vector<16xi1>
      %masked_sort3A_665, %masked_sort3A_666, %masked_sort3A_667 = tpu.sort %select_n3A_613, %select_n3A_615 masked %masked_sort3A_664 : (vector<16xi32>, vector<16xi32>, vector<16xi1>) -> (vector<16xi1>, vector<16xi32>, vector<16xi32>)
      %masked_sort3A_668 = arith.constant dense<true> : vector<16xi1>
      %masked_sort3A_669, %masked_sort3A_670, %masked_sort3A_671 = tpu.sort %select_n3A_614, %select_n3A_616 masked %masked_sort3A_668 : (vector<16xi32>, vector<16xi32>, vector<16xi1>) -> (vector<16xi1>, vector<16xi32>, vector<16xi32>)
      %masked_sort3A_672 = arith.constant dense<true> : vector<16xi1>
      %masked_sort3A_673, %masked_sort3A_674, %masked_sort3A_675 = tpu.sort %select_n3A_618, %select_n3A_620 masked %masked_sort3A_672 : (vector<16xi32>, vector<16xi32>, vector<16xi1>) -> (vector<16xi1>, vector<16xi32>, vector<16xi32>)
      %masked_sort3A_676 = arith.constant dense<true> : vector<16xi1>
      %masked_sort3A_677, %masked_sort3A_678, %masked_sort3A_679 = tpu.sort %select_n3A_619, %select_n3A_621 masked %masked_sort3A_676 : (vector<16xi32>, vector<16xi32>, vector<16xi1>) -> (vector<16xi1>, vector<16xi32>, vector<16xi32>)
      %masked_sort3A_680 = arith.constant dense<true> : vector<16xi1>
      %masked_sort3A_681, %masked_sort3A_682, %masked_sort3A_683 = tpu.sort %select_n3A_623, %select_n3A_625 masked %masked_sort3A_680 {descending = true} : (vector<16xi32>, vector<16xi32>, vector<16xi1>) -> (vector<16xi1>, vector<16xi32>, vector<16xi32>)
      %masked_sort3A_684 = arith.constant dense<true> : vector<16xi1>
      %masked_sort3A_685, %masked_sort3A_686, %masked_sort3A_687 = tpu.sort %select_n3A_624, %select_n3A_626 masked %masked_sort3A_684 {descending = true} : (vector<16xi32>, vector<16xi32>, vector<16xi1>) -> (vector<16xi1>, vector<16xi32>, vector<16xi32>)
      %masked_sort3A_688 = arith.constant dense<true> : vector<16xi1>
      %masked_sort3A_689, %masked_sort3A_690, %masked_sort3A_691 = tpu.sort %select_n3A_628, %select_n3A_630 masked %masked_sort3A_688 {descending = true} : (vector<16xi32>, vector<16xi32>, vector<16xi1>) -> (vector<16xi1>, vector<16xi32>, vector<16xi32>)
      %masked_sort3A_692 = arith.constant dense<true> : vector<16xi1>
      %masked_sort3A_693, %masked_sort3A_694, %masked_sort3A_695 = tpu.sort %select_n3A_629, %select_n3A_631 masked %masked_sort3A_692 {descending = true} : (vector<16xi32>, vector<16xi32>, vector<16xi1>) -> (vector<16xi1>, vector<16xi32>, vector<16xi32>)
      %le3A_696 = arith.cmpi ule, %masked_sort3A_634, %masked_sort3A_650 : vector<16xi32>
      %select_n3A_697 = arith.select %le3A_696, %masked_sort3A_634, %masked_sort3A_650 : vector<16xi1>, vector<16xi32>
      %select_n3A_698 = arith.select %le3A_696, %masked_sort3A_650, %masked_sort3A_634 : vector<16xi1>, vector<16xi32>
      %select_n3A_699 = arith.select %le3A_696, %masked_sort3A_635, %masked_sort3A_651 : vector<16xi1>, vector<16xi32>
      %select_n3A_700 = arith.select %le3A_696, %masked_sort3A_651, %masked_sort3A_635 : vector<16xi1>, vector<16xi32>
      %le3A_701 = arith.cmpi ule, %masked_sort3A_638, %masked_sort3A_654 : vector<16xi32>
      %select_n3A_702 = arith.select %le3A_701, %masked_sort3A_638, %masked_sort3A_654 : vector<16xi1>, vector<16xi32>
      %select_n3A_703 = arith.select %le3A_701, %masked_sort3A_654, %masked_sort3A_638 : vector<16xi1>, vector<16xi32>
      %select_n3A_704 = arith.select %le3A_701, %masked_sort3A_639, %masked_sort3A_655 : vector<16xi1>, vector<16xi32>
      %select_n3A_705 = arith.select %le3A_701, %masked_sort3A_655, %masked_sort3A_639 : vector<16xi1>, vector<16xi32>
      %le3A_706 = arith.cmpi ule, %masked_sort3A_642, %masked_sort3A_658 : vector<16xi32>
      %select_n3A_707 = arith.select %le3A_706, %masked_sort3A_642, %masked_sort3A_658 : vector<16xi1>, vector<16xi32>
      %select_n3A_708 = arith.select %le3A_706, %masked_sort3A_658, %masked_sort3A_642 : vector<16xi1>, vector<16xi32>
      %select_n3A_709 = arith.select %le3A_706, %masked_sort3A_643, %masked_sort3A_659 : vector<16xi1>, vector<16xi32>
      %select_n3A_710 = arith.select %le3A_706, %masked_sort3A_659, %masked_sort3A_643 : vector<16xi1>, vector<16xi32>
      %le3A_711 = arith.cmpi ule, %masked_sort3A_646, %masked_sort3A_662 : vector<16xi32>
      %select_n3A_712 = arith.select %le3A_711, %masked_sort3A_646, %masked_sort3A_662 : vector<16xi1>, vector<16xi32>
      %select_n3A_713 = arith.select %le3A_711, %masked_sort3A_662, %masked_sort3A_646 : vector<16xi1>, vector<16xi32>
      %select_n3A_714 = arith.select %le3A_711, %masked_sort3A_647, %masked_sort3A_663 : vector<16xi1>, vector<16xi32>
      %select_n3A_715 = arith.select %le3A_711, %masked_sort3A_663, %masked_sort3A_647 : vector<16xi1>, vector<16xi32>
      %le3A_716 = arith.cmpi ule, %masked_sort3A_682, %masked_sort3A_666 : vector<16xi32>
      %select_n3A_717 = arith.select %le3A_716, %masked_sort3A_666, %masked_sort3A_682 : vector<16xi1>, vector<16xi32>
      %select_n3A_718 = arith.select %le3A_716, %masked_sort3A_682, %masked_sort3A_666 : vector<16xi1>, vector<16xi32>
      %select_n3A_719 = arith.select %le3A_716, %masked_sort3A_667, %masked_sort3A_683 : vector<16xi1>, vector<16xi32>
      %select_n3A_720 = arith.select %le3A_716, %masked_sort3A_683, %masked_sort3A_667 : vector<16xi1>, vector<16xi32>
      %le3A_721 = arith.cmpi ule, %masked_sort3A_686, %masked_sort3A_670 : vector<16xi32>
      %select_n3A_722 = arith.select %le3A_721, %masked_sort3A_670, %masked_sort3A_686 : vector<16xi1>, vector<16xi32>
      %select_n3A_723 = arith.select %le3A_721, %masked_sort3A_686, %masked_sort3A_670 : vector<16xi1>, vector<16xi32>
      %select_n3A_724 = arith.select %le3A_721, %masked_sort3A_671, %masked_sort3A_687 : vector<16xi1>, vector<16xi32>
      %select_n3A_725 = arith.select %le3A_721, %masked_sort3A_687, %masked_sort3A_671 : vector<16xi1>, vector<16xi32>
      %le3A_726 = arith.cmpi ule, %masked_sort3A_690, %masked_sort3A_674 : vector<16xi32>
      %select_n3A_727 = arith.select %le3A_726, %masked_sort3A_674, %masked_sort3A_690 : vector<16xi1>, vector<16xi32>
      %select_n3A_728 = arith.select %le3A_726, %masked_sort3A_690, %masked_sort3A_674 : vector<16xi1>, vector<16xi32>
      %select_n3A_729 = arith.select %le3A_726, %masked_sort3A_675, %masked_sort3A_691 : vector<16xi1>, vector<16xi32>
      %select_n3A_730 = arith.select %le3A_726, %masked_sort3A_691, %masked_sort3A_675 : vector<16xi1>, vector<16xi32>
      %le3A_731 = arith.cmpi ule, %masked_sort3A_694, %masked_sort3A_678 : vector<16xi32>
      %select_n3A_732 = arith.select %le3A_731, %masked_sort3A_678, %masked_sort3A_694 : vector<16xi1>, vector<16xi32>
      %select_n3A_733 = arith.select %le3A_731, %masked_sort3A_694, %masked_sort3A_678 : vector<16xi1>, vector<16xi32>
      %select_n3A_734 = arith.select %le3A_731, %masked_sort3A_679, %masked_sort3A_695 : vector<16xi1>, vector<16xi32>
      %select_n3A_735 = arith.select %le3A_731, %masked_sort3A_695, %masked_sort3A_679 : vector<16xi1>, vector<16xi32>
      %le3A_736 = arith.cmpi ule, %select_n3A_697, %select_n3A_707 : vector<16xi32>
      %select_n3A_737 = arith.select %le3A_736, %select_n3A_697, %select_n3A_707 : vector<16xi1>, vector<16xi32>
      %select_n3A_738 = arith.select %le3A_736, %select_n3A_707, %select_n3A_697 : vector<16xi1>, vector<16xi32>
      %select_n3A_739 = arith.select %le3A_736, %select_n3A_699, %select_n3A_709 : vector<16xi1>, vector<16xi32>
      %select_n3A_740 = arith.select %le3A_736, %select_n3A_709, %select_n3A_699 : vector<16xi1>, vector<16xi32>
      %le3A_741 = arith.cmpi ule, %select_n3A_702, %select_n3A_712 : vector<16xi32>
      %select_n3A_742 = arith.select %le3A_741, %select_n3A_702, %select_n3A_712 : vector<16xi1>, vector<16xi32>
      %select_n3A_743 = arith.select %le3A_741, %select_n3A_712, %select_n3A_702 : vector<16xi1>, vector<16xi32>
      %select_n3A_744 = arith.select %le3A_741, %select_n3A_704, %select_n3A_714 : vector<16xi1>, vector<16xi32>
      %select_n3A_745 = arith.select %le3A_741, %select_n3A_714, %select_n3A_704 : vector<16xi1>, vector<16xi32>
      %le3A_746 = arith.cmpi ule, %select_n3A_698, %select_n3A_708 : vector<16xi32>
      %select_n3A_747 = arith.select %le3A_746, %select_n3A_698, %select_n3A_708 : vector<16xi1>, vector<16xi32>
      %select_n3A_748 = arith.select %le3A_746, %select_n3A_708, %select_n3A_698 : vector<16xi1>, vector<16xi32>
      %select_n3A_749 = arith.select %le3A_746, %select_n3A_700, %select_n3A_710 : vector<16xi1>, vector<16xi32>
      %select_n3A_750 = arith.select %le3A_746, %select_n3A_710, %select_n3A_700 : vector<16xi1>, vector<16xi32>
      %le3A_751 = arith.cmpi ule, %select_n3A_703, %select_n3A_713 : vector<16xi32>
      %select_n3A_752 = arith.select %le3A_751, %select_n3A_703, %select_n3A_713 : vector<16xi1>, vector<16xi32>
      %select_n3A_753 = arith.select %le3A_751, %select_n3A_713, %select_n3A_703 : vector<16xi1>, vector<16xi32>
      %select_n3A_754 = arith.select %le3A_751, %select_n3A_705, %select_n3A_715 : vector<16xi1>, vector<16xi32>
      %select_n3A_755 = arith.select %le3A_751, %select_n3A_715, %select_n3A_705 : vector<16xi1>, vector<16xi32>
      %le3A_756 = arith.cmpi ule, %select_n3A_727, %select_n3A_717 : vector<16xi32>
      %select_n3A_757 = arith.select %le3A_756, %select_n3A_717, %select_n3A_727 : vector<16xi1>, vector<16xi32>
      %select_n3A_758 = arith.select %le3A_756, %select_n3A_727, %select_n3A_717 : vector<16xi1>, vector<16xi32>
      %select_n3A_759 = arith.select %le3A_756, %select_n3A_719, %select_n3A_729 : vector<16xi1>, vector<16xi32>
      %select_n3A_760 = arith.select %le3A_756, %select_n3A_729, %select_n3A_719 : vector<16xi1>, vector<16xi32>
      %le3A_761 = arith.cmpi ule, %select_n3A_732, %select_n3A_722 : vector<16xi32>
      %select_n3A_762 = arith.select %le3A_761, %select_n3A_722, %select_n3A_732 : vector<16xi1>, vector<16xi32>
      %select_n3A_763 = arith.select %le3A_761, %select_n3A_732, %select_n3A_722 : vector<16xi1>, vector<16xi32>
      %select_n3A_764 = arith.select %le3A_761, %select_n3A_724, %select_n3A_734 : vector<16xi1>, vector<16xi32>
      %select_n3A_765 = arith.select %le3A_761, %select_n3A_734, %select_n3A_724 : vector<16xi1>, vector<16xi32>
      %le3A_766 = arith.cmpi ule, %select_n3A_728, %select_n3A_718 : vector<16xi32>
      %select_n3A_767 = arith.select %le3A_766, %select_n3A_718, %select_n3A_728 : vector<16xi1>, vector<16xi32>
      %select_n3A_768 = arith.select %le3A_766, %select_n3A_728, %select_n3A_718 : vector<16xi1>, vector<16xi32>
      %select_n3A_769 = arith.select %le3A_766, %select_n3A_720, %select_n3A_730 : vector<16xi1>, vector<16xi32>
      %select_n3A_770 = arith.select %le3A_766, %select_n3A_730, %select_n3A_720 : vector<16xi1>, vector<16xi32>
      %le3A_771 = arith.cmpi ule, %select_n3A_733, %select_n3A_723 : vector<16xi32>
      %select_n3A_772 = arith.select %le3A_771, %select_n3A_723, %select_n3A_733 : vector<16xi1>, vector<16xi32>
      %select_n3A_773 = arith.select %le3A_771, %select_n3A_733, %select_n3A_723 : vector<16xi1>, vector<16xi32>
      %select_n3A_774 = arith.select %le3A_771, %select_n3A_725, %select_n3A_735 : vector<16xi1>, vector<16xi32>
      %select_n3A_775 = arith.select %le3A_771, %select_n3A_735, %select_n3A_725 : vector<16xi1>, vector<16xi32>
      %le3A_776 = arith.cmpi ule, %select_n3A_737, %select_n3A_742 : vector<16xi32>
      %select_n3A_777 = arith.select %le3A_776, %select_n3A_737, %select_n3A_742 : vector<16xi1>, vector<16xi32>
      %select_n3A_778 = arith.select %le3A_776, %select_n3A_742, %select_n3A_737 : vector<16xi1>, vector<16xi32>
      %select_n3A_779 = arith.select %le3A_776, %select_n3A_739, %select_n3A_744 : vector<16xi1>, vector<16xi32>
      %select_n3A_780 = arith.select %le3A_776, %select_n3A_744, %select_n3A_739 : vector<16xi1>, vector<16xi32>
      %le3A_781 = arith.cmpi ule, %select_n3A_738, %select_n3A_743 : vector<16xi32>
      %select_n3A_782 = arith.select %le3A_781, %select_n3A_738, %select_n3A_743 : vector<16xi1>, vector<16xi32>
      %select_n3A_783 = arith.select %le3A_781, %select_n3A_743, %select_n3A_738 : vector<16xi1>, vector<16xi32>
      %select_n3A_784 = arith.select %le3A_781, %select_n3A_740, %select_n3A_745 : vector<16xi1>, vector<16xi32>
      %select_n3A_785 = arith.select %le3A_781, %select_n3A_745, %select_n3A_740 : vector<16xi1>, vector<16xi32>
      %le3A_786 = arith.cmpi ule, %select_n3A_747, %select_n3A_752 : vector<16xi32>
      %select_n3A_787 = arith.select %le3A_786, %select_n3A_747, %select_n3A_752 : vector<16xi1>, vector<16xi32>
      %select_n3A_788 = arith.select %le3A_786, %select_n3A_752, %select_n3A_747 : vector<16xi1>, vector<16xi32>
      %select_n3A_789 = arith.select %le3A_786, %select_n3A_749, %select_n3A_754 : vector<16xi1>, vector<16xi32>
      %select_n3A_790 = arith.select %le3A_786, %select_n3A_754, %select_n3A_749 : vector<16xi1>, vector<16xi32>
      %le3A_791 = arith.cmpi ule, %select_n3A_748, %select_n3A_753 : vector<16xi32>
      %select_n3A_792 = arith.select %le3A_791, %select_n3A_748, %select_n3A_753 : vector<16xi1>, vector<16xi32>
      %select_n3A_793 = arith.select %le3A_791, %select_n3A_753, %select_n3A_748 : vector<16xi1>, vector<16xi32>
      %select_n3A_794 = arith.select %le3A_791, %select_n3A_750, %select_n3A_755 : vector<16xi1>, vector<16xi32>
      %select_n3A_795 = arith.select %le3A_791, %select_n3A_755, %select_n3A_750 : vector<16xi1>, vector<16xi32>
      %le3A_796 = arith.cmpi ule, %select_n3A_762, %select_n3A_757 : vector<16xi32>
      %select_n3A_797 = arith.select %le3A_796, %select_n3A_757, %select_n3A_762 : vector<16xi1>, vector<16xi32>
      %select_n3A_798 = arith.select %le3A_796, %select_n3A_762, %select_n3A_757 : vector<16xi1>, vector<16xi32>
      %select_n3A_799 = arith.select %le3A_796, %select_n3A_759, %select_n3A_764 : vector<16xi1>, vector<16xi32>
      %select_n3A_800 = arith.select %le3A_796, %select_n3A_764, %select_n3A_759 : vector<16xi1>, vector<16xi32>
      %le3A_801 = arith.cmpi ule, %select_n3A_763, %select_n3A_758 : vector<16xi32>
      %select_n3A_802 = arith.select %le3A_801, %select_n3A_758, %select_n3A_763 : vector<16xi1>, vector<16xi32>
      %select_n3A_803 = arith.select %le3A_801, %select_n3A_763, %select_n3A_758 : vector<16xi1>, vector<16xi32>
      %select_n3A_804 = arith.select %le3A_801, %select_n3A_760, %select_n3A_765 : vector<16xi1>, vector<16xi32>
      %select_n3A_805 = arith.select %le3A_801, %select_n3A_765, %select_n3A_760 : vector<16xi1>, vector<16xi32>
      %le3A_806 = arith.cmpi ule, %select_n3A_772, %select_n3A_767 : vector<16xi32>
      %select_n3A_807 = arith.select %le3A_806, %select_n3A_767, %select_n3A_772 : vector<16xi1>, vector<16xi32>
      %select_n3A_808 = arith.select %le3A_806, %select_n3A_772, %select_n3A_767 : vector<16xi1>, vector<16xi32>
      %select_n3A_809 = arith.select %le3A_806, %select_n3A_769, %select_n3A_774 : vector<16xi1>, vector<16xi32>
      %select_n3A_810 = arith.select %le3A_806, %select_n3A_774, %select_n3A_769 : vector<16xi1>, vector<16xi32>
      %le3A_811 = arith.cmpi ule, %select_n3A_773, %select_n3A_768 : vector<16xi32>
      %select_n3A_812 = arith.select %le3A_811, %select_n3A_768, %select_n3A_773 : vector<16xi1>, vector<16xi32>
      %select_n3A_813 = arith.select %le3A_811, %select_n3A_773, %select_n3A_768 : vector<16xi1>, vector<16xi32>
      %select_n3A_814 = arith.select %le3A_811, %select_n3A_770, %select_n3A_775 : vector<16xi1>, vector<16xi32>
      %select_n3A_815 = arith.select %le3A_811, %select_n3A_775, %select_n3A_770 : vector<16xi1>, vector<16xi32>
      %masked_sort3A_816 = arith.constant dense<true> : vector<16xi1>
      %masked_sort3A_817, %masked_sort3A_818, %masked_sort3A_819 = tpu.sort %select_n3A_777, %select_n3A_779 masked %masked_sort3A_816 : (vector<16xi32>, vector<16xi32>, vector<16xi1>) -> (vector<16xi1>, vector<16xi32>, vector<16xi32>)
      %masked_sort3A_820 = arith.constant dense<true> : vector<16xi1>
      %masked_sort3A_821, %masked_sort3A_822, %masked_sort3A_823 = tpu.sort %select_n3A_778, %select_n3A_780 masked %masked_sort3A_820 : (vector<16xi32>, vector<16xi32>, vector<16xi1>) -> (vector<16xi1>, vector<16xi32>, vector<16xi32>)
      %masked_sort3A_824 = arith.constant dense<true> : vector<16xi1>
      %masked_sort3A_825, %masked_sort3A_826, %masked_sort3A_827 = tpu.sort %select_n3A_782, %select_n3A_784 masked %masked_sort3A_824 : (vector<16xi32>, vector<16xi32>, vector<16xi1>) -> (vector<16xi1>, vector<16xi32>, vector<16xi32>)
      %masked_sort3A_828 = arith.constant dense<true> : vector<16xi1>
      %masked_sort3A_829, %masked_sort3A_830, %masked_sort3A_831 = tpu.sort %select_n3A_783, %select_n3A_785 masked %masked_sort3A_828 : (vector<16xi32>, vector<16xi32>, vector<16xi1>) -> (vector<16xi1>, vector<16xi32>, vector<16xi32>)
      %masked_sort3A_832 = arith.constant dense<true> : vector<16xi1>
      %masked_sort3A_833, %masked_sort3A_834, %masked_sort3A_835 = tpu.sort %select_n3A_787, %select_n3A_789 masked %masked_sort3A_832 : (vector<16xi32>, vector<16xi32>, vector<16xi1>) -> (vector<16xi1>, vector<16xi32>, vector<16xi32>)
      %masked_sort3A_836 = arith.constant dense<true> : vector<16xi1>
      %masked_sort3A_837, %masked_sort3A_838, %masked_sort3A_839 = tpu.sort %select_n3A_788, %select_n3A_790 masked %masked_sort3A_836 : (vector<16xi32>, vector<16xi32>, vector<16xi1>) -> (vector<16xi1>, vector<16xi32>, vector<16xi32>)
      %masked_sort3A_840 = arith.constant dense<true> : vector<16xi1>
      %masked_sort3A_841, %masked_sort3A_842, %masked_sort3A_843 = tpu.sort %select_n3A_792, %select_n3A_794 masked %masked_sort3A_840 : (vector<16xi32>, vector<16xi32>, vector<16xi1>) -> (vector<16xi1>, vector<16xi32>, vector<16xi32>)
      %masked_sort3A_844 = arith.constant dense<true> : vector<16xi1>
      %masked_sort3A_845, %masked_sort3A_846, %masked_sort3A_847 = tpu.sort %select_n3A_793, %select_n3A_795 masked %masked_sort3A_844 : (vector<16xi32>, vector<16xi32>, vector<16xi1>) -> (vector<16xi1>, vector<16xi32>, vector<16xi32>)
      %masked_sort3A_848 = arith.constant dense<true> : vector<16xi1>
      %masked_sort3A_849, %masked_sort3A_850, %masked_sort3A_851 = tpu.sort %select_n3A_797, %select_n3A_799 masked %masked_sort3A_848 {descending = true} : (vector<16xi32>, vector<16xi32>, vector<16xi1>) -> (vector<16xi1>, vector<16xi32>, vector<16xi32>)
      %masked_sort3A_852 = arith.constant dense<true> : vector<16xi1>
      %masked_sort3A_853, %masked_sort3A_854, %masked_sort3A_855 = tpu.sort %select_n3A_798, %select_n3A_800 masked %masked_sort3A_852 {descending = true} : (vector<16xi32>, vector<16xi32>, vector<16xi1>) -> (vector<16xi1>, vector<16xi32>, vector<16xi32>)
      %masked_sort3A_856 = arith.constant dense<true> : vector<16xi1>
      %masked_sort3A_857, %masked_sort3A_858, %masked_sort3A_859 = tpu.sort %select_n3A_802, %select_n3A_804 masked %masked_sort3A_856 {descending = true} : (vector<16xi32>, vector<16xi32>, vector<16xi1>) -> (vector<16xi1>, vector<16xi32>, vector<16xi32>)
      %masked_sort3A_860 = arith.constant dense<true> : vector<16xi1>
      %masked_sort3A_861, %masked_sort3A_862, %masked_sort3A_863 = tpu.sort %select_n3A_803, %select_n3A_805 masked %masked_sort3A_860 {descending = true} : (vector<16xi32>, vector<16xi32>, vector<16xi1>) -> (vector<16xi1>, vector<16xi32>, vector<16xi32>)
      %masked_sort3A_864 = arith.constant dense<true> : vector<16xi1>
      %masked_sort3A_865, %masked_sort3A_866, %masked_sort3A_867 = tpu.sort %select_n3A_807, %select_n3A_809 masked %masked_sort3A_864 {descending = true} : (vector<16xi32>, vector<16xi32>, vector<16xi1>) -> (vector<16xi1>, vector<16xi32>, vector<16xi32>)
      %masked_sort3A_868 = arith.constant dense<true> : vector<16xi1>
      %masked_sort3A_869, %masked_sort3A_870, %masked_sort3A_871 = tpu.sort %select_n3A_808, %select_n3A_810 masked %masked_sort3A_868 {descending = true} : (vector<16xi32>, vector<16xi32>, vector<16xi1>) -> (vector<16xi1>, vector<16xi32>, vector<16xi32>)
      %masked_sort3A_872 = arith.constant dense<true> : vector<16xi1>
      %masked_sort3A_873, %masked_sort3A_874, %masked_sort3A_875 = tpu.sort %select_n3A_812, %select_n3A_814 masked %masked_sort3A_872 {descending = true} : (vector<16xi32>, vector<16xi32>, vector<16xi1>) -> (vector<16xi1>, vector<16xi32>, vector<16xi32>)
      %masked_sort3A_876 = arith.constant dense<true> : vector<16xi1>
      %masked_sort3A_877, %masked_sort3A_878, %masked_sort3A_879 = tpu.sort %select_n3A_813, %select_n3A_815 masked %masked_sort3A_876 {descending = true} : (vector<16xi32>, vector<16xi32>, vector<16xi1>) -> (vector<16xi1>, vector<16xi32>, vector<16xi32>)
      %le3A_880 = arith.cmpi ule, %masked_sort3A_818, %masked_sort3A_850 : vector<16xi32>
      %select_n3A_881 = arith.select %le3A_880, %masked_sort3A_818, %masked_sort3A_850 : vector<16xi1>, vector<16xi32>
      %select_n3A_882 = arith.select %le3A_880, %masked_sort3A_850, %masked_sort3A_818 : vector<16xi1>, vector<16xi32>
      %select_n3A_883 = arith.select %le3A_880, %masked_sort3A_819, %masked_sort3A_851 : vector<16xi1>, vector<16xi32>
      %select_n3A_884 = arith.select %le3A_880, %masked_sort3A_851, %masked_sort3A_819 : vector<16xi1>, vector<16xi32>
      %le3A_885 = arith.cmpi ule, %masked_sort3A_822, %masked_sort3A_854 : vector<16xi32>
      %select_n3A_886 = arith.select %le3A_885, %masked_sort3A_822, %masked_sort3A_854 : vector<16xi1>, vector<16xi32>
      %select_n3A_887 = arith.select %le3A_885, %masked_sort3A_854, %masked_sort3A_822 : vector<16xi1>, vector<16xi32>
      %select_n3A_888 = arith.select %le3A_885, %masked_sort3A_823, %masked_sort3A_855 : vector<16xi1>, vector<16xi32>
      %select_n3A_889 = arith.select %le3A_885, %masked_sort3A_855, %masked_sort3A_823 : vector<16xi1>, vector<16xi32>
      %le3A_890 = arith.cmpi ule, %masked_sort3A_826, %masked_sort3A_858 : vector<16xi32>
      %select_n3A_891 = arith.select %le3A_890, %masked_sort3A_826, %masked_sort3A_858 : vector<16xi1>, vector<16xi32>
      %select_n3A_892 = arith.select %le3A_890, %masked_sort3A_858, %masked_sort3A_826 : vector<16xi1>, vector<16xi32>
      %select_n3A_893 = arith.select %le3A_890, %masked_sort3A_827, %masked_sort3A_859 : vector<16xi1>, vector<16xi32>
      %select_n3A_894 = arith.select %le3A_890, %masked_sort3A_859, %masked_sort3A_827 : vector<16xi1>, vector<16xi32>
      %le3A_895 = arith.cmpi ule, %masked_sort3A_830, %masked_sort3A_862 : vector<16xi32>
      %select_n3A_896 = arith.select %le3A_895, %masked_sort3A_830, %masked_sort3A_862 : vector<16xi1>, vector<16xi32>
      %select_n3A_897 = arith.select %le3A_895, %masked_sort3A_862, %masked_sort3A_830 : vector<16xi1>, vector<16xi32>
      %select_n3A_898 = arith.select %le3A_895, %masked_sort3A_831, %masked_sort3A_863 : vector<16xi1>, vector<16xi32>
      %select_n3A_899 = arith.select %le3A_895, %masked_sort3A_863, %masked_sort3A_831 : vector<16xi1>, vector<16xi32>
      %le3A_900 = arith.cmpi ule, %masked_sort3A_834, %masked_sort3A_866 : vector<16xi32>
      %select_n3A_901 = arith.select %le3A_900, %masked_sort3A_834, %masked_sort3A_866 : vector<16xi1>, vector<16xi32>
      %select_n3A_902 = arith.select %le3A_900, %masked_sort3A_866, %masked_sort3A_834 : vector<16xi1>, vector<16xi32>
      %select_n3A_903 = arith.select %le3A_900, %masked_sort3A_835, %masked_sort3A_867 : vector<16xi1>, vector<16xi32>
      %select_n3A_904 = arith.select %le3A_900, %masked_sort3A_867, %masked_sort3A_835 : vector<16xi1>, vector<16xi32>
      %le3A_905 = arith.cmpi ule, %masked_sort3A_838, %masked_sort3A_870 : vector<16xi32>
      %select_n3A_906 = arith.select %le3A_905, %masked_sort3A_838, %masked_sort3A_870 : vector<16xi1>, vector<16xi32>
      %select_n3A_907 = arith.select %le3A_905, %masked_sort3A_870, %masked_sort3A_838 : vector<16xi1>, vector<16xi32>
      %select_n3A_908 = arith.select %le3A_905, %masked_sort3A_839, %masked_sort3A_871 : vector<16xi1>, vector<16xi32>
      %select_n3A_909 = arith.select %le3A_905, %masked_sort3A_871, %masked_sort3A_839 : vector<16xi1>, vector<16xi32>
      %le3A_910 = arith.cmpi ule, %masked_sort3A_842, %masked_sort3A_874 : vector<16xi32>
      %select_n3A_911 = arith.select %le3A_910, %masked_sort3A_842, %masked_sort3A_874 : vector<16xi1>, vector<16xi32>
      %select_n3A_912 = arith.select %le3A_910, %masked_sort3A_874, %masked_sort3A_842 : vector<16xi1>, vector<16xi32>
      %select_n3A_913 = arith.select %le3A_910, %masked_sort3A_843, %masked_sort3A_875 : vector<16xi1>, vector<16xi32>
      %select_n3A_914 = arith.select %le3A_910, %masked_sort3A_875, %masked_sort3A_843 : vector<16xi1>, vector<16xi32>
      %le3A_915 = arith.cmpi ule, %masked_sort3A_846, %masked_sort3A_878 : vector<16xi32>
      %select_n3A_916 = arith.select %le3A_915, %masked_sort3A_846, %masked_sort3A_878 : vector<16xi1>, vector<16xi32>
      %select_n3A_917 = arith.select %le3A_915, %masked_sort3A_878, %masked_sort3A_846 : vector<16xi1>, vector<16xi32>
      %select_n3A_918 = arith.select %le3A_915, %masked_sort3A_847, %masked_sort3A_879 : vector<16xi1>, vector<16xi32>
      %select_n3A_919 = arith.select %le3A_915, %masked_sort3A_879, %masked_sort3A_847 : vector<16xi1>, vector<16xi32>
      %le3A_920 = arith.cmpi ule, %select_n3A_881, %select_n3A_901 : vector<16xi32>
      %select_n3A_921 = arith.select %le3A_920, %select_n3A_881, %select_n3A_901 : vector<16xi1>, vector<16xi32>
      %select_n3A_922 = arith.select %le3A_920, %select_n3A_901, %select_n3A_881 : vector<16xi1>, vector<16xi32>
      %select_n3A_923 = arith.select %le3A_920, %select_n3A_883, %select_n3A_903 : vector<16xi1>, vector<16xi32>
      %select_n3A_924 = arith.select %le3A_920, %select_n3A_903, %select_n3A_883 : vector<16xi1>, vector<16xi32>
      %le3A_925 = arith.cmpi ule, %select_n3A_886, %select_n3A_906 : vector<16xi32>
      %select_n3A_926 = arith.select %le3A_925, %select_n3A_886, %select_n3A_906 : vector<16xi1>, vector<16xi32>
      %select_n3A_927 = arith.select %le3A_925, %select_n3A_906, %select_n3A_886 : vector<16xi1>, vector<16xi32>
      %select_n3A_928 = arith.select %le3A_925, %select_n3A_888, %select_n3A_908 : vector<16xi1>, vector<16xi32>
      %select_n3A_929 = arith.select %le3A_925, %select_n3A_908, %select_n3A_888 : vector<16xi1>, vector<16xi32>
      %le3A_930 = arith.cmpi ule, %select_n3A_891, %select_n3A_911 : vector<16xi32>
      %select_n3A_931 = arith.select %le3A_930, %select_n3A_891, %select_n3A_911 : vector<16xi1>, vector<16xi32>
      %select_n3A_932 = arith.select %le3A_930, %select_n3A_911, %select_n3A_891 : vector<16xi1>, vector<16xi32>
      %select_n3A_933 = arith.select %le3A_930, %select_n3A_893, %select_n3A_913 : vector<16xi1>, vector<16xi32>
      %select_n3A_934 = arith.select %le3A_930, %select_n3A_913, %select_n3A_893 : vector<16xi1>, vector<16xi32>
      %le3A_935 = arith.cmpi ule, %select_n3A_896, %select_n3A_916 : vector<16xi32>
      %select_n3A_936 = arith.select %le3A_935, %select_n3A_896, %select_n3A_916 : vector<16xi1>, vector<16xi32>
      %select_n3A_937 = arith.select %le3A_935, %select_n3A_916, %select_n3A_896 : vector<16xi1>, vector<16xi32>
      %select_n3A_938 = arith.select %le3A_935, %select_n3A_898, %select_n3A_918 : vector<16xi1>, vector<16xi32>
      %select_n3A_939 = arith.select %le3A_935, %select_n3A_918, %select_n3A_898 : vector<16xi1>, vector<16xi32>
      %le3A_940 = arith.cmpi ule, %select_n3A_882, %select_n3A_902 : vector<16xi32>
      %select_n3A_941 = arith.select %le3A_940, %select_n3A_882, %select_n3A_902 : vector<16xi1>, vector<16xi32>
      %select_n3A_942 = arith.select %le3A_940, %select_n3A_902, %select_n3A_882 : vector<16xi1>, vector<16xi32>
      %select_n3A_943 = arith.select %le3A_940, %select_n3A_884, %select_n3A_904 : vector<16xi1>, vector<16xi32>
      %select_n3A_944 = arith.select %le3A_940, %select_n3A_904, %select_n3A_884 : vector<16xi1>, vector<16xi32>
      %le3A_945 = arith.cmpi ule, %select_n3A_887, %select_n3A_907 : vector<16xi32>
      %select_n3A_946 = arith.select %le3A_945, %select_n3A_887, %select_n3A_907 : vector<16xi1>, vector<16xi32>
      %select_n3A_947 = arith.select %le3A_945, %select_n3A_907, %select_n3A_887 : vector<16xi1>, vector<16xi32>
      %select_n3A_948 = arith.select %le3A_945, %select_n3A_889, %select_n3A_909 : vector<16xi1>, vector<16xi32>
      %select_n3A_949 = arith.select %le3A_945, %select_n3A_909, %select_n3A_889 : vector<16xi1>, vector<16xi32>
      %le3A_950 = arith.cmpi ule, %select_n3A_892, %select_n3A_912 : vector<16xi32>
      %select_n3A_951 = arith.select %le3A_950, %select_n3A_892, %select_n3A_912 : vector<16xi1>, vector<16xi32>
      %select_n3A_952 = arith.select %le3A_950, %select_n3A_912, %select_n3A_892 : vector<16xi1>, vector<16xi32>
      %select_n3A_953 = arith.select %le3A_950, %select_n3A_894, %select_n3A_914 : vector<16xi1>, vector<16xi32>
      %select_n3A_954 = arith.select %le3A_950, %select_n3A_914, %select_n3A_894 : vector<16xi1>, vector<16xi32>
      %le3A_955 = arith.cmpi ule, %select_n3A_897, %select_n3A_917 : vector<16xi32>
      %select_n3A_956 = arith.select %le3A_955, %select_n3A_897, %select_n3A_917 : vector<16xi1>, vector<16xi32>
      %select_n3A_957 = arith.select %le3A_955, %select_n3A_917, %select_n3A_897 : vector<16xi1>, vector<16xi32>
      %select_n3A_958 = arith.select %le3A_955, %select_n3A_899, %select_n3A_919 : vector<16xi1>, vector<16xi32>
      %select_n3A_959 = arith.select %le3A_955, %select_n3A_919, %select_n3A_899 : vector<16xi1>, vector<16xi32>
      %le3A_960 = arith.cmpi ule, %select_n3A_921, %select_n3A_931 : vector<16xi32>
      %select_n3A_961 = arith.select %le3A_960, %select_n3A_921, %select_n3A_931 : vector<16xi1>, vector<16xi32>
      %select_n3A_962 = arith.select %le3A_960, %select_n3A_931, %select_n3A_921 : vector<16xi1>, vector<16xi32>
      %select_n3A_963 = arith.select %le3A_960, %select_n3A_923, %select_n3A_933 : vector<16xi1>, vector<16xi32>
      %select_n3A_964 = arith.select %le3A_960, %select_n3A_933, %select_n3A_923 : vector<16xi1>, vector<16xi32>
      %le3A_965 = arith.cmpi ule, %select_n3A_926, %select_n3A_936 : vector<16xi32>
      %select_n3A_966 = arith.select %le3A_965, %select_n3A_926, %select_n3A_936 : vector<16xi1>, vector<16xi32>
      %select_n3A_967 = arith.select %le3A_965, %select_n3A_936, %select_n3A_926 : vector<16xi1>, vector<16xi32>
      %select_n3A_968 = arith.select %le3A_965, %select_n3A_928, %select_n3A_938 : vector<16xi1>, vector<16xi32>
      %select_n3A_969 = arith.select %le3A_965, %select_n3A_938, %select_n3A_928 : vector<16xi1>, vector<16xi32>
      %le3A_970 = arith.cmpi ule, %select_n3A_922, %select_n3A_932 : vector<16xi32>
      %select_n3A_971 = arith.select %le3A_970, %select_n3A_922, %select_n3A_932 : vector<16xi1>, vector<16xi32>
      %select_n3A_972 = arith.select %le3A_970, %select_n3A_932, %select_n3A_922 : vector<16xi1>, vector<16xi32>
      %select_n3A_973 = arith.select %le3A_970, %select_n3A_924, %select_n3A_934 : vector<16xi1>, vector<16xi32>
      %select_n3A_974 = arith.select %le3A_970, %select_n3A_934, %select_n3A_924 : vector<16xi1>, vector<16xi32>
      %le3A_975 = arith.cmpi ule, %select_n3A_927, %select_n3A_937 : vector<16xi32>
      %select_n3A_976 = arith.select %le3A_975, %select_n3A_927, %select_n3A_937 : vector<16xi1>, vector<16xi32>
      %select_n3A_977 = arith.select %le3A_975, %select_n3A_937, %select_n3A_927 : vector<16xi1>, vector<16xi32>
      %select_n3A_978 = arith.select %le3A_975, %select_n3A_929, %select_n3A_939 : vector<16xi1>, vector<16xi32>
      %select_n3A_979 = arith.select %le3A_975, %select_n3A_939, %select_n3A_929 : vector<16xi1>, vector<16xi32>
      %le3A_980 = arith.cmpi ule, %select_n3A_941, %select_n3A_951 : vector<16xi32>
      %select_n3A_981 = arith.select %le3A_980, %select_n3A_941, %select_n3A_951 : vector<16xi1>, vector<16xi32>
      %select_n3A_982 = arith.select %le3A_980, %select_n3A_951, %select_n3A_941 : vector<16xi1>, vector<16xi32>
      %select_n3A_983 = arith.select %le3A_980, %select_n3A_943, %select_n3A_953 : vector<16xi1>, vector<16xi32>
      %select_n3A_984 = arith.select %le3A_980, %select_n3A_953, %select_n3A_943 : vector<16xi1>, vector<16xi32>
      %le3A_985 = arith.cmpi ule, %select_n3A_946, %select_n3A_956 : vector<16xi32>
      %select_n3A_986 = arith.select %le3A_985, %select_n3A_946, %select_n3A_956 : vector<16xi1>, vector<16xi32>
      %select_n3A_987 = arith.select %le3A_985, %select_n3A_956, %select_n3A_946 : vector<16xi1>, vector<16xi32>
      %select_n3A_988 = arith.select %le3A_985, %select_n3A_948, %select_n3A_958 : vector<16xi1>, vector<16xi32>
      %select_n3A_989 = arith.select %le3A_985, %select_n3A_958, %select_n3A_948 : vector<16xi1>, vector<16xi32>
      %le3A_990 = arith.cmpi ule, %select_n3A_942, %select_n3A_952 : vector<16xi32>
      %select_n3A_991 = arith.select %le3A_990, %select_n3A_942, %select_n3A_952 : vector<16xi1>, vector<16xi32>
      %select_n3A_992 = arith.select %le3A_990, %select_n3A_952, %select_n3A_942 : vector<16xi1>, vector<16xi32>
      %select_n3A_993 = arith.select %le3A_990, %select_n3A_944, %select_n3A_954 : vector<16xi1>, vector<16xi32>
      %select_n3A_994 = arith.select %le3A_990, %select_n3A_954, %select_n3A_944 : vector<16xi1>, vector<16xi32>
      %le3A_995 = arith.cmpi ule, %select_n3A_947, %select_n3A_957 : vector<16xi32>
      %select_n3A_996 = arith.select %le3A_995, %select_n3A_947, %select_n3A_957 : vector<16xi1>, vector<16xi32>
      %select_n3A_997 = arith.select %le3A_995, %select_n3A_957, %select_n3A_947 : vector<16xi1>, vector<16xi32>
      %select_n3A_998 = arith.select %le3A_995, %select_n3A_949, %select_n3A_959 : vector<16xi1>, vector<16xi32>
      %select_n3A_999 = arith.select %le3A_995, %select_n3A_959, %select_n3A_949 : vector<16xi1>, vector<16xi32>
      %le3A_1000 = arith.cmpi ule, %select_n3A_961, %select_n3A_966 : vector<16xi32>
      %select_n3A_1001 = arith.select %le3A_1000, %select_n3A_961, %select_n3A_966 : vector<16xi1>, vector<16xi32>
      %select_n3A_1002 = arith.select %le3A_1000, %select_n3A_966, %select_n3A_961 : vector<16xi1>, vector<16xi32>
      %select_n3A_1003 = arith.select %le3A_1000, %select_n3A_963, %select_n3A_968 : vector<16xi1>, vector<16xi32>
      %select_n3A_1004 = arith.select %le3A_1000, %select_n3A_968, %select_n3A_963 : vector<16xi1>, vector<16xi32>
      %le3A_1005 = arith.cmpi ule, %select_n3A_962, %select_n3A_967 : vector<16xi32>
      %select_n3A_1006 = arith.select %le3A_1005, %select_n3A_962, %select_n3A_967 : vector<16xi1>, vector<16xi32>
      %select_n3A_1007 = arith.select %le3A_1005, %select_n3A_967, %select_n3A_962 : vector<16xi1>, vector<16xi32>
      %select_n3A_1008 = arith.select %le3A_1005, %select_n3A_964, %select_n3A_969 : vector<16xi1>, vector<16xi32>
      %select_n3A_1009 = arith.select %le3A_1005, %select_n3A_969, %select_n3A_964 : vector<16xi1>, vector<16xi32>
      %le3A_1010 = arith.cmpi ule, %select_n3A_971, %select_n3A_976 : vector<16xi32>
      %select_n3A_1011 = arith.select %le3A_1010, %select_n3A_971, %select_n3A_976 : vector<16xi1>, vector<16xi32>
      %select_n3A_1012 = arith.select %le3A_1010, %select_n3A_976, %select_n3A_971 : vector<16xi1>, vector<16xi32>
      %select_n3A_1013 = arith.select %le3A_1010, %select_n3A_973, %select_n3A_978 : vector<16xi1>, vector<16xi32>
      %select_n3A_1014 = arith.select %le3A_1010, %select_n3A_978, %select_n3A_973 : vector<16xi1>, vector<16xi32>
      %le3A_1015 = arith.cmpi ule, %select_n3A_972, %select_n3A_977 : vector<16xi32>
      %select_n3A_1016 = arith.select %le3A_1015, %select_n3A_972, %select_n3A_977 : vector<16xi1>, vector<16xi32>
      %select_n3A_1017 = arith.select %le3A_1015, %select_n3A_977, %select_n3A_972 : vector<16xi1>, vector<16xi32>
      %select_n3A_1018 = arith.select %le3A_1015, %select_n3A_974, %select_n3A_979 : vector<16xi1>, vector<16xi32>
      %select_n3A_1019 = arith.select %le3A_1015, %select_n3A_979, %select_n3A_974 : vector<16xi1>, vector<16xi32>
      %le3A_1020 = arith.cmpi ule, %select_n3A_981, %select_n3A_986 : vector<16xi32>
      %select_n3A_1021 = arith.select %le3A_1020, %select_n3A_981, %select_n3A_986 : vector<16xi1>, vector<16xi32>
      %select_n3A_1022 = arith.select %le3A_1020, %select_n3A_986, %select_n3A_981 : vector<16xi1>, vector<16xi32>
      %select_n3A_1023 = arith.select %le3A_1020, %select_n3A_983, %select_n3A_988 : vector<16xi1>, vector<16xi32>
      %select_n3A_1024 = arith.select %le3A_1020, %select_n3A_988, %select_n3A_983 : vector<16xi1>, vector<16xi32>
      %le3A_1025 = arith.cmpi ule, %select_n3A_982, %select_n3A_987 : vector<16xi32>
      %select_n3A_1026 = arith.select %le3A_1025, %select_n3A_982, %select_n3A_987 : vector<16xi1>, vector<16xi32>
      %select_n3A_1027 = arith.select %le3A_1025, %select_n3A_987, %select_n3A_982 : vector<16xi1>, vector<16xi32>
      %select_n3A_1028 = arith.select %le3A_1025, %select_n3A_984, %select_n3A_989 : vector<16xi1>, vector<16xi32>
      %select_n3A_1029 = arith.select %le3A_1025, %select_n3A_989, %select_n3A_984 : vector<16xi1>, vector<16xi32>
      %le3A_1030 = arith.cmpi ule, %select_n3A_991, %select_n3A_996 : vector<16xi32>
      %select_n3A_1031 = arith.select %le3A_1030, %select_n3A_991, %select_n3A_996 : vector<16xi1>, vector<16xi32>
      %select_n3A_1032 = arith.select %le3A_1030, %select_n3A_996, %select_n3A_991 : vector<16xi1>, vector<16xi32>
      %select_n3A_1033 = arith.select %le3A_1030, %select_n3A_993, %select_n3A_998 : vector<16xi1>, vector<16xi32>
      %select_n3A_1034 = arith.select %le3A_1030, %select_n3A_998, %select_n3A_993 : vector<16xi1>, vector<16xi32>
      %le3A_1035 = arith.cmpi ule, %select_n3A_992, %select_n3A_997 : vector<16xi32>
      %select_n3A_1036 = arith.select %le3A_1035, %select_n3A_992, %select_n3A_997 : vector<16xi1>, vector<16xi32>
      %select_n3A_1037 = arith.select %le3A_1035, %select_n3A_997, %select_n3A_992 : vector<16xi1>, vector<16xi32>
      %select_n3A_1038 = arith.select %le3A_1035, %select_n3A_994, %select_n3A_999 : vector<16xi1>, vector<16xi32>
      %select_n3A_1039 = arith.select %le3A_1035, %select_n3A_999, %select_n3A_994 : vector<16xi1>, vector<16xi32>
      %masked_sort3A_1040 = arith.constant dense<true> : vector<16xi1>
      %masked_sort3A_1041, %masked_sort3A_1042, %masked_sort3A_1043 = tpu.sort %select_n3A_1001, %select_n3A_1003 masked %masked_sort3A_1040 : (vector<16xi32>, vector<16xi32>, vector<16xi1>) -> (vector<16xi1>, vector<16xi32>, vector<16xi32>)
      %masked_sort3A_1044 = arith.constant dense<true> : vector<16xi1>
      %masked_sort3A_1045, %masked_sort3A_1046, %masked_sort3A_1047 = tpu.sort %select_n3A_1002, %select_n3A_1004 masked %masked_sort3A_1044 : (vector<16xi32>, vector<16xi32>, vector<16xi1>) -> (vector<16xi1>, vector<16xi32>, vector<16xi32>)
      %masked_sort3A_1048 = arith.constant dense<true> : vector<16xi1>
      %masked_sort3A_1049, %masked_sort3A_1050, %masked_sort3A_1051 = tpu.sort %select_n3A_1006, %select_n3A_1008 masked %masked_sort3A_1048 : (vector<16xi32>, vector<16xi32>, vector<16xi1>) -> (vector<16xi1>, vector<16xi32>, vector<16xi32>)
      %masked_sort3A_1052 = arith.constant dense<true> : vector<16xi1>
      %masked_sort3A_1053, %masked_sort3A_1054, %masked_sort3A_1055 = tpu.sort %select_n3A_1007, %select_n3A_1009 masked %masked_sort3A_1052 : (vector<16xi32>, vector<16xi32>, vector<16xi1>) -> (vector<16xi1>, vector<16xi32>, vector<16xi32>)
      %masked_sort3A_1056 = arith.constant dense<true> : vector<16xi1>
      %masked_sort3A_1057, %masked_sort3A_1058, %masked_sort3A_1059 = tpu.sort %select_n3A_1011, %select_n3A_1013 masked %masked_sort3A_1056 : (vector<16xi32>, vector<16xi32>, vector<16xi1>) -> (vector<16xi1>, vector<16xi32>, vector<16xi32>)
      %masked_sort3A_1060 = arith.constant dense<true> : vector<16xi1>
      %masked_sort3A_1061, %masked_sort3A_1062, %masked_sort3A_1063 = tpu.sort %select_n3A_1012, %select_n3A_1014 masked %masked_sort3A_1060 : (vector<16xi32>, vector<16xi32>, vector<16xi1>) -> (vector<16xi1>, vector<16xi32>, vector<16xi32>)
      %masked_sort3A_1064 = arith.constant dense<true> : vector<16xi1>
      %masked_sort3A_1065, %masked_sort3A_1066, %masked_sort3A_1067 = tpu.sort %select_n3A_1016, %select_n3A_1018 masked %masked_sort3A_1064 : (vector<16xi32>, vector<16xi32>, vector<16xi1>) -> (vector<16xi1>, vector<16xi32>, vector<16xi32>)
      %masked_sort3A_1068 = arith.constant dense<true> : vector<16xi1>
      %masked_sort3A_1069, %masked_sort3A_1070, %masked_sort3A_1071 = tpu.sort %select_n3A_1017, %select_n3A_1019 masked %masked_sort3A_1068 : (vector<16xi32>, vector<16xi32>, vector<16xi1>) -> (vector<16xi1>, vector<16xi32>, vector<16xi32>)
      %masked_sort3A_1072 = arith.constant dense<true> : vector<16xi1>
      %masked_sort3A_1073, %masked_sort3A_1074, %masked_sort3A_1075 = tpu.sort %select_n3A_1021, %select_n3A_1023 masked %masked_sort3A_1072 : (vector<16xi32>, vector<16xi32>, vector<16xi1>) -> (vector<16xi1>, vector<16xi32>, vector<16xi32>)
      %masked_sort3A_1076 = arith.constant dense<true> : vector<16xi1>
      %masked_sort3A_1077, %masked_sort3A_1078, %masked_sort3A_1079 = tpu.sort %select_n3A_1022, %select_n3A_1024 masked %masked_sort3A_1076 : (vector<16xi32>, vector<16xi32>, vector<16xi1>) -> (vector<16xi1>, vector<16xi32>, vector<16xi32>)
      %masked_sort3A_1080 = arith.constant dense<true> : vector<16xi1>
      %masked_sort3A_1081, %masked_sort3A_1082, %masked_sort3A_1083 = tpu.sort %select_n3A_1026, %select_n3A_1028 masked %masked_sort3A_1080 : (vector<16xi32>, vector<16xi32>, vector<16xi1>) -> (vector<16xi1>, vector<16xi32>, vector<16xi32>)
      %masked_sort3A_1084 = arith.constant dense<true> : vector<16xi1>
      %masked_sort3A_1085, %masked_sort3A_1086, %masked_sort3A_1087 = tpu.sort %select_n3A_1027, %select_n3A_1029 masked %masked_sort3A_1084 : (vector<16xi32>, vector<16xi32>, vector<16xi1>) -> (vector<16xi1>, vector<16xi32>, vector<16xi32>)
      %masked_sort3A_1088 = arith.constant dense<true> : vector<16xi1>
      %masked_sort3A_1089, %masked_sort3A_1090, %masked_sort3A_1091 = tpu.sort %select_n3A_1031, %select_n3A_1033 masked %masked_sort3A_1088 : (vector<16xi32>, vector<16xi32>, vector<16xi1>) -> (vector<16xi1>, vector<16xi32>, vector<16xi32>)
      %masked_sort3A_1092 = arith.constant dense<true> : vector<16xi1>
      %masked_sort3A_1093, %masked_sort3A_1094, %masked_sort3A_1095 = tpu.sort %select_n3A_1032, %select_n3A_1034 masked %masked_sort3A_1092 : (vector<16xi32>, vector<16xi32>, vector<16xi1>) -> (vector<16xi1>, vector<16xi32>, vector<16xi32>)
      %masked_sort3A_1096 = arith.constant dense<true> : vector<16xi1>
      %masked_sort3A_1097, %masked_sort3A_1098, %masked_sort3A_1099 = tpu.sort %select_n3A_1036, %select_n3A_1038 masked %masked_sort3A_1096 : (vector<16xi32>, vector<16xi32>, vector<16xi1>) -> (vector<16xi1>, vector<16xi32>, vector<16xi32>)
      %masked_sort3A_1100 = arith.constant dense<true> : vector<16xi1>
      %masked_sort3A_1101, %masked_sort3A_1102, %masked_sort3A_1103 = tpu.sort %select_n3A_1037, %select_n3A_1039 masked %masked_sort3A_1100 : (vector<16xi32>, vector<16xi32>, vector<16xi1>) -> (vector<16xi1>, vector<16xi32>, vector<16xi32>)
      %swap3A = arith.constant 256 : index
      %swap3A_1104 = tpu.vector_load %arg12[%swap3A] {strides = array<i32>} : memref<272xi32, #tpu.memory_space<vmem>>, vector<16xi32>,
      tpu.vector_store %arg12[%swap3A], %broadcast_in_dim3A_6 {strides = array<i32>} : memref<272xi32, #tpu.memory_space<vmem>>, vector<16xi32>,
      %bitcast3A_1105 = vector.bitcast %masked_sort3A_1042 : vector<16xi32> to vector<16xi32>
      %swap3A_1106 = arith.constant 0 : index
      %swap3A_1107 = tpu.vector_load %arg12[%swap3A_1106] {strides = array<i32>} : memref<272xi32, #tpu.memory_space<vmem>>, vector<16xi32>,
      tpu.vector_store %arg12[%swap3A_1106], %bitcast3A_1105 {strides = array<i32>} : memref<272xi32, #tpu.memory_space<vmem>>, vector<16xi32>,
      %bitcast3A_1108 = vector.bitcast %masked_sort3A_1046 : vector<16xi32> to vector<16xi32>
      %swap3A_1109 = arith.constant 16 : index
      %swap3A_1110 = tpu.vector_load %arg12[%swap3A_1109] {strides = array<i32>} : memref<272xi32, #tpu.memory_space<vmem>>, vector<16xi32>,
      tpu.vector_store %arg12[%swap3A_1109], %bitcast3A_1108 {strides = array<i32>} : memref<272xi32, #tpu.memory_space<vmem>>, vector<16xi32>,
      %bitcast3A_1111 = vector.bitcast %masked_sort3A_1050 : vector<16xi32> to vector<16xi32>
      %swap3A_1112 = arith.constant 32 : index
      %swap3A_1113 = tpu.vector_load %arg12[%swap3A_1112] {strides = array<i32>} : memref<272xi32, #tpu.memory_space<vmem>>, vector<16xi32>,
      tpu.vector_store %arg12[%swap3A_1112], %bitcast3A_1111 {strides = array<i32>} : memref<272xi32, #tpu.memory_space<vmem>>, vector<16xi32>,
      %bitcast3A_1114 = vector.bitcast %masked_sort3A_1054 : vector<16xi32> to vector<16xi32>
      %swap3A_1115 = arith.constant 48 : index
      %swap3A_1116 = tpu.vector_load %arg12[%swap3A_1115] {strides = array<i32>} : memref<272xi32, #tpu.memory_space<vmem>>, vector<16xi32>,
      tpu.vector_store %arg12[%swap3A_1115], %bitcast3A_1114 {strides = array<i32>} : memref<272xi32, #tpu.memory_space<vmem>>, vector<16xi32>,
      %bitcast3A_1117 = vector.bitcast %masked_sort3A_1058 : vector<16xi32> to vector<16xi32>
      %swap3A_1118 = arith.constant 64 : index
      %swap3A_1119 = tpu.vector_load %arg12[%swap3A_1118] {strides = array<i32>} : memref<272xi32, #tpu.memory_space<vmem>>, vector<16xi32>,
      tpu.vector_store %arg12[%swap3A_1118], %bitcast3A_1117 {strides = array<i32>} : memref<272xi32, #tpu.memory_space<vmem>>, vector<16xi32>,
      %bitcast3A_1120 = vector.bitcast %masked_sort3A_1062 : vector<16xi32> to vector<16xi32>
      %swap3A_1121 = arith.constant 80 : index
      %swap3A_1122 = tpu.vector_load %arg12[%swap3A_1121] {strides = array<i32>} : memref<272xi32, #tpu.memory_space<vmem>>, vector<16xi32>,
      tpu.vector_store %arg12[%swap3A_1121], %bitcast3A_1120 {strides = array<i32>} : memref<272xi32, #tpu.memory_space<vmem>>, vector<16xi32>,
      %bitcast3A_1123 = vector.bitcast %masked_sort3A_1066 : vector<16xi32> to vector<16xi32>
      %swap3A_1124 = arith.constant 96 : index
      %swap3A_1125 = tpu.vector_load %arg12[%swap3A_1124] {strides = array<i32>} : memref<272xi32, #tpu.memory_space<vmem>>, vector<16xi32>,
      tpu.vector_store %arg12[%swap3A_1124], %bitcast3A_1123 {strides = array<i32>} : memref<272xi32, #tpu.memory_space<vmem>>, vector<16xi32>,
      %bitcast3A_1126 = vector.bitcast %masked_sort3A_1070 : vector<16xi32> to vector<16xi32>
      %swap3A_1127 = arith.constant 112 : index
      %swap3A_1128 = tpu.vector_load %arg12[%swap3A_1127] {strides = array<i32>} : memref<272xi32, #tpu.memory_space<vmem>>, vector<16xi32>,
      tpu.vector_store %arg12[%swap3A_1127], %bitcast3A_1126 {strides = array<i32>} : memref<272xi32, #tpu.memory_space<vmem>>, vector<16xi32>,
      %bitcast3A_1129 = vector.bitcast %masked_sort3A_1074 : vector<16xi32> to vector<16xi32>
      %swap3A_1130 = arith.constant 128 : index
      %swap3A_1131 = tpu.vector_load %arg12[%swap3A_1130] {strides = array<i32>} : memref<272xi32, #tpu.memory_space<vmem>>, vector<16xi32>,
      tpu.vector_store %arg12[%swap3A_1130], %bitcast3A_1129 {strides = array<i32>} : memref<272xi32, #tpu.memory_space<vmem>>, vector<16xi32>,
      %bitcast3A_1132 = vector.bitcast %masked_sort3A_1078 : vector<16xi32> to vector<16xi32>
      %swap3A_1133 = arith.constant 144 : index
      %swap3A_1134 = tpu.vector_load %arg12[%swap3A_1133] {strides = array<i32>} : memref<272xi32, #tpu.memory_space<vmem>>, vector<16xi32>,
      tpu.vector_store %arg12[%swap3A_1133], %bitcast3A_1132 {strides = array<i32>} : memref<272xi32, #tpu.memory_space<vmem>>, vector<16xi32>,
      %bitcast3A_1135 = vector.bitcast %masked_sort3A_1082 : vector<16xi32> to vector<16xi32>
      %swap3A_1136 = arith.constant 160 : index
      %swap3A_1137 = tpu.vector_load %arg12[%swap3A_1136] {strides = array<i32>} : memref<272xi32, #tpu.memory_space<vmem>>, vector<16xi32>,
      tpu.vector_store %arg12[%swap3A_1136], %bitcast3A_1135 {strides = array<i32>} : memref<272xi32, #tpu.memory_space<vmem>>, vector<16xi32>,
      %bitcast3A_1138 = vector.bitcast %masked_sort3A_1086 : vector<16xi32> to vector<16xi32>
      %swap3A_1139 = arith.constant 176 : index
      %swap3A_1140 = tpu.vector_load %arg12[%swap3A_1139] {strides = array<i32>} : memref<272xi32, #tpu.memory_space<vmem>>, vector<16xi32>,
      tpu.vector_store %arg12[%swap3A_1139], %bitcast3A_1138 {strides = array<i32>} : memref<272xi32, #tpu.memory_space<vmem>>, vector<16xi32>,
      %bitcast3A_1141 = vector.bitcast %masked_sort3A_1090 : vector<16xi32> to vector<16xi32>
      %swap3A_1142 = arith.constant 192 : index
      %swap3A_1143 = tpu.vector_load %arg12[%swap3A_1142] {strides = array<i32>} : memref<272xi32, #tpu.memory_space<vmem>>, vector<16xi32>,
      tpu.vector_store %arg12[%swap3A_1142], %bitcast3A_1141 {strides = array<i32>} : memref<272xi32, #tpu.memory_space<vmem>>, vector<16xi32>,
      %bitcast3A_1144 = vector.bitcast %masked_sort3A_1094 : vector<16xi32> to vector<16xi32>
      %swap3A_1145 = arith.constant 208 : index
      %swap3A_1146 = tpu.vector_load %arg12[%swap3A_1145] {strides = array<i32>} : memref<272xi32, #tpu.memory_space<vmem>>, vector<16xi32>,
      tpu.vector_store %arg12[%swap3A_1145], %bitcast3A_1144 {strides = array<i32>} : memref<272xi32, #tpu.memory_space<vmem>>, vector<16xi32>,
      %bitcast3A_1147 = vector.bitcast %masked_sort3A_1098 : vector<16xi32> to vector<16xi32>
      %swap3A_1148 = arith.constant 224 : index
      %swap3A_1149 = tpu.vector_load %arg12[%swap3A_1148] {strides = array<i32>} : memref<272xi32, #tpu.memory_space<vmem>>, vector<16xi32>,
      tpu.vector_store %arg12[%swap3A_1148], %bitcast3A_1147 {strides = array<i32>} : memref<272xi32, #tpu.memory_space<vmem>>, vector<16xi32>,
      %bitcast3A_1150 = vector.bitcast %masked_sort3A_1102 : vector<16xi32> to vector<16xi32>
      %swap3A_1151 = arith.constant 240 : index
      %swap3A_1152 = tpu.vector_load %arg12[%swap3A_1151] {strides = array<i32>} : memref<272xi32, #tpu.memory_space<vmem>>, vector<16xi32>,
      tpu.vector_store %arg12[%swap3A_1151], %bitcast3A_1150 {strides = array<i32>} : memref<272xi32, #tpu.memory_space<vmem>>, vector<16xi32>,
      %get3A_1153 = arith.constant 0 : index
      %get3A_1154 = tpu.vector_load %arg12[%get3A_1153] {strides = array<i32>} : memref<272xi32, #tpu.memory_space<vmem>>, vector<16xi32>,
      %get3A_1155 = arith.constant 1 : index
      %get3A_1156 = tpu.vector_load %arg12[%get3A_1155] {strides = array<i32>} : memref<272xi32, #tpu.memory_space<vmem>>, vector<16xi32>,
      %eq3A = arith.cmpi eq, %get3A_1154, %get3A_1156 : vector<16xi32>
      %get3A_1157 = arith.constant 16 : index
      %get3A_1158 = tpu.vector_load %arg12[%get3A_1157] {strides = array<i32>} : memref<272xi32, #tpu.memory_space<vmem>>, vector<16xi32>,
      %get3A_1159 = arith.constant 17 : index
      %get3A_1160 = tpu.vector_load %arg12[%get3A_1159] {strides = array<i32>} : memref<272xi32, #tpu.memory_space<vmem>>, vector<16xi32>,
      %eq3A_1161 = arith.cmpi eq, %get3A_1158, %get3A_1160 : vector<16xi32>
      %or3A = arith.ori %eq3A, %eq3A_1161 : vector<16xi1>
      %get3A_1162 = arith.constant 32 : index
      %get3A_1163 = tpu.vector_load %arg12[%get3A_1162] {strides = array<i32>} : memref<272xi32, #tpu.memory_space<vmem>>, vector<16xi32>,
      %get3A_1164 = arith.constant 33 : index
      %get3A_1165 = tpu.vector_load %arg12[%get3A_1164] {strides = array<i32>} : memref<272xi32, #tpu.memory_space<vmem>>, vector<16xi32>,
      %eq3A_1166 = arith.cmpi eq, %get3A_1163, %get3A_1165 : vector<16xi32>
      %or3A_1167 = arith.ori %or3A, %eq3A_1166 : vector<16xi1>
      %get3A_1168 = arith.constant 48 : index
      %get3A_1169 = tpu.vector_load %arg12[%get3A_1168] {strides = array<i32>} : memref<272xi32, #tpu.memory_space<vmem>>, vector<16xi32>,
      %get3A_1170 = arith.constant 49 : index
      %get3A_1171 = tpu.vector_load %arg12[%get3A_1170] {strides = array<i32>} : memref<272xi32, #tpu.memory_space<vmem>>, vector<16xi32>,
      %eq3A_1172 = arith.cmpi eq, %get3A_1169, %get3A_1171 : vector<16xi32>
      %or3A_1173 = arith.ori %or3A_1167, %eq3A_1172 : vector<16xi1>
      %get3A_1174 = arith.constant 64 : index
      %get3A_1175 = tpu.vector_load %arg12[%get3A_1174] {strides = array<i32>} : memref<272xi32, #tpu.memory_space<vmem>>, vector<16xi32>,
      %get3A_1176 = arith.constant 65 : index
      %get3A_1177 = tpu.vector_load %arg12[%get3A_1176] {strides = array<i32>} : memref<272xi32, #tpu.memory_space<vmem>>, vector<16xi32>,
      %eq3A_1178 = arith.cmpi eq, %get3A_1175, %get3A_1177 : vector<16xi32>
      %or3A_1179 = arith.ori %or3A_1173, %eq3A_1178 : vector<16xi1>
      %get3A_1180 = arith.constant 80 : index
      %get3A_1181 = tpu.vector_load %arg12[%get3A_1180] {strides = array<i32>} : memref<272xi32, #tpu.memory_space<vmem>>, vector<16xi32>,
      %get3A_1182 = arith.constant 81 : index
      %get3A_1183 = tpu.vector_load %arg12[%get3A_1182] {strides = array<i32>} : memref<272xi32, #tpu.memory_space<vmem>>, vector<16xi32>,
      %eq3A_1184 = arith.cmpi eq, %get3A_1181, %get3A_1183 : vector<16xi32>
      %or3A_1185 = arith.ori %or3A_1179, %eq3A_1184 : vector<16xi1>
      %get3A_1186 = arith.constant 96 : index
      %get3A_1187 = tpu.vector_load %arg12[%get3A_1186] {strides = array<i32>} : memref<272xi32, #tpu.memory_space<vmem>>, vector<16xi32>,
      %get3A_1188 = arith.constant 97 : index
      %get3A_1189 = tpu.vector_load %arg12[%get3A_1188] {strides = array<i32>} : memref<272xi32, #tpu.memory_space<vmem>>, vector<16xi32>,
      %eq3A_1190 = arith.cmpi eq, %get3A_1187, %get3A_1189 : vector<16xi32>
      %or3A_1191 = arith.ori %or3A_1185, %eq3A_1190 : vector<16xi1>
      %get3A_1192 = arith.constant 112 : index
      %get3A_1193 = tpu.vector_load %arg12[%get3A_1192] {strides = array<i32>} : memref<272xi32, #tpu.memory_space<vmem>>, vector<16xi32>,
      %get3A_1194 = arith.constant 113 : index
      %get3A_1195 = tpu.vector_load %arg12[%get3A_1194] {strides = array<i32>} : memref<272xi32, #tpu.memory_space<vmem>>, vector<16xi32>,
      %eq3A_1196 = arith.cmpi eq, %get3A_1193, %get3A_1195 : vector<16xi32>
      %or3A_1197 = arith.ori %or3A_1191, %eq3A_1196 : vector<16xi1>
      %get3A_1198 = arith.constant 128 : index
      %get3A_1199 = tpu.vector_load %arg12[%get3A_1198] {strides = array<i32>} : memref<272xi32, #tpu.memory_space<vmem>>, vector<16xi32>,
      %get3A_1200 = arith.constant 129 : index
      %get3A_1201 = tpu.vector_load %arg12[%get3A_1200] {strides = array<i32>} : memref<272xi32, #tpu.memory_space<vmem>>, vector<16xi32>,
      %eq3A_1202 = arith.cmpi eq, %get3A_1199, %get3A_1201 : vector<16xi32>
      %or3A_1203 = arith.ori %or3A_1197, %eq3A_1202 : vector<16xi1>
      %get3A_1204 = arith.constant 144 : index
      %get3A_1205 = tpu.vector_load %arg12[%get3A_1204] {strides = array<i32>} : memref<272xi32, #tpu.memory_space<vmem>>, vector<16xi32>,
      %get3A_1206 = arith.constant 145 : index
      %get3A_1207 = tpu.vector_load %arg12[%get3A_1206] {strides = array<i32>} : memref<272xi32, #tpu.memory_space<vmem>>, vector<16xi32>,
      %eq3A_1208 = arith.cmpi eq, %get3A_1205, %get3A_1207 : vector<16xi32>
      %or3A_1209 = arith.ori %or3A_1203, %eq3A_1208 : vector<16xi1>
      %get3A_1210 = arith.constant 160 : index
      %get3A_1211 = tpu.vector_load %arg12[%get3A_1210] {strides = array<i32>} : memref<272xi32, #tpu.memory_space<vmem>>, vector<16xi32>,
      %get3A_1212 = arith.constant 161 : index
      %get3A_1213 = tpu.vector_load %arg12[%get3A_1212] {strides = array<i32>} : memref<272xi32, #tpu.memory_space<vmem>>, vector<16xi32>,
      %eq3A_1214 = arith.cmpi eq, %get3A_1211, %get3A_1213 : vector<16xi32>
      %or3A_1215 = arith.ori %or3A_1209, %eq3A_1214 : vector<16xi1>
      %get3A_1216 = arith.constant 176 : index
      %get3A_1217 = tpu.vector_load %arg12[%get3A_1216] {strides = array<i32>} : memref<272xi32, #tpu.memory_space<vmem>>, vector<16xi32>,
      %get3A_1218 = arith.constant 177 : index
      %get3A_1219 = tpu.vector_load %arg12[%get3A_1218] {strides = array<i32>} : memref<272xi32, #tpu.memory_space<vmem>>, vector<16xi32>,
      %eq3A_1220 = arith.cmpi eq, %get3A_1217, %get3A_1219 : vector<16xi32>
      %or3A_1221 = arith.ori %or3A_1215, %eq3A_1220 : vector<16xi1>
      %get3A_1222 = arith.constant 192 : index
      %get3A_1223 = tpu.vector_load %arg12[%get3A_1222] {strides = array<i32>} : memref<272xi32, #tpu.memory_space<vmem>>, vector<16xi32>,
      %get3A_1224 = arith.constant 193 : index
      %get3A_1225 = tpu.vector_load %arg12[%get3A_1224] {strides = array<i32>} : memref<272xi32, #tpu.memory_space<vmem>>, vector<16xi32>,
      %eq3A_1226 = arith.cmpi eq, %get3A_1223, %get3A_1225 : vector<16xi32>
      %or3A_1227 = arith.ori %or3A_1221, %eq3A_1226 : vector<16xi1>
      %get3A_1228 = arith.constant 208 : index
      %get3A_1229 = tpu.vector_load %arg12[%get3A_1228] {strides = array<i32>} : memref<272xi32, #tpu.memory_space<vmem>>, vector<16xi32>,
      %get3A_1230 = arith.constant 209 : index
      %get3A_1231 = tpu.vector_load %arg12[%get3A_1230] {strides = array<i32>} : memref<272xi32, #tpu.memory_space<vmem>>, vector<16xi32>,
      %eq3A_1232 = arith.cmpi eq, %get3A_1229, %get3A_1231 : vector<16xi32>
      %or3A_1233 = arith.ori %or3A_1227, %eq3A_1232 : vector<16xi1>
      %get3A_1234 = arith.constant 224 : index
      %get3A_1235 = tpu.vector_load %arg12[%get3A_1234] {strides = array<i32>} : memref<272xi32, #tpu.memory_space<vmem>>, vector<16xi32>,
      %get3A_1236 = arith.constant 225 : index
      %get3A_1237 = tpu.vector_load %arg12[%get3A_1236] {strides = array<i32>} : memref<272xi32, #tpu.memory_space<vmem>>, vector<16xi32>,
      %eq3A_1238 = arith.cmpi eq, %get3A_1235, %get3A_1237 : vector<16xi32>
      %or3A_1239 = arith.ori %or3A_1233, %eq3A_1238 : vector<16xi1>
      %get3A_1240 = arith.constant 240 : index
      %get3A_1241 = tpu.vector_load %arg12[%get3A_1240] {strides = array<i32>} : memref<272xi32, #tpu.memory_space<vmem>>, vector<16xi32>,
      %get3A_1242 = arith.constant 241 : index
      %get3A_1243 = tpu.vector_load %arg12[%get3A_1242] {strides = array<i32>} : memref<272xi32, #tpu.memory_space<vmem>>, vector<16xi32>,
      %eq3A_1244 = arith.cmpi eq, %get3A_1241, %get3A_1243 : vector<16xi32>
      %or3A_1245 = arith.ori %or3A_1239, %eq3A_1244 : vector<16xi1>
      %get3A_1246 = arith.constant 15 : index
      %get3A_1247 = tpu.vector_load %arg12[%get3A_1246] {strides = array<i32>} : memref<272xi32, #tpu.memory_space<vmem>>, vector<16xi32>,
      %get3A_1248 = arith.constant 16 : index
      %get3A_1249 = tpu.vector_load %arg12[%get3A_1248] {strides = array<i32>} : memref<272xi32, #tpu.memory_space<vmem>>, vector<16xi32>,
      %eq3A_1250 = arith.cmpi eq, %get3A_1247, %get3A_1249 : vector<16xi32>
      %or3A_1251 = arith.ori %or3A_1245, %eq3A_1250 : vector<16xi1>
      %all_reduce_population_count3A = tpu.all_reduce %or3A_1251 {dim = 0 : i64, kind = #tpu.reduction_kind<sum>} : vector<16xi1> -> vector<16xi32>
      %slice3A_1252 = vector.extract_strided_slice %all_reduce_population_count3A {offsets = [0], sizes = [1], strides = [1]} : vector<16xi32> to vector<1xi32>
      %squeeze3A_1253 = vector.extract %slice3A_1252[0] : i32 from vector<1xi32>
      %gt3A_1254 = arith.constant 0 : i32
      %gt3A_1255 = arith.cmpi sgt, %squeeze3A_1253, %gt3A_1254 : i32
      %convert_element_type3A_1256 = arith.extui %gt3A_1255 : i1 to i32
      %cond3A_1257 = arith.constant 0 : i32
      %cond3A_1258 = arith.cmpi ne, %convert_element_type3A_1256, %cond3A_1257 : i32
      scf.if %cond3A_1258 {
        %scan3A_1265 = arith.constant 0 : i32
        %scan3A_1266 = arith.constant 0 : i32
        %scan3A_1267 = arith.constant 16 : i32
        %scan3A_1268 = arith.addi %scan3A_1266, %scan3A_1267 : i32
        %scan3A_1269 = arith.constant 1 : i32
        scf.for %scan3A_1271 = %scan3A_1266 to %scan3A_1268 step %scan3A_1269  : i32 {
          %mul3A_1272 = arith.constant 16 : i32
          %mul3A_1273 = arith.muli %scan3A_1271, %mul3A_1272 : i32
          %get3A_1274 = arith.index_cast %mul3A_1273 : i32 to index
          %get3A_1275 = tpu.vector_load %arg11[%get3A_1274] {strides = array<i32>} : memref<272xi32, #tpu.memory_space<vmem>>, vector<16xi32>,
          %bitcast3A_1276 = vector.bitcast %get3A_1275 : vector<16xi32> to vector<16xi32>
          %while3A = arith.constant 0 : i32
          %while3A_1277 = arith.subi %scan3A_1271, %while3A : i32
          %while3A_1278 = arith.addi %while3A, %while3A_1277 : i32
          %while3A_1279 = arith.constant 1 : i32
          %while3A_1280 = arith.divsi %while3A_1277, %while3A_1279 : i32
          %while3A_1281 = arith.muli %while3A_1280, %while3A_1279 : i32
          %while3A_1282 = arith.addi %while3A, %while3A_1281 : i32
          %while3A_1283 = arith.constant 1 : i32
          %while3A_1284 = scf.for %while3A_1499 = %while3A to %while3A_1282 step %while3A_1283 iter_args(%while3A_1500 = %broadcast_in_dim3A_6) -> (vector<16xi32>)  : i32 {
            %mul3A_1501 = arith.constant 16 : i32
            %mul3A_1502 = arith.muli %while3A_1499, %mul3A_1501 : i32
            %get3A_1503 = arith.index_cast %mul3A_1502 : i32 to index
            %get3A_1504 = tpu.vector_load %arg11[%get3A_1503] {strides = array<i32>} : memref<272xi32, #tpu.memory_space<vmem>>, vector<16xi32>,
            %slice3A_1505 = vector.extract_strided_slice %get3A_1504 {offsets = [0], sizes = [1], strides = [1]} : vector<16xi32> to vector<1xi32>
            %squeeze3A_1506 = vector.extract %slice3A_1505[0] : i32 from vector<1xi32>
            %broadcast_in_dim3A_1507 = vector.broadcast %squeeze3A_1506 : i32 to vector<16xi32>
            %bitcast3A_1508 = vector.bitcast %broadcast_in_dim3A_1507 : vector<16xi32> to vector<16xi32>
            %ge3A_1509 = arith.cmpi uge, %bitcast3A_1508, %bitcast3A_1276 : vector<16xi32>
            %select_n3A_1510 = arith.select %ge3A_1509, %broadcast_in_dim3A_2, %broadcast_in_dim3A_6 : vector<16xi1>, vector<16xi32>
            %add3A_1511 = arith.addi %while3A_1500, %select_n3A_1510 : vector<16xi32>
            %slice3A_1512 = vector.extract_strided_slice %get3A_1504 {offsets = [1], sizes = [1], strides = [1]} : vector<16xi32> to vector<1xi32>
            %squeeze3A_1513 = vector.extract %slice3A_1512[0] : i32 from vector<1xi32>
            %broadcast_in_dim3A_1514 = vector.broadcast %squeeze3A_1513 : i32 to vector<16xi32>
            %bitcast3A_1515 = vector.bitcast %broadcast_in_dim3A_1514 : vector<16xi32> to vector<16xi32>
            %ge3A_1516 = arith.cmpi uge, %bitcast3A_1515, %bitcast3A_1276 : vector<16xi32>
            %select_n3A_1517 = arith.select %ge3A_1516, %broadcast_in_dim3A_2, %broadcast_in_dim3A_6 : vector<16xi1>, vector<16xi32>
            %add3A_1518 = arith.addi %add3A_1511, %select_n3A_1517 : vector<16xi32>
            %slice3A_1519 = vector.extract_strided_slice %get3A_1504 {offsets = [2], sizes = [1], strides = [1]} : vector<16xi32> to vector<1xi32>
            %squeeze3A_1520 = vector.extract %slice3A_1519[0] : i32 from vector<1xi32>
            %broadcast_in_dim3A_1521 = vector.broadcast %squeeze3A_1520 : i32 to vector<16xi32>
            %bitcast3A_1522 = vector.bitcast %broadcast_in_dim3A_1521 : vector<16xi32> to vector<16xi32>
            %ge3A_1523 = arith.cmpi uge, %bitcast3A_1522, %bitcast3A_1276 : vector<16xi32>
            %select_n3A_1524 = arith.select %ge3A_1523, %broadcast_in_dim3A_2, %broadcast_in_dim3A_6 : vector<16xi1>, vector<16xi32>
            %add3A_1525 = arith.addi %add3A_1518, %select_n3A_1524 : vector<16xi32>
            %slice3A_1526 = vector.extract_strided_slice %get3A_1504 {offsets = [3], sizes = [1], strides = [1]} : vector<16xi32> to vector<1xi32>
            %squeeze3A_1527 = vector.extract %slice3A_1526[0] : i32 from vector<1xi32>
            %broadcast_in_dim3A_1528 = vector.broadcast %squeeze3A_1527 : i32 to vector<16xi32>
            %bitcast3A_1529 = vector.bitcast %broadcast_in_dim3A_1528 : vector<16xi32> to vector<16xi32>
            %ge3A_1530 = arith.cmpi uge, %bitcast3A_1529, %bitcast3A_1276 : vector<16xi32>
            %select_n3A_1531 = arith.select %ge3A_1530, %broadcast_in_dim3A_2, %broadcast_in_dim3A_6 : vector<16xi1>, vector<16xi32>
            %add3A_1532 = arith.addi %add3A_1525, %select_n3A_1531 : vector<16xi32>
            %slice3A_1533 = vector.extract_strided_slice %get3A_1504 {offsets = [4], sizes = [1], strides = [1]} : vector<16xi32> to vector<1xi32>
            %squeeze3A_1534 = vector.extract %slice3A_1533[0] : i32 from vector<1xi32>
            %broadcast_in_dim3A_1535 = vector.broadcast %squeeze3A_1534 : i32 to vector<16xi32>
            %bitcast3A_1536 = vector.bitcast %broadcast_in_dim3A_1535 : vector<16xi32> to vector<16xi32>
            %ge3A_1537 = arith.cmpi uge, %bitcast3A_1536, %bitcast3A_1276 : vector<16xi32>
            %select_n3A_1538 = arith.select %ge3A_1537, %broadcast_in_dim3A_2, %broadcast_in_dim3A_6 : vector<16xi1>, vector<16xi32>
            %add3A_1539 = arith.addi %add3A_1532, %select_n3A_1538 : vector<16xi32>
            %slice3A_1540 = vector.extract_strided_slice %get3A_1504 {offsets = [5], sizes = [1], strides = [1]} : vector<16xi32> to vector<1xi32>
            %squeeze3A_1541 = vector.extract %slice3A_1540[0] : i32 from vector<1xi32>
            %broadcast_in_dim3A_1542 = vector.broadcast %squeeze3A_1541 : i32 to vector<16xi32>
            %bitcast3A_1543 = vector.bitcast %broadcast_in_dim3A_1542 : vector<16xi32> to vector<16xi32>
            %ge3A_1544 = arith.cmpi uge, %bitcast3A_1543, %bitcast3A_1276 : vector<16xi32>
            %select_n3A_1545 = arith.select %ge3A_1544, %broadcast_in_dim3A_2, %broadcast_in_dim3A_6 : vector<16xi1>, vector<16xi32>
            %add3A_1546 = arith.addi %add3A_1539, %select_n3A_1545 : vector<16xi32>
            %slice3A_1547 = vector.extract_strided_slice %get3A_1504 {offsets = [6], sizes = [1], strides = [1]} : vector<16xi32> to vector<1xi32>
            %squeeze3A_1548 = vector.extract %slice3A_1547[0] : i32 from vector<1xi32>
            %broadcast_in_dim3A_1549 = vector.broadcast %squeeze3A_1548 : i32 to vector<16xi32>
            %bitcast3A_1550 = vector.bitcast %broadcast_in_dim3A_1549 : vector<16xi32> to vector<16xi32>
            %ge3A_1551 = arith.cmpi uge, %bitcast3A_1550, %bitcast3A_1276 : vector<16xi32>
            %select_n3A_1552 = arith.select %ge3A_1551, %broadcast_in_dim3A_2, %broadcast_in_dim3A_6 : vector<16xi1>, vector<16xi32>
            %add3A_1553 = arith.addi %add3A_1546, %select_n3A_1552 : vector<16xi32>
            %slice3A_1554 = vector.extract_strided_slice %get3A_1504 {offsets = [7], sizes = [1], strides = [1]} : vector<16xi32> to vector<1xi32>
            %squeeze3A_1555 = vector.extract %slice3A_1554[0] : i32 from vector<1xi32>
            %broadcast_in_dim3A_1556 = vector.broadcast %squeeze3A_1555 : i32 to vector<16xi32>
            %bitcast3A_1557 = vector.bitcast %broadcast_in_dim3A_1556 : vector<16xi32> to vector<16xi32>
            %ge3A_1558 = arith.cmpi uge, %bitcast3A_1557, %bitcast3A_1276 : vector<16xi32>
            %select_n3A_1559 = arith.select %ge3A_1558, %broadcast_in_dim3A_2, %broadcast_in_dim3A_6 : vector<16xi1>, vector<16xi32>
            %add3A_1560 = arith.addi %add3A_1553, %select_n3A_1559 : vector<16xi32>
            %slice3A_1561 = vector.extract_strided_slice %get3A_1504 {offsets = [8], sizes = [1], strides = [1]} : vector<16xi32> to vector<1xi32>
            %squeeze3A_1562 = vector.extract %slice3A_1561[0] : i32 from vector<1xi32>
            %broadcast_in_dim3A_1563 = vector.broadcast %squeeze3A_1562 : i32 to vector<16xi32>
            %bitcast3A_1564 = vector.bitcast %broadcast_in_dim3A_1563 : vector<16xi32> to vector<16xi32>
            %ge3A_1565 = arith.cmpi uge, %bitcast3A_1564, %bitcast3A_1276 : vector<16xi32>
            %select_n3A_1566 = arith.select %ge3A_1565, %broadcast_in_dim3A_2, %broadcast_in_dim3A_6 : vector<16xi1>, vector<16xi32>
            %add3A_1567 = arith.addi %add3A_1560, %select_n3A_1566 : vector<16xi32>
            %slice3A_1568 = vector.extract_strided_slice %get3A_1504 {offsets = [9], sizes = [1], strides = [1]} : vector<16xi32> to vector<1xi32>
            %squeeze3A_1569 = vector.extract %slice3A_1568[0] : i32 from vector<1xi32>
            %broadcast_in_dim3A_1570 = vector.broadcast %squeeze3A_1569 : i32 to vector<16xi32>
            %bitcast3A_1571 = vector.bitcast %broadcast_in_dim3A_1570 : vector<16xi32> to vector<16xi32>
            %ge3A_1572 = arith.cmpi uge, %bitcast3A_1571, %bitcast3A_1276 : vector<16xi32>
            %select_n3A_1573 = arith.select %ge3A_1572, %broadcast_in_dim3A_2, %broadcast_in_dim3A_6 : vector<16xi1>, vector<16xi32>
            %add3A_1574 = arith.addi %add3A_1567, %select_n3A_1573 : vector<16xi32>
            %slice3A_1575 = vector.extract_strided_slice %get3A_1504 {offsets = [10], sizes = [1], strides = [1]} : vector<16xi32> to vector<1xi32>
            %squeeze3A_1576 = vector.extract %slice3A_1575[0] : i32 from vector<1xi32>
            %broadcast_in_dim3A_1577 = vector.broadcast %squeeze3A_1576 : i32 to vector<16xi32>
            %bitcast3A_1578 = vector.bitcast %broadcast_in_dim3A_1577 : vector<16xi32> to vector<16xi32>
            %ge3A_1579 = arith.cmpi uge, %bitcast3A_1578, %bitcast3A_1276 : vector<16xi32>
            %select_n3A_1580 = arith.select %ge3A_1579, %broadcast_in_dim3A_2, %broadcast_in_dim3A_6 : vector<16xi1>, vector<16xi32>
            %add3A_1581 = arith.addi %add3A_1574, %select_n3A_1580 : vector<16xi32>
            %slice3A_1582 = vector.extract_strided_slice %get3A_1504 {offsets = [11], sizes = [1], strides = [1]} : vector<16xi32> to vector<1xi32>
            %squeeze3A_1583 = vector.extract %slice3A_1582[0] : i32 from vector<1xi32>
            %broadcast_in_dim3A_1584 = vector.broadcast %squeeze3A_1583 : i32 to vector<16xi32>
            %bitcast3A_1585 = vector.bitcast %broadcast_in_dim3A_1584 : vector<16xi32> to vector<16xi32>
            %ge3A_1586 = arith.cmpi uge, %bitcast3A_1585, %bitcast3A_1276 : vector<16xi32>
            %select_n3A_1587 = arith.select %ge3A_1586, %broadcast_in_dim3A_2, %broadcast_in_dim3A_6 : vector<16xi1>, vector<16xi32>
            %add3A_1588 = arith.addi %add3A_1581, %select_n3A_1587 : vector<16xi32>
            %slice3A_1589 = vector.extract_strided_slice %get3A_1504 {offsets = [12], sizes = [1], strides = [1]} : vector<16xi32> to vector<1xi32>
            %squeeze3A_1590 = vector.extract %slice3A_1589[0] : i32 from vector<1xi32>
            %broadcast_in_dim3A_1591 = vector.broadcast %squeeze3A_1590 : i32 to vector<16xi32>
            %bitcast3A_1592 = vector.bitcast %broadcast_in_dim3A_1591 : vector<16xi32> to vector<16xi32>
            %ge3A_1593 = arith.cmpi uge, %bitcast3A_1592, %bitcast3A_1276 : vector<16xi32>
            %select_n3A_1594 = arith.select %ge3A_1593, %broadcast_in_dim3A_2, %broadcast_in_dim3A_6 : vector<16xi1>, vector<16xi32>
            %add3A_1595 = arith.addi %add3A_1588, %select_n3A_1594 : vector<16xi32>
            %slice3A_1596 = vector.extract_strided_slice %get3A_1504 {offsets = [13], sizes = [1], strides = [1]} : vector<16xi32> to vector<1xi32>
            %squeeze3A_1597 = vector.extract %slice3A_1596[0] : i32 from vector<1xi32>
            %broadcast_in_dim3A_1598 = vector.broadcast %squeeze3A_1597 : i32 to vector<16xi32>
            %bitcast3A_1599 = vector.bitcast %broadcast_in_dim3A_1598 : vector<16xi32> to vector<16xi32>
            %ge3A_1600 = arith.cmpi uge, %bitcast3A_1599, %bitcast3A_1276 : vector<16xi32>
            %select_n3A_1601 = arith.select %ge3A_1600, %broadcast_in_dim3A_2, %broadcast_in_dim3A_6 : vector<16xi1>, vector<16xi32>
            %add3A_1602 = arith.addi %add3A_1595, %select_n3A_1601 : vector<16xi32>
            %slice3A_1603 = vector.extract_strided_slice %get3A_1504 {offsets = [14], sizes = [1], strides = [1]} : vector<16xi32> to vector<1xi32>
            %squeeze3A_1604 = vector.extract %slice3A_1603[0] : i32 from vector<1xi32>
            %broadcast_in_dim3A_1605 = vector.broadcast %squeeze3A_1604 : i32 to vector<16xi32>
            %bitcast3A_1606 = vector.bitcast %broadcast_in_dim3A_1605 : vector<16xi32> to vector<16xi32>
            %ge3A_1607 = arith.cmpi uge, %bitcast3A_1606, %bitcast3A_1276 : vector<16xi32>
            %select_n3A_1608 = arith.select %ge3A_1607, %broadcast_in_dim3A_2, %broadcast_in_dim3A_6 : vector<16xi1>, vector<16xi32>
            %add3A_1609 = arith.addi %add3A_1602, %select_n3A_1608 : vector<16xi32>
            %slice3A_1610 = vector.extract_strided_slice %get3A_1504 {offsets = [15], sizes = [1], strides = [1]} : vector<16xi32> to vector<1xi32>
            %squeeze3A_1611 = vector.extract %slice3A_1610[0] : i32 from vector<1xi32>
            %broadcast_in_dim3A_1612 = vector.broadcast %squeeze3A_1611 : i32 to vector<16xi32>
            %bitcast3A_1613 = vector.bitcast %broadcast_in_dim3A_1612 : vector<16xi32> to vector<16xi32>
            %ge3A_1614 = arith.cmpi uge, %bitcast3A_1613, %bitcast3A_1276 : vector<16xi32>
            %select_n3A_1615 = arith.select %ge3A_1614, %broadcast_in_dim3A_2, %broadcast_in_dim3A_6 : vector<16xi1>, vector<16xi32>
            %add3A_1616 = arith.addi %add3A_1609, %select_n3A_1615 : vector<16xi32>
            scf.yield %add3A_1616 : vector<16xi32>
          }
          %while3A_1285 = arith.constant 1 : i32
          %while3A_1286 = scf.for %while3A_1499 = %while3A_1282 to %while3A_1278 step %while3A_1285 iter_args(%while3A_1500 = %while3A_1284) -> (vector<16xi32>)  : i32 {
            %mul3A_1501 = arith.constant 16 : i32
            %mul3A_1502 = arith.muli %while3A_1499, %mul3A_1501 : i32
            %get3A_1503 = arith.index_cast %mul3A_1502 : i32 to index
            %get3A_1504 = tpu.vector_load %arg11[%get3A_1503] {strides = array<i32>} : memref<272xi32, #tpu.memory_space<vmem>>, vector<16xi32>,
            %slice3A_1505 = vector.extract_strided_slice %get3A_1504 {offsets = [0], sizes = [1], strides = [1]} : vector<16xi32> to vector<1xi32>
            %squeeze3A_1506 = vector.extract %slice3A_1505[0] : i32 from vector<1xi32>
            %broadcast_in_dim3A_1507 = vector.broadcast %squeeze3A_1506 : i32 to vector<16xi32>
            %bitcast3A_1508 = vector.bitcast %broadcast_in_dim3A_1507 : vector<16xi32> to vector<16xi32>
            %ge3A_1509 = arith.cmpi uge, %bitcast3A_1508, %bitcast3A_1276 : vector<16xi32>
            %select_n3A_1510 = arith.select %ge3A_1509, %broadcast_in_dim3A_2, %broadcast_in_dim3A_6 : vector<16xi1>, vector<16xi32>
            %add3A_1511 = arith.addi %while3A_1500, %select_n3A_1510 : vector<16xi32>
            %slice3A_1512 = vector.extract_strided_slice %get3A_1504 {offsets = [1], sizes = [1], strides = [1]} : vector<16xi32> to vector<1xi32>
            %squeeze3A_1513 = vector.extract %slice3A_1512[0] : i32 from vector<1xi32>
            %broadcast_in_dim3A_1514 = vector.broadcast %squeeze3A_1513 : i32 to vector<16xi32>
            %bitcast3A_1515 = vector.bitcast %broadcast_in_dim3A_1514 : vector<16xi32> to vector<16xi32>
            %ge3A_1516 = arith.cmpi uge, %bitcast3A_1515, %bitcast3A_1276 : vector<16xi32>
            %select_n3A_1517 = arith.select %ge3A_1516, %broadcast_in_dim3A_2, %broadcast_in_dim3A_6 : vector<16xi1>, vector<16xi32>
            %add3A_1518 = arith.addi %add3A_1511, %select_n3A_1517 : vector<16xi32>
            %slice3A_1519 = vector.extract_strided_slice %get3A_1504 {offsets = [2], sizes = [1], strides = [1]} : vector<16xi32> to vector<1xi32>
            %squeeze3A_1520 = vector.extract %slice3A_1519[0] : i32 from vector<1xi32>
            %broadcast_in_dim3A_1521 = vector.broadcast %squeeze3A_1520 : i32 to vector<16xi32>
            %bitcast3A_1522 = vector.bitcast %broadcast_in_dim3A_1521 : vector<16xi32> to vector<16xi32>
            %ge3A_1523 = arith.cmpi uge, %bitcast3A_1522, %bitcast3A_1276 : vector<16xi32>
            %select_n3A_1524 = arith.select %ge3A_1523, %broadcast_in_dim3A_2, %broadcast_in_dim3A_6 : vector<16xi1>, vector<16xi32>
            %add3A_1525 = arith.addi %add3A_1518, %select_n3A_1524 : vector<16xi32>
            %slice3A_1526 = vector.extract_strided_slice %get3A_1504 {offsets = [3], sizes = [1], strides = [1]} : vector<16xi32> to vector<1xi32>
            %squeeze3A_1527 = vector.extract %slice3A_1526[0] : i32 from vector<1xi32>
            %broadcast_in_dim3A_1528 = vector.broadcast %squeeze3A_1527 : i32 to vector<16xi32>
            %bitcast3A_1529 = vector.bitcast %broadcast_in_dim3A_1528 : vector<16xi32> to vector<16xi32>
            %ge3A_1530 = arith.cmpi uge, %bitcast3A_1529, %bitcast3A_1276 : vector<16xi32>
            %select_n3A_1531 = arith.select %ge3A_1530, %broadcast_in_dim3A_2, %broadcast_in_dim3A_6 : vector<16xi1>, vector<16xi32>
            %add3A_1532 = arith.addi %add3A_1525, %select_n3A_1531 : vector<16xi32>
            %slice3A_1533 = vector.extract_strided_slice %get3A_1504 {offsets = [4], sizes = [1], strides = [1]} : vector<16xi32> to vector<1xi32>
            %squeeze3A_1534 = vector.extract %slice3A_1533[0] : i32 from vector<1xi32>
            %broadcast_in_dim3A_1535 = vector.broadcast %squeeze3A_1534 : i32 to vector<16xi32>
            %bitcast3A_1536 = vector.bitcast %broadcast_in_dim3A_1535 : vector<16xi32> to vector<16xi32>
            %ge3A_1537 = arith.cmpi uge, %bitcast3A_1536, %bitcast3A_1276 : vector<16xi32>
            %select_n3A_1538 = arith.select %ge3A_1537, %broadcast_in_dim3A_2, %broadcast_in_dim3A_6 : vector<16xi1>, vector<16xi32>
            %add3A_1539 = arith.addi %add3A_1532, %select_n3A_1538 : vector<16xi32>
            %slice3A_1540 = vector.extract_strided_slice %get3A_1504 {offsets = [5], sizes = [1], strides = [1]} : vector<16xi32> to vector<1xi32>
            %squeeze3A_1541 = vector.extract %slice3A_1540[0] : i32 from vector<1xi32>
            %broadcast_in_dim3A_1542 = vector.broadcast %squeeze3A_1541 : i32 to vector<16xi32>
            %bitcast3A_1543 = vector.bitcast %broadcast_in_dim3A_1542 : vector<16xi32> to vector<16xi32>
            %ge3A_1544 = arith.cmpi uge, %bitcast3A_1543, %bitcast3A_1276 : vector<16xi32>
            %select_n3A_1545 = arith.select %ge3A_1544, %broadcast_in_dim3A_2, %broadcast_in_dim3A_6 : vector<16xi1>, vector<16xi32>
            %add3A_1546 = arith.addi %add3A_1539, %select_n3A_1545 : vector<16xi32>
            %slice3A_1547 = vector.extract_strided_slice %get3A_1504 {offsets = [6], sizes = [1], strides = [1]} : vector<16xi32> to vector<1xi32>
            %squeeze3A_1548 = vector.extract %slice3A_1547[0] : i32 from vector<1xi32>
            %broadcast_in_dim3A_1549 = vector.broadcast %squeeze3A_1548 : i32 to vector<16xi32>
            %bitcast3A_1550 = vector.bitcast %broadcast_in_dim3A_1549 : vector<16xi32> to vector<16xi32>
            %ge3A_1551 = arith.cmpi uge, %bitcast3A_1550, %bitcast3A_1276 : vector<16xi32>
            %select_n3A_1552 = arith.select %ge3A_1551, %broadcast_in_dim3A_2, %broadcast_in_dim3A_6 : vector<16xi1>, vector<16xi32>
            %add3A_1553 = arith.addi %add3A_1546, %select_n3A_1552 : vector<16xi32>
            %slice3A_1554 = vector.extract_strided_slice %get3A_1504 {offsets = [7], sizes = [1], strides = [1]} : vector<16xi32> to vector<1xi32>
            %squeeze3A_1555 = vector.extract %slice3A_1554[0] : i32 from vector<1xi32>
            %broadcast_in_dim3A_1556 = vector.broadcast %squeeze3A_1555 : i32 to vector<16xi32>
            %bitcast3A_1557 = vector.bitcast %broadcast_in_dim3A_1556 : vector<16xi32> to vector<16xi32>
            %ge3A_1558 = arith.cmpi uge, %bitcast3A_1557, %bitcast3A_1276 : vector<16xi32>
            %select_n3A_1559 = arith.select %ge3A_1558, %broadcast_in_dim3A_2, %broadcast_in_dim3A_6 : vector<16xi1>, vector<16xi32>
            %add3A_1560 = arith.addi %add3A_1553, %select_n3A_1559 : vector<16xi32>
            %slice3A_1561 = vector.extract_strided_slice %get3A_1504 {offsets = [8], sizes = [1], strides = [1]} : vector<16xi32> to vector<1xi32>
            %squeeze3A_1562 = vector.extract %slice3A_1561[0] : i32 from vector<1xi32>
            %broadcast_in_dim3A_1563 = vector.broadcast %squeeze3A_1562 : i32 to vector<16xi32>
            %bitcast3A_1564 = vector.bitcast %broadcast_in_dim3A_1563 : vector<16xi32> to vector<16xi32>
            %ge3A_1565 = arith.cmpi uge, %bitcast3A_1564, %bitcast3A_1276 : vector<16xi32>
            %select_n3A_1566 = arith.select %ge3A_1565, %broadcast_in_dim3A_2, %broadcast_in_dim3A_6 : vector<16xi1>, vector<16xi32>
            %add3A_1567 = arith.addi %add3A_1560, %select_n3A_1566 : vector<16xi32>
            %slice3A_1568 = vector.extract_strided_slice %get3A_1504 {offsets = [9], sizes = [1], strides = [1]} : vector<16xi32> to vector<1xi32>
            %squeeze3A_1569 = vector.extract %slice3A_1568[0] : i32 from vector<1xi32>
            %broadcast_in_dim3A_1570 = vector.broadcast %squeeze3A_1569 : i32 to vector<16xi32>
            %bitcast3A_1571 = vector.bitcast %broadcast_in_dim3A_1570 : vector<16xi32> to vector<16xi32>
            %ge3A_1572 = arith.cmpi uge, %bitcast3A_1571, %bitcast3A_1276 : vector<16xi32>
            %select_n3A_1573 = arith.select %ge3A_1572, %broadcast_in_dim3A_2, %broadcast_in_dim3A_6 : vector<16xi1>, vector<16xi32>
            %add3A_1574 = arith.addi %add3A_1567, %select_n3A_1573 : vector<16xi32>
            %slice3A_1575 = vector.extract_strided_slice %get3A_1504 {offsets = [10], sizes = [1], strides = [1]} : vector<16xi32> to vector<1xi32>
            %squeeze3A_1576 = vector.extract %slice3A_1575[0] : i32 from vector<1xi32>
            %broadcast_in_dim3A_1577 = vector.broadcast %squeeze3A_1576 : i32 to vector<16xi32>
            %bitcast3A_1578 = vector.bitcast %broadcast_in_dim3A_1577 : vector<16xi32> to vector<16xi32>
            %ge3A_1579 = arith.cmpi uge, %bitcast3A_1578, %bitcast3A_1276 : vector<16xi32>
            %select_n3A_1580 = arith.select %ge3A_1579, %broadcast_in_dim3A_2, %broadcast_in_dim3A_6 : vector<16xi1>, vector<16xi32>
            %add3A_1581 = arith.addi %add3A_1574, %select_n3A_1580 : vector<16xi32>
            %slice3A_1582 = vector.extract_strided_slice %get3A_1504 {offsets = [11], sizes = [1], strides = [1]} : vector<16xi32> to vector<1xi32>
            %squeeze3A_1583 = vector.extract %slice3A_1582[0] : i32 from vector<1xi32>
            %broadcast_in_dim3A_1584 = vector.broadcast %squeeze3A_1583 : i32 to vector<16xi32>
            %bitcast3A_1585 = vector.bitcast %broadcast_in_dim3A_1584 : vector<16xi32> to vector<16xi32>
            %ge3A_1586 = arith.cmpi uge, %bitcast3A_1585, %bitcast3A_1276 : vector<16xi32>
            %select_n3A_1587 = arith.select %ge3A_1586, %broadcast_in_dim3A_2, %broadcast_in_dim3A_6 : vector<16xi1>, vector<16xi32>
            %add3A_1588 = arith.addi %add3A_1581, %select_n3A_1587 : vector<16xi32>
            %slice3A_1589 = vector.extract_strided_slice %get3A_1504 {offsets = [12], sizes = [1], strides = [1]} : vector<16xi32> to vector<1xi32>
            %squeeze3A_1590 = vector.extract %slice3A_1589[0] : i32 from vector<1xi32>
            %broadcast_in_dim3A_1591 = vector.broadcast %squeeze3A_1590 : i32 to vector<16xi32>
            %bitcast3A_1592 = vector.bitcast %broadcast_in_dim3A_1591 : vector<16xi32> to vector<16xi32>
            %ge3A_1593 = arith.cmpi uge, %bitcast3A_1592, %bitcast3A_1276 : vector<16xi32>
            %select_n3A_1594 = arith.select %ge3A_1593, %broadcast_in_dim3A_2, %broadcast_in_dim3A_6 : vector<16xi1>, vector<16xi32>
            %add3A_1595 = arith.addi %add3A_1588, %select_n3A_1594 : vector<16xi32>
            %slice3A_1596 = vector.extract_strided_slice %get3A_1504 {offsets = [13], sizes = [1], strides = [1]} : vector<16xi32> to vector<1xi32>
            %squeeze3A_1597 = vector.extract %slice3A_1596[0] : i32 from vector<1xi32>
            %broadcast_in_dim3A_1598 = vector.broadcast %squeeze3A_1597 : i32 to vector<16xi32>
            %bitcast3A_1599 = vector.bitcast %broadcast_in_dim3A_1598 : vector<16xi32> to vector<16xi32>
            %ge3A_1600 = arith.cmpi uge, %bitcast3A_1599, %bitcast3A_1276 : vector<16xi32>
            %select_n3A_1601 = arith.select %ge3A_1600, %broadcast_in_dim3A_2, %broadcast_in_dim3A_6 : vector<16xi1>, vector<16xi32>
            %add3A_1602 = arith.addi %add3A_1595, %select_n3A_1601 : vector<16xi32>
            %slice3A_1603 = vector.extract_strided_slice %get3A_1504 {offsets = [14], sizes = [1], strides = [1]} : vector<16xi32> to vector<1xi32>
            %squeeze3A_1604 = vector.extract %slice3A_1603[0] : i32 from vector<1xi32>
            %broadcast_in_dim3A_1605 = vector.broadcast %squeeze3A_1604 : i32 to vector<16xi32>
            %bitcast3A_1606 = vector.bitcast %broadcast_in_dim3A_1605 : vector<16xi32> to vector<16xi32>
            %ge3A_1607 = arith.cmpi uge, %bitcast3A_1606, %bitcast3A_1276 : vector<16xi32>
            %select_n3A_1608 = arith.select %ge3A_1607, %broadcast_in_dim3A_2, %broadcast_in_dim3A_6 : vector<16xi1>, vector<16xi32>
            %add3A_1609 = arith.addi %add3A_1602, %select_n3A_1608 : vector<16xi32>
            %slice3A_1610 = vector.extract_strided_slice %get3A_1504 {offsets = [15], sizes = [1], strides = [1]} : vector<16xi32> to vector<1xi32>
            %squeeze3A_1611 = vector.extract %slice3A_1610[0] : i32 from vector<1xi32>
            %broadcast_in_dim3A_1612 = vector.broadcast %squeeze3A_1611 : i32 to vector<16xi32>
            %bitcast3A_1613 = vector.bitcast %broadcast_in_dim3A_1612 : vector<16xi32> to vector<16xi32>
            %ge3A_1614 = arith.cmpi uge, %bitcast3A_1613, %bitcast3A_1276 : vector<16xi32>
            %select_n3A_1615 = arith.select %ge3A_1614, %broadcast_in_dim3A_2, %broadcast_in_dim3A_6 : vector<16xi1>, vector<16xi32>
            %add3A_1616 = arith.addi %add3A_1609, %select_n3A_1615 : vector<16xi32>
            scf.yield %add3A_1616 : vector<16xi32>
          }
          %add3A_1287 = arith.constant 1 : i32
          %add3A_1288 = arith.addi %scan3A_1271, %add3A_1287 : i32
          %while3A_1289 = arith.constant 16 : i32
          %while3A_1290 = arith.subi %while3A_1289, %add3A_1288 : i32
          %while3A_1291 = arith.addi %add3A_1288, %while3A_1290 : i32
          %while3A_1292 = arith.constant 1 : i32
          %while3A_1293 = arith.divsi %while3A_1290, %while3A_1292 : i32
          %while3A_1294 = arith.muli %while3A_1293, %while3A_1292 : i32
          %while3A_1295 = arith.addi %add3A_1288, %while3A_1294 : i32
          %while3A_1296 = arith.constant 1 : i32
          %while3A_1297 = scf.for %while3A_1499 = %add3A_1288 to %while3A_1295 step %while3A_1296 iter_args(%while3A_1500 = %while3A_1286) -> (vector<16xi32>)  : i32 {
            %mul3A_1501 = arith.constant 16 : i32
            %mul3A_1502 = arith.muli %while3A_1499, %mul3A_1501 : i32
            %get3A_1503 = arith.index_cast %mul3A_1502 : i32 to index
            %get3A_1504 = tpu.vector_load %arg11[%get3A_1503] {strides = array<i32>} : memref<272xi32, #tpu.memory_space<vmem>>, vector<16xi32>,
            %slice3A_1505 = vector.extract_strided_slice %get3A_1504 {offsets = [0], sizes = [1], strides = [1]} : vector<16xi32> to vector<1xi32>
            %squeeze3A_1506 = vector.extract %slice3A_1505[0] : i32 from vector<1xi32>
            %broadcast_in_dim3A_1507 = vector.broadcast %squeeze3A_1506 : i32 to vector<16xi32>
            %bitcast3A_1508 = vector.bitcast %broadcast_in_dim3A_1507 : vector<16xi32> to vector<16xi32>
            %gt3A_1509 = arith.cmpi ugt, %bitcast3A_1508, %bitcast3A_1276 : vector<16xi32>
            %select_n3A_1510 = arith.select %gt3A_1509, %broadcast_in_dim3A_2, %broadcast_in_dim3A_6 : vector<16xi1>, vector<16xi32>
            %add3A_1511 = arith.addi %while3A_1500, %select_n3A_1510 : vector<16xi32>
            %slice3A_1512 = vector.extract_strided_slice %get3A_1504 {offsets = [1], sizes = [1], strides = [1]} : vector<16xi32> to vector<1xi32>
            %squeeze3A_1513 = vector.extract %slice3A_1512[0] : i32 from vector<1xi32>
            %broadcast_in_dim3A_1514 = vector.broadcast %squeeze3A_1513 : i32 to vector<16xi32>
            %bitcast3A_1515 = vector.bitcast %broadcast_in_dim3A_1514 : vector<16xi32> to vector<16xi32>
            %gt3A_1516 = arith.cmpi ugt, %bitcast3A_1515, %bitcast3A_1276 : vector<16xi32>
            %select_n3A_1517 = arith.select %gt3A_1516, %broadcast_in_dim3A_2, %broadcast_in_dim3A_6 : vector<16xi1>, vector<16xi32>
            %add3A_1518 = arith.addi %add3A_1511, %select_n3A_1517 : vector<16xi32>
            %slice3A_1519 = vector.extract_strided_slice %get3A_1504 {offsets = [2], sizes = [1], strides = [1]} : vector<16xi32> to vector<1xi32>
            %squeeze3A_1520 = vector.extract %slice3A_1519[0] : i32 from vector<1xi32>
            %broadcast_in_dim3A_1521 = vector.broadcast %squeeze3A_1520 : i32 to vector<16xi32>
            %bitcast3A_1522 = vector.bitcast %broadcast_in_dim3A_1521 : vector<16xi32> to vector<16xi32>
            %gt3A_1523 = arith.cmpi ugt, %bitcast3A_1522, %bitcast3A_1276 : vector<16xi32>
            %select_n3A_1524 = arith.select %gt3A_1523, %broadcast_in_dim3A_2, %broadcast_in_dim3A_6 : vector<16xi1>, vector<16xi32>
            %add3A_1525 = arith.addi %add3A_1518, %select_n3A_1524 : vector<16xi32>
            %slice3A_1526 = vector.extract_strided_slice %get3A_1504 {offsets = [3], sizes = [1], strides = [1]} : vector<16xi32> to vector<1xi32>
            %squeeze3A_1527 = vector.extract %slice3A_1526[0] : i32 from vector<1xi32>
            %broadcast_in_dim3A_1528 = vector.broadcast %squeeze3A_1527 : i32 to vector<16xi32>
            %bitcast3A_1529 = vector.bitcast %broadcast_in_dim3A_1528 : vector<16xi32> to vector<16xi32>
            %gt3A_1530 = arith.cmpi ugt, %bitcast3A_1529, %bitcast3A_1276 : vector<16xi32>
            %select_n3A_1531 = arith.select %gt3A_1530, %broadcast_in_dim3A_2, %broadcast_in_dim3A_6 : vector<16xi1>, vector<16xi32>
            %add3A_1532 = arith.addi %add3A_1525, %select_n3A_1531 : vector<16xi32>
            %slice3A_1533 = vector.extract_strided_slice %get3A_1504 {offsets = [4], sizes = [1], strides = [1]} : vector<16xi32> to vector<1xi32>
            %squeeze3A_1534 = vector.extract %slice3A_1533[0] : i32 from vector<1xi32>
            %broadcast_in_dim3A_1535 = vector.broadcast %squeeze3A_1534 : i32 to vector<16xi32>
            %bitcast3A_1536 = vector.bitcast %broadcast_in_dim3A_1535 : vector<16xi32> to vector<16xi32>
            %gt3A_1537 = arith.cmpi ugt, %bitcast3A_1536, %bitcast3A_1276 : vector<16xi32>
            %select_n3A_1538 = arith.select %gt3A_1537, %broadcast_in_dim3A_2, %broadcast_in_dim3A_6 : vector<16xi1>, vector<16xi32>
            %add3A_1539 = arith.addi %add3A_1532, %select_n3A_1538 : vector<16xi32>
            %slice3A_1540 = vector.extract_strided_slice %get3A_1504 {offsets = [5], sizes = [1], strides = [1]} : vector<16xi32> to vector<1xi32>
            %squeeze3A_1541 = vector.extract %slice3A_1540[0] : i32 from vector<1xi32>
            %broadcast_in_dim3A_1542 = vector.broadcast %squeeze3A_1541 : i32 to vector<16xi32>
            %bitcast3A_1543 = vector.bitcast %broadcast_in_dim3A_1542 : vector<16xi32> to vector<16xi32>
            %gt3A_1544 = arith.cmpi ugt, %bitcast3A_1543, %bitcast3A_1276 : vector<16xi32>
            %select_n3A_1545 = arith.select %gt3A_1544, %broadcast_in_dim3A_2, %broadcast_in_dim3A_6 : vector<16xi1>, vector<16xi32>
            %add3A_1546 = arith.addi %add3A_1539, %select_n3A_1545 : vector<16xi32>
            %slice3A_1547 = vector.extract_strided_slice %get3A_1504 {offsets = [6], sizes = [1], strides = [1]} : vector<16xi32> to vector<1xi32>
            %squeeze3A_1548 = vector.extract %slice3A_1547[0] : i32 from vector<1xi32>
            %broadcast_in_dim3A_1549 = vector.broadcast %squeeze3A_1548 : i32 to vector<16xi32>
            %bitcast3A_1550 = vector.bitcast %broadcast_in_dim3A_1549 : vector<16xi32> to vector<16xi32>
            %gt3A_1551 = arith.cmpi ugt, %bitcast3A_1550, %bitcast3A_1276 : vector<16xi32>
            %select_n3A_1552 = arith.select %gt3A_1551, %broadcast_in_dim3A_2, %broadcast_in_dim3A_6 : vector<16xi1>, vector<16xi32>
            %add3A_1553 = arith.addi %add3A_1546, %select_n3A_1552 : vector<16xi32>
            %slice3A_1554 = vector.extract_strided_slice %get3A_1504 {offsets = [7], sizes = [1], strides = [1]} : vector<16xi32> to vector<1xi32>
            %squeeze3A_1555 = vector.extract %slice3A_1554[0] : i32 from vector<1xi32>
            %broadcast_in_dim3A_1556 = vector.broadcast %squeeze3A_1555 : i32 to vector<16xi32>
            %bitcast3A_1557 = vector.bitcast %broadcast_in_dim3A_1556 : vector<16xi32> to vector<16xi32>
            %gt3A_1558 = arith.cmpi ugt, %bitcast3A_1557, %bitcast3A_1276 : vector<16xi32>
            %select_n3A_1559 = arith.select %gt3A_1558, %broadcast_in_dim3A_2, %broadcast_in_dim3A_6 : vector<16xi1>, vector<16xi32>
            %add3A_1560 = arith.addi %add3A_1553, %select_n3A_1559 : vector<16xi32>
            %slice3A_1561 = vector.extract_strided_slice %get3A_1504 {offsets = [8], sizes = [1], strides = [1]} : vector<16xi32> to vector<1xi32>
            %squeeze3A_1562 = vector.extract %slice3A_1561[0] : i32 from vector<1xi32>
            %broadcast_in_dim3A_1563 = vector.broadcast %squeeze3A_1562 : i32 to vector<16xi32>
            %bitcast3A_1564 = vector.bitcast %broadcast_in_dim3A_1563 : vector<16xi32> to vector<16xi32>
            %gt3A_1565 = arith.cmpi ugt, %bitcast3A_1564, %bitcast3A_1276 : vector<16xi32>
            %select_n3A_1566 = arith.select %gt3A_1565, %broadcast_in_dim3A_2, %broadcast_in_dim3A_6 : vector<16xi1>, vector<16xi32>
            %add3A_1567 = arith.addi %add3A_1560, %select_n3A_1566 : vector<16xi32>
            %slice3A_1568 = vector.extract_strided_slice %get3A_1504 {offsets = [9], sizes = [1], strides = [1]} : vector<16xi32> to vector<1xi32>
            %squeeze3A_1569 = vector.extract %slice3A_1568[0] : i32 from vector<1xi32>
            %broadcast_in_dim3A_1570 = vector.broadcast %squeeze3A_1569 : i32 to vector<16xi32>
            %bitcast3A_1571 = vector.bitcast %broadcast_in_dim3A_1570 : vector<16xi32> to vector<16xi32>
            %gt3A_1572 = arith.cmpi ugt, %bitcast3A_1571, %bitcast3A_1276 : vector<16xi32>
            %select_n3A_1573 = arith.select %gt3A_1572, %broadcast_in_dim3A_2, %broadcast_in_dim3A_6 : vector<16xi1>, vector<16xi32>
            %add3A_1574 = arith.addi %add3A_1567, %select_n3A_1573 : vector<16xi32>
            %slice3A_1575 = vector.extract_strided_slice %get3A_1504 {offsets = [10], sizes = [1], strides = [1]} : vector<16xi32> to vector<1xi32>
            %squeeze3A_1576 = vector.extract %slice3A_1575[0] : i32 from vector<1xi32>
            %broadcast_in_dim3A_1577 = vector.broadcast %squeeze3A_1576 : i32 to vector<16xi32>
            %bitcast3A_1578 = vector.bitcast %broadcast_in_dim3A_1577 : vector<16xi32> to vector<16xi32>
            %gt3A_1579 = arith.cmpi ugt, %bitcast3A_1578, %bitcast3A_1276 : vector<16xi32>
            %select_n3A_1580 = arith.select %gt3A_1579, %broadcast_in_dim3A_2, %broadcast_in_dim3A_6 : vector<16xi1>, vector<16xi32>
            %add3A_1581 = arith.addi %add3A_1574, %select_n3A_1580 : vector<16xi32>
            %slice3A_1582 = vector.extract_strided_slice %get3A_1504 {offsets = [11], sizes = [1], strides = [1]} : vector<16xi32> to vector<1xi32>
            %squeeze3A_1583 = vector.extract %slice3A_1582[0] : i32 from vector<1xi32>
            %broadcast_in_dim3A_1584 = vector.broadcast %squeeze3A_1583 : i32 to vector<16xi32>
            %bitcast3A_1585 = vector.bitcast %broadcast_in_dim3A_1584 : vector<16xi32> to vector<16xi32>
            %gt3A_1586 = arith.cmpi ugt, %bitcast3A_1585, %bitcast3A_1276 : vector<16xi32>
            %select_n3A_1587 = arith.select %gt3A_1586, %broadcast_in_dim3A_2, %broadcast_in_dim3A_6 : vector<16xi1>, vector<16xi32>
            %add3A_1588 = arith.addi %add3A_1581, %select_n3A_1587 : vector<16xi32>
            %slice3A_1589 = vector.extract_strided_slice %get3A_1504 {offsets = [12], sizes = [1], strides = [1]} : vector<16xi32> to vector<1xi32>
            %squeeze3A_1590 = vector.extract %slice3A_1589[0] : i32 from vector<1xi32>
            %broadcast_in_dim3A_1591 = vector.broadcast %squeeze3A_1590 : i32 to vector<16xi32>
            %bitcast3A_1592 = vector.bitcast %broadcast_in_dim3A_1591 : vector<16xi32> to vector<16xi32>
            %gt3A_1593 = arith.cmpi ugt, %bitcast3A_1592, %bitcast3A_1276 : vector<16xi32>
            %select_n3A_1594 = arith.select %gt3A_1593, %broadcast_in_dim3A_2, %broadcast_in_dim3A_6 : vector<16xi1>, vector<16xi32>
            %add3A_1595 = arith.addi %add3A_1588, %select_n3A_1594 : vector<16xi32>
            %slice3A_1596 = vector.extract_strided_slice %get3A_1504 {offsets = [13], sizes = [1], strides = [1]} : vector<16xi32> to vector<1xi32>
            %squeeze3A_1597 = vector.extract %slice3A_1596[0] : i32 from vector<1xi32>
            %broadcast_in_dim3A_1598 = vector.broadcast %squeeze3A_1597 : i32 to vector<16xi32>
            %bitcast3A_1599 = vector.bitcast %broadcast_in_dim3A_1598 : vector<16xi32> to vector<16xi32>
            %gt3A_1600 = arith.cmpi ugt, %bitcast3A_1599, %bitcast3A_1276 : vector<16xi32>
            %select_n3A_1601 = arith.select %gt3A_1600, %broadcast_in_dim3A_2, %broadcast_in_dim3A_6 : vector<16xi1>, vector<16xi32>
            %add3A_1602 = arith.addi %add3A_1595, %select_n3A_1601 : vector<16xi32>
            %slice3A_1603 = vector.extract_strided_slice %get3A_1504 {offsets = [14], sizes = [1], strides = [1]} : vector<16xi32> to vector<1xi32>
            %squeeze3A_1604 = vector.extract %slice3A_1603[0] : i32 from vector<1xi32>
            %broadcast_in_dim3A_1605 = vector.broadcast %squeeze3A_1604 : i32 to vector<16xi32>
            %bitcast3A_1606 = vector.bitcast %broadcast_in_dim3A_1605 : vector<16xi32> to vector<16xi32>
            %gt3A_1607 = arith.cmpi ugt, %bitcast3A_1606, %bitcast3A_1276 : vector<16xi32>
            %select_n3A_1608 = arith.select %gt3A_1607, %broadcast_in_dim3A_2, %broadcast_in_dim3A_6 : vector<16xi1>, vector<16xi32>
            %add3A_1609 = arith.addi %add3A_1602, %select_n3A_1608 : vector<16xi32>
            %slice3A_1610 = vector.extract_strided_slice %get3A_1504 {offsets = [15], sizes = [1], strides = [1]} : vector<16xi32> to vector<1xi32>
            %squeeze3A_1611 = vector.extract %slice3A_1610[0] : i32 from vector<1xi32>
            %broadcast_in_dim3A_1612 = vector.broadcast %squeeze3A_1611 : i32 to vector<16xi32>
            %bitcast3A_1613 = vector.bitcast %broadcast_in_dim3A_1612 : vector<16xi32> to vector<16xi32>
            %gt3A_1614 = arith.cmpi ugt, %bitcast3A_1613, %bitcast3A_1276 : vector<16xi32>
            %select_n3A_1615 = arith.select %gt3A_1614, %broadcast_in_dim3A_2, %broadcast_in_dim3A_6 : vector<16xi1>, vector<16xi32>
            %add3A_1616 = arith.addi %add3A_1609, %select_n3A_1615 : vector<16xi32>
            scf.yield %add3A_1616 : vector<16xi32>
          }
          %while3A_1298 = arith.constant 1 : i32
          %while3A_1299 = scf.for %while3A_1499 = %while3A_1295 to %while3A_1291 step %while3A_1298 iter_args(%while3A_1500 = %while3A_1297) -> (vector<16xi32>)  : i32 {
            %mul3A_1501 = arith.constant 16 : i32
            %mul3A_1502 = arith.muli %while3A_1499, %mul3A_1501 : i32
            %get3A_1503 = arith.index_cast %mul3A_1502 : i32 to index
            %get3A_1504 = tpu.vector_load %arg11[%get3A_1503] {strides = array<i32>} : memref<272xi32, #tpu.memory_space<vmem>>, vector<16xi32>,
            %slice3A_1505 = vector.extract_strided_slice %get3A_1504 {offsets = [0], sizes = [1], strides = [1]} : vector<16xi32> to vector<1xi32>
            %squeeze3A_1506 = vector.extract %slice3A_1505[0] : i32 from vector<1xi32>
            %broadcast_in_dim3A_1507 = vector.broadcast %squeeze3A_1506 : i32 to vector<16xi32>
            %bitcast3A_1508 = vector.bitcast %broadcast_in_dim3A_1507 : vector<16xi32> to vector<16xi32>
            %gt3A_1509 = arith.cmpi ugt, %bitcast3A_1508, %bitcast3A_1276 : vector<16xi32>
            %select_n3A_1510 = arith.select %gt3A_1509, %broadcast_in_dim3A_2, %broadcast_in_dim3A_6 : vector<16xi1>, vector<16xi32>
            %add3A_1511 = arith.addi %while3A_1500, %select_n3A_1510 : vector<16xi32>
            %slice3A_1512 = vector.extract_strided_slice %get3A_1504 {offsets = [1], sizes = [1], strides = [1]} : vector<16xi32> to vector<1xi32>
            %squeeze3A_1513 = vector.extract %slice3A_1512[0] : i32 from vector<1xi32>
            %broadcast_in_dim3A_1514 = vector.broadcast %squeeze3A_1513 : i32 to vector<16xi32>
            %bitcast3A_1515 = vector.bitcast %broadcast_in_dim3A_1514 : vector<16xi32> to vector<16xi32>
            %gt3A_1516 = arith.cmpi ugt, %bitcast3A_1515, %bitcast3A_1276 : vector<16xi32>
            %select_n3A_1517 = arith.select %gt3A_1516, %broadcast_in_dim3A_2, %broadcast_in_dim3A_6 : vector<16xi1>, vector<16xi32>
            %add3A_1518 = arith.addi %add3A_1511, %select_n3A_1517 : vector<16xi32>
            %slice3A_1519 = vector.extract_strided_slice %get3A_1504 {offsets = [2], sizes = [1], strides = [1]} : vector<16xi32> to vector<1xi32>
            %squeeze3A_1520 = vector.extract %slice3A_1519[0] : i32 from vector<1xi32>
            %broadcast_in_dim3A_1521 = vector.broadcast %squeeze3A_1520 : i32 to vector<16xi32>
            %bitcast3A_1522 = vector.bitcast %broadcast_in_dim3A_1521 : vector<16xi32> to vector<16xi32>
            %gt3A_1523 = arith.cmpi ugt, %bitcast3A_1522, %bitcast3A_1276 : vector<16xi32>
            %select_n3A_1524 = arith.select %gt3A_1523, %broadcast_in_dim3A_2, %broadcast_in_dim3A_6 : vector<16xi1>, vector<16xi32>
            %add3A_1525 = arith.addi %add3A_1518, %select_n3A_1524 : vector<16xi32>
            %slice3A_1526 = vector.extract_strided_slice %get3A_1504 {offsets = [3], sizes = [1], strides = [1]} : vector<16xi32> to vector<1xi32>
            %squeeze3A_1527 = vector.extract %slice3A_1526[0] : i32 from vector<1xi32>
            %broadcast_in_dim3A_1528 = vector.broadcast %squeeze3A_1527 : i32 to vector<16xi32>
            %bitcast3A_1529 = vector.bitcast %broadcast_in_dim3A_1528 : vector<16xi32> to vector<16xi32>
            %gt3A_1530 = arith.cmpi ugt, %bitcast3A_1529, %bitcast3A_1276 : vector<16xi32>
            %select_n3A_1531 = arith.select %gt3A_1530, %broadcast_in_dim3A_2, %broadcast_in_dim3A_6 : vector<16xi1>, vector<16xi32>
            %add3A_1532 = arith.addi %add3A_1525, %select_n3A_1531 : vector<16xi32>
            %slice3A_1533 = vector.extract_strided_slice %get3A_1504 {offsets = [4], sizes = [1], strides = [1]} : vector<16xi32> to vector<1xi32>
            %squeeze3A_1534 = vector.extract %slice3A_1533[0] : i32 from vector<1xi32>
            %broadcast_in_dim3A_1535 = vector.broadcast %squeeze3A_1534 : i32 to vector<16xi32>
            %bitcast3A_1536 = vector.bitcast %broadcast_in_dim3A_1535 : vector<16xi32> to vector<16xi32>
            %gt3A_1537 = arith.cmpi ugt, %bitcast3A_1536, %bitcast3A_1276 : vector<16xi32>
            %select_n3A_1538 = arith.select %gt3A_1537, %broadcast_in_dim3A_2, %broadcast_in_dim3A_6 : vector<16xi1>, vector<16xi32>
            %add3A_1539 = arith.addi %add3A_1532, %select_n3A_1538 : vector<16xi32>
            %slice3A_1540 = vector.extract_strided_slice %get3A_1504 {offsets = [5], sizes = [1], strides = [1]} : vector<16xi32> to vector<1xi32>
            %squeeze3A_1541 = vector.extract %slice3A_1540[0] : i32 from vector<1xi32>
            %broadcast_in_dim3A_1542 = vector.broadcast %squeeze3A_1541 : i32 to vector<16xi32>
            %bitcast3A_1543 = vector.bitcast %broadcast_in_dim3A_1542 : vector<16xi32> to vector<16xi32>
            %gt3A_1544 = arith.cmpi ugt, %bitcast3A_1543, %bitcast3A_1276 : vector<16xi32>
            %select_n3A_1545 = arith.select %gt3A_1544, %broadcast_in_dim3A_2, %broadcast_in_dim3A_6 : vector<16xi1>, vector<16xi32>
            %add3A_1546 = arith.addi %add3A_1539, %select_n3A_1545 : vector<16xi32>
            %slice3A_1547 = vector.extract_strided_slice %get3A_1504 {offsets = [6], sizes = [1], strides = [1]} : vector<16xi32> to vector<1xi32>
            %squeeze3A_1548 = vector.extract %slice3A_1547[0] : i32 from vector<1xi32>
            %broadcast_in_dim3A_1549 = vector.broadcast %squeeze3A_1548 : i32 to vector<16xi32>
            %bitcast3A_1550 = vector.bitcast %broadcast_in_dim3A_1549 : vector<16xi32> to vector<16xi32>
            %gt3A_1551 = arith.cmpi ugt, %bitcast3A_1550, %bitcast3A_1276 : vector<16xi32>
            %select_n3A_1552 = arith.select %gt3A_1551, %broadcast_in_dim3A_2, %broadcast_in_dim3A_6 : vector<16xi1>, vector<16xi32>
            %add3A_1553 = arith.addi %add3A_1546, %select_n3A_1552 : vector<16xi32>
            %slice3A_1554 = vector.extract_strided_slice %get3A_1504 {offsets = [7], sizes = [1], strides = [1]} : vector<16xi32> to vector<1xi32>
            %squeeze3A_1555 = vector.extract %slice3A_1554[0] : i32 from vector<1xi32>
            %broadcast_in_dim3A_1556 = vector.broadcast %squeeze3A_1555 : i32 to vector<16xi32>
            %bitcast3A_1557 = vector.bitcast %broadcast_in_dim3A_1556 : vector<16xi32> to vector<16xi32>
            %gt3A_1558 = arith.cmpi ugt, %bitcast3A_1557, %bitcast3A_1276 : vector<16xi32>
            %select_n3A_1559 = arith.select %gt3A_1558, %broadcast_in_dim3A_2, %broadcast_in_dim3A_6 : vector<16xi1>, vector<16xi32>
            %add3A_1560 = arith.addi %add3A_1553, %select_n3A_1559 : vector<16xi32>
            %slice3A_1561 = vector.extract_strided_slice %get3A_1504 {offsets = [8], sizes = [1], strides = [1]} : vector<16xi32> to vector<1xi32>
            %squeeze3A_1562 = vector.extract %slice3A_1561[0] : i32 from vector<1xi32>
            %broadcast_in_dim3A_1563 = vector.broadcast %squeeze3A_1562 : i32 to vector<16xi32>
            %bitcast3A_1564 = vector.bitcast %broadcast_in_dim3A_1563 : vector<16xi32> to vector<16xi32>
            %gt3A_1565 = arith.cmpi ugt, %bitcast3A_1564, %bitcast3A_1276 : vector<16xi32>
            %select_n3A_1566 = arith.select %gt3A_1565, %broadcast_in_dim3A_2, %broadcast_in_dim3A_6 : vector<16xi1>, vector<16xi32>
            %add3A_1567 = arith.addi %add3A_1560, %select_n3A_1566 : vector<16xi32>
            %slice3A_1568 = vector.extract_strided_slice %get3A_1504 {offsets = [9], sizes = [1], strides = [1]} : vector<16xi32> to vector<1xi32>
            %squeeze3A_1569 = vector.extract %slice3A_1568[0] : i32 from vector<1xi32>
            %broadcast_in_dim3A_1570 = vector.broadcast %squeeze3A_1569 : i32 to vector<16xi32>
            %bitcast3A_1571 = vector.bitcast %broadcast_in_dim3A_1570 : vector<16xi32> to vector<16xi32>
            %gt3A_1572 = arith.cmpi ugt, %bitcast3A_1571, %bitcast3A_1276 : vector<16xi32>
            %select_n3A_1573 = arith.select %gt3A_1572, %broadcast_in_dim3A_2, %broadcast_in_dim3A_6 : vector<16xi1>, vector<16xi32>
            %add3A_1574 = arith.addi %add3A_1567, %select_n3A_1573 : vector<16xi32>
            %slice3A_1575 = vector.extract_strided_slice %get3A_1504 {offsets = [10], sizes = [1], strides = [1]} : vector<16xi32> to vector<1xi32>
            %squeeze3A_1576 = vector.extract %slice3A_1575[0] : i32 from vector<1xi32>
            %broadcast_in_dim3A_1577 = vector.broadcast %squeeze3A_1576 : i32 to vector<16xi32>
            %bitcast3A_1578 = vector.bitcast %broadcast_in_dim3A_1577 : vector<16xi32> to vector<16xi32>
            %gt3A_1579 = arith.cmpi ugt, %bitcast3A_1578, %bitcast3A_1276 : vector<16xi32>
            %select_n3A_1580 = arith.select %gt3A_1579, %broadcast_in_dim3A_2, %broadcast_in_dim3A_6 : vector<16xi1>, vector<16xi32>
            %add3A_1581 = arith.addi %add3A_1574, %select_n3A_1580 : vector<16xi32>
            %slice3A_1582 = vector.extract_strided_slice %get3A_1504 {offsets = [11], sizes = [1], strides = [1]} : vector<16xi32> to vector<1xi32>
            %squeeze3A_1583 = vector.extract %slice3A_1582[0] : i32 from vector<1xi32>
            %broadcast_in_dim3A_1584 = vector.broadcast %squeeze3A_1583 : i32 to vector<16xi32>
            %bitcast3A_1585 = vector.bitcast %broadcast_in_dim3A_1584 : vector<16xi32> to vector<16xi32>
            %gt3A_1586 = arith.cmpi ugt, %bitcast3A_1585, %bitcast3A_1276 : vector<16xi32>
            %select_n3A_1587 = arith.select %gt3A_1586, %broadcast_in_dim3A_2, %broadcast_in_dim3A_6 : vector<16xi1>, vector<16xi32>
            %add3A_1588 = arith.addi %add3A_1581, %select_n3A_1587 : vector<16xi32>
            %slice3A_1589 = vector.extract_strided_slice %get3A_1504 {offsets = [12], sizes = [1], strides = [1]} : vector<16xi32> to vector<1xi32>
            %squeeze3A_1590 = vector.extract %slice3A_1589[0] : i32 from vector<1xi32>
            %broadcast_in_dim3A_1591 = vector.broadcast %squeeze3A_1590 : i32 to vector<16xi32>
            %bitcast3A_1592 = vector.bitcast %broadcast_in_dim3A_1591 : vector<16xi32> to vector<16xi32>
            %gt3A_1593 = arith.cmpi ugt, %bitcast3A_1592, %bitcast3A_1276 : vector<16xi32>
            %select_n3A_1594 = arith.select %gt3A_1593, %broadcast_in_dim3A_2, %broadcast_in_dim3A_6 : vector<16xi1>, vector<16xi32>
            %add3A_1595 = arith.addi %add3A_1588, %select_n3A_1594 : vector<16xi32>
            %slice3A_1596 = vector.extract_strided_slice %get3A_1504 {offsets = [13], sizes = [1], strides = [1]} : vector<16xi32> to vector<1xi32>
            %squeeze3A_1597 = vector.extract %slice3A_1596[0] : i32 from vector<1xi32>
            %broadcast_in_dim3A_1598 = vector.broadcast %squeeze3A_1597 : i32 to vector<16xi32>
            %bitcast3A_1599 = vector.bitcast %broadcast_in_dim3A_1598 : vector<16xi32> to vector<16xi32>
            %gt3A_1600 = arith.cmpi ugt, %bitcast3A_1599, %bitcast3A_1276 : vector<16xi32>
            %select_n3A_1601 = arith.select %gt3A_1600, %broadcast_in_dim3A_2, %broadcast_in_dim3A_6 : vector<16xi1>, vector<16xi32>
            %add3A_1602 = arith.addi %add3A_1595, %select_n3A_1601 : vector<16xi32>
            %slice3A_1603 = vector.extract_strided_slice %get3A_1504 {offsets = [14], sizes = [1], strides = [1]} : vector<16xi32> to vector<1xi32>
            %squeeze3A_1604 = vector.extract %slice3A_1603[0] : i32 from vector<1xi32>
            %broadcast_in_dim3A_1605 = vector.broadcast %squeeze3A_1604 : i32 to vector<16xi32>
            %bitcast3A_1606 = vector.bitcast %broadcast_in_dim3A_1605 : vector<16xi32> to vector<16xi32>
            %gt3A_1607 = arith.cmpi ugt, %bitcast3A_1606, %bitcast3A_1276 : vector<16xi32>
            %select_n3A_1608 = arith.select %gt3A_1607, %broadcast_in_dim3A_2, %broadcast_in_dim3A_6 : vector<16xi1>, vector<16xi32>
            %add3A_1609 = arith.addi %add3A_1602, %select_n3A_1608 : vector<16xi32>
            %slice3A_1610 = vector.extract_strided_slice %get3A_1504 {offsets = [15], sizes = [1], strides = [1]} : vector<16xi32> to vector<1xi32>
            %squeeze3A_1611 = vector.extract %slice3A_1610[0] : i32 from vector<1xi32>
            %broadcast_in_dim3A_1612 = vector.broadcast %squeeze3A_1611 : i32 to vector<16xi32>
            %bitcast3A_1613 = vector.bitcast %broadcast_in_dim3A_1612 : vector<16xi32> to vector<16xi32>
            %gt3A_1614 = arith.cmpi ugt, %bitcast3A_1613, %bitcast3A_1276 : vector<16xi32>
            %select_n3A_1615 = arith.select %gt3A_1614, %broadcast_in_dim3A_2, %broadcast_in_dim3A_6 : vector<16xi1>, vector<16xi32>
            %add3A_1616 = arith.addi %add3A_1609, %select_n3A_1615 : vector<16xi32>
            scf.yield %add3A_1616 : vector<16xi32>
          }
          %mul3A_1300 = arith.constant 16 : i32
          %mul3A_1301 = arith.muli %scan3A_1271, %mul3A_1300 : i32
          %get3A_1302 = arith.index_cast %mul3A_1301 : i32 to index
          %get3A_1303 = tpu.vector_load %arg11[%get3A_1302] {strides = array<i32>} : memref<272xi32, #tpu.memory_space<vmem>>, vector<16xi32>,
          %slice3A_1304 = vector.extract_strided_slice %get3A_1303 {offsets = [0], sizes = [1], strides = [1]} : vector<16xi32> to vector<1xi32>
          %squeeze3A_1305 = vector.extract %slice3A_1304[0] : i32 from vector<1xi32>
          %broadcast_in_dim3A_1306 = vector.broadcast %squeeze3A_1305 : i32 to vector<16xi32>
          %bitcast3A_1307 = vector.bitcast %broadcast_in_dim3A_1306 : vector<16xi32> to vector<16xi32>
          %gt3A_1308 = arith.constant 0 : i32
          %gt3A_1309 = vector.broadcast %gt3A_1308 : i32 to vector<16xi32>
          %gt3A_1310 = arith.cmpi sgt, %iota3A, %gt3A_1309 : vector<16xi32>
          %ge3A = arith.cmpi uge, %bitcast3A_1307, %bitcast3A_1276 : vector<16xi32>
          %gt3A_1311 = arith.cmpi ugt, %bitcast3A_1307, %bitcast3A_1276 : vector<16xi32>
          %select_n3A_1312 = arith.select %gt3A_1310, %ge3A, %gt3A_1311 : vector<16xi1>, vector<16xi1>
          %select_n3A_1313 = arith.select %select_n3A_1312, %broadcast_in_dim3A_2, %broadcast_in_dim3A_6 : vector<16xi1>, vector<16xi32>
          %add3A_1314 = arith.addi %while3A_1299, %select_n3A_1313 : vector<16xi32>
          %slice3A_1315 = vector.extract_strided_slice %get3A_1303 {offsets = [1], sizes = [1], strides = [1]} : vector<16xi32> to vector<1xi32>
          %squeeze3A_1316 = vector.extract %slice3A_1315[0] : i32 from vector<1xi32>
          %broadcast_in_dim3A_1317 = vector.broadcast %squeeze3A_1316 : i32 to vector<16xi32>
          %bitcast3A_1318 = vector.bitcast %broadcast_in_dim3A_1317 : vector<16xi32> to vector<16xi32>
          %gt3A_1319 = arith.constant 1 : i32
          %gt3A_1320 = vector.broadcast %gt3A_1319 : i32 to vector<16xi32>
          %gt3A_1321 = arith.cmpi sgt, %iota3A, %gt3A_1320 : vector<16xi32>
          %ge3A_1322 = arith.cmpi uge, %bitcast3A_1318, %bitcast3A_1276 : vector<16xi32>
          %gt3A_1323 = arith.cmpi ugt, %bitcast3A_1318, %bitcast3A_1276 : vector<16xi32>
          %select_n3A_1324 = arith.select %gt3A_1321, %ge3A_1322, %gt3A_1323 : vector<16xi1>, vector<16xi1>
          %select_n3A_1325 = arith.select %select_n3A_1324, %broadcast_in_dim3A_2, %broadcast_in_dim3A_6 : vector<16xi1>, vector<16xi32>
          %add3A_1326 = arith.addi %add3A_1314, %select_n3A_1325 : vector<16xi32>
          %slice3A_1327 = vector.extract_strided_slice %get3A_1303 {offsets = [2], sizes = [1], strides = [1]} : vector<16xi32> to vector<1xi32>
          %squeeze3A_1328 = vector.extract %slice3A_1327[0] : i32 from vector<1xi32>
          %broadcast_in_dim3A_1329 = vector.broadcast %squeeze3A_1328 : i32 to vector<16xi32>
          %bitcast3A_1330 = vector.bitcast %broadcast_in_dim3A_1329 : vector<16xi32> to vector<16xi32>
          %gt3A_1331 = arith.constant 2 : i32
          %gt3A_1332 = vector.broadcast %gt3A_1331 : i32 to vector<16xi32>
          %gt3A_1333 = arith.cmpi sgt, %iota3A, %gt3A_1332 : vector<16xi32>
          %ge3A_1334 = arith.cmpi uge, %bitcast3A_1330, %bitcast3A_1276 : vector<16xi32>
          %gt3A_1335 = arith.cmpi ugt, %bitcast3A_1330, %bitcast3A_1276 : vector<16xi32>
          %select_n3A_1336 = arith.select %gt3A_1333, %ge3A_1334, %gt3A_1335 : vector<16xi1>, vector<16xi1>
          %select_n3A_1337 = arith.select %select_n3A_1336, %broadcast_in_dim3A_2, %broadcast_in_dim3A_6 : vector<16xi1>, vector<16xi32>
          %add3A_1338 = arith.addi %add3A_1326, %select_n3A_1337 : vector<16xi32>
          %slice3A_1339 = vector.extract_strided_slice %get3A_1303 {offsets = [3], sizes = [1], strides = [1]} : vector<16xi32> to vector<1xi32>
          %squeeze3A_1340 = vector.extract %slice3A_1339[0] : i32 from vector<1xi32>
          %broadcast_in_dim3A_1341 = vector.broadcast %squeeze3A_1340 : i32 to vector<16xi32>
          %bitcast3A_1342 = vector.bitcast %broadcast_in_dim3A_1341 : vector<16xi32> to vector<16xi32>
          %gt3A_1343 = arith.constant 3 : i32
          %gt3A_1344 = vector.broadcast %gt3A_1343 : i32 to vector<16xi32>
          %gt3A_1345 = arith.cmpi sgt, %iota3A, %gt3A_1344 : vector<16xi32>
          %ge3A_1346 = arith.cmpi uge, %bitcast3A_1342, %bitcast3A_1276 : vector<16xi32>
          %gt3A_1347 = arith.cmpi ugt, %bitcast3A_1342, %bitcast3A_1276 : vector<16xi32>
          %select_n3A_1348 = arith.select %gt3A_1345, %ge3A_1346, %gt3A_1347 : vector<16xi1>, vector<16xi1>
          %select_n3A_1349 = arith.select %select_n3A_1348, %broadcast_in_dim3A_2, %broadcast_in_dim3A_6 : vector<16xi1>, vector<16xi32>
          %add3A_1350 = arith.addi %add3A_1338, %select_n3A_1349 : vector<16xi32>
          %slice3A_1351 = vector.extract_strided_slice %get3A_1303 {offsets = [4], sizes = [1], strides = [1]} : vector<16xi32> to vector<1xi32>
          %squeeze3A_1352 = vector.extract %slice3A_1351[0] : i32 from vector<1xi32>
          %broadcast_in_dim3A_1353 = vector.broadcast %squeeze3A_1352 : i32 to vector<16xi32>
          %bitcast3A_1354 = vector.bitcast %broadcast_in_dim3A_1353 : vector<16xi32> to vector<16xi32>
          %gt3A_1355 = arith.constant 4 : i32
          %gt3A_1356 = vector.broadcast %gt3A_1355 : i32 to vector<16xi32>
          %gt3A_1357 = arith.cmpi sgt, %iota3A, %gt3A_1356 : vector<16xi32>
          %ge3A_1358 = arith.cmpi uge, %bitcast3A_1354, %bitcast3A_1276 : vector<16xi32>
          %gt3A_1359 = arith.cmpi ugt, %bitcast3A_1354, %bitcast3A_1276 : vector<16xi32>
          %select_n3A_1360 = arith.select %gt3A_1357, %ge3A_1358, %gt3A_1359 : vector<16xi1>, vector<16xi1>
          %select_n3A_1361 = arith.select %select_n3A_1360, %broadcast_in_dim3A_2, %broadcast_in_dim3A_6 : vector<16xi1>, vector<16xi32>
          %add3A_1362 = arith.addi %add3A_1350, %select_n3A_1361 : vector<16xi32>
          %slice3A_1363 = vector.extract_strided_slice %get3A_1303 {offsets = [5], sizes = [1], strides = [1]} : vector<16xi32> to vector<1xi32>
          %squeeze3A_1364 = vector.extract %slice3A_1363[0] : i32 from vector<1xi32>
          %broadcast_in_dim3A_1365 = vector.broadcast %squeeze3A_1364 : i32 to vector<16xi32>
          %bitcast3A_1366 = vector.bitcast %broadcast_in_dim3A_1365 : vector<16xi32> to vector<16xi32>
          %gt3A_1367 = arith.constant 5 : i32
          %gt3A_1368 = vector.broadcast %gt3A_1367 : i32 to vector<16xi32>
          %gt3A_1369 = arith.cmpi sgt, %iota3A, %gt3A_1368 : vector<16xi32>
          %ge3A_1370 = arith.cmpi uge, %bitcast3A_1366, %bitcast3A_1276 : vector<16xi32>
          %gt3A_1371 = arith.cmpi ugt, %bitcast3A_1366, %bitcast3A_1276 : vector<16xi32>
          %select_n3A_1372 = arith.select %gt3A_1369, %ge3A_1370, %gt3A_1371 : vector<16xi1>, vector<16xi1>
          %select_n3A_1373 = arith.select %select_n3A_1372, %broadcast_in_dim3A_2, %broadcast_in_dim3A_6 : vector<16xi1>, vector<16xi32>
          %add3A_1374 = arith.addi %add3A_1362, %select_n3A_1373 : vector<16xi32>
          %slice3A_1375 = vector.extract_strided_slice %get3A_1303 {offsets = [6], sizes = [1], strides = [1]} : vector<16xi32> to vector<1xi32>
          %squeeze3A_1376 = vector.extract %slice3A_1375[0] : i32 from vector<1xi32>
          %broadcast_in_dim3A_1377 = vector.broadcast %squeeze3A_1376 : i32 to vector<16xi32>
          %bitcast3A_1378 = vector.bitcast %broadcast_in_dim3A_1377 : vector<16xi32> to vector<16xi32>
          %gt3A_1379 = arith.constant 6 : i32
          %gt3A_1380 = vector.broadcast %gt3A_1379 : i32 to vector<16xi32>
          %gt3A_1381 = arith.cmpi sgt, %iota3A, %gt3A_1380 : vector<16xi32>
          %ge3A_1382 = arith.cmpi uge, %bitcast3A_1378, %bitcast3A_1276 : vector<16xi32>
          %gt3A_1383 = arith.cmpi ugt, %bitcast3A_1378, %bitcast3A_1276 : vector<16xi32>
          %select_n3A_1384 = arith.select %gt3A_1381, %ge3A_1382, %gt3A_1383 : vector<16xi1>, vector<16xi1>
          %select_n3A_1385 = arith.select %select_n3A_1384, %broadcast_in_dim3A_2, %broadcast_in_dim3A_6 : vector<16xi1>, vector<16xi32>
          %add3A_1386 = arith.addi %add3A_1374, %select_n3A_1385 : vector<16xi32>
          %slice3A_1387 = vector.extract_strided_slice %get3A_1303 {offsets = [7], sizes = [1], strides = [1]} : vector<16xi32> to vector<1xi32>
          %squeeze3A_1388 = vector.extract %slice3A_1387[0] : i32 from vector<1xi32>
          %broadcast_in_dim3A_1389 = vector.broadcast %squeeze3A_1388 : i32 to vector<16xi32>
          %bitcast3A_1390 = vector.bitcast %broadcast_in_dim3A_1389 : vector<16xi32> to vector<16xi32>
          %gt3A_1391 = arith.constant 7 : i32
          %gt3A_1392 = vector.broadcast %gt3A_1391 : i32 to vector<16xi32>
          %gt3A_1393 = arith.cmpi sgt, %iota3A, %gt3A_1392 : vector<16xi32>
          %ge3A_1394 = arith.cmpi uge, %bitcast3A_1390, %bitcast3A_1276 : vector<16xi32>
          %gt3A_1395 = arith.cmpi ugt, %bitcast3A_1390, %bitcast3A_1276 : vector<16xi32>
          %select_n3A_1396 = arith.select %gt3A_1393, %ge3A_1394, %gt3A_1395 : vector<16xi1>, vector<16xi1>
          %select_n3A_1397 = arith.select %select_n3A_1396, %broadcast_in_dim3A_2, %broadcast_in_dim3A_6 : vector<16xi1>, vector<16xi32>
          %add3A_1398 = arith.addi %add3A_1386, %select_n3A_1397 : vector<16xi32>
          %slice3A_1399 = vector.extract_strided_slice %get3A_1303 {offsets = [8], sizes = [1], strides = [1]} : vector<16xi32> to vector<1xi32>
          %squeeze3A_1400 = vector.extract %slice3A_1399[0] : i32 from vector<1xi32>
          %broadcast_in_dim3A_1401 = vector.broadcast %squeeze3A_1400 : i32 to vector<16xi32>
          %bitcast3A_1402 = vector.bitcast %broadcast_in_dim3A_1401 : vector<16xi32> to vector<16xi32>
          %gt3A_1403 = arith.constant 8 : i32
          %gt3A_1404 = vector.broadcast %gt3A_1403 : i32 to vector<16xi32>
          %gt3A_1405 = arith.cmpi sgt, %iota3A, %gt3A_1404 : vector<16xi32>
          %ge3A_1406 = arith.cmpi uge, %bitcast3A_1402, %bitcast3A_1276 : vector<16xi32>
          %gt3A_1407 = arith.cmpi ugt, %bitcast3A_1402, %bitcast3A_1276 : vector<16xi32>
          %select_n3A_1408 = arith.select %gt3A_1405, %ge3A_1406, %gt3A_1407 : vector<16xi1>, vector<16xi1>
          %select_n3A_1409 = arith.select %select_n3A_1408, %broadcast_in_dim3A_2, %broadcast_in_dim3A_6 : vector<16xi1>, vector<16xi32>
          %add3A_1410 = arith.addi %add3A_1398, %select_n3A_1409 : vector<16xi32>
          %slice3A_1411 = vector.extract_strided_slice %get3A_1303 {offsets = [9], sizes = [1], strides = [1]} : vector<16xi32> to vector<1xi32>
          %squeeze3A_1412 = vector.extract %slice3A_1411[0] : i32 from vector<1xi32>
          %broadcast_in_dim3A_1413 = vector.broadcast %squeeze3A_1412 : i32 to vector<16xi32>
          %bitcast3A_1414 = vector.bitcast %broadcast_in_dim3A_1413 : vector<16xi32> to vector<16xi32>
          %gt3A_1415 = arith.constant 9 : i32
          %gt3A_1416 = vector.broadcast %gt3A_1415 : i32 to vector<16xi32>
          %gt3A_1417 = arith.cmpi sgt, %iota3A, %gt3A_1416 : vector<16xi32>
          %ge3A_1418 = arith.cmpi uge, %bitcast3A_1414, %bitcast3A_1276 : vector<16xi32>
          %gt3A_1419 = arith.cmpi ugt, %bitcast3A_1414, %bitcast3A_1276 : vector<16xi32>
          %select_n3A_1420 = arith.select %gt3A_1417, %ge3A_1418, %gt3A_1419 : vector<16xi1>, vector<16xi1>
          %select_n3A_1421 = arith.select %select_n3A_1420, %broadcast_in_dim3A_2, %broadcast_in_dim3A_6 : vector<16xi1>, vector<16xi32>
          %add3A_1422 = arith.addi %add3A_1410, %select_n3A_1421 : vector<16xi32>
          %slice3A_1423 = vector.extract_strided_slice %get3A_1303 {offsets = [10], sizes = [1], strides = [1]} : vector<16xi32> to vector<1xi32>
          %squeeze3A_1424 = vector.extract %slice3A_1423[0] : i32 from vector<1xi32>
          %broadcast_in_dim3A_1425 = vector.broadcast %squeeze3A_1424 : i32 to vector<16xi32>
          %bitcast3A_1426 = vector.bitcast %broadcast_in_dim3A_1425 : vector<16xi32> to vector<16xi32>
          %gt3A_1427 = arith.constant 10 : i32
          %gt3A_1428 = vector.broadcast %gt3A_1427 : i32 to vector<16xi32>
          %gt3A_1429 = arith.cmpi sgt, %iota3A, %gt3A_1428 : vector<16xi32>
          %ge3A_1430 = arith.cmpi uge, %bitcast3A_1426, %bitcast3A_1276 : vector<16xi32>
          %gt3A_1431 = arith.cmpi ugt, %bitcast3A_1426, %bitcast3A_1276 : vector<16xi32>
          %select_n3A_1432 = arith.select %gt3A_1429, %ge3A_1430, %gt3A_1431 : vector<16xi1>, vector<16xi1>
          %select_n3A_1433 = arith.select %select_n3A_1432, %broadcast_in_dim3A_2, %broadcast_in_dim3A_6 : vector<16xi1>, vector<16xi32>
          %add3A_1434 = arith.addi %add3A_1422, %select_n3A_1433 : vector<16xi32>
          %slice3A_1435 = vector.extract_strided_slice %get3A_1303 {offsets = [11], sizes = [1], strides = [1]} : vector<16xi32> to vector<1xi32>
          %squeeze3A_1436 = vector.extract %slice3A_1435[0] : i32 from vector<1xi32>
          %broadcast_in_dim3A_1437 = vector.broadcast %squeeze3A_1436 : i32 to vector<16xi32>
          %bitcast3A_1438 = vector.bitcast %broadcast_in_dim3A_1437 : vector<16xi32> to vector<16xi32>
          %gt3A_1439 = arith.constant 11 : i32
          %gt3A_1440 = vector.broadcast %gt3A_1439 : i32 to vector<16xi32>
          %gt3A_1441 = arith.cmpi sgt, %iota3A, %gt3A_1440 : vector<16xi32>
          %ge3A_1442 = arith.cmpi uge, %bitcast3A_1438, %bitcast3A_1276 : vector<16xi32>
          %gt3A_1443 = arith.cmpi ugt, %bitcast3A_1438, %bitcast3A_1276 : vector<16xi32>
          %select_n3A_1444 = arith.select %gt3A_1441, %ge3A_1442, %gt3A_1443 : vector<16xi1>, vector<16xi1>
          %select_n3A_1445 = arith.select %select_n3A_1444, %broadcast_in_dim3A_2, %broadcast_in_dim3A_6 : vector<16xi1>, vector<16xi32>
          %add3A_1446 = arith.addi %add3A_1434, %select_n3A_1445 : vector<16xi32>
          %slice3A_1447 = vector.extract_strided_slice %get3A_1303 {offsets = [12], sizes = [1], strides = [1]} : vector<16xi32> to vector<1xi32>
          %squeeze3A_1448 = vector.extract %slice3A_1447[0] : i32 from vector<1xi32>
          %broadcast_in_dim3A_1449 = vector.broadcast %squeeze3A_1448 : i32 to vector<16xi32>
          %bitcast3A_1450 = vector.bitcast %broadcast_in_dim3A_1449 : vector<16xi32> to vector<16xi32>
          %gt3A_1451 = arith.constant 12 : i32
          %gt3A_1452 = vector.broadcast %gt3A_1451 : i32 to vector<16xi32>
          %gt3A_1453 = arith.cmpi sgt, %iota3A, %gt3A_1452 : vector<16xi32>
          %ge3A_1454 = arith.cmpi uge, %bitcast3A_1450, %bitcast3A_1276 : vector<16xi32>
          %gt3A_1455 = arith.cmpi ugt, %bitcast3A_1450, %bitcast3A_1276 : vector<16xi32>
          %select_n3A_1456 = arith.select %gt3A_1453, %ge3A_1454, %gt3A_1455 : vector<16xi1>, vector<16xi1>
          %select_n3A_1457 = arith.select %select_n3A_1456, %broadcast_in_dim3A_2, %broadcast_in_dim3A_6 : vector<16xi1>, vector<16xi32>
          %add3A_1458 = arith.addi %add3A_1446, %select_n3A_1457 : vector<16xi32>
          %slice3A_1459 = vector.extract_strided_slice %get3A_1303 {offsets = [13], sizes = [1], strides = [1]} : vector<16xi32> to vector<1xi32>
          %squeeze3A_1460 = vector.extract %slice3A_1459[0] : i32 from vector<1xi32>
          %broadcast_in_dim3A_1461 = vector.broadcast %squeeze3A_1460 : i32 to vector<16xi32>
          %bitcast3A_1462 = vector.bitcast %broadcast_in_dim3A_1461 : vector<16xi32> to vector<16xi32>
          %gt3A_1463 = arith.constant 13 : i32
          %gt3A_1464 = vector.broadcast %gt3A_1463 : i32 to vector<16xi32>
          %gt3A_1465 = arith.cmpi sgt, %iota3A, %gt3A_1464 : vector<16xi32>
          %ge3A_1466 = arith.cmpi uge, %bitcast3A_1462, %bitcast3A_1276 : vector<16xi32>
          %gt3A_1467 = arith.cmpi ugt, %bitcast3A_1462, %bitcast3A_1276 : vector<16xi32>
          %select_n3A_1468 = arith.select %gt3A_1465, %ge3A_1466, %gt3A_1467 : vector<16xi1>, vector<16xi1>
          %select_n3A_1469 = arith.select %select_n3A_1468, %broadcast_in_dim3A_2, %broadcast_in_dim3A_6 : vector<16xi1>, vector<16xi32>
          %add3A_1470 = arith.addi %add3A_1458, %select_n3A_1469 : vector<16xi32>
          %slice3A_1471 = vector.extract_strided_slice %get3A_1303 {offsets = [14], sizes = [1], strides = [1]} : vector<16xi32> to vector<1xi32>
          %squeeze3A_1472 = vector.extract %slice3A_1471[0] : i32 from vector<1xi32>
          %broadcast_in_dim3A_1473 = vector.broadcast %squeeze3A_1472 : i32 to vector<16xi32>
          %bitcast3A_1474 = vector.bitcast %broadcast_in_dim3A_1473 : vector<16xi32> to vector<16xi32>
          %gt3A_1475 = arith.constant 14 : i32
          %gt3A_1476 = vector.broadcast %gt3A_1475 : i32 to vector<16xi32>
          %gt3A_1477 = arith.cmpi sgt, %iota3A, %gt3A_1476 : vector<16xi32>
          %ge3A_1478 = arith.cmpi uge, %bitcast3A_1474, %bitcast3A_1276 : vector<16xi32>
          %gt3A_1479 = arith.cmpi ugt, %bitcast3A_1474, %bitcast3A_1276 : vector<16xi32>
          %select_n3A_1480 = arith.select %gt3A_1477, %ge3A_1478, %gt3A_1479 : vector<16xi1>, vector<16xi1>
          %select_n3A_1481 = arith.select %select_n3A_1480, %broadcast_in_dim3A_2, %broadcast_in_dim3A_6 : vector<16xi1>, vector<16xi32>
          %add3A_1482 = arith.addi %add3A_1470, %select_n3A_1481 : vector<16xi32>
          %slice3A_1483 = vector.extract_strided_slice %get3A_1303 {offsets = [15], sizes = [1], strides = [1]} : vector<16xi32> to vector<1xi32>
          %squeeze3A_1484 = vector.extract %slice3A_1483[0] : i32 from vector<1xi32>
          %broadcast_in_dim3A_1485 = vector.broadcast %squeeze3A_1484 : i32 to vector<16xi32>
          %bitcast3A_1486 = vector.bitcast %broadcast_in_dim3A_1485 : vector<16xi32> to vector<16xi32>
          %gt3A_1487 = arith.constant 15 : i32
          %gt3A_1488 = vector.broadcast %gt3A_1487 : i32 to vector<16xi32>
          %gt3A_1489 = arith.cmpi sgt, %iota3A, %gt3A_1488 : vector<16xi32>
          %ge3A_1490 = arith.cmpi uge, %bitcast3A_1486, %bitcast3A_1276 : vector<16xi32>
          %gt3A_1491 = arith.cmpi ugt, %bitcast3A_1486, %bitcast3A_1276 : vector<16xi32>
          %select_n3A_1492 = arith.select %gt3A_1489, %ge3A_1490, %gt3A_1491 : vector<16xi1>, vector<16xi1>
          %select_n3A_1493 = arith.select %select_n3A_1492, %broadcast_in_dim3A_2, %broadcast_in_dim3A_6 : vector<16xi1>, vector<16xi32>
          %add3A_1494 = arith.addi %add3A_1482, %select_n3A_1493 : vector<16xi32>
          %mul3A_1495 = arith.constant 16 : i32
          %mul3A_1496 = arith.muli %scan3A_1271, %mul3A_1495 : i32
          %get3A_1497 = arith.index_cast %mul3A_1496 : i32 to index
          %get3A_1498 = tpu.vector_load %arg10[%get3A_1497] {strides = array<i32>} : memref<272xi32, #tpu.memory_space<vmem>>, vector<16xi32>,
          tpu.vector_store_idx %arg13[%add3A_1494], %get3A_1498 : memref<256xi32, #tpu.memory_space<vmem>>[vector<16xi32>], vector<16xi32>,
        }
        %scan3A_1270 = arith.constant 16 : i32
      } else {
        %sub3A_1265 = arith.constant 255 : i32
        %sub3A_1266 = vector.broadcast %sub3A_1265 : i32 to vector<16xi32>
        %sub3A_1267 = arith.subi %sub3A_1266, %iota3A : vector<16xi32>
        %gather3A = tpu.vector_load_idx %arg10[%masked_sort3A_1043] : memref<272xi32, #tpu.memory_space<vmem>>[vector<16xi32>], vector<16xi32>,
        tpu.vector_store_idx %arg13[%sub3A_1267], %gather3A : memref<256xi32, #tpu.memory_space<vmem>>[vector<16xi32>], vector<16xi32>,
        %sub3A_1268 = arith.constant 239 : i32
        %sub3A_1269 = vector.broadcast %sub3A_1268 : i32 to vector<16xi32>
        %sub3A_1270 = arith.subi %sub3A_1269, %iota3A : vector<16xi32>
        %gather3A_1271 = tpu.vector_load_idx %arg10[%masked_sort3A_1047] : memref<272xi32, #tpu.memory_space<vmem>>[vector<16xi32>], vector<16xi32>,
        tpu.vector_store_idx %arg13[%sub3A_1270], %gather3A_1271 : memref<256xi32, #tpu.memory_space<vmem>>[vector<16xi32>], vector<16xi32>,
        %sub3A_1272 = arith.constant 223 : i32
        %sub3A_1273 = vector.broadcast %sub3A_1272 : i32 to vector<16xi32>
        %sub3A_1274 = arith.subi %sub3A_1273, %iota3A : vector<16xi32>
        %gather3A_1275 = tpu.vector_load_idx %arg10[%masked_sort3A_1051] : memref<272xi32, #tpu.memory_space<vmem>>[vector<16xi32>], vector<16xi32>,
        tpu.vector_store_idx %arg13[%sub3A_1274], %gather3A_1275 : memref<256xi32, #tpu.memory_space<vmem>>[vector<16xi32>], vector<16xi32>,
        %sub3A_1276 = arith.constant 207 : i32
        %sub3A_1277 = vector.broadcast %sub3A_1276 : i32 to vector<16xi32>
        %sub3A_1278 = arith.subi %sub3A_1277, %iota3A : vector<16xi32>
        %gather3A_1279 = tpu.vector_load_idx %arg10[%masked_sort3A_1055] : memref<272xi32, #tpu.memory_space<vmem>>[vector<16xi32>], vector<16xi32>,
        tpu.vector_store_idx %arg13[%sub3A_1278], %gather3A_1279 : memref<256xi32, #tpu.memory_space<vmem>>[vector<16xi32>], vector<16xi32>,
        %sub3A_1280 = arith.constant 191 : i32
        %sub3A_1281 = vector.broadcast %sub3A_1280 : i32 to vector<16xi32>
        %sub3A_1282 = arith.subi %sub3A_1281, %iota3A : vector<16xi32>
        %gather3A_1283 = tpu.vector_load_idx %arg10[%masked_sort3A_1059] : memref<272xi32, #tpu.memory_space<vmem>>[vector<16xi32>], vector<16xi32>,
        tpu.vector_store_idx %arg13[%sub3A_1282], %gather3A_1283 : memref<256xi32, #tpu.memory_space<vmem>>[vector<16xi32>], vector<16xi32>,
        %sub3A_1284 = arith.constant 175 : i32
        %sub3A_1285 = vector.broadcast %sub3A_1284 : i32 to vector<16xi32>
        %sub3A_1286 = arith.subi %sub3A_1285, %iota3A : vector<16xi32>
        %gather3A_1287 = tpu.vector_load_idx %arg10[%masked_sort3A_1063] : memref<272xi32, #tpu.memory_space<vmem>>[vector<16xi32>], vector<16xi32>,
        tpu.vector_store_idx %arg13[%sub3A_1286], %gather3A_1287 : memref<256xi32, #tpu.memory_space<vmem>>[vector<16xi32>], vector<16xi32>,
        %sub3A_1288 = arith.constant 159 : i32
        %sub3A_1289 = vector.broadcast %sub3A_1288 : i32 to vector<16xi32>
        %sub3A_1290 = arith.subi %sub3A_1289, %iota3A : vector<16xi32>
        %gather3A_1291 = tpu.vector_load_idx %arg10[%masked_sort3A_1067] : memref<272xi32, #tpu.memory_space<vmem>>[vector<16xi32>], vector<16xi32>,
        tpu.vector_store_idx %arg13[%sub3A_1290], %gather3A_1291 : memref<256xi32, #tpu.memory_space<vmem>>[vector<16xi32>], vector<16xi32>,
        %sub3A_1292 = arith.constant 143 : i32
        %sub3A_1293 = vector.broadcast %sub3A_1292 : i32 to vector<16xi32>
        %sub3A_1294 = arith.subi %sub3A_1293, %iota3A : vector<16xi32>
        %gather3A_1295 = tpu.vector_load_idx %arg10[%masked_sort3A_1071] : memref<272xi32, #tpu.memory_space<vmem>>[vector<16xi32>], vector<16xi32>,
        tpu.vector_store_idx %arg13[%sub3A_1294], %gather3A_1295 : memref<256xi32, #tpu.memory_space<vmem>>[vector<16xi32>], vector<16xi32>,
        %sub3A_1296 = arith.constant 127 : i32
        %sub3A_1297 = vector.broadcast %sub3A_1296 : i32 to vector<16xi32>
        %sub3A_1298 = arith.subi %sub3A_1297, %iota3A : vector<16xi32>
        %gather3A_1299 = tpu.vector_load_idx %arg10[%masked_sort3A_1075] : memref<272xi32, #tpu.memory_space<vmem>>[vector<16xi32>], vector<16xi32>,
        tpu.vector_store_idx %arg13[%sub3A_1298], %gather3A_1299 : memref<256xi32, #tpu.memory_space<vmem>>[vector<16xi32>], vector<16xi32>,
        %sub3A_1300 = arith.constant 111 : i32
        %sub3A_1301 = vector.broadcast %sub3A_1300 : i32 to vector<16xi32>
        %sub3A_1302 = arith.subi %sub3A_1301, %iota3A : vector<16xi32>
        %gather3A_1303 = tpu.vector_load_idx %arg10[%masked_sort3A_1079] : memref<272xi32, #tpu.memory_space<vmem>>[vector<16xi32>], vector<16xi32>,
        tpu.vector_store_idx %arg13[%sub3A_1302], %gather3A_1303 : memref<256xi32, #tpu.memory_space<vmem>>[vector<16xi32>], vector<16xi32>,
        %sub3A_1304 = arith.constant 95 : i32
        %sub3A_1305 = vector.broadcast %sub3A_1304 : i32 to vector<16xi32>
        %sub3A_1306 = arith.subi %sub3A_1305, %iota3A : vector<16xi32>
        %gather3A_1307 = tpu.vector_load_idx %arg10[%masked_sort3A_1083] : memref<272xi32, #tpu.memory_space<vmem>>[vector<16xi32>], vector<16xi32>,
        tpu.vector_store_idx %arg13[%sub3A_1306], %gather3A_1307 : memref<256xi32, #tpu.memory_space<vmem>>[vector<16xi32>], vector<16xi32>,
        %sub3A_1308 = arith.constant 79 : i32
        %sub3A_1309 = vector.broadcast %sub3A_1308 : i32 to vector<16xi32>
        %sub3A_1310 = arith.subi %sub3A_1309, %iota3A : vector<16xi32>
        %gather3A_1311 = tpu.vector_load_idx %arg10[%masked_sort3A_1087] : memref<272xi32, #tpu.memory_space<vmem>>[vector<16xi32>], vector<16xi32>,
        tpu.vector_store_idx %arg13[%sub3A_1310], %gather3A_1311 : memref<256xi32, #tpu.memory_space<vmem>>[vector<16xi32>], vector<16xi32>,
        %sub3A_1312 = arith.constant 63 : i32
        %sub3A_1313 = vector.broadcast %sub3A_1312 : i32 to vector<16xi32>
        %sub3A_1314 = arith.subi %sub3A_1313, %iota3A : vector<16xi32>
        %gather3A_1315 = tpu.vector_load_idx %arg10[%masked_sort3A_1091] : memref<272xi32, #tpu.memory_space<vmem>>[vector<16xi32>], vector<16xi32>,
        tpu.vector_store_idx %arg13[%sub3A_1314], %gather3A_1315 : memref<256xi32, #tpu.memory_space<vmem>>[vector<16xi32>], vector<16xi32>,
        %sub3A_1316 = arith.constant 47 : i32
        %sub3A_1317 = vector.broadcast %sub3A_1316 : i32 to vector<16xi32>
        %sub3A_1318 = arith.subi %sub3A_1317, %iota3A : vector<16xi32>
        %gather3A_1319 = tpu.vector_load_idx %arg10[%masked_sort3A_1095] : memref<272xi32, #tpu.memory_space<vmem>>[vector<16xi32>], vector<16xi32>,
        tpu.vector_store_idx %arg13[%sub3A_1318], %gather3A_1319 : memref<256xi32, #tpu.memory_space<vmem>>[vector<16xi32>], vector<16xi32>,
        %sub3A_1320 = arith.constant 31 : i32
        %sub3A_1321 = vector.broadcast %sub3A_1320 : i32 to vector<16xi32>
        %sub3A_1322 = arith.subi %sub3A_1321, %iota3A : vector<16xi32>
        %gather3A_1323 = tpu.vector_load_idx %arg10[%masked_sort3A_1099] : memref<272xi32, #tpu.memory_space<vmem>>[vector<16xi32>], vector<16xi32>,
        tpu.vector_store_idx %arg13[%sub3A_1322], %gather3A_1323 : memref<256xi32, #tpu.memory_space<vmem>>[vector<16xi32>], vector<16xi32>,
        %sub3A_1324 = arith.constant 15 : i32
        %sub3A_1325 = vector.broadcast %sub3A_1324 : i32 to vector<16xi32>
        %sub3A_1326 = arith.subi %sub3A_1325, %iota3A : vector<16xi32>
        %gather3A_1327 = tpu.vector_load_idx %arg10[%masked_sort3A_1103] : memref<272xi32, #tpu.memory_space<vmem>>[vector<16xi32>], vector<16xi32>,
        tpu.vector_store_idx %arg13[%sub3A_1326], %gather3A_1327 : memref<256xi32, #tpu.memory_space<vmem>>[vector<16xi32>], vector<16xi32>,
      }
      %dma_start3A_1259 = arith.constant 0 : i32
      %dma_start3A_1260 = tpu.memref_slice %arg4[%add3A_42, %dma_start3A_1259] : memref<128x256xi32, #tpu.memory_space<hbm>> -> memref<1x256xi32, #tpu.memory_space<hbm>>
      %dma_start3A_1261 = tpu.memref_squeeze %dma_start3A_1260 : memref<1x256xi32, #tpu.memory_space<hbm>> -> memref<256xi32, #tpu.memory_space<hbm>>
      %dma_start3A_1262 = arith.constant 0 : i32
      %dma_start3A_1263 = tpu.memref_slice %arg4[%add3A_42, %dma_start3A_1262] : memref<128x256xi32, #tpu.memory_space<hbm>> -> memref<1x256xi32, #tpu.memory_space<hbm>>
      %dma_start3A_1264 = tpu.memref_squeeze %dma_start3A_1263 : memref<1x256xi32, #tpu.memory_space<hbm>> -> memref<256xi32, #tpu.memory_space<hbm>>
      tpu.enqueue_dma source(%arg13 : memref<256xi32, #tpu.memory_space<vmem>>) target(%dma_start3A_1264 : memref<256xi32, #tpu.memory_space<hbm>>) target_semaphore(%arg16 : memref<!tpu.dma_semaphore, #tpu.memory_space<semaphore_mem>>)
    }
    %scan3A_26 = arith.constant 4 : i32
    %add3A_27 = arith.constant 4 : i32
    %add3A_28 = arith.addi %mul3A_12, %add3A_27 : i32
    %sub3A = arith.constant 1 : i32
    %sub3A_29 = arith.subi %add3A_28, %sub3A : i32
    %dma_wait3A = arith.constant 0 : i32
    %dma_wait3A_30 = tpu.memref_slice %arg3[%sub3A_29, %dma_wait3A] : memref<128x32768xi32, #tpu.memory_space<hbm>> -> memref<1x32768xi32, #tpu.memory_space<hbm>>
    %dma_wait3A_31 = tpu.memref_squeeze %dma_wait3A_30 : memref<1x32768xi32, #tpu.memory_space<hbm>> -> memref<32768xi32, #tpu.memory_space<hbm>>
    %dma_wait3A_32 = arith.constant 0 : i32
    %dma_wait3A_33 = tpu.memref_slice %arg3[%sub3A_29, %dma_wait3A_32] : memref<128x32768xi32, #tpu.memory_space<hbm>> -> memref<1x32768xi32, #tpu.memory_space<hbm>>
    %dma_wait3A_34 = tpu.memref_squeeze %dma_wait3A_33 : memref<1x32768xi32, #tpu.memory_space<hbm>> -> memref<32768xi32, #tpu.memory_space<hbm>>
    tpu.wait_dma2 semaphore(%arg15 : memref<!tpu.dma_semaphore, #tpu.memory_space<semaphore_mem>>) src(%arg6 : memref<32768xi32, #tpu.memory_space<vmem>>) dst(%dma_wait3A_34 : memref<32768xi32, #tpu.memory_space<hbm>>)
    %dma_wait3A_35 = arith.constant 0 : i32
    %dma_wait3A_36 = tpu.memref_slice %arg4[%sub3A_29, %dma_wait3A_35] : memref<128x256xi32, #tpu.memory_space<hbm>> -> memref<1x256xi32, #tpu.memory_space<hbm>>
    %dma_wait3A_37 = tpu.memref_squeeze %dma_wait3A_36 : memref<1x256xi32, #tpu.memory_space<hbm>> -> memref<256xi32, #tpu.memory_space<hbm>>
    %dma_wait3A_38 = arith.constant 0 : i32
    %dma_wait3A_39 = tpu.memref_slice %arg4[%sub3A_29, %dma_wait3A_38] : memref<128x256xi32, #tpu.memory_space<hbm>> -> memref<1x256xi32, #tpu.memory_space<hbm>>
    %dma_wait3A_40 = tpu.memref_squeeze %dma_wait3A_39 : memref<1x256xi32, #tpu.memory_space<hbm>> -> memref<256xi32, #tpu.memory_space<hbm>>
    tpu.wait_dma2 semaphore(%arg16 : memref<!tpu.dma_semaphore, #tpu.memory_space<semaphore_mem>>) src(%arg13 : memref<256xi32, #tpu.memory_space<vmem>>) dst(%dma_wait3A_40 : memref<256xi32, #tpu.memory_space<hbm>>)
    return
  }
}

</mosaic_0001>

<sc_bundles>
// kernel: kernel.3.cloned.1.call-start
scs
__scs_entry_jumppad:
0x0: {  	(pc) =	sbr.rel $0x88, $3  }
0x1: {  	(tag) =	ssettag $0x0;
	lr =	simm.s32 $0x1  }
0x2: {  	[smem:$0x3FA0] =	sst lr;
	_ =	strace $0xD0000000  }
0x3: {  	_ = 	snop  }
0x4: {  	_ = 	snop  }
0x5: {  	_ = 	snop  }
0x6: {  	_ = 	snop  }
0x7: {  	_ = 	snop  }
__scs_overlays_trampoline_lowered:
0x8: {  	[smem:$0x3FAF] =	sst s0  }
0x9: {  	[smem:$0x3FB0] =	sst s1  }
0xa: {  	[smem:$0x3FB1] =	sst s2  }
0xb: {  	[smem:$0x3FB2] =	sst s3  }
0xc: {  	[smem:$0x3FB3] =	sst s4  }
0xd: {  	[smem:$0x3FB4] =	sst s5  }
0xe: {  	[smem:$0x3FB5] =	sst s6  }
0xf: {  	[smem:$0x3FB6] =	sst s7  }
0x10: {  	[smem:$0x3FB7] =	sst s8  }
0x11: {  	[smem:$0x3FB8] =	sst s9;
	s0 =	simm.s32 @!p0 $0x0  }
0x12: {  	s1 =	sld [smem:$0x3F9E];
	s0 =	simm.s32 @p0 $0x1  }
0x13: {  	[smem:$0x3FB9] =	sst s0;
	s0 =	simm.s32 @!p1 $0x0  }
0x14: {  	s2 =	sld [smem:$0x3F9D];
	s0 =	simm.s32 @p1 $0x1  }
0x15: {  	[smem:$0x3FBA] =	sst s0;
	s0 =	simm.s32 @!p2 $0x0  }
0x16: {  	s3 =	sld [smem:$0x3FDB];
	s0 =	simm.s32 @p2 $0x1  }
0x17: {  	s4 =	simm.s32 $0x1BF5;
	[smem:$0x3FBC] =	sst s0  }
0x18: {  	s0 =	sld [smem:$0x3F9F];
	_ =	swait.ge [sflag:s4], $0x0  }
0x19: {  	s7 =	sld [smem:$0x3FA0]  }
0x1a: {  	s8 =	sadd.s32 $0xFFFFE003, lr  }
0x1b: {  	s9 =	sadd.s32 $0xFFFFFEF7, lr;
	s5 =	simm.s32 $0xFFFFFFFF;
	p2 =	slt.u32 s8, $0xFFFFF086  }
0x1c: {  	p1 =	slt.u32 s9, $0xF7A;
	s5 =	simm.s32 @!p2 $0x0  }
0x1d: {  	s5 =	simm.s32 @p1 $0x1;
	p0 =	seq.s32 s7, s2  }
0x1e: {  	s7 =	smul.u32 @!p0 $0xF7A, s2;
	p2 =	seq.s32 @!p0 s5, $0x0  }
0x1f: {  	s9 =	smul.u32 $0xF7A, s1;
	s8 =	simm.s32 @!p0 $0x1BF5;
	p2 =	por !p2, p0  }
0x20: {  	[sflag:s8] =	ssyncset.s32 @!p0 $0xFFFFF086;
	s6 =	sadd.s32 @!p0 s3, s7;
	s7 =	simm.s32 @!p0 $0x108  }
0x21: {  	s3 =	sadd.s32 s3, s9;
	s6 =	sadd.s32 @!p0 $0x88, s6;
	s7 =	simm.s32 @p2 $0x1082  }
0x22: {  	[simem:s7], [sflag:s8] =	dma.local @!p0 [hbm:s6], $0xF7A  }
0x23: {  	s9 =	sor.u32 $0xD0000000, s2;
	s6 =	simm.s32 $0x108;
	_ =	swait.ge @!p0 [sflag:s8], $0x0  }
0x24: {  	s3 =	sadd.s32 $0x88, s3;
	s6 =	simm.s32 @!p1 $0x1082;
	[sflag:s4] =	ssyncset.s32 $0xFFFFF086  }
0x25: {  	[simem:s6], [sflag:s4] =	dma.local [hbm:s3], $0xF7A  }
0x26: {  	[smem:$0x3FA0] =	sst s1;
	(tag) =	ssettag s2;
	_ =	strace s9  }
0x27: {  	s1 =	sld [smem:$0x3FB0]  }
0x28: {  	s2 =	sld [smem:$0x3FB1]  }
0x29: {  	s4 =	sld [smem:$0x3FB3]  }
0x2a: {  	p0 =	seq.s32 s5, $0x0;
	s5 =	sld [smem:$0x3FB4]  }
0x2b: {  	s6 =	sld [smem:$0x3FB5]  }
0x2c: {  	s7 =	sld [smem:$0x3FB6]  }
0x2d: {  	s3 =	simm.s32 $0x108;
	s8 =	sld [smem:$0x3FB7]  }
0x2e: {  	s3 =	simm.s32 @!p0 $0x1082;
	s9 =	sld [smem:$0x3FB8]  }
0x2f: {  	lr =	sadd.s32 s0, s3;
	s0 =	sld [smem:$0x3FAF]  }
0x30: {  	s3 =	sld [smem:$0x3FB2]  }
0x31: {  	[smem:$0x3FBB] =	sst s10  }
0x32: {  	s10 =	sld [smem:$0x3FB9];
	_ =	sdelay $0x3  }
0x33: {  	p0 =	seq.s32 s10, $0x1;
	s10 =	sld [smem:$0x3FBB];
	_ =	sdelay $0x3  }
0x34: {  	[smem:$0x3FBB] =	sst s10  }
0x35: {  	s10 =	sld [smem:$0x3FBA];
	_ =	sdelay $0x3  }
0x36: {  	p1 =	seq.s32 s10, $0x1;
	s10 =	sld [smem:$0x3FBB];
	_ =	sdelay $0x3  }
0x37: {  	[smem:$0x3FBB] =	sst s10  }
0x38: {  	s10 =	sld [smem:$0x3FBC]  }
0x39: {  	_ = 	snop;
	(pc) =	sbr.ind lr, $3  }
0x3a: {  	_ = 	snop  }
0x3b: {  	_ = 	snop  }
0x3c: {  	p2 =	seq.s32 s10, $0x1;
	s10 =	sld [smem:$0x3FBB]  }
0x3d: {  	_ =	shalt  }
0x3e: {  	_ =	shalt  }
0x3f: {  	_ =	shalt  }
0x40: {  	_ =	shalt  }
0x41: {  	_ =	shalt  }
0x42: {  	_ =	shalt  }
0x43: {  	_ =	shalt  }
0x44: {  	_ =	shalt  }
0x45: {  	_ =	shalt  }
0x46: {  	_ =	shalt  }
0x47: {  	_ =	shalt  }
0x48: {  	_ =	shalt  }
0x49: {  	_ =	shalt  }
0x4a: {  	_ =	shalt  }
0x4b: {  	_ =	shalt  }
0x4c: {  	_ =	shalt  }
0x4d: {  	_ =	shalt  }
0x4e: {  	_ =	shalt  }
0x4f: {  	_ =	shalt  }
0x50: {  	_ =	shalt  }
0x51: {  	_ =	shalt  }
0x52: {  	_ =	shalt  }
0x53: {  	_ =	shalt  }
0x54: {  	_ =	shalt  }
0x55: {  	_ =	shalt  }
0x56: {  	_ =	shalt  }
0x57: {  	_ =	shalt  }
0x58: {  	_ =	shalt  }
0x59: {  	_ =	shalt  }
0x5a: {  	_ =	shalt  }
0x5b: {  	_ =	shalt  }
0x5c: {  	_ =	shalt  }
0x5d: {  	_ =	shalt  }
0x5e: {  	_ =	shalt  }
0x5f: {  	_ =	shalt  }
0x60: {  	_ =	shalt  }
0x61: {  	_ =	shalt  }
0x62: {  	_ =	shalt  }
0x63: {  	_ =	shalt  }
0x64: {  	_ =	shalt  }
0x65: {  	_ =	shalt  }
0x66: {  	_ =	shalt  }
0x67: {  	_ =	shalt  }
0x68: {  	_ =	shalt  }
0x69: {  	_ =	shalt  }
0x6a: {  	_ =	shalt  }
0x6b: {  	_ =	shalt  }
0x6c: {  	_ =	shalt  }
0x6d: {  	_ =	shalt  }
0x6e: {  	_ =	shalt  }
0x6f: {  	_ =	shalt  }
0x70: {  	_ =	shalt  }
0x71: {  	_ =	shalt  }
0x72: {  	_ =	shalt  }
0x73: {  	_ =	shalt  }
0x74: {  	_ =	shalt  }
0x75: {  	_ =	shalt  }
0x76: {  	_ =	shalt  }
0x77: {  	_ =	shalt  }
0x78: {  	_ =	shalt  }
0x79: {  	_ =	shalt  }
0x7a: {  	_ =	shalt  }
0x7b: {  	_ =	shalt  }
0x7c: {  	_ =	shalt  }
0x7d: {  	_ =	shalt  }
0x7e: {  	_ =	shalt  }
0x7f: {  	_ =	shalt  }
0x80: {  	_ =	shalt  }
0x81: {  	_ =	shalt  }
0x82: {  	_ =	shalt  }
0x83: {  	_ =	shalt  }
0x84: {  	_ =	shalt  }
0x85: {  	_ =	shalt  }
0x86: {  	_ =	shalt  }
0x87: {  	_ =	shalt  }
.Lfunc_end0:
.L_simem_size_0:
called_computation_lowered:
.L_overlay_start_0:
0x88: {  	s2 =	sld [smem:$0x3FD9]  }
0x89: {  	s3 =	sld [smem:$0x3FFE];
	_ =	sdelay $0x1  }
0x8a: {  	s1 =	srdreg.scid  }
0x8b: {  	s0 =	sand.u32 $0x1, s1  }
0x8c: {  	s14 =	sshll.u32 s0, $0xA;
	s2 =	sadd.s32 s3, s2  }
0x8d: {  	s2 =	sadd.s32 s2, s14  }
0x8e: {  	[smem:$0x3FC7] =	sst s2  }
0x8f: {  	_ = 	snop  }
0x90: {  	s2 =	sld [smem:$0x3FD0];
	_ =	sdelay $0x2  }
0x91: {  	s4 =	simm.s32 $0xA;
	s5 =	simm.s32 $0x10;
	s15 =	sld [smem:$0x3FC9]  }
0x92: {  	[smem:s5], [sflag:s4] =	dma.local [hbm:s2], $0x1  }
0x93: {  	_ =	swait.eq [sflag:s4], $0x1  }
0x94: {  	[sflag:s4] =	ssyncset.done $0x0  }
0x95: {  	[sflag:s4] =	ssyncadd.s32 $0xFFFFFFFF  }
0x96: {  	s16 =	sld [smem:$0x11];
	(tm) =	ssettm $0x1  }
0x97: {  	s17 =	sld [smem:$0x3FFB];
	_ =	sdelay $0x3  }
0x98: {  	_ =	strace s17  }
0x99: {  	s4 =	sld [smem:$0x3FFC];
	_ =	sdelay $0x3  }
0x9a: {  	_ =	strace s4  }
0x9b: {  	s4 =	sld [smem:$0x3FFD];
	_ =	sdelay $0x3  }
0x9c: {  	_ =	strace s4  }
0x9d: {  	_ =	strace $0x8FFFFFFF  }
0x9e: {  	s18 =	sld [smem:$0x3FDB];
	_ =	sdelay $0x1  }
0x9f: {  	s19 =	simm.s32 $_scs_section_size  }
0xa0: {  	s6 =	simm.s32 $_size__tile_overlayer_lowered;
	s7 =	simm.s32 $_tile_overlayer_lowered  }
0xa1: {  	s22 =	simm.s32 $0x1BFF;
	s21 =	sshll.u32 s7, $0x1;
	s4 =	sadd.s32 s19, s18  }
0xa2: {  	s8 =	simm.s32 $0x0;
	s20 =	sshll.u32 s6, $0x1;
	s6 =	sadd.s32 s21, s4  }
0xa3: {  	[timem:s8], [sflag:s22] =	dma.local [hbm:s6], s20  }
0xa4: {  	_ =	swait.ge [sflag:s22], s20  }
0xa5: {  	s5 =	ssub.s32 $0x0, s20;
	[sflag:s22] =	ssyncset.done $0x0  }
0xa6: {  	[sflag:s22] =	ssyncadd.s32 s5;
	_ =	sdelay $0x1  }
0xa7: {  	s23 =	simm.s32 $0x1B8B  }
0xa8: {  	_ =	swait.ge [sflag:s23], $0x1  }
0xa9: {  	[sflag:s23] =	ssyncset.done $0x0  }
0xaa: {  	s25 =	simm.s32 $0x1B8E;
	s24 =	sld [smem:$0x3FFE];
	[sflag:s23] =	ssyncadd.s32 $0xFFFFFFFF  }
0xab: {  	s26 =	simm.s32 $execute0_lowered;
	[smem:$0x3FD2] =	sst s25  }
0xac: {  	s6 =	sshll.u32 s26, $0x1;
	_ =	strace $0x80000046;
	[dreg:$0x1] =	wrdreg $0xFFFFFFFF  }
0xad: {  	s28 =	simm.s32 $_size_execute0_lowered;
	s4 =	sadd.s32 s4, s6;
	[dreg:$0x0] =	wrdreg $0x0  }
0xae: {  	s6 =	sshll.u32 s28, $0x1;
	[dreg:$0x2] =	wrdreg s4  }
0xaf: {  	[dreg:$0x3] =	wrdreg s6  }
0xb0: {  	[dreg:$0x4] =	wrdreg $0xC0  }
0xb1: {  	_ =	task [dreg:s8], $0x5FFFF  }
0xb2: {  	[dreg:$0x1] =	wrdreg $0xFFFFFFFF  }
0xb3: {  	[dreg:$0x0] =	wrdreg $0x60  }
0xb4: {  	[dreg:$0x2] =	wrdreg s15  }
0xb5: {  	[dreg:$0x3] =	wrdreg s24  }
0xb6: {  	[dreg:$0x4] =	wrdreg s16  }
0xb7: {  	[dreg:$0x5] =	wrdreg $0x9  }
0xb8: {  	_ =	task.clear_ibuf [dreg:s8], $0x6FFFF;
	_ =	strace $0x90000046  }
0xb9: {  	s29 =	simm.s32 $0x9;
	_ =	strace $0x80000048  }
0xba: {  	_ =	swait.ge [sflag:s29], $0x1  }
0xbb: {  	[sflag:s29] =	ssyncadd.s32 $0xFFFFFFFF  }
0xbc: {  	_ =	strace $0x90000048  }
0xbd: {  	_ =	sfence  }
0xbe: {  	s30 =	sld [smem:$0x0];
	_ =	sdelay $0x2  }
0xbf: {  	s31 =	sshll.u32 s1, $0xD;
	s1 =	sshrl.u32 s1, $0x2  }
0xc0: {  	s3 =	sand.u32 $0x4000, s31;
	s1 =	sadd.s32 s1, s30  }
0xc1: {  	s0 =	sor.u32 s3, s0;
	s1 =	sshll.u32 s1, $0x11  }
0xc2: {  	s0 =	sor.u32 s1, s0  }
0xc3: {  	s0 =	sadd.s32 $0x8F2B, s0  }
0xc4: {  	[sflag:s0] =	ssyncadd.remote.s32 $0x1  }
0xc5: {  	_ =	sfence.sel $0xFFFF  }
0xc6: {  	[dreg:$0x0] =	wrdreg $0xFFFFFFFF;
	(pc) =	sbr.abs _section_cstart, $3  }
0xc7: {  	[dreg:$0x1] =	wrdreg $0xFFFFFFFF  }
0xc8: {  	_ =	task.clear_ibuf [dreg:s8], $0x2FFFF;
	_ =	strace $0x9FFFFFFF  }
0xc9: {  	(tm) =	ssettm $0x7FFFFFFF  }
tec
execute0_lowered:
.L_overlay_start_1:
0x0: {  	(tag) =	ssettag $0x1  }
0x1: {  	s1 =	rddreg [dreg:$0x0]  }
0x2: {  	s0 =	rddreg [dreg:$0x1]  }
0x3: {  	s2 =	rddreg [dreg:$0x2];
	s4 =	srdreg.scid  }
0x4: {  	s3 =	simm.s32 $0x0;
	s25 =	stileid.u32;
	s11 =	simm.s32 $0x80  }
0x5: {  	s12 =	simm.s32 $0x400;
	s13 =	simm.s32 $0x1;
	s14 =	simm.s32 $0x18080  }
0x6: {  	s15 =	simm.s32 $0x19080;
	s16 =	simm.s32 $0x8000;
	s17 =	simm.s32 $0x1A500  }
0x7: {  	s18 =	simm.s32 $0x2;
	s19 =	simm.s32 $0x3;
	s20 =	simm.s32 $0x1A080  }
0x8: {  	s21 =	simm.s32 $0x0;
	s6 =	sand.u32 $0x1, s4;
	[smem:$0x7FF] =	sst s3  }
0x9: {  	s5 =	sadd.s32 $0x800, s0;
	s28 =	sshll.u32 s25, $0x3;
	s30 =	sshll.u32 s25, $0xF  }
.Ltmp0:
0xa: {  	s7 =	ssub.s32 $0x2, s6;
	s9 =	sshll.u32 s6, $0x6;
	(pc) =	sbr.rel .LBB2_1-.Ltmp0, $4  }
0xb: {  	v0 =	vlaneseq.u32;
	_ =	strace $0x80000047;
	s8 =	sshrl.u32 s7, $0x1;
	s31 =	sadd.s32 s1, s9  }
0xc: {  	v1 =	vmul.u32 $0xFFFFFFFF, v0;
	s29 =	sshll.u32 s6, $0x2;
	s26 =	ssub.s32 s7, s8;
	s7 =	sadd.s32 s30, s31  }
0xd: {  	v2 =	vimm.s32 $0x0;
	v4 =	vimm.s32 $0x1;
	s6 =	sor.u32 s29, s28;
	[dreg:$0x4] =	wrdreg s7;
	s0 =	smax.u32 s26, $0x1  }
0xe: {  	v6 =	vimm.s32 $0xFFFFFFFF;
	v3 =	vmul.u32 $0x100, v0;
	s9 =	sshll.u32 s25, $0xB;
	v5 =	vadd.s32 $0xF, v1;
	s8 =	sshll.u32 s25, $0x12;
	[dreg:$0x5] =	wrdreg s0  }
.LBB2_123:
0xf: {  	_ =	swait.ge [sflag:s18], $0x8000  }
0x10: {  	[sflag:s18] =	ssyncset.done $0x0  }
0x11: {  	[sflag:s18] =	ssyncadd.s32 $0xFFFF8000  }
0x12: {  	_ =	swait.ge [sflag:s19], $0x100  }
0x13: {  	s21 =	sadd.s32 $0x1, s21;
	s0 =	rddreg [dreg:$0x5]  }
0x14: {  	p0 =	sne.s32 s21, s0  }
.Ltmp1:
0x15: {  	_ = 	snop;
	(pc) =	sbr.rel @!p0 .LBB2_124-.Ltmp1, $3  }
0x16: {  	_ =	sdelay $0x1  }
0x17: {  	[sflag:s19] =	ssyncset.done $0x0  }
0x18: {  	[sflag:s19] =	ssyncadd.s32 $0xFFFFFF00  }
.LBB2_1:
0x19: {  	s0 =	simm.s32 $0x190C0  }
0x1a: {  	[tilespmem:s0+$0xFFFFFFC0] =	vst v2  }
0x1b: {  	[tilespmem:s0+$0x30] =	vst v2  }
0x1c: {  	[tilespmem:s0+$0x20] =	vst v2  }
0x1d: {  	[tilespmem:s0+$0x10] =	vst v2  }
0x1e: {  	[tilespmem:s0+$0x0] =	vst v2  }
0x1f: {  	[tilespmem:s0+$0xFFFFFFF0] =	vst v2  }
0x20: {  	s22 =	simm.s32 $0x0;
	[tilespmem:s0+$0xFFFFFFE0] =	vst v2  }
.LBB2_2:
0x21: {  	s22 =	sadd.s32 $0x8, s22;
	[tilespmem:s0+$0xFFFFFFD0] =	vst v2;
	s0 =	sadd.s32 $0x80, s0  }
0x22: {  	[tilespmem:s0+$0xFFFFFFC0] =	vst v2;
	p0 =	slt.u32 s22, $0xF8  }
0x23: {  	[tilespmem:s0+$0x30] =	vst v2  }
.Ltmp2:
0x24: {  	[tilespmem:s0+$0x20] =	vst v2;
	(pc) =	sbr.rel @p0 .LBB2_2-.Ltmp2, $4  }
0x25: {  	[tilespmem:s0+$0x10] =	vst v2  }
0x26: {  	[tilespmem:s0+$0x0] =	vst v2  }
0x27: {  	[tilespmem:s0+$0xFFFFFFF0] =	vst v2  }
0x28: {  	[tilespmem:s0+$0xFFFFFFE0] =	vst v2  }
.Ltmp3:
0x29: {  	(pc) =	sbr.rel .LBB2_4-.Ltmp3, $4  }
0x2a: {  	_ = 	snop  }
0x2b: {  	[tilespmem:s0+$0xFFFFFFD0] =	vst v2  }
0x2c: {  	s22 =	simm.s32 $0x0;
	s0 =	rddreg [dreg:$0x4]  }
0x2d: {  	[tilespmem:s22], [sflag:$0x1] =	stream.strided.gather [hbm4b:s0+s11], $0x8000, s12, s11, $0x38;
	[tilespmem:$0x1A600] =	vst v63  }
.LBB2_122:
0x2e: {  	s22 =	sadd.s32 $0x1, s22  }
0x2f: {  	p0 =	sne.s32 s22, $0x4  }
.Ltmp4:
0x30: {  	_ = 	snop;
	(pc) =	sbr.rel @!p0 .LBB2_123-.Ltmp4, $4  }
0x31: {  	s0 =	sor.u32 s9, s23  }
0x32: {  	s0 =	sshrl.u32 s0, $0x3  }
0x33: {  	s0 =	sadd.s32 s2, s0  }
0x34: {  	[hbm4b:s0+s11] =	stream.strided.scatter [tilespmem:s17], [sflag:$0x3], $0x100, s12, s11, $0x38;
	[tilespmem:$0x1A600] =	vst v63  }
.LBB2_4:
0x35: {  	s0 =	simm.s32 $0x180C0  }
0x36: {  	[tilespmem:s0+$0xFFFFFFC0] =	vst v2  }
0x37: {  	[tilespmem:s0+$0x30] =	vst v2  }
0x38: {  	[tilespmem:s0+$0x20] =	vst v2  }
0x39: {  	[tilespmem:s0+$0x10] =	vst v2  }
0x3a: {  	[tilespmem:s0+$0x0] =	vst v2  }
0x3b: {  	[tilespmem:s0+$0xFFFFFFF0] =	vst v2  }
0x3c: {  	s23 =	simm.s32 $0x0;
	[tilespmem:s0+$0xFFFFFFE0] =	vst v2  }
.LBB2_5:
0x3d: {  	s23 =	sadd.s32 $0x8, s23;
	[tilespmem:s0+$0xFFFFFFD0] =	vst v2;
	s0 =	sadd.s32 $0x80, s0  }
0x3e: {  	[tilespmem:s0+$0xFFFFFFC0] =	vst v2;
	p0 =	slt.u32 s23, $0xF8  }
0x3f: {  	[tilespmem:s0+$0x30] =	vst v2  }
.Ltmp5:
0x40: {  	[tilespmem:s0+$0x20] =	vst v2;
	(pc) =	sbr.rel @p0 .LBB2_5-.Ltmp5, $4  }
0x41: {  	[tilespmem:s0+$0x10] =	vst v2  }
0x42: {  	[tilespmem:s0+$0x0] =	vst v2  }
0x43: {  	[tilespmem:s0+$0xFFFFFFF0] =	vst v2  }
0x44: {  	[tilespmem:s0+$0xFFFFFFE0] =	vst v2  }
0x45: {  	[tilespmem:s0+$0xFFFFFFD0] =	vst v2  }
0x46: {  	_ =	swait.ge [sflag:s13], $0x8000  }
0x47: {  	[sflag:s13] =	ssyncset.done $0x0  }
0x48: {  	s31 =	simm.s32 $0x20;
	[sflag:s13] =	ssyncadd.s32 $0xFFFF8000  }
0x49: {  	v7 =	vld [tilespmem:s31+$0x10]  }
0x4a: {  	v8 =	vld [tilespmem:s31+$0xFFFFFFF0]  }
0x4b: {  	v9 =	vld [tilespmem:s31+$0x0];
	_ =	sdelay $0x1  }
0x4c: {  	v10 =	vld [tilespmem:s31+$0xFFFFFFE0];
	_ =	sdelay $0x1  }
0x4d: {  	v11 =	vshra.s32 v7, $0x1F  }
0x4e: {  	v12 =	vshra.s32 v8, $0x1F;
	v13 =	vshra.s32 v9, $0x1F;
	v11 =	vor.u32 $0x80000000, v11  }
0x4f: {  	v12 =	vor.u32 $0x80000000, v12;
	v13 =	vor.u32 $0x80000000, v13;
	v7 =	vxor.u32 v7, v11  }
0x50: {  	v11 =	vshra.s32 v10, $0x1F;
	v8 =	vxor.u32 v8, v12;
	v14 =	vshrl.u32 v7, $0x18  }
0x51: {  	v9 =	vxor.u32 v9, v13;
	v11 =	vor.u32 $0x80000000, v11;
	v12 =	vand.u32 $0x80, v14  }
0x52: {  	s23 =	simm.s32 $0x60;
	v10 =	vxor.u32 v10, v11;
	v11 =	vand.u32 $0x7F, v14;
	v12 =	vor.u32 v3, v12  }
0x53: {  	v15 =	vshrl.u32 v8, $0x18;
	v14 =	vshrl.u32 v10, $0x18;
	v11 =	vor.u32 v11, v12;
	v12 =	vld [tilespmem:s23+$0x10]  }
0x54: {  	v17 =	vld [tilespmem:s23+$0xFFFFFFF0];
	v18 =	vand.u32 $0x80, v15;
	v15 =	vand.u32 $0x7F, v15;
	v13 =	vand.u32 $0x80, v14  }
0x55: {  	v19 =	vld [tilespmem:s23+$0x0];
	[tilespmem:s31+$0xFFFFFFF0] =	vst v8;
	v8 =	vor.u32 v3, v18;
	v14 =	vand.u32 $0x7F, v14;
	v13 =	vor.u32 v3, v13  }
0x56: {  	v16 =	vshrl.u32 v9, $0x18;
	v15 =	vor.u32 v15, v8;
	v13 =	vor.u32 v14, v13;
	v14 =	vld [tilespmem:s23+$0xFFFFFFE0]  }
0x57: {  	[tilespmem:s31+$0xFFFFFFE0] =	vst v10;
	v10 =	vand.u32 $0x80, v16  }
0x58: {  	[tilespmem:s31+$0x0] =	vst v9;
	v9 =	vand.u32 $0x7F, v16;
	v8 =	vor.u32 v3, v10;
	v10 =	vshra.s32 v12, $0x1F  }
0x59: {  	[tilespmem:s31+$0x10] =	vst v7;
	v7 =	vshra.s32 v17, $0x1F;
	v8 =	vor.u32 v9, v8;
	v9 =	vor.u32 $0x80000000, v10  }
0x5a: {  	v7 =	vor.u32 $0x80000000, v7;
	[tilespmem:v11+s14+$0x0] =	vst.idx.add.s32.msk $0xffff, v4;
	v10 =	vshra.s32 v19, $0x1F;
	v9 =	vxor.u32 v12, v9  }
0x5b: {  	[tilespmem:v15+s14+$0x0] =	vst.idx.add.s32.msk $0xffff, v4;
	v11 =	vshra.s32 v14, $0x1F;
	v10 =	vor.u32 $0x80000000, v10;
	v12 =	vshrl.u32 v9, $0x18  }
0x5c: {  	[tilespmem:v13+s14+$0x0] =	vst.idx.add.s32.msk $0xffff, v4;
	v13 =	vor.u32 $0x80000000, v11;
	v11 =	vxor.u32 v17, v7;
	v7 =	vand.u32 $0x80, v12  }
0x5d: {  	v13 =	vxor.u32 v14, v13;
	[tilespmem:s23+$0xFFFFFFF0] =	vst v11;
	v14 =	vand.u32 $0x7F, v12;
	v7 =	vor.u32 v3, v7  }
0x5e: {  	s0 =	simm.s32 $0x4;
	s24 =	simm.s32 $0xA0;
	[tilespmem:s23+$0xFFFFFFE0] =	vst v13;
	v12 =	vshrl.u32 v13, $0x18;
	v13 =	vxor.u32 v19, v10;
	v10 =	vor.u32 v14, v7  }
.LBB2_7:
0x5f: {  	v14 =	vld [tilespmem:s24+$0x10];
	s0 =	sadd.s32 $0x4, s0;
	v7 =	vand.u32 $0x80, v12;
	v11 =	vshrl.u32 v11, $0x18;
	[tilespmem:s23+$0x0] =	vst v13;
	v13 =	vshrl.u32 v13, $0x18  }
0x60: {  	v15 =	vld [tilespmem:s24+$0xFFFFFFF0];
	p0 =	slt.u32 s0, $0x7FC;
	v7 =	vor.u32 v3, v7;
	v16 =	vand.u32 $0x80, v11;
	v17 =	vand.u32 $0x80, v13  }
0x61: {  	v12 =	vand.u32 $0x7F, v12;
	v18 =	vld [tilespmem:s24+$0x0];
	v16 =	vor.u32 v3, v16;
	v17 =	vor.u32 v3, v17  }
0x62: {  	v12 =	vor.u32 v12, v7;
	v7 =	vand.u32 $0x7F, v11;
	v11 =	vand.u32 $0x7F, v13;
	v19 =	vld [tilespmem:s24+$0xFFFFFFE0];
	[tilespmem:s23+$0x10] =	vst v9;
	s23 =	smov.u32 s24  }
0x63: {  	v13 =	vor.u32 v7, v16;
	v7 =	vor.u32 v11, v17;
	[tilespmem:v10+s14+$0x0] =	vst.idx.add.s32.msk $0xffff, v4  }
0x64: {  	v9 =	vshra.s32 v14, $0x1F;
	[tilespmem:v8+s14+$0x0] =	vst.idx.add.s32.msk $0xffff, v4;
	v8 =	vmov v7  }
0x65: {  	v7 =	vimm.s32 $0xFFFFFFFF;
	v10 =	vshra.s32 v15, $0x1F;
	v9 =	vor.u32 $0x80000000, v9  }
.Ltmp6:
0x66: {  	v10 =	vor.u32 $0x80000000, v10;
	v11 =	vshra.s32 v18, $0x1F;
	v9 =	vxor.u32 v14, v9;
	(pc) =	sbr.rel @p0 .LBB2_7-.Ltmp6, $4  }
0x67: {  	v14 =	vshra.s32 v19, $0x1F;
	v16 =	vor.u32 $0x80000000, v11;
	v17 =	vshrl.u32 v9, $0x18;
	[tilespmem:v12+s14+$0x0] =	vst.idx.add.s32.msk $0xffff, v4  }
0x68: {  	v11 =	vxor.u32 v15, v10;
	v12 =	vor.u32 $0x80000000, v14;
	v10 =	vand.u32 $0x80, v17;
	[tilespmem:v13+s14+$0x0] =	vst.idx.add.s32.msk $0xffff, v4  }
0x69: {  	v14 =	vand.u32 $0x7F, v17;
	v12 =	vxor.u32 v19, v12;
	[tilespmem:s24+$0xFFFFFFF0] =	vst v11;
	v10 =	vor.u32 v3, v10  }
0x6a: {  	v13 =	vxor.u32 v18, v16;
	s24 =	sadd.s32 $0x40, s24;
	[tilespmem:s23+$0xFFFFFFE0] =	vst v12;
	v12 =	vshrl.u32 v12, $0x18;
	v10 =	vor.u32 v14, v10  }
0x6b: {  	v14 =	vand.u32 $0x80, v12  }
0x6c: {  	v11 =	vshrl.u32 v11, $0x18;
	v12 =	vand.u32 $0x7F, v12;
	v15 =	vshrl.u32 v13, $0x18  }
0x6d: {  	v14 =	vor.u32 v3, v14;
	v16 =	vand.u32 $0x80, v11;
	v11 =	vand.u32 $0x7F, v11  }
0x6e: {  	v12 =	vor.u32 v12, v14;
	v14 =	vand.u32 $0x80, v15;
	v16 =	vor.u32 v3, v16  }
0x6f: {  	[tilespmem:s23+$0x0] =	vst v13;
	v13 =	vor.u32 v3, v14;
	v14 =	vand.u32 $0x7F, v15;
	v11 =	vor.u32 v11, v16  }
0x70: {  	[tilespmem:s23+$0x10] =	vst v9;
	v9 =	vor.u32 v14, v13  }
0x71: {  	[tilespmem:v8+s14+$0x0] =	vst.idx.add.s32.msk $0xffff, v4  }
0x72: {  	p2 =	por $0x1, $0x1;
	[tilespmem:v10+s14+$0x0] =	vst.idx.add.s32.msk $0xffff, v4  }
.Ltmp7:
0x73: {  	[tilespmem:v12+s14+$0x0] =	vst.idx.add.s32.msk $0xffff, v4;
	(pc) =	sbr.rel @!p2 .LBB2_9-.Ltmp7, $4  }
0x74: {  	[tilespmem:v11+s14+$0x0] =	vst.idx.add.s32.msk $0xffff, v4  }
0x75: {  	s25 =	simm.s32 $0x18970;
	[tilespmem:v9+s14+$0x0] =	vst.idx.add.s32.msk $0xffff, v4  }
0x76: {  	s23 =	simm.s32 $0xFF;
	v15 =	vld [tilespmem:s25+$0xFFFFF800]  }
0x77: {  	v8 =	vimm.s32 $0x0;
	s24 =	simm.s32 $0xEF;
	p0 =	por $0x0, $0x0;
	p1 =	por $0x0, $0x0;
	v16 =	vld [tilespmem:s25+$0xFFFFF900]  }
0x78: {  	v9 =	vld [tilespmem:s25+$0xFFFFFA00]  }
0x79: {  	v10 =	vld [tilespmem:s25+$0xFFFFFB00]  }
0x7a: {  	v11 =	vld [tilespmem:s25+$0xFFFFFC00]  }
0x7b: {  	v12 =	vld [tilespmem:s25+$0xFFFFFD00]  }
0x7c: {  	v13 =	vld [tilespmem:s25+$0xFFFFFE00];
	v14 =	vadd.s32 v15, v16  }
0x7d: {  	v15 =	vld [tilespmem:s25+$0xFFFFFF00];
	v9 =	vadd.s32 v9, v14  }
0x7e: {  	v14 =	vld [tilespmem:s25+$0x0];
	v9 =	vadd.s32 v10, v9  }
0x7f: {  	v10 =	vld [tilespmem:s25+$0x100];
	v9 =	vadd.s32 v11, v9  }
0x80: {  	v16 =	vld [tilespmem:s25+$0x200];
	v9 =	vadd.s32 v12, v9  }
0x81: {  	v12 =	vld [tilespmem:s25+$0x300];
	v9 =	vadd.s32 v13, v9  }
0x82: {  	v17 =	vld [tilespmem:s25+$0x400];
	p2 =	por $0x1, $0x1;
	v9 =	vadd.s32 v15, v9  }
.Ltmp8:
0x83: {  	v11 =	vld [tilespmem:s25+$0x500];
	v9 =	vadd.s32 v14, v9;
	(pc) =	sbr.rel @!p2 .LBB2_11-.Ltmp8, $4  }
0x84: {  	v13 =	vld [tilespmem:s25+$0x600];
	v9 =	vadd.s32 v10, v9  }
0x85: {  	v14 =	vld [tilespmem:s25+$0x700];
	s25 =	simm.s32 $0x18960;
	v9 =	vadd.s32 v16, v9  }
0x86: {  	v15 =	vld [tilespmem:s25+$0xFFFFF800];
	v9 =	vadd.s32 v12, v9  }
0x87: {  	s26 =	simm.s32 $0xDF;
	p0 =	por $0x1, $0x1;
	v16 =	vld [tilespmem:s25+$0xFFFFF900];
	v19 =	vadd.s32 v17, v9  }
0x88: {  	v9 =	vld [tilespmem:s25+$0xFFFFFA00];
	v10 =	vadd.s32 v11, v19  }
0x89: {  	v11 =	vld [tilespmem:s25+$0xFFFFFB00];
	v10 =	vadd.s32 v13, v10  }
0x8a: {  	v12 =	vld [tilespmem:s25+$0xFFFFFC00];
	v10 =	vadd.s32 v14, v10  }
0x8b: {  	v13 =	vld [tilespmem:s25+$0xFFFFFD00];
	v10 =	vperm.xlane v10, v5  }
0x8c: {  	v14 =	vld [tilespmem:s25+$0xFFFFFE00];
	v15 =	vadd.s32 v15, v16  }
0x8d: {  	v16 =	vld [tilespmem:s25+$0xFFFFFF00];
	v9 =	vadd.s32 v9, v15;
	(xrf0) =	vadd.scan.msk.s32 $0xffff, v10  }
0x8e: {  	v10 =	vld [tilespmem:s25+$0x0];
	v9 =	vadd.s32 v11, v9  }
0x8f: {  	v15 =	vld [tilespmem:s25+$0x100];
	v9 =	vadd.s32 v12, v9  }
0x90: {  	v12 =	vld [tilespmem:s25+$0x200];
	v9 =	vadd.s32 v13, v9  }
0x91: {  	v17 =	vld [tilespmem:s25+$0x300];
	v9 =	vadd.s32 v14, v9  }
0x92: {  	v18 =	vld [tilespmem:s25+$0x400];
	p2 =	por $0x1, $0x1;
	v9 =	vadd.s32 v16, v9  }
.Ltmp9:
0x93: {  	v11 =	vld [tilespmem:s25+$0x500];
	v9 =	vadd.s32 v10, v9;
	v10, _, _ =	vpop (xrf0);
	(pc) =	sbr.rel @!p2 .LBB2_13-.Ltmp9, $4  }
0x94: {  	v13 =	vld [tilespmem:s25+$0x600];
	v9 =	vadd.s32 v15, v9;
	v15 =	vadd.s32 v8, v10  }
0x95: {  	v14 =	vld [tilespmem:s25+$0x700];
	s25 =	simm.s32 $0x18950;
	v9 =	vadd.s32 v12, v9;
	vm0 =	vgt.s32 v15, $0xFF  }
0x96: {  	v16 =	vld [tilespmem:s25+$0xFFFFF900];
	v12 =	vimm.s32 $0x0;
	v9 =	vadd.s32 v17, v9;
	v17 =	vmpcnt.ones.xlane vm0  }
0x97: {  	s28 =	simm.s32 $0xCF;
	p1 =	por $0x1, $0x1;
	v15 =	vld [tilespmem:s25+$0xFFFFF800];
	v19 =	vadd.s32 v18, v9;
	v18 =	vmctz.xlane vm0;
	v9 =	vimm.s32 $0xFFFFFFFF  }
.LBB2_14:
0x98: {  	p2 =	sne.s32 s28, $0xF;
	v20 =	vld [tilespmem:s25+$0xFFFFFA00];
	v11 =	vadd.s32 v11, v19;
	vm0 =	vgt.s32 v17, $0x0;
	vm1 =	vlt.s32 v9, $0x0  }
0x99: {  	v17 =	vld [tilespmem:s25+$0xFFFFFB00];
	v11 =	vadd.s32 v13, v11;
	v13 =	vsub.s32 s23, v18;
	vm0 =	vmand vm1, vm0;
	s23 =	smov.u32 s24;
	s24 =	smov.u32 s26;
	s26 =	smov.u32 s28  }
0x9a: {  	v18 =	vld [tilespmem:s25+$0xFFFFFC00];
	v11 =	vadd.s32 v14, v11;
	v9 =	vsel vm0, v13, v9  }
0x9b: {  	v13 =	vld [tilespmem:s25+$0xFFFFFD00];
	v11 =	vperm.xlane v11, v5  }
0x9c: {  	v14 =	vld [tilespmem:s25+$0xFFFFFE00];
	v15 =	vadd.s32 v15, v16  }
0x9d: {  	v16 =	vld [tilespmem:s25+$0xFFFFFF00];
	v15 =	vadd.s32 v20, v15;
	(xrf0) =	vadd.scan.msk.s32 $0xffff, v11  }
0x9e: {  	v19 =	vld [tilespmem:s25+$0x0];
	v11 =	vadd.s32 v17, v15  }
0x9f: {  	v15 =	vld [tilespmem:s25+$0x100];
	v11 =	vadd.s32 v18, v11  }
0xa0: {  	v17 =	vld [tilespmem:s25+$0x200];
	v11 =	vadd.s32 v13, v11  }
0xa1: {  	v13 =	vbroadcast v10, $0xF;
	v18 =	vld [tilespmem:s25+$0x300];
	v11 =	vadd.s32 v14, v11  }
0xa2: {  	v20 =	vld [tilespmem:s25+$0x400];
	v16 =	vadd.s32 v16, v11  }
.Ltmp10:
0xa3: {  	v12 =	vadd.s32 v12, v13;
	v11 =	vld [tilespmem:s25+$0x500];
	v14 =	vadd.s32 v19, v16;
	v10, _, _ =	vpop (xrf0);
	(pc) =	sbr.rel @p2 .LBB2_14-.Ltmp10, $4  }
0xa4: {  	v13 =	vld [tilespmem:s25+$0x600];
	v15 =	vadd.s32 v15, v14;
	v16 =	vadd.s32 v12, v10  }
0xa5: {  	v14 =	vld [tilespmem:s25+$0x700];
	v17 =	vadd.s32 v17, v15;
	s25 =	sadd.s32 $0xFFFFFFF0, s25;
	vm0 =	vgt.s32 v16, $0xFF  }
0xa6: {  	v15 =	vld [tilespmem:s25+$0xFFFFF800];
	v18 =	vadd.s32 v18, v17;
	v17 =	vmpcnt.ones.xlane vm0  }
0xa7: {  	s28 =	sadd.s32 $0xFFFFFFF0, s28;
	v16 =	vld [tilespmem:s25+$0xFFFFF900];
	v19 =	vadd.s32 v20, v18;
	v18 =	vmctz.xlane vm0  }
0xa8: {  	s0 =	smov.u32 s23;
	s23 =	smov.u32 s26  }
.LBB2_16:
0xa9: {  	v20 =	vld [tilespmem:s25+$0xFFFFFA00]  }
0xaa: {  	v21 =	vld [tilespmem:s25+$0xFFFFFB00]  }
0xab: {  	v22 =	vld [tilespmem:s25+$0xFFFFFC00]  }
0xac: {  	v23 =	vld [tilespmem:s25+$0xFFFFFD00]  }
0xad: {  	v15 =	vadd.s32 v15, v16;
	v16 =	vld [tilespmem:s25+$0xFFFFFE00]  }
0xae: {  	v56 =	vld [tilespmem:s25+$0xFFFFFF00];
	v15 =	vadd.s32 v20, v15  }
0xaf: {  	v57 =	vld [tilespmem:s25+$0x0];
	v15 =	vadd.s32 v21, v15  }
0xb0: {  	v58 =	vld [tilespmem:s25+$0x100];
	v15 =	vadd.s32 v22, v15  }
0xb1: {  	v59 =	vld [tilespmem:s25+$0x200];
	v15 =	vadd.s32 v23, v15  }
0xb2: {  	v15 =	vadd.s32 v16, v15;
	v16 =	vld [tilespmem:s25+$0x300]  }
0xb3: {  	v60 =	vld [tilespmem:s25+$0x400];
	v15 =	vadd.s32 v56, v15  }
0xb4: {  	v61 =	vld [tilespmem:s25+$0x500];
	v15 =	vadd.s32 v57, v15  }
0xb5: {  	v62 =	vld [tilespmem:s25+$0x600];
	v15 =	vadd.s32 v58, v15  }
0xb6: {  	v63 =	vld [tilespmem:s25+$0x700];
	v15 =	vadd.s32 v59, v15  }
0xb7: {  	v15 =	vadd.s32 v16, v15  }
0xb8: {  	v11 =	vadd.s32 @p0 v11, v19;
	v15 =	vadd.s32 v60, v15  }
0xb9: {  	v11 =	vadd.s32 @p0 v13, v11;
	v13 =	vadd.s32 v61, v15  }
0xba: {  	v11 =	vadd.s32 @p0 v14, v11;
	v13 =	vadd.s32 v62, v13  }
0xbb: {  	v11 =	vperm.xlane @p0 v11, v5;
	v13 =	vadd.s32 v63, v13  }
0xbc: {  	v13 =	vperm.xlane v13, v5  }
0xbd: {  	(xrf0) =	vadd.scan.msk.s32 @p0 $0xffff, v11  }
0xbe: {  	(xrf0) =	vadd.scan.msk.s32 $0xffff, v13;
	_ =	sdelay $0x1  }
0xbf: {  	v10 =	vbroadcast @p1 v10, $0xF;
	_ =	sdelay $0x1  }
0xc0: {  	v10 =	vadd.s32 @p1 v12, v10  }
0xc1: {  	p2 =	seq.s32 s22, $0x0;
	vm0 =	vgt.s32 @p1 v17, $0x0;
	v10 =	vpsel p1, v10, v8;
	v11, _, _ =	vpop @p0 (xrf0)  }
0xc2: {  	vm1 =	vlt.s32 @p1 v9, $0x0;
	s25 =	simm.s32 @!p2 $0x2;
	v14 =	vadd.s32 @p0 v10, v11;
	v11 =	vpsel p0, v11, v0;
	v12, _, _ =	vpop (xrf0)  }
0xc3: {  	vm0 =	vmand @p1 vm1, vm0;
	vm1 =	vgt.s32 @p0 v14, $0xFF;
	v11 =	vbroadcast @p0 v11, $0xF;
	_ =	swait.ge @!p2 [sflag:s25], $0x8000  }
0xc4: {  	v14 =	vmctz.xlane @p0 vm1;
	v13 =	vsub.s32 @p1 s0, v18;
	[sflag:s25] =	ssyncset.done @!p2 $0x0  }
0xc5: {  	v10 =	vadd.s32 @p0 v10, v11;
	s0 =	simm.s32 @!p2 $0x3;
	v9 =	vsel @p1 vm0, v13, v9;
	v13 =	vmpcnt.ones.xlane @p0 vm1;
	[sflag:s25] =	ssyncadd.s32 @!p2 $0xFFFF8000  }
0xc6: {  	v10 =	vpsel p0, v10, v8;
	v9 =	vpsel p1, v9, v7;
	_ =	swait.ge @!p2 [sflag:s0], $0x100  }
0xc7: {  	v11 =	vpsel p0, v13, v0;
	v13 =	vpsel p0, v14, v0;
	vm1 =	vlt.s32 @p0 v9, $0x0;
	[sflag:s0] =	ssyncset.done @!p2 $0x0  }
0xc8: {  	s24 =	smov.u32 @p0 s24;
	s26 =	simm.s32 $0x20;
	vm0 =	vgt.s32 @p0 v11, $0x0;
	v10 =	vadd.s32 v10, v12;
	(v2sf) =	vpush v8, $0x0;
	[sflag:s0] =	ssyncadd.s32 @!p2 $0xFFFFFF00  }
0xc9: {  	v11 =	vsub.s32 @p0 s24, v13;
	vm0 =	vmand @p0 vm1, vm0;
	vm1 =	vgt.s32 v10, $0xFF;
	v10 =	vld [tilespmem:s26+$0xFFFFFFE0]  }
0xca: {  	v9 =	vsel @p0 vm0, v11, v9;
	v11 =	vmpcnt.ones.xlane vm1;
	v12 =	vld [tilespmem:s26+$0xFFFFFFF0]  }
0xcb: {  	v7 =	vpsel p0, v9, v7;
	v13 =	vmctz.xlane vm1;
	v9 =	vld [tilespmem:s26+$0x0]  }
0xcc: {  	vm1 =	vlt.s32 v7, $0x0;
	vm0 =	vgt.s32 v11, $0x0;
	v11 =	vld [tilespmem:s26+$0x10]  }
0xcd: {  	v13 =	vsub.s32 s23, v13;
	vm0 =	vmand vm1, vm0  }
0xce: {  	v7 =	vsel vm0, v13, v7;
	v10 =	vshrl.u32 v10, $0x18  }
0xcf: {  	vm2 =	vgt.s32 v10, v7;
	vm0 =	vge.s32 v10, v7;
	v10 =	vshrl.u32 v12, $0x18  }
0xd0: {  	v9 =	vshrl.u32 v9, $0x18;
	v12 =	vmpcnt.ones.xlane vm0;
	vm1 =	vge.s32 v10, v7  }
0xd1: {  	v11 =	vshrl.u32 v11, $0x18;
	vm3 =	vge.s32 v9, v7;
	v13 =	vmpcnt.ones.xlane vm1  }
0xd2: {  	vm4 =	vge.s32 v11, v7;
	v8 =	vadd.s32 v8, v12;
	v12 =	vmpcnt.ones.xlane vm3  }
0xd3: {  	v14 =	vmpcnt.ones.xlane vm4;
	v13 =	vadd.s32 v8, v13;
	(v2sf) =	vpush v8, $0x0  }
0xd4: {  	s30 =	simm.s32 $0x60;
	vm5 =	vgt.s32 v10, v7;
	v10 =	vadd.s32 v13, v12;
	(v2sf) =	vpush v13, $0x0  }
0xd5: {  	v12 =	vld [tilespmem:s30+$0xFFFFFFE0];
	v8 =	vadd.s32 v10, v14;
	(v2sf) =	vpush v10, $0x0  }
0xd6: {  	s28 =	simm.s32 $0x8020;
	s26 =	simm.s32 $0x0;
	v13 =	vld [tilespmem:s30+$0xFFFFFFF0];
	v10 =	vsel vm2, $0x1, v2;
	(v2sf) =	vpush v8, $0x0  }
0xd7: {  	v16 =	vld [tilespmem:s30+$0x0];
	vm6 =	vgt.s32 v9, v7;
	v14 =	vor.u32 s26, v0;
	[tilespmem:s28+$0xFFFFFFE0] =	vst v10;
	s10 =	spop (v2sf)  }
0xd8: {  	v15 =	vsel vm5, $0x1, v2;
	vm1 =	vmmov vm1;
	vm2 =	vgt.s32 v11, v7;
	[tilespmem:s10+$0x10000] =	vst.msk vm0, v14;
	v14 =	vld [tilespmem:s30+$0x10]  }
0xd9: {  	s4 =	simm.s32 $0x20;
	s24 =	sadd.s32 s6, s22;
	vm3 =	vmmov vm3;
	v11 =	vsel vm6, $0x1, v2;
	v9 =	vsel vm2, $0x1, v2  }
0xda: {  	s7 =	sshll.u32 s24, $0x7;
	vm2 =	vmmov vm4;
	v10 =	vor.u32 s4, v0;
	v12 =	vshrl.u32 v12, $0x18  }
0xdb: {  	s23 =	sand.u32 $0x380, s7;
	v13 =	vshrl.u32 v13, $0x18;
	vm5 =	vgt.s32 v12, v7;
	vm4 =	vge.s32 v12, v7  }
0xdc: {  	s31 =	simm.s32 $0x8;
	s29 =	simm.s32 $0x0;
	s25 =	sor.u32 s8, s23;
	[tilespmem:s28+$0xFFFFFFF0] =	vst v15;
	vm0 =	vge.s32 v13, v7;
	v12 =	vshrl.u32 v16, $0x18;
	v15 =	vmpcnt.ones.xlane vm4  }
.LBB2_17:
0xdd: {  	s31 =	sadd.s32 $0x4, s31;
	v16 =	vmpcnt.ones.xlane vm0;
	vm7 =	vge.s32 v12, v7;
	v14 =	vshrl.u32 v14, $0x18;
	[tilespmem:s28+$0x0] =	vst v11  }
0xde: {  	p0 =	slt.u32 s31, $0x7FC;
	v8 =	vadd.s32 v8, v15;
	v11 =	vmpcnt.ones.xlane vm7;
	vm6 =	vge.s32 v14, v7;
	[tilespmem:s28+$0x10] =	vst v9  }
0xdf: {  	v9 =	vadd.s32 v8, v16;
	v15 =	vmpcnt.ones.xlane vm6;
	(v2sf) =	vpush v8, $0x0  }
0xe0: {  	vm8 =	vgt.s32 v13, v7;
	s30 =	sadd.s32 $0x40, s30;
	v11 =	vadd.s32 v9, v11;
	(v2sf) =	vpush v9, $0x0  }
0xe1: {  	vm9 =	vgt.s32 v12, v7;
	v13 =	vld [tilespmem:s30+$0xFFFFFFE0];
	v8 =	vadd.s32 v11, v15;
	(v2sf) =	vpush v11, $0x0  }
0xe2: {  	s28 =	sadd.s32 $0x40, s28;
	v9 =	vsel vm5, $0x1, v2;
	vm5 =	vgt.s32 v14, v7;
	v12 =	vld [tilespmem:s30+$0xFFFFFFF0];
	(v2sf) =	vpush v8, $0x0;
	s0 =	spop (v2sf)  }
0xe3: {  	s4 =	sadd.s32 $0x30, s26;
	v15 =	vsel vm8, $0x1, v2;
	v11 =	vsel vm9, $0x1, v2;
	v16 =	vld [tilespmem:s30+$0x0];
	[tilespmem:s28+$0xFFFFFFE0] =	vst v9;
	v9 =	vsel vm5, $0x1, v2;
	s7 =	spop (v2sf)  }
.Ltmp11:
0xe4: {  	s26 =	sadd.s32 $0x40, s26;
	v14 =	vld [tilespmem:s30+$0x10];
	[tilespmem:s7+$0x10000] =	vst.msk vm3, v10;
	v10 =	vor.u32 s4, v0;
	s4 =	spop (v2sf);
	vm3 =	vmmov vm7;
	vm7 =	vmmov vm1;
	(pc) =	sbr.rel @p0 .LBB2_17-.Ltmp11, $4  }
0xe5: {  	s29 =	sadd.s32 $0x10, s29;
	v17 =	vor.u32 s26, v0;
	s7 =	sadd.s32 $0x20, s26;
	vm1 =	vmmov vm0;
	s10 =	spop (v2sf);
	[tilespmem:s4+$0x10000] =	vst.msk vm2, v10;
	vm2 =	vmmov vm6  }
0xe6: {  	v10 =	vor.u32 s7, v0;
	v13 =	vshrl.u32 v13, $0x18;
	[tilespmem:s10+$0x10000] =	vst.msk vm4, v17;
	v17 =	vor.u32 s29, v0;
	s29 =	smov.u32 s26  }
0xe7: {  	vm5 =	vgt.s32 v13, v7;
	vm4 =	vge.s32 v13, v7;
	v13 =	vshrl.u32 v12, $0x18;
	[tilespmem:s28+$0xFFFFFFF0] =	vst v15  }
0xe8: {  	v15 =	vmpcnt.ones.xlane vm4;
	vm0 =	vge.s32 v13, v7;
	v12 =	vshrl.u32 v16, $0x18;
	[tilespmem:s0+$0x10000] =	vst.msk vm7, v17  }
0xe9: {  	s0 =	sadd.s32 $0x40, s30  }
0xea: {  	v16 =	vld [tilespmem:s0+$0xFFFFFFE0]  }
0xeb: {  	v17 =	vmpcnt.ones.xlane vm0;
	vm10 =	vge.s32 v12, v7;
	v14 =	vshrl.u32 v14, $0x18;
	v18 =	vld [tilespmem:s0+$0xFFFFFFF0]  }
0xec: {  	v8 =	vadd.s32 v8, v15;
	v57 =	vmpcnt.ones.xlane vm10;
	vm11 =	vge.s32 v14, v7;
	v19 =	vld [tilespmem:s0+$0x0]  }
0xed: {  	v17 =	vadd.s32 v8, v17;
	v20 =	vmpcnt.ones.xlane vm11;
	(v2sf) =	vpush v8, $0x0;
	v8 =	vld [tilespmem:s0+$0x10]  }
0xee: {  	v15 =	vadd.s32 v17, v57;
	(v2sf) =	vpush v17, $0x0  }
0xef: {  	v58 =	vadd.s32 v15, v20;
	(v2sf) =	vpush v15, $0x0;
	v59 =	vshrl.u32 v16, $0x18  }
0xf0: {  	(v2sf) =	vpush v58, $0x0;
	v60 =	vshrl.u32 v18, $0x18;
	vm9 =	vge.s32 v59, v7  }
0xf1: {  	v19 =	vshrl.u32 v19, $0x18;
	vm6 =	vge.s32 v60, v7;
	v61 =	vmpcnt.ones.xlane vm9  }
0xf2: {  	vm8 =	vge.s32 v19, v7;
	v21 =	vshrl.u32 v8, $0x18;
	v62 =	vmpcnt.ones.xlane vm6  }
0xf3: {  	v63 =	vmpcnt.ones.xlane vm8;
	vm7 =	vge.s32 v21, v7;
	v8 =	vadd.s32 v58, v61  }
0xf4: {  	v18 =	vadd.s32 v8, v62;
	(v2sf) =	vpush v8, $0x0;
	v8 =	vmpcnt.ones.xlane vm7  }
0xf5: {  	v17 =	vadd.s32 v18, v63;
	(v2sf) =	vpush v18, $0x0  }
0xf6: {  	v8 =	vadd.s32 v17, v8;
	(v2sf) =	vpush v17, $0x0  }
0xf7: {  	(v2sf) =	vpush v8, $0x0;
	_ =	sdelay $0x3  }
0xf8: {  	[tilespmem:s28+$0x0] =	vst v11;
	s0 =	spop (v2sf)  }
0xf9: {  	s30 =	sadd.s32 $0x30, s26;
	[tilespmem:s28+$0x10] =	vst v9;
	s4 =	spop (v2sf)  }
0xfa: {  	v9 =	vor.u32 s30, v0;
	[tilespmem:s4+$0x10000] =	vst.msk vm3, v10;
	s7 =	spop (v2sf)  }
0xfb: {  	s10 =	sadd.s32 $0x40, s26;
	[tilespmem:s7+$0x10000] =	vst.msk vm2, v9;
	s31 =	spop (v2sf);
	v9 =	vsel vm5, $0x1, v2;
	s7 =	sadd.s32 $0x40, s28  }
0xfc: {  	vm14 =	vgt.s32 v13, v7;
	[tilespmem:s7+$0xFFFFFFE0] =	vst v9;
	v9 =	vor.u32 s10, v0;
	s26 =	spop (v2sf)  }
0xfd: {  	s30 =	sadd.s32 $0x10, s29;
	[tilespmem:s31+$0x10000] =	vst.msk vm4, v9;
	v9 =	vsel vm14, $0x1, v2;
	s28 =	spop (v2sf)  }
0xfe: {  	vm15 =	vgt.s32 v12, v7;
	vm1 =	vmmov vm1;
	[tilespmem:s7+$0xFFFFFFF0] =	vst v9;
	v9 =	vor.u32 s30, v0;
	s4 =	spop (v2sf)  }
0xff: {  	vm12 =	vgt.s32 v14, v7;
	v10 =	vsel vm15, $0x1, v2;
	[tilespmem:s0+$0x10000] =	vst.msk vm1, v9;
	s0 =	spop (v2sf)  }
0x100: {  	[tilespmem:s7+$0x0] =	vst v10;
	s31 =	sadd.s32 $0x20, s10;
	v9 =	vsel vm12, $0x1, v2;
	s30 =	spop (v2sf)  }
0x101: {  	vm13 =	vmmov vm10;
	s29 =	sadd.s32 $0x30, s10;
	v10 =	vor.u32 s31, v0;
	[tilespmem:s7+$0x10] =	vst v9;
	s31 =	spop (v2sf)  }
0x102: {  	vm15 =	vgt.s32 v59, v7;
	vm14 =	vmmov vm11;
	v9 =	vor.u32 s29, v0;
	[tilespmem:s28+$0x10000] =	vst.msk vm13, v10;
	s28 =	spop (v2sf)  }
0x103: {  	s7 =	sadd.s32 $0x40, s7;
	s29 =	sadd.s32 $0x40, s10;
	v10 =	vsel vm15, $0x1, v2;
	[tilespmem:s4+$0x10000] =	vst.msk vm14, v9;
	s4 =	spop (v2sf)  }
0x104: {  	[tilespmem:s7+$0xFFFFFFE0] =	vst v10;
	v9 =	vor.u32 s29, v0;
	s4 =	sadd.s32 $0xF, s4  }
0x105: {  	s10 =	sadd.s32 $0x10, s10;
	[tilespmem:s0+$0x10000] =	vst.msk vm9, v9;
	s0 =	sand.u32 $0xF, s4  }
0x106: {  	v9 =	vor.u32 s10, v0;
	s10 =	sshra.s32 s4, $0x1F;
	p0 =	slt.s32 s4, $0x1;
	p1 =	sne.s32 s0, $0x0  }
0x107: {  	s10 =	sshrl.u32 s10, $0x1C;
	p0 =	por !p0, !p1  }
0x108: {  	vm5 =	vmmov vm0;
	s4 =	sadd.s32 s10, s4;
	s10 =	simm.s32 $0x1;
	p0 =	por !p0, !p0  }
0x109: {  	vm0 =	vmmov vm5;
	vm9 =	vgt.s32 v60, v7;
	s4 =	sshra.s32 s4, $0x4;
	s10 =	simm.s32 @!p0 $0x0  }
0x10a: {  	vm10 =	vgt.s32 v19, v7;
	v10 =	vsel vm9, $0x1, v2;
	[tilespmem:s26+$0x10000] =	vst.msk vm0, v9;
	s0 =	ssub.s32 s4, s10  }
0x10b: {  	vm11 =	vgt.s32 v21, v7;
	v9 =	vsel vm10, $0x1, v2;
	[tilespmem:s7+$0xFFFFFFF0] =	vst v10;
	p0 =	slt.s32 s0, $0x1  }
.Ltmp12:
0x10c: {  	s26 =	sadd.s32 $0x20, s29;
	v10 =	vsel vm11, $0x1, v2;
	[tilespmem:s7+$0x0] =	vst v9;
	(pc) =	sbr.rel @p0 .LBB2_19-.Ltmp12, $4  }
0x10d: {  	vm12 =	vmmov vm8;
	v9 =	vor.u32 s26, v0;
	s26 =	sadd.s32 $0x30, s29;
	[tilespmem:s7+$0x10] =	vst v10  }
0x10e: {  	vm13 =	vmmov vm7;
	vm14 =	vmmov vm6;
	[tilespmem:s31+$0x10000] =	vst.msk vm12, v9;
	v9 =	vor.u32 s26, v0;
	s31 =	sadd.s32 $0x10, s29  }
0x10f: {  	vm15 =	vmmov vm14;
	[tilespmem:s28+$0x10000] =	vst.msk vm13, v9;
	v9 =	vor.u32 s31, v0  }
0x110: {  	[tilespmem:s30+$0x10000] =	vst.msk vm15, v9  }
0x111: {  	p3 =	seq.s32 s0, $0x1  }
.Ltmp13:
0x112: {  	_ = 	snop;
	(pc) =	sbr.rel @p3 .LBB2_26-.Ltmp13, $3  }
0x113: {  	_ =	sdelay $0x1  }
0x114: {  	s28 =	simm.s32 $0x10000;
	s26 =	simm.s32 $0x0;
	s0 =	sadd.s32 $0xFFFFFFFF, s0  }
0x115: {  	v9 =	vimm.s32 $0x0;
	p0 =	por $0x0, $0x0;
	p1 =	por $0x0, $0x0;
	p2 =	por $0x0, $0x0;
	v11 =	vld [tilespmem:s28+$0x0]  }
0x116: {  	_ = 	snop  }
0x117: {  	v10 =	vor.u32 s26, v0  }
0x118: {  	vm0 =	vlt.s32 v10, v8  }
0x119: {  	p3 =	seq.s32 s0, $0x1;
	s4 =	simm.s32 $0x10010  }
.Ltmp14:
0x11a: {  	v10 =	vld [tilespmem:s4+$0x0];
	(pc) =	sbr.rel @p3 .LBB2_28-.Ltmp14, $2  }
0x11b: {  	_ =	sdelay $0x2  }
0x11c: {  	s0 =	sadd.s32 $0xFFFFFFFF, s0;
	s26 =	simm.s32 $0x10;
	p0 =	por $0x1, $0x1;
	vm1 =	vmmov vm0;
	v14 =	vld.idx.msk [tilespmem:v11+s3+$0x0], vm0  }
0x11d: {  	v12 =	vor.u32 s26, v0  }
0x11e: {  	vm2 =	vlt.s32 v12, v8  }
0x11f: {  	p3 =	seq.s32 s0, $0x1  }
.Ltmp15:
0x120: {  	s4 =	simm.s32 $0x10020;
	(pc) =	sbr.rel @p3 .LBB2_30-.Ltmp15, $4  }
0x121: {  	(v2sf) =	vpush v9, $0x0;
	v20 =	vld [tilespmem:s4+$0x0];
	v12 =	vshrl.u32 v14, $0x18  }
0x122: {  	(v2sf) =	vpush v9, $0x0;
	vm0 =	vgt.s32 v12, v7;
	vm3 =	veq.s32 v12, v7  }
0x123: {  	vm4 =	vmand vm1, vm0;
	vm0 =	vmand vm1, vm3;
	vm1 =	vmmov vm2  }
0x124: {  	s28 =	sadd.s32 $0xFFFFFFFF, s0;
	s26 =	simm.s32 $0x20;
	p1 =	por $0x1, $0x1;
	v14 =	vld.idx.msk [tilespmem:v10+s3+$0x0], vm2;
	v13 =	vmpcnt.ones.xlane vm4;
	v15 =	vmpcnt.ones.xlane vm0;
	vm2 =	vmmov vm4  }
0x125: {  	_ =	sdelay $0x2  }
0x126: {  	v12 =	vor.u32 s26, v0  }
0x127: {  	vm5 =	vlt.s32 v12, v8;
	v12 =	vadd.s32 v9, v13  }
0x128: {  	v16 =	vadd.s32 v9, v15;
	(v2sf) =	vpush v12, $0x0  }
0x129: {  	(v2sf) =	vpush v16, $0x0  }
0x12a: {  	p3 =	seq.s32 s28, $0x1  }
.Ltmp16:
0x12b: {  	v14 =	vshrl.u32 v14, $0x18;
	(pc) =	sbr.rel @p3 .LBB2_32-.Ltmp16, $4  }
0x12c: {  	vm3 =	vgt.s32 v14, v7;
	vm4 =	veq.s32 v14, v7  }
0x12d: {  	s0 =	simm.s32 $0x10030;
	vm6 =	vmand vm1, vm3;
	vm4 =	vmand vm1, vm4  }
0x12e: {  	s29 =	sadd.s32 $0xFFFFFFFF, s28;
	v23 =	vld [tilespmem:s0+$0x0];
	v18 =	vmpcnt.ones.xlane vm6;
	v19 =	vmpcnt.ones.xlane vm4;
	s4 =	spop (v2sf)  }
0x12f: {  	s26 =	simm.s32 $0x30;
	p2 =	por $0x1, $0x1;
	v17 =	vmovc v11;
	vm3 =	vmmov vm0;
	vm1 =	vmmov vm5;
	v14 =	vld.idx.msk [tilespmem:v20+s3+$0x0], vm5;
	vm5 =	vmmov vm6;
	[tilespmem:s4+$0x1A080] =	vst.msk vm2, v11;
	s28 =	spop (v2sf)  }
.LBB2_33:
0x130: {  	p3 =	seq.s32 s29, $0x1;
	v21 =	vor.u32 s26, v0;
	v12 =	vadd.s32 v12, v18;
	v16 =	vadd.s32 v16, v19;
	[tilespmem:s28+$0x10000] =	vst.msk vm3, v17;
	v17 =	vmovc v10  }
0x131: {  	v10 =	vmovc v20;
	vm3 =	vmmov vm4;
	vm6 =	vlt.s32 v21, v8;
	(v2sf) =	vpush v12, $0x0  }
0x132: {  	(v2sf) =	vpush v16, $0x0;
	_ =	sdelay $0x1  }
.Ltmp17:
0x133: {  	v14 =	vshrl.u32 v14, $0x18;
	v20 =	vmov v23;
	(pc) =	sbr.rel @!p3 .LBB2_33-.Ltmp17, $4  }
0x134: {  	vm4 =	vgt.s32 v14, v7;
	vm7 =	veq.s32 v14, v7  }
0x135: {  	vm8 =	vmand vm1, vm4;
	vm4 =	vmand vm1, vm7;
	vm1 =	vmmov vm6  }
0x136: {  	s0 =	sadd.s32 $0x10, s0;
	v18 =	vmpcnt.ones.xlane vm8;
	v19 =	vmpcnt.ones.xlane vm4;
	v14 =	vld.idx.msk [tilespmem:v23+s3+$0x0], vm6;
	s4 =	spop (v2sf)  }
0x137: {  	s29 =	sadd.s32 $0xFFFFFFFF, s29;
	s26 =	sadd.s32 $0x10, s26;
	v23 =	vld [tilespmem:s0+$0x0];
	[tilespmem:s4+$0x1A080] =	vst.msk vm5, v17;
	s28 =	spop (v2sf);
	vm5 =	vmmov vm8  }
0x138: {  	_ =	sdelay $0x3  }
0x139: {  	v22 =	vmov v10;
	v21 =	vmov v20;
	v10 =	vmov v23  }
.LBB2_35:
0x13a: {  	v14 =	vshrl.u32 @p0 v14, $0x18  }
0x13b: {  	vm6 =	vgt.s32 @p0 v14, v7  }
0x13c: {  	vm7 =	veq.s32 @p0 v14, v7;
	vm6 =	vmand @p0 vm1, vm6  }
0x13d: {  	v12 =	vadd.s32 @p1 v12, v18;
	vm1 =	vmand @p0 vm1, vm7;
	v14 =	vmpcnt.ones.xlane @p0 vm6  }
0x13e: {  	v16 =	vadd.s32 @p1 v16, v19;
	v12 =	vpsel p1, v12, v9;
	v18 =	vmpcnt.ones.xlane @p0 vm1  }
0x13f: {  	v16 =	vpsel p1, v16, v9;
	(v2sf) =	vpush @p0 v12, $0x0;
	v13 =	vpsel p0, v14, v13  }
0x140: {  	(v2sf) =	vpush @p0 v16, $0x0;
	v14 =	vpsel p0, v18, v15;
	v12 =	vadd.s32 @p0 v12, v13  }
0x141: {  	v63 =	vor.u32 s26, v0;
	v14 =	vadd.s32 @p0 v16, v14;
	v12 =	vpsel p0, v12, v9  }
0x142: {  	vm12 =	vlt.s32 v63, v8;
	v8 =	vpsel p0, v14, v9;
	(v2sf) =	vpush v12, $0x0  }
0x143: {  	(v2sf) =	vpush v8, $0x0;
	_ =	sdelay $0x5  }
0x144: {  	v9 =	vld.idx.msk [tilespmem:v10+s3+$0x0], vm12;
	_ =	sdelay $0x1  }
0x145: {  	vm4 =	vmmov @p1 vm4  }
0x146: {  	s0 =	spop @p1 (v2sf);
	[tilespmem:s28+$0x10000] =	vst.msk @p2 vm3, v17;
	vm3 =	vmmov @p1 vm4;
	vm6 =	vmmov @p0 vm6;
	vm0 =	vmmov @p0 vm1  }
0x147: {  	s4 =	spop @p1 (v2sf);
	vm7 =	vmmov vm12;
	vm2 =	vmmov @p0 vm6;
	vm0 =	vmmov @p0 vm0;
	v13 =	vmovc @p1 v22  }
0x148: {  	vm0 =	vmmov @p0 vm0;
	v14 =	vmovc @p0 v21;
	v15 =	vpsel p1, v13, v0;
	[tilespmem:s0+$0x1A080] =	vst.msk @p1 vm5, v13;
	s0 =	smov.u32 @p1 s4;
	v9 =	vshrl.u32 v9, $0x18;
	s4 =	spop @p0 (v2sf)  }
.Ltmp18:
0x149: {  	v11 =	vpsel p0, v14, v11;
	[tilespmem:s0+$0x10000] =	vst.msk @p1 vm3, v15;
	vm13 =	vgt.s32 v9, v7;
	vm14 =	veq.s32 v9, v7;
	s0 =	spop @p0 (v2sf);
	(pc) =	sbr.rel .LBB2_20-.Ltmp18, $4  }
0x14a: {  	v7 =	vpsel p0, v11, v0;
	vm1 =	vmand vm7, vm13;
	vm3 =	vmand vm7, vm14;
	[tilespmem:s4+$0x1A080] =	vst.msk @p0 vm2, v11;
	s0 =	smov.u32 @p0 s0  }
0x14b: {  	v9 =	vmpcnt.ones.xlane vm1;
	vm1 =	vmmov vm1;
	v11 =	vmpcnt.ones.xlane vm3;
	[tilespmem:s0+$0x10000] =	vst.msk @p0 vm0, v7;
	s30 =	spop (v2sf)  }
0x14c: {  	vm15 =	vmmov vm3;
	[tilespmem:s30+$0x1A080] =	vst.msk vm1, v10;
	s31 =	spop (v2sf)  }
0x14d: {  	v7 =	vadd.s32 v12, v9;
	v9 =	vadd.s32 v8, v11;
	[tilespmem:s31+$0x10000] =	vst.msk vm15, v10  }
.LBB2_19:
0x14e: {  	v7 =	vimm.s32 $0x0;
	v9 =	vimm.s32 $0x0  }
.LBB2_20:
0x14f: {  	(v2sf) =	vpush v9, $0x0;
	_ =	sdelay $0xe  }
0x150: {  	s0 =	spop (v2sf)  }
0x151: {  	s0 =	sadd.s32 $0xF, s0  }
0x152: {  	s4 =	sand.u32 $0xF, s0  }
0x153: {  	s31 =	sshra.s32 s0, $0x1F;
	p1 =	slt.s32 s0, $0x1;
	p0 =	sne.s32 s4, $0x0  }
0x154: {  	s4 =	sshrl.u32 s31, $0x1C;
	p0 =	por !p1, !p0  }
0x155: {  	s0 =	sadd.s32 s4, s0;
	s4 =	simm.s32 $0x1;
	p0 =	por !p0, !p0  }
0x156: {  	s0 =	sshra.s32 s0, $0x4;
	s4 =	simm.s32 @!p0 $0x0  }
0x157: {  	s26 =	ssub.s32 s0, s4  }
0x158: {  	p1 =	sgt.s32 s26, $0x0  }
.Ltmp19:
0x159: {  	_ = 	snop;
	(pc) =	sbr.rel @!p1 .LBB2_21-.Ltmp19, $2  }
0x15a: {  	_ =	sdelay $0x2  }
0x15b: {  	p0 =	seq.s32 s26, $0x1  }
.Ltmp20:
0x15c: {  	(pc) =	sbr.rel @p0 .LBB2_37-.Ltmp20, $3  }
0x15d: {  	_ =	sdelay $0x1  }
0x15e: {  	s4 =	simm.s32 $0x10000;
	s0 =	simm.s32 $0x0  }
0x15f: {  	s28 =	sadd.s32 $0xFFFFFFFF, s26;
	p1 =	por $0x0, $0x0;
	p2 =	por $0x0, $0x0;
	v8 =	vld [tilespmem:s4+$0x0]  }
0x160: {  	_ = 	snop  }
0x161: {  	v10 =	vor.u32 s0, v0  }
0x162: {  	vm0 =	vlt.s32 v10, v9;
	_ =	sdelay $0x1  }
0x163: {  	p3 =	seq.s32 s28, $0x1  }
.Ltmp21:
0x164: {  	_ = 	snop;
	(pc) =	sbr.rel @p3 .LBB2_39-.Ltmp21, $3  }
0x165: {  	_ =	sdelay $0x1  }
0x166: {  	s31 =	simm.s32 $0x10010;
	v10 =	vld.idx.msk [tilespmem:v8+s3+$0x0], vm0  }
0x167: {  	s29 =	sadd.s32 $0xFFFFFFFF, s28;
	s0 =	simm.s32 $0x10;
	p1 =	por $0x1, $0x1;
	vm1 =	vmmov vm0;
	v8 =	vld [tilespmem:s31+$0x0]  }
0x168: {  	_ = 	snop  }
0x169: {  	v11 =	vor.u32 s0, v0  }
0x16a: {  	vm2 =	vlt.s32 v11, v9;
	_ =	sdelay $0x1  }
0x16b: {  	p3 =	seq.s32 s29, $0x1  }
.Ltmp22:
0x16c: {  	v10 =	vshrl.u32 v10, $0x10;
	(pc) =	sbr.rel @p3 .LBB2_42-.Ltmp22, $4  }
0x16d: {  	vm0 =	vmmov vm1;
	v11 =	vand.u32 $0xFF, v10  }
0x16e: {  	v11 =	vor.u32 v3, v11  }
0x16f: {  	s28 =	simm.s32 $0x10020;
	v10 =	vld.idx.msk [tilespmem:v8+s3+$0x0], vm2  }
0x170: {  	s29 =	sadd.s32 $0xFFFFFFFF, s29;
	s0 =	simm.s32 $0x20;
	p2 =	por $0x1, $0x1;
	vm1 =	vmmov vm2;
	v8 =	vld [tilespmem:s28+$0x0]  }
.LBB2_41:
0x171: {  	p3 =	seq.s32 s29, $0x1;
	v12 =	vor.u32 s0, v0  }
0x172: {  	vm2 =	vlt.s32 v12, v9  }
0x173: {  	[tilespmem:v11+s15+$0x0] =	vst.idx.add.s32.msk vm0, v4;
	vm0 =	vmmov vm1;
	vm1 =	vmmov vm2;
	_ =	sdelay $0x1  }
.Ltmp23:
0x174: {  	v10 =	vshrl.u32 v10, $0x10;
	(pc) =	sbr.rel @!p3 .LBB2_41-.Ltmp23, $4  }
0x175: {  	v10 =	vand.u32 $0xFF, v10  }
0x176: {  	v11 =	vor.u32 v3, v10  }
0x177: {  	s28 =	sadd.s32 $0x10, s28;
	v10 =	vld.idx.msk [tilespmem:v8+s3+$0x0], vm2  }
0x178: {  	s29 =	sadd.s32 $0xFFFFFFFF, s29;
	s0 =	sadd.s32 $0x10, s0;
	v8 =	vld [tilespmem:s28+$0x0]  }
.LBB2_42:
0x179: {  	_ = 	snop  }
0x17a: {  	v12 =	vor.u32 s0, v0  }
0x17b: {  	vm2 =	vlt.s32 v12, v9;
	_ =	sdelay $0x5  }
0x17c: {  	v8 =	vld.idx.msk [tilespmem:v8+s3+$0x0], vm2;
	_ =	sdelay $0x2  }
0x17d: {  	vm1 =	vmmov @p1 vm1;
	v10 =	vshrl.u32 @p1 v10, $0x10  }
0x17e: {  	vm1 =	vmmov @p1 vm1;
	v10 =	vand.u32 @p1 $0xFF, v10  }
0x17f: {  	v10 =	vor.u32 @p1 v3, v10;
	vm2 =	vmmov vm2;
	v8 =	vshrl.u32 v8, $0x10  }
0x180: {  	v10 =	vpsel p1, v10, v0;
	vm2 =	vmmov vm2;
	v8 =	vand.u32 $0xFF, v8  }
0x181: {  	v8 =	vor.u32 v3, v8;
	_ =	sdelay $0x2  }
0x182: {  	[tilespmem:v11+s15+$0x0] =	vst.idx.add.s32.msk @p2 vm0, v4  }
0x183: {  	[tilespmem:v10+s15+$0x0] =	vst.idx.add.s32.msk @p1 vm1, v4  }
0x184: {  	[tilespmem:v8+s15+$0x0] =	vst.idx.add.s32.msk vm2, v4  }
.LBB2_21:
0x185: {  	s0 =	simm.s32 $0x19970  }
0x186: {  	v12 =	vld [tilespmem:s0+$0xFFFFF800]  }
0x187: {  	v13 =	vld [tilespmem:s0+$0xFFFFF900]  }
0x188: {  	v14 =	vld [tilespmem:s0+$0xFFFFFA00]  }
0x189: {  	v15 =	vld [tilespmem:s0+$0xFFFFFB00]  }
0x18a: {  	v16 =	vld [tilespmem:s0+$0xFFFFFC00]  }
0x18b: {  	v17 =	vld [tilespmem:s0+$0xFFFFFD00]  }
0x18c: {  	v18 =	vld [tilespmem:s0+$0xFFFFFE00];
	v12 =	vadd.s32 v12, v13  }
0x18d: {  	v13 =	vld [tilespmem:s0+$0xFFFFFF00];
	v12 =	vadd.s32 v14, v12  }
0x18e: {  	v14 =	vld [tilespmem:s0+$0x0];
	v12 =	vadd.s32 v15, v12  }
0x18f: {  	v15 =	vld [tilespmem:s0+$0x100];
	v12 =	vadd.s32 v16, v12  }
0x190: {  	v16 =	vld [tilespmem:s0+$0x200];
	v12 =	vadd.s32 v17, v12  }
0x191: {  	v17 =	vld [tilespmem:s0+$0x300];
	v12 =	vadd.s32 v18, v12  }
0x192: {  	v18 =	vld [tilespmem:s0+$0x400];
	v12 =	vadd.s32 v13, v12  }
0x193: {  	v13 =	vld [tilespmem:s0+$0x500];
	v12 =	vadd.s32 v14, v12  }
0x194: {  	v14 =	vld [tilespmem:s0+$0x600];
	v12 =	vadd.s32 v15, v12  }
0x195: {  	s10 =	simm.s32 $0x19960;
	v15 =	vld [tilespmem:s0+$0x700];
	v12 =	vadd.s32 v16, v12  }
0x196: {  	v16 =	vld [tilespmem:s10+$0xFFFFF800];
	v12 =	vadd.s32 v17, v12  }
0x197: {  	v17 =	vld [tilespmem:s10+$0xFFFFF900];
	v12 =	vadd.s32 v18, v12  }
0x198: {  	v18 =	vld [tilespmem:s10+$0xFFFFFA00];
	v12 =	vadd.s32 v13, v12  }
0x199: {  	v13 =	vld [tilespmem:s10+$0xFFFFFB00];
	v12 =	vadd.s32 v14, v12  }
0x19a: {  	v14 =	vld [tilespmem:s10+$0xFFFFFC00];
	v12 =	vadd.s32 v15, v12  }
0x19b: {  	v15 =	vld [tilespmem:s10+$0xFFFFFD00];
	v12 =	vperm.xlane v12, v5  }
0x19c: {  	v19 =	vld [tilespmem:s10+$0xFFFFFE00];
	v16 =	vadd.s32 v16, v17  }
0x19d: {  	v17 =	vld [tilespmem:s10+$0xFFFFFF00];
	v16 =	vadd.s32 v18, v16;
	(xrf0) =	vadd.scan.msk.s32 $0xffff, v12  }
0x19e: {  	v12 =	vld [tilespmem:s10+$0x0];
	v13 =	vadd.s32 v13, v16  }
0x19f: {  	v16 =	vld [tilespmem:s10+$0x100];
	v13 =	vadd.s32 v14, v13  }
0x1a0: {  	v18 =	vld [tilespmem:s10+$0x200];
	v13 =	vadd.s32 v15, v13  }
0x1a1: {  	v20 =	vld [tilespmem:s10+$0x300];
	v13 =	vadd.s32 v19, v13  }
0x1a2: {  	v21 =	vld [tilespmem:s10+$0x400];
	v13 =	vadd.s32 v17, v13  }
0x1a3: {  	v11 =	vimm.s32 $0x0;
	v14 =	vld [tilespmem:s10+$0x500];
	v13 =	vadd.s32 v12, v13;
	v12, _, _ =	vpop (xrf0)  }
0x1a4: {  	v8 =	vsub.s32 $0x100, v7;
	v15 =	vld [tilespmem:s10+$0x600];
	v16 =	vadd.s32 v16, v13;
	v17 =	vadd.s32 v11, v12  }
0x1a5: {  	s31 =	simm.s32 $0x19950;
	v13 =	vld [tilespmem:s10+$0x700];
	v16 =	vadd.s32 v18, v16;
	vm0 =	vge.s32 v17, v8  }
0x1a6: {  	s28 =	simm.s32 $0xFF;
	v19 =	vld [tilespmem:s31+$0xFFFFF900];
	v17 =	vadd.s32 v20, v16;
	v16 =	vmpcnt.ones.xlane vm0  }
0x1a7: {  	v10 =	vimm.s32 $0xFFFFFFFF;
	s30 =	simm.s32 $0xEF;
	s29 =	simm.s32 $0xDF;
	s0 =	simm.s32 $0xCF;
	v18 =	vld [tilespmem:s31+$0xFFFFF800];
	v20 =	vadd.s32 v21, v17;
	v17 =	vmctz.xlane vm0  }
.LBB2_22:
0x1a8: {  	p1 =	seq.s32 s0, $0xF;
	v21 =	vld [tilespmem:s31+$0xFFFFFA00];
	v14 =	vadd.s32 v14, v20;
	vm0 =	vgt.s32 v16, $0x0;
	vm1 =	vlt.s32 v10, $0x0  }
0x1a9: {  	v16 =	vld [tilespmem:s31+$0xFFFFFB00];
	v14 =	vadd.s32 v15, v14;
	v15 =	vsub.s32 s28, v17;
	vm0 =	vmand vm1, vm0;
	s28 =	smov.u32 s30;
	s30 =	smov.u32 s29;
	s29 =	smov.u32 s0  }
0x1aa: {  	v17 =	vld [tilespmem:s31+$0xFFFFFC00];
	v13 =	vadd.s32 v13, v14;
	v10 =	vsel vm0, v15, v10  }
0x1ab: {  	v14 =	vld [tilespmem:s31+$0xFFFFFD00];
	v13 =	vperm.xlane v13, v5  }
0x1ac: {  	v15 =	vld [tilespmem:s31+$0xFFFFFE00];
	v18 =	vadd.s32 v18, v19  }
0x1ad: {  	v19 =	vld [tilespmem:s31+$0xFFFFFF00];
	v18 =	vadd.s32 v21, v18;
	(xrf0) =	vadd.scan.msk.s32 $0xffff, v13  }
0x1ae: {  	v13 =	vld [tilespmem:s31+$0x0];
	v16 =	vadd.s32 v16, v18  }
0x1af: {  	v18 =	vld [tilespmem:s31+$0x100];
	v16 =	vadd.s32 v17, v16  }
0x1b0: {  	v17 =	vld [tilespmem:s31+$0x200];
	v14 =	vadd.s32 v14, v16  }
0x1b1: {  	v16 =	vld [tilespmem:s31+$0x300];
	v14 =	vadd.s32 v15, v14;
	v15 =	vbroadcast v12, $0xF  }
0x1b2: {  	v20 =	vld [tilespmem:s31+$0x400];
	v19 =	vadd.s32 v19, v14  }
.Ltmp24:
0x1b3: {  	v14 =	vld [tilespmem:s31+$0x500];
	v13 =	vadd.s32 v13, v19;
	v12, _, _ =	vpop (xrf0);
	v11 =	vadd.s32 v11, v15;
	(pc) =	sbr.rel @!p1 .LBB2_22-.Ltmp24, $4  }
0x1b4: {  	v15 =	vld [tilespmem:s31+$0x600];
	v18 =	vadd.s32 v18, v13;
	v19 =	vadd.s32 v11, v12  }
0x1b5: {  	v13 =	vld [tilespmem:s31+$0x700];
	v17 =	vadd.s32 v17, v18;
	s31 =	sadd.s32 $0xFFFFFFF0, s31;
	vm0 =	vge.s32 v19, v8  }
0x1b6: {  	v18 =	vld [tilespmem:s31+$0xFFFFF800];
	v17 =	vadd.s32 v16, v17;
	v16 =	vmpcnt.ones.xlane vm0  }
0x1b7: {  	s0 =	sadd.s32 $0xFFFFFFF0, s0;
	v19 =	vld [tilespmem:s31+$0xFFFFF900];
	v20 =	vadd.s32 v20, v17;
	v17 =	vmctz.xlane vm0  }
0x1b8: {  	v21 =	vld [tilespmem:s31+$0xFFFFFA00]  }
0x1b9: {  	v22 =	vld [tilespmem:s31+$0xFFFFFB00]  }
0x1ba: {  	v23 =	vld [tilespmem:s31+$0xFFFFFC00]  }
0x1bb: {  	v24 =	vld [tilespmem:s31+$0xFFFFFD00]  }
0x1bc: {  	v46 =	vld [tilespmem:s31+$0xFFFFFE00];
	v18 =	vadd.s32 v18, v19  }
0x1bd: {  	v47 =	vld [tilespmem:s31+$0xFFFFFF00];
	v18 =	vadd.s32 v21, v18  }
0x1be: {  	v48 =	vld [tilespmem:s31+$0x0];
	v18 =	vadd.s32 v22, v18  }
0x1bf: {  	v49 =	vld [tilespmem:s31+$0x100];
	v18 =	vadd.s32 v23, v18  }
0x1c0: {  	v50 =	vld [tilespmem:s31+$0x200];
	v18 =	vadd.s32 v24, v18  }
0x1c1: {  	v51 =	vld [tilespmem:s31+$0x300];
	v18 =	vadd.s32 v46, v18  }
0x1c2: {  	v52 =	vld [tilespmem:s31+$0x400];
	v18 =	vadd.s32 v47, v18  }
0x1c3: {  	v53 =	vld [tilespmem:s31+$0x500];
	v18 =	vadd.s32 v48, v18  }
0x1c4: {  	v54 =	vld [tilespmem:s31+$0x600];
	v18 =	vadd.s32 v49, v18  }
0x1c5: {  	v14 =	vadd.s32 v14, v20;
	v55 =	vld [tilespmem:s31+$0x700];
	v18 =	vadd.s32 v50, v18  }
0x1c6: {  	v14 =	vadd.s32 v15, v14;
	v56 =	vadd.s32 v51, v18  }
0x1c7: {  	v13 =	vadd.s32 v13, v14;
	v57 =	vadd.s32 v52, v56  }
0x1c8: {  	v13 =	vperm.xlane v13, v5;
	v14 =	vadd.s32 v53, v57  }
0x1c9: {  	v14 =	vadd.s32 v54, v14  }
0x1ca: {  	(xrf0) =	vadd.scan.msk.s32 $0xffff, v13;
	v58 =	vadd.s32 v55, v14  }
0x1cb: {  	v13 =	vperm.xlane v58, v5;
	_ =	sdelay $0x1  }
0x1cc: {  	(xrf0) =	vadd.scan.msk.s32 $0xffff, v13  }
0x1cd: {  	v12 =	vbroadcast v12, $0xF;
	_ =	sdelay $0x1  }
0x1ce: {  	v11 =	vadd.s32 v11, v12;
	v59, _, _ =	vpop (xrf0)  }
0x1cf: {  	vm0 =	vgt.s32 v16, $0x0;
	v12 =	vadd.s32 v11, v59;
	v13 =	vbroadcast v59, $0xF  }
0x1d0: {  	vm1 =	vlt.s32 v10, $0x0;
	v60 =	vsub.s32 s28, v17;
	vm2 =	vge.s32 v12, v8  }
0x1d1: {  	vm0 =	vmand vm1, vm0;
	v12 =	vmpcnt.ones.xlane vm2;
	v11 =	vadd.s32 v11, v13;
	v61, _, _ =	vpop (xrf0)  }
0x1d2: {  	v10 =	vsel vm0, v60, v10;
	v62 =	vmctz.xlane vm2;
	v11 =	vadd.s32 v11, v61  }
0x1d3: {  	p1 =	slt.s32 s26, $0x1;
	vm12 =	vlt.s32 v10, $0x0;
	vm11 =	vgt.s32 v12, $0x0;
	vm13 =	vge.s32 v11, v8  }
.Ltmp25:
0x1d4: {  	vm0 =	vmand vm12, vm11;
	v11 =	vsub.s32 s30, v62;
	v63 =	vmpcnt.ones.xlane vm13;
	(pc) =	sbr.rel @p1 .LBB2_24-.Ltmp25, $4  }
0x1d5: {  	v10 =	vsel vm0, v11, v10;
	v11 =	vmctz.xlane vm13  }
0x1d6: {  	vm15 =	vlt.s32 v10, $0x0;
	vm14 =	vgt.s32 v63, $0x0  }
0x1d7: {  	v11 =	vsub.s32 s29, v11;
	vm0 =	vmand vm15, vm14  }
0x1d8: {  	v10 =	vsel vm0, v11, v10  }
.Ltmp26:
0x1d9: {  	(pc) =	sbr.rel @p0 .LBB2_50-.Ltmp26, $3  }
0x1da: {  	_ =	sdelay $0x1  }
0x1db: {  	s29 =	simm.s32 $0x10000;
	s28 =	simm.s32 $0x0;
	s0 =	sadd.s32 $0xFFFFFFFF, s26  }
0x1dc: {  	v11 =	vimm.s32 $0x0;
	p1 =	por $0x0, $0x0;
	p2 =	por $0x0, $0x0;
	p3 =	por $0x0, $0x0;
	v12 =	vld [tilespmem:s29+$0x0];
	v21 =	vor.u32 s28, v0  }
0x1dd: {  	_ =	sdelay $0x1  }
0x1de: {  	vm0 =	vlt.s32 v21, v9  }
0x1df: {  	p0 =	seq.s32 s0, $0x1;
	s4 =	simm.s32 $0x10010  }
.Ltmp27:
0x1e0: {  	v8 =	vld [tilespmem:s4+$0x0];
	(pc) =	sbr.rel @p0 .LBB2_52-.Ltmp27, $3  }
0x1e1: {  	_ =	sdelay $0x1  }
0x1e2: {  	s7 =	simm.s32 $0x10  }
0x1e3: {  	s0 =	sadd.s32 $0xFFFFFFFF, s0;
	p1 =	por $0x1, $0x1;
	vm2 =	vmmov vm0;
	v21 =	vor.u32 s7, v0;
	v18 =	vld.idx.msk [tilespmem:v12+s3+$0x0], vm0  }
0x1e4: {  	_ =	sdelay $0x2  }
0x1e5: {  	vm3 =	vlt.s32 v21, v9  }
0x1e6: {  	(v2sf) =	vpush v7, $0x0;
	vm0 =	vmmov vm2;
	s4 =	simm.s32 $0x10020;
	p0 =	seq.s32 s0, $0x1;
	v13 =	vshrl.u32 v18, $0x10  }
.Ltmp28:
0x1e7: {  	s31 =	simm.s32 $0x20;
	(v2sf) =	vpush v11, $0x0;
	vm2 =	vmmov vm3;
	v24 =	vld [tilespmem:s4+$0x0];
	v14 =	vand.u32 $0xFF, v13;
	(pc) =	sbr.rel @p0 .LBB2_54-.Ltmp28, $4  }
0x1e8: {  	v21 =	vor.u32 s31, v0;
	v13 =	vand.u32 $0x7F, v13;
	v15 =	vor.u32 v3, v14  }
0x1e9: {  	vm1 =	vgt.s32 v14, v10;
	vm4 =	veq.s32 v14, v10;
	v14 =	vand.u32 $0xF80, v15  }
0x1ea: {  	vm5 =	vmand vm0, vm1;
	vm1 =	vmand vm0, vm4;
	v13 =	vor.u32 v13, v14  }
0x1eb: {  	s26 =	sadd.s32 $0xFFFFFFFF, s0;
	p2 =	por $0x1, $0x1;
	v18 =	vld.idx.msk [tilespmem:v8+s3+$0x0], vm3;
	v15 =	vmpcnt.ones.xlane vm5;
	v17 =	vmpcnt.ones.xlane vm1;
	vm3 =	vmmov vm5  }
0x1ec: {  	_ =	sdelay $0x1  }
0x1ed: {  	v14 =	vadd.s32 v7, v15  }
0x1ee: {  	vm6 =	vlt.s32 v21, v9;
	v19 =	vadd.s32 v11, v17;
	(v2sf) =	vpush v14, $0x0  }
0x1ef: {  	(v2sf) =	vpush v19, $0x0  }
0x1f0: {  	vm4 =	vmmov vm1;
	p0 =	seq.s32 s26, $0x1;
	v16 =	vshrl.u32 v18, $0x10  }
.Ltmp29:
0x1f1: {  	vm5 =	vmmov vm2;
	vm2 =	vmmov vm6;
	v18 =	vand.u32 $0xFF, v16;
	(pc) =	sbr.rel @p0 .LBB2_56-.Ltmp29, $4  }
0x1f2: {  	[tilespmem:v13+s15+$0x0] =	vst.idx.add.s32.msk vm0, v6;
	s0 =	simm.s32 $0x10030;
	v16 =	vand.u32 $0x7F, v16;
	v20 =	vor.u32 v3, v18;
	vm7 =	vgt.s32 v18, v10  }
0x1f3: {  	v27 =	vld [tilespmem:s0+$0x0];
	vm8 =	veq.s32 v18, v10;
	v20 =	vand.u32 $0xF80, v20;
	vm9 =	vmand vm5, vm7  }
0x1f4: {  	s28 =	simm.s32 $0x30;
	v18 =	vld.idx.msk [tilespmem:v24+s3+$0x0], vm6;
	vm7 =	vmand vm5, vm8;
	v20 =	vor.u32 v16, v20;
	v23 =	vmpcnt.ones.xlane vm9;
	s4 =	spop (v2sf)  }
0x1f5: {  	s29 =	sadd.s32 $0xFFFFFFFF, s26;
	p3 =	por $0x1, $0x1;
	v21 =	vor.u32 s28, v0;
	v26 =	vmpcnt.ones.xlane vm7;
	vm6 =	vmmov vm9;
	v16 =	vmovc v12;
	[tilespmem:s4+$0x1A080] =	vst.msk vm3, v12;
	s26 =	spop (v2sf)  }
.LBB2_57:
0x1f6: {  	p0 =	seq.s32 s29, $0x1;
	s29 =	sadd.s32 $0xFFFFFFFF, s29;
	vm8 =	vlt.s32 v21, v9;
	v14 =	vadd.s32 v14, v23;
	[tilespmem:s26+$0x10000] =	vst.msk vm4, v16;
	v16 =	vmovc v8;
	v8 =	vmov v24  }
0x1f7: {  	vm4 =	vmmov vm7;
	(v2sf) =	vpush v14, $0x0;
	v19 =	vadd.s32 v19, v26  }
0x1f8: {  	(v2sf) =	vpush v19, $0x0  }
0x1f9: {  	v21 =	vshrl.u32 v18, $0x10;
	[tilespmem:v20+s15+$0x0] =	vst.idx.add.s32.msk vm5, v6;
	v24 =	vmovc v27;
	vm5 =	vmmov vm2;
	vm2 =	vmmov vm8  }
.Ltmp30:
0x1fa: {  	v18 =	vand.u32 $0xFF, v21;
	(pc) =	sbr.rel @!p0 .LBB2_57-.Ltmp30, $4  }
0x1fb: {  	v20 =	vor.u32 v3, v18;
	vm7 =	vgt.s32 v18, v10;
	vm9 =	veq.s32 v18, v10  }
0x1fc: {  	s0 =	sadd.s32 $0x10, s0;
	v21 =	vand.u32 $0x7F, v21;
	v20 =	vand.u32 $0xF80, v20;
	v18 =	vld.idx.msk [tilespmem:v27+s3+$0x0], vm8;
	vm8 =	vmand vm5, vm7  }
0x1fd: {  	s28 =	sadd.s32 $0x10, s28;
	v20 =	vor.u32 v21, v20;
	vm7 =	vmand vm5, vm9;
	v27 =	vld [tilespmem:s0+$0x0];
	v23 =	vmpcnt.ones.xlane vm8;
	s4 =	spop (v2sf)  }
0x1fe: {  	v21 =	vor.u32 s28, v0;
	v26 =	vmpcnt.ones.xlane vm7;
	[tilespmem:s4+$0x1A080] =	vst.msk vm6, v16;
	s26 =	spop (v2sf);
	vm6 =	vmmov vm8  }
0x1ff: {  	_ =	sdelay $0x2  }
0x200: {  	v25 =	vmov v8;
	v22 =	vmov v24;
	v8 =	vmov v27  }
.LBB2_59:
0x201: {  	v18 =	vshrl.u32 @p1 v18, $0x10  }
0x202: {  	vm9 =	vlt.s32 v21, v9;
	v9 =	vand.u32 @p1 $0xFF, v18  }
0x203: {  	v14 =	vadd.s32 @p2 v14, v23;
	vm10 =	vmmov @p1 vm2;
	vm2 =	vgt.s32 @p1 v9, v10  }
0x204: {  	v19 =	vadd.s32 @p2 v19, v26;
	vm8 =	veq.s32 @p1 v9, v10;
	vm2 =	vmand @p1 vm10, vm2  }
0x205: {  	v14 =	vpsel p2, v14, v7;
	vm8 =	vmand @p1 vm10, vm8;
	v21 =	vmpcnt.ones.xlane @p1 vm2  }
0x206: {  	v19 =	vpsel p2, v19, v11;
	(v2sf) =	vpush @p1 v14, $0x0;
	v23 =	vmpcnt.ones.xlane @p1 vm8  }
0x207: {  	(v2sf) =	vpush @p1 v19, $0x0;
	v15 =	vpsel p1, v21, v15  }
0x208: {  	v17 =	vpsel p1, v23, v17;
	v14 =	vadd.s32 @p1 v14, v15  }
0x209: {  	v7 =	vpsel p1, v14, v7;
	v14 =	vadd.s32 @p1 v19, v17  }
0x20a: {  	(v2sf) =	vpush v7, $0x0;
	v11 =	vpsel p1, v14, v11  }
0x20b: {  	v61 =	vld.idx.msk [tilespmem:v8+s3+$0x0], vm9;
	(v2sf) =	vpush v11, $0x0;
	_ =	sdelay $0x2  }
0x20c: {  	v9 =	vor.u32 @p1 v3, v9  }
0x20d: {  	v9 =	vand.u32 @p1 $0xF80, v9;
	v15 =	vand.u32 @p1 $0x7F, v18  }
0x20e: {  	[tilespmem:s26+$0x10000] =	vst.msk @p3 vm4, v16;
	vm0 =	vmmov @p1 vm10;
	v9 =	vor.u32 @p1 v15, v9;
	v14 =	vshrl.u32 v61, $0x10  }
0x20f: {  	s0 =	spop @p2 (v2sf);
	vm4 =	vmmov @p2 vm7;
	v16 =	vmovc @p2 v25;
	[tilespmem:v20+s15+$0x0] =	vst.idx.add.s32.msk @p2 vm5, v6;
	v9 =	vpsel p1, v9, v13;
	v62 =	vand.u32 $0xFF, v14  }
0x210: {  	vm11 =	vmmov vm9;
	[tilespmem:s0+$0x1A080] =	vst.msk @p2 vm6, v16;
	v16 =	vpsel p2, v16, v0;
	v63 =	vor.u32 v3, v62  }
0x211: {  	s4 =	spop @p2 (v2sf);
	vm12 =	vmmov vm11;
	v14 =	vand.u32 $0x7F, v14;
	v15 =	vand.u32 $0xF80, v63  }
0x212: {  	vm4 =	vmmov @p2 vm4;
	s0 =	smov.u32 @p2 s4;
	vm1 =	vmmov @p1 vm8;
	v14 =	vor.u32 v14, v15  }
0x213: {  	[tilespmem:s0+$0x10000] =	vst.msk @p2 vm4, v16;
	vm2 =	vmmov @p1 vm2;
	vm1 =	vmmov @p1 vm1;
	v17 =	vmov @p1 v22;
	s0 =	spop @p1 (v2sf)  }
0x214: {  	vm3 =	vmmov @p1 vm2;
	vm1 =	vmmov @p1 vm1;
	v12 =	vpsel p1, v17, v12;
	[tilespmem:v9+s15+$0x0] =	vst.idx.add.s32.msk @p1 vm0, v6;
	s4 =	spop @p1 (v2sf)  }
0x215: {  	vm13 =	vgt.s32 v62, v10;
	vm14 =	veq.s32 v62, v10;
	v9 =	vpsel p1, v12, v0;
	[tilespmem:s0+$0x1A080] =	vst.msk @p1 vm3, v12;
	s0 =	smov.u32 @p1 s4  }
0x216: {  	vm0 =	vmand vm12, vm13;
	vm2 =	vmand vm12, vm14;
	[tilespmem:s0+$0x10000] =	vst.msk @p1 vm1, v9  }
0x217: {  	v10 =	vmpcnt.ones.xlane vm2;
	v9 =	vmpcnt.ones.xlane vm0;
	vm0 =	vmmov vm0;
	[tilespmem:v14+s15+$0x0] =	vst.idx.add.s32.msk vm12, v6;
	s30 =	spop (v2sf)  }
0x218: {  	vm15 =	vmmov vm2;
	[tilespmem:s30+$0x1A080] =	vst.msk vm0, v8;
	s31 =	spop (v2sf)  }
0x219: {  	v7 =	vadd.s32 v7, v9;
	v9 =	vadd.s32 v11, v10;
	[tilespmem:s31+$0x10000] =	vst.msk vm15, v8  }
.Ltmp31:
0x21a: {  	(pc) =	sbr.rel .LBB2_44-.Ltmp31, $2  }
0x21b: {  	_ =	sdelay $0x2  }
0x21c: {  	v8 =	vsub.s32 $0x100, v7  }
.LBB2_24:
0x21d: {  	v9 =	vimm.s32 $0x0  }
.LBB2_44:
0x21e: {  	(v2sf) =	vpush v9, $0x0;
	_ =	sdelay $0xe  }
0x21f: {  	s0 =	spop (v2sf)  }
0x220: {  	s0 =	sadd.s32 $0xF, s0  }
0x221: {  	s4 =	sand.u32 $0xF, s0  }
0x222: {  	s31 =	sshra.s32 s0, $0x1F;
	p1 =	slt.s32 s0, $0x1;
	p0 =	sne.s32 s4, $0x0  }
0x223: {  	s4 =	sshrl.u32 s31, $0x1C;
	p0 =	por !p1, !p0  }
0x224: {  	s0 =	sadd.s32 s4, s0;
	s4 =	simm.s32 $0x1;
	p0 =	por !p0, !p0  }
0x225: {  	s0 =	sshra.s32 s0, $0x4;
	s4 =	simm.s32 @!p0 $0x0  }
0x226: {  	s26 =	ssub.s32 s0, s4  }
0x227: {  	p1 =	sgt.s32 s26, $0x0  }
.Ltmp32:
0x228: {  	_ = 	snop;
	(pc) =	sbr.rel @!p1 .LBB2_45-.Ltmp32, $2  }
0x229: {  	_ =	sdelay $0x2  }
0x22a: {  	p0 =	seq.s32 s26, $0x1  }
.Ltmp33:
0x22b: {  	(pc) =	sbr.rel @p0 .LBB2_61-.Ltmp33, $3  }
0x22c: {  	_ =	sdelay $0x1  }
0x22d: {  	s4 =	simm.s32 $0x10000;
	s0 =	simm.s32 $0x0  }
0x22e: {  	s28 =	sadd.s32 $0xFFFFFFFF, s26;
	p1 =	por $0x0, $0x0;
	p2 =	por $0x0, $0x0;
	v10 =	vld [tilespmem:s4+$0x0]  }
0x22f: {  	_ = 	snop  }
0x230: {  	v11 =	vor.u32 s0, v0  }
0x231: {  	vm0 =	vlt.s32 v11, v9;
	_ =	sdelay $0x1  }
0x232: {  	p3 =	seq.s32 s28, $0x1  }
.Ltmp34:
0x233: {  	_ = 	snop;
	(pc) =	sbr.rel @p3 .LBB2_63-.Ltmp34, $3  }
0x234: {  	_ =	sdelay $0x1  }
0x235: {  	s31 =	simm.s32 $0x10010;
	v11 =	vld.idx.msk [tilespmem:v10+s3+$0x0], vm0  }
0x236: {  	s29 =	sadd.s32 $0xFFFFFFFF, s28;
	s0 =	simm.s32 $0x10;
	p1 =	por $0x1, $0x1;
	vm1 =	vmmov vm0;
	v10 =	vld [tilespmem:s31+$0x0]  }
0x237: {  	_ = 	snop  }
0x238: {  	v12 =	vor.u32 s0, v0  }
0x239: {  	vm2 =	vlt.s32 v12, v9;
	_ =	sdelay $0x1  }
0x23a: {  	p3 =	seq.s32 s29, $0x1  }
.Ltmp35:
0x23b: {  	v11 =	vshrl.u32 v11, $0x8;
	(pc) =	sbr.rel @p3 .LBB2_66-.Ltmp35, $4  }
0x23c: {  	vm0 =	vmmov vm1;
	v12 =	vand.u32 $0xFF, v11  }
0x23d: {  	v12 =	vor.u32 v3, v12  }
0x23e: {  	s28 =	simm.s32 $0x10020;
	v11 =	vld.idx.msk [tilespmem:v10+s3+$0x0], vm2  }
0x23f: {  	s29 =	sadd.s32 $0xFFFFFFFF, s29;
	s0 =	simm.s32 $0x20;
	p2 =	por $0x1, $0x1;
	vm1 =	vmmov vm2;
	v10 =	vld [tilespmem:s28+$0x0]  }
.LBB2_65:
0x240: {  	p3 =	seq.s32 s29, $0x1;
	v13 =	vor.u32 s0, v0  }
0x241: {  	vm2 =	vlt.s32 v13, v9  }
0x242: {  	[tilespmem:v12+s15+$0x0] =	vst.idx.add.s32.msk vm0, v4;
	vm0 =	vmmov vm1;
	vm1 =	vmmov vm2;
	_ =	sdelay $0x1  }
.Ltmp36:
0x243: {  	v11 =	vshrl.u32 v11, $0x8;
	(pc) =	sbr.rel @!p3 .LBB2_65-.Ltmp36, $4  }
0x244: {  	v11 =	vand.u32 $0xFF, v11  }
0x245: {  	v12 =	vor.u32 v3, v11  }
0x246: {  	s28 =	sadd.s32 $0x10, s28;
	v11 =	vld.idx.msk [tilespmem:v10+s3+$0x0], vm2  }
0x247: {  	s29 =	sadd.s32 $0xFFFFFFFF, s29;
	s0 =	sadd.s32 $0x10, s0;
	v10 =	vld [tilespmem:s28+$0x0]  }
.LBB2_66:
0x248: {  	_ = 	snop  }
0x249: {  	v13 =	vor.u32 s0, v0  }
0x24a: {  	vm2 =	vlt.s32 v13, v9;
	_ =	sdelay $0x5  }
0x24b: {  	v10 =	vld.idx.msk [tilespmem:v10+s3+$0x0], vm2;
	_ =	sdelay $0x2  }
0x24c: {  	vm1 =	vmmov @p1 vm1;
	v11 =	vshrl.u32 @p1 v11, $0x8  }
0x24d: {  	vm1 =	vmmov @p1 vm1;
	v11 =	vand.u32 @p1 $0xFF, v11  }
0x24e: {  	v11 =	vor.u32 @p1 v3, v11;
	vm2 =	vmmov vm2;
	v10 =	vshrl.u32 v10, $0x8  }
0x24f: {  	v11 =	vpsel p1, v11, v0;
	vm2 =	vmmov vm2;
	v10 =	vand.u32 $0xFF, v10  }
0x250: {  	v10 =	vor.u32 v3, v10;
	_ =	sdelay $0x2  }
0x251: {  	[tilespmem:v12+s15+$0x0] =	vst.idx.add.s32.msk @p2 vm0, v4  }
0x252: {  	[tilespmem:v11+s15+$0x0] =	vst.idx.add.s32.msk @p1 vm1, v4  }
0x253: {  	[tilespmem:v10+s15+$0x0] =	vst.idx.add.s32.msk vm2, v4  }
.LBB2_45:
0x254: {  	s0 =	simm.s32 $0x19970  }
0x255: {  	v12 =	vld [tilespmem:s0+$0xFFFFF800]  }
0x256: {  	v13 =	vld [tilespmem:s0+$0xFFFFF900]  }
0x257: {  	v14 =	vld [tilespmem:s0+$0xFFFFFA00]  }
0x258: {  	v15 =	vld [tilespmem:s0+$0xFFFFFB00]  }
0x259: {  	v16 =	vld [tilespmem:s0+$0xFFFFFC00]  }
0x25a: {  	v17 =	vld [tilespmem:s0+$0xFFFFFD00]  }
0x25b: {  	v18 =	vld [tilespmem:s0+$0xFFFFFE00];
	v12 =	vadd.s32 v12, v13  }
0x25c: {  	v13 =	vld [tilespmem:s0+$0xFFFFFF00];
	v12 =	vadd.s32 v14, v12  }
0x25d: {  	v14 =	vld [tilespmem:s0+$0x0];
	v12 =	vadd.s32 v15, v12  }
0x25e: {  	v15 =	vld [tilespmem:s0+$0x100];
	v12 =	vadd.s32 v16, v12  }
0x25f: {  	v16 =	vld [tilespmem:s0+$0x200];
	v12 =	vadd.s32 v17, v12  }
0x260: {  	v17 =	vld [tilespmem:s0+$0x300];
	v12 =	vadd.s32 v18, v12  }
0x261: {  	v18 =	vld [tilespmem:s0+$0x400];
	v12 =	vadd.s32 v13, v12  }
0x262: {  	v13 =	vld [tilespmem:s0+$0x500];
	v12 =	vadd.s32 v14, v12  }
0x263: {  	v14 =	vld [tilespmem:s0+$0x600];
	v12 =	vadd.s32 v15, v12  }
0x264: {  	s10 =	simm.s32 $0x19960;
	v15 =	vld [tilespmem:s0+$0x700];
	v12 =	vadd.s32 v16, v12  }
0x265: {  	v16 =	vld [tilespmem:s10+$0xFFFFF800];
	v12 =	vadd.s32 v17, v12  }
0x266: {  	v17 =	vld [tilespmem:s10+$0xFFFFF900];
	v12 =	vadd.s32 v18, v12  }
0x267: {  	v18 =	vld [tilespmem:s10+$0xFFFFFA00];
	v12 =	vadd.s32 v13, v12  }
0x268: {  	v13 =	vld [tilespmem:s10+$0xFFFFFB00];
	v12 =	vadd.s32 v14, v12  }
0x269: {  	v14 =	vld [tilespmem:s10+$0xFFFFFC00];
	v12 =	vadd.s32 v15, v12  }
0x26a: {  	v15 =	vld [tilespmem:s10+$0xFFFFFD00];
	v12 =	vperm.xlane v12, v5  }
0x26b: {  	v19 =	vld [tilespmem:s10+$0xFFFFFE00];
	v16 =	vadd.s32 v16, v17  }
0x26c: {  	v17 =	vld [tilespmem:s10+$0xFFFFFF00];
	v16 =	vadd.s32 v18, v16;
	(xrf0) =	vadd.scan.msk.s32 $0xffff, v12  }
0x26d: {  	v12 =	vld [tilespmem:s10+$0x0];
	v13 =	vadd.s32 v13, v16  }
0x26e: {  	v16 =	vld [tilespmem:s10+$0x100];
	v13 =	vadd.s32 v14, v13  }
0x26f: {  	v18 =	vld [tilespmem:s10+$0x200];
	v13 =	vadd.s32 v15, v13  }
0x270: {  	v20 =	vld [tilespmem:s10+$0x300];
	v13 =	vadd.s32 v19, v13  }
0x271: {  	v21 =	vld [tilespmem:s10+$0x400];
	v13 =	vadd.s32 v17, v13  }
0x272: {  	v11 =	vimm.s32 $0x0;
	v14 =	vld [tilespmem:s10+$0x500];
	v13 =	vadd.s32 v12, v13;
	v12, _, _ =	vpop (xrf0)  }
0x273: {  	v15 =	vld [tilespmem:s10+$0x600];
	v16 =	vadd.s32 v16, v13;
	v17 =	vadd.s32 v11, v12  }
0x274: {  	s31 =	simm.s32 $0x19950;
	v13 =	vld [tilespmem:s10+$0x700];
	v16 =	vadd.s32 v18, v16;
	vm0 =	vge.s32 v17, v8  }
0x275: {  	s28 =	simm.s32 $0xFF;
	v19 =	vld [tilespmem:s31+$0xFFFFF900];
	v17 =	vadd.s32 v20, v16;
	v16 =	vmpcnt.ones.xlane vm0  }
0x276: {  	v10 =	vimm.s32 $0xFFFFFFFF;
	s30 =	simm.s32 $0xEF;
	s29 =	simm.s32 $0xDF;
	s0 =	simm.s32 $0xCF;
	v18 =	vld [tilespmem:s31+$0xFFFFF800];
	v20 =	vadd.s32 v21, v17;
	v17 =	vmctz.xlane vm0  }
.LBB2_46:
0x277: {  	p1 =	seq.s32 s0, $0xF;
	v21 =	vld [tilespmem:s31+$0xFFFFFA00];
	v14 =	vadd.s32 v14, v20;
	vm0 =	vgt.s32 v16, $0x0;
	vm1 =	vlt.s32 v10, $0x0  }
0x278: {  	v16 =	vld [tilespmem:s31+$0xFFFFFB00];
	v14 =	vadd.s32 v15, v14;
	v15 =	vsub.s32 s28, v17;
	vm0 =	vmand vm1, vm0;
	s28 =	smov.u32 s30;
	s30 =	smov.u32 s29;
	s29 =	smov.u32 s0  }
0x279: {  	v17 =	vld [tilespmem:s31+$0xFFFFFC00];
	v13 =	vadd.s32 v13, v14;
	v10 =	vsel vm0, v15, v10  }
0x27a: {  	v14 =	vld [tilespmem:s31+$0xFFFFFD00];
	v13 =	vperm.xlane v13, v5  }
0x27b: {  	v15 =	vld [tilespmem:s31+$0xFFFFFE00];
	v18 =	vadd.s32 v18, v19  }
0x27c: {  	v19 =	vld [tilespmem:s31+$0xFFFFFF00];
	v18 =	vadd.s32 v21, v18;
	(xrf0) =	vadd.scan.msk.s32 $0xffff, v13  }
0x27d: {  	v13 =	vld [tilespmem:s31+$0x0];
	v16 =	vadd.s32 v16, v18  }
0x27e: {  	v18 =	vld [tilespmem:s31+$0x100];
	v16 =	vadd.s32 v17, v16  }
0x27f: {  	v17 =	vld [tilespmem:s31+$0x200];
	v14 =	vadd.s32 v14, v16  }
0x280: {  	v16 =	vld [tilespmem:s31+$0x300];
	v14 =	vadd.s32 v15, v14;
	v15 =	vbroadcast v12, $0xF  }
0x281: {  	v20 =	vld [tilespmem:s31+$0x400];
	v19 =	vadd.s32 v19, v14  }
.Ltmp37:
0x282: {  	v14 =	vld [tilespmem:s31+$0x500];
	v13 =	vadd.s32 v13, v19;
	v12, _, _ =	vpop (xrf0);
	v11 =	vadd.s32 v11, v15;
	(pc) =	sbr.rel @!p1 .LBB2_46-.Ltmp37, $4  }
0x283: {  	v15 =	vld [tilespmem:s31+$0x600];
	v18 =	vadd.s32 v18, v13;
	v19 =	vadd.s32 v11, v12  }
0x284: {  	v13 =	vld [tilespmem:s31+$0x700];
	v17 =	vadd.s32 v17, v18;
	s31 =	sadd.s32 $0xFFFFFFF0, s31;
	vm0 =	vge.s32 v19, v8  }
0x285: {  	v18 =	vld [tilespmem:s31+$0xFFFFF800];
	v17 =	vadd.s32 v16, v17;
	v16 =	vmpcnt.ones.xlane vm0  }
0x286: {  	s0 =	sadd.s32 $0xFFFFFFF0, s0;
	v19 =	vld [tilespmem:s31+$0xFFFFF900];
	v20 =	vadd.s32 v20, v17;
	v17 =	vmctz.xlane vm0  }
0x287: {  	v21 =	vld [tilespmem:s31+$0xFFFFFA00]  }
0x288: {  	v22 =	vld [tilespmem:s31+$0xFFFFFB00]  }
0x289: {  	v23 =	vld [tilespmem:s31+$0xFFFFFC00]  }
0x28a: {  	v24 =	vld [tilespmem:s31+$0xFFFFFD00]  }
0x28b: {  	v46 =	vld [tilespmem:s31+$0xFFFFFE00];
	v18 =	vadd.s32 v18, v19  }
0x28c: {  	v47 =	vld [tilespmem:s31+$0xFFFFFF00];
	v18 =	vadd.s32 v21, v18  }
0x28d: {  	v48 =	vld [tilespmem:s31+$0x0];
	v18 =	vadd.s32 v22, v18  }
0x28e: {  	v49 =	vld [tilespmem:s31+$0x100];
	v18 =	vadd.s32 v23, v18  }
0x28f: {  	v50 =	vld [tilespmem:s31+$0x200];
	v18 =	vadd.s32 v24, v18  }
0x290: {  	v51 =	vld [tilespmem:s31+$0x300];
	v18 =	vadd.s32 v46, v18  }
0x291: {  	v52 =	vld [tilespmem:s31+$0x400];
	v18 =	vadd.s32 v47, v18  }
0x292: {  	v53 =	vld [tilespmem:s31+$0x500];
	v18 =	vadd.s32 v48, v18  }
0x293: {  	v54 =	vld [tilespmem:s31+$0x600];
	v18 =	vadd.s32 v49, v18  }
0x294: {  	v14 =	vadd.s32 v14, v20;
	v55 =	vld [tilespmem:s31+$0x700];
	v18 =	vadd.s32 v50, v18  }
0x295: {  	v14 =	vadd.s32 v15, v14;
	v56 =	vadd.s32 v51, v18  }
0x296: {  	v13 =	vadd.s32 v13, v14;
	v57 =	vadd.s32 v52, v56  }
0x297: {  	v13 =	vperm.xlane v13, v5;
	v14 =	vadd.s32 v53, v57  }
0x298: {  	v14 =	vadd.s32 v54, v14  }
0x299: {  	(xrf0) =	vadd.scan.msk.s32 $0xffff, v13;
	v58 =	vadd.s32 v55, v14  }
0x29a: {  	v13 =	vperm.xlane v58, v5;
	_ =	sdelay $0x1  }
0x29b: {  	(xrf0) =	vadd.scan.msk.s32 $0xffff, v13  }
0x29c: {  	v12 =	vbroadcast v12, $0xF;
	_ =	sdelay $0x1  }
0x29d: {  	v11 =	vadd.s32 v11, v12;
	v59, _, _ =	vpop (xrf0)  }
0x29e: {  	vm0 =	vgt.s32 v16, $0x0;
	v12 =	vadd.s32 v11, v59;
	v13 =	vbroadcast v59, $0xF  }
0x29f: {  	vm1 =	vlt.s32 v10, $0x0;
	v60 =	vsub.s32 s28, v17;
	vm2 =	vge.s32 v12, v8  }
0x2a0: {  	vm0 =	vmand vm1, vm0;
	v12 =	vmpcnt.ones.xlane vm2;
	v11 =	vadd.s32 v11, v13;
	v61, _, _ =	vpop (xrf0)  }
0x2a1: {  	v10 =	vsel vm0, v60, v10;
	v62 =	vmctz.xlane vm2;
	v11 =	vadd.s32 v11, v61  }
0x2a2: {  	p1 =	slt.s32 s26, $0x1;
	vm12 =	vlt.s32 v10, $0x0;
	vm11 =	vgt.s32 v12, $0x0;
	vm13 =	vge.s32 v11, v8  }
.Ltmp38:
0x2a3: {  	vm0 =	vmand vm12, vm11;
	v11 =	vsub.s32 s30, v62;
	v63 =	vmpcnt.ones.xlane vm13;
	(pc) =	sbr.rel @p1 .LBB2_48-.Ltmp38, $4  }
0x2a4: {  	v10 =	vsel vm0, v11, v10;
	v11 =	vmctz.xlane vm13  }
0x2a5: {  	vm15 =	vlt.s32 v10, $0x0;
	vm14 =	vgt.s32 v63, $0x0  }
0x2a6: {  	v11 =	vsub.s32 s29, v11;
	vm0 =	vmand vm15, vm14  }
0x2a7: {  	v10 =	vsel vm0, v11, v10  }
.Ltmp39:
0x2a8: {  	(pc) =	sbr.rel @p0 .LBB2_75-.Ltmp39, $3  }
0x2a9: {  	_ =	sdelay $0x1  }
0x2aa: {  	s29 =	simm.s32 $0x10000;
	s28 =	simm.s32 $0x0;
	s0 =	sadd.s32 $0xFFFFFFFF, s26  }
0x2ab: {  	v11 =	vimm.s32 $0x0;
	p1 =	por $0x0, $0x0;
	p2 =	por $0x0, $0x0;
	p3 =	por $0x0, $0x0;
	v12 =	vld [tilespmem:s29+$0x0];
	v21 =	vor.u32 s28, v0  }
0x2ac: {  	_ =	sdelay $0x1  }
0x2ad: {  	vm0 =	vlt.s32 v21, v9  }
0x2ae: {  	p0 =	seq.s32 s0, $0x1;
	s4 =	simm.s32 $0x10010  }
.Ltmp40:
0x2af: {  	v8 =	vld [tilespmem:s4+$0x0];
	(pc) =	sbr.rel @p0 .LBB2_77-.Ltmp40, $3  }
0x2b0: {  	_ =	sdelay $0x1  }
0x2b1: {  	s7 =	simm.s32 $0x10  }
0x2b2: {  	s0 =	sadd.s32 $0xFFFFFFFF, s0;
	p1 =	por $0x1, $0x1;
	vm2 =	vmmov vm0;
	v21 =	vor.u32 s7, v0;
	v18 =	vld.idx.msk [tilespmem:v12+s3+$0x0], vm0  }
0x2b3: {  	_ =	sdelay $0x2  }
0x2b4: {  	vm3 =	vlt.s32 v21, v9  }
0x2b5: {  	(v2sf) =	vpush v7, $0x0;
	vm0 =	vmmov vm2;
	s4 =	simm.s32 $0x10020;
	p0 =	seq.s32 s0, $0x1;
	v13 =	vshrl.u32 v18, $0x8  }
.Ltmp41:
0x2b6: {  	s31 =	simm.s32 $0x20;
	(v2sf) =	vpush v11, $0x0;
	vm2 =	vmmov vm3;
	v24 =	vld [tilespmem:s4+$0x0];
	v14 =	vand.u32 $0xFF, v13;
	(pc) =	sbr.rel @p0 .LBB2_79-.Ltmp41, $4  }
0x2b7: {  	v21 =	vor.u32 s31, v0;
	v13 =	vand.u32 $0x7F, v13;
	v15 =	vor.u32 v3, v14  }
0x2b8: {  	vm1 =	vgt.s32 v14, v10;
	vm4 =	veq.s32 v14, v10;
	v14 =	vand.u32 $0xF80, v15  }
0x2b9: {  	vm5 =	vmand vm0, vm1;
	vm1 =	vmand vm0, vm4;
	v13 =	vor.u32 v13, v14  }
0x2ba: {  	s26 =	sadd.s32 $0xFFFFFFFF, s0;
	p2 =	por $0x1, $0x1;
	v18 =	vld.idx.msk [tilespmem:v8+s3+$0x0], vm3;
	v15 =	vmpcnt.ones.xlane vm5;
	v17 =	vmpcnt.ones.xlane vm1;
	vm3 =	vmmov vm5  }
0x2bb: {  	_ =	sdelay $0x1  }
0x2bc: {  	v14 =	vadd.s32 v7, v15  }
0x2bd: {  	vm6 =	vlt.s32 v21, v9;
	v19 =	vadd.s32 v11, v17;
	(v2sf) =	vpush v14, $0x0  }
0x2be: {  	(v2sf) =	vpush v19, $0x0  }
0x2bf: {  	vm4 =	vmmov vm1;
	p0 =	seq.s32 s26, $0x1;
	v16 =	vshrl.u32 v18, $0x8  }
.Ltmp42:
0x2c0: {  	vm5 =	vmmov vm2;
	vm2 =	vmmov vm6;
	v18 =	vand.u32 $0xFF, v16;
	(pc) =	sbr.rel @p0 .LBB2_81-.Ltmp42, $4  }
0x2c1: {  	[tilespmem:v13+s15+$0x0] =	vst.idx.add.s32.msk vm0, v6;
	s0 =	simm.s32 $0x10030;
	v16 =	vand.u32 $0x7F, v16;
	v20 =	vor.u32 v3, v18;
	vm7 =	vgt.s32 v18, v10  }
0x2c2: {  	v27 =	vld [tilespmem:s0+$0x0];
	vm8 =	veq.s32 v18, v10;
	v20 =	vand.u32 $0xF80, v20;
	vm9 =	vmand vm5, vm7  }
0x2c3: {  	s28 =	simm.s32 $0x30;
	v18 =	vld.idx.msk [tilespmem:v24+s3+$0x0], vm6;
	vm7 =	vmand vm5, vm8;
	v20 =	vor.u32 v16, v20;
	v23 =	vmpcnt.ones.xlane vm9;
	s4 =	spop (v2sf)  }
0x2c4: {  	s29 =	sadd.s32 $0xFFFFFFFF, s26;
	p3 =	por $0x1, $0x1;
	v21 =	vor.u32 s28, v0;
	v26 =	vmpcnt.ones.xlane vm7;
	vm6 =	vmmov vm9;
	v16 =	vmovc v12;
	[tilespmem:s4+$0x1A080] =	vst.msk vm3, v12;
	s26 =	spop (v2sf)  }
.LBB2_82:
0x2c5: {  	p0 =	seq.s32 s29, $0x1;
	s29 =	sadd.s32 $0xFFFFFFFF, s29;
	vm8 =	vlt.s32 v21, v9;
	v14 =	vadd.s32 v14, v23;
	[tilespmem:s26+$0x10000] =	vst.msk vm4, v16;
	v16 =	vmovc v8;
	v8 =	vmov v24  }
0x2c6: {  	vm4 =	vmmov vm7;
	(v2sf) =	vpush v14, $0x0;
	v19 =	vadd.s32 v19, v26  }
0x2c7: {  	(v2sf) =	vpush v19, $0x0  }
0x2c8: {  	v21 =	vshrl.u32 v18, $0x8;
	[tilespmem:v20+s15+$0x0] =	vst.idx.add.s32.msk vm5, v6;
	v24 =	vmovc v27;
	vm5 =	vmmov vm2;
	vm2 =	vmmov vm8  }
.Ltmp43:
0x2c9: {  	v18 =	vand.u32 $0xFF, v21;
	(pc) =	sbr.rel @!p0 .LBB2_82-.Ltmp43, $4  }
0x2ca: {  	v20 =	vor.u32 v3, v18;
	vm7 =	vgt.s32 v18, v10;
	vm9 =	veq.s32 v18, v10  }
0x2cb: {  	s0 =	sadd.s32 $0x10, s0;
	v21 =	vand.u32 $0x7F, v21;
	v20 =	vand.u32 $0xF80, v20;
	v18 =	vld.idx.msk [tilespmem:v27+s3+$0x0], vm8;
	vm8 =	vmand vm5, vm7  }
0x2cc: {  	s28 =	sadd.s32 $0x10, s28;
	v20 =	vor.u32 v21, v20;
	vm7 =	vmand vm5, vm9;
	v27 =	vld [tilespmem:s0+$0x0];
	v23 =	vmpcnt.ones.xlane vm8;
	s4 =	spop (v2sf)  }
0x2cd: {  	v21 =	vor.u32 s28, v0;
	v26 =	vmpcnt.ones.xlane vm7;
	[tilespmem:s4+$0x1A080] =	vst.msk vm6, v16;
	s26 =	spop (v2sf);
	vm6 =	vmmov vm8  }
0x2ce: {  	_ =	sdelay $0x2  }
0x2cf: {  	v25 =	vmov v8;
	v22 =	vmov v24;
	v8 =	vmov v27  }
.LBB2_84:
0x2d0: {  	v18 =	vshrl.u32 @p1 v18, $0x8  }
0x2d1: {  	vm9 =	vlt.s32 v21, v9;
	v9 =	vand.u32 @p1 $0xFF, v18  }
0x2d2: {  	v14 =	vadd.s32 @p2 v14, v23;
	vm10 =	vmmov @p1 vm2;
	vm2 =	vgt.s32 @p1 v9, v10  }
0x2d3: {  	v19 =	vadd.s32 @p2 v19, v26;
	vm8 =	veq.s32 @p1 v9, v10;
	vm2 =	vmand @p1 vm10, vm2  }
0x2d4: {  	v14 =	vpsel p2, v14, v7;
	vm8 =	vmand @p1 vm10, vm8;
	v21 =	vmpcnt.ones.xlane @p1 vm2  }
0x2d5: {  	v19 =	vpsel p2, v19, v11;
	(v2sf) =	vpush @p1 v14, $0x0;
	v23 =	vmpcnt.ones.xlane @p1 vm8  }
0x2d6: {  	(v2sf) =	vpush @p1 v19, $0x0;
	v15 =	vpsel p1, v21, v15  }
0x2d7: {  	v17 =	vpsel p1, v23, v17;
	v14 =	vadd.s32 @p1 v14, v15  }
0x2d8: {  	v7 =	vpsel p1, v14, v7;
	v14 =	vadd.s32 @p1 v19, v17  }
0x2d9: {  	(v2sf) =	vpush v7, $0x0;
	v11 =	vpsel p1, v14, v11  }
0x2da: {  	v61 =	vld.idx.msk [tilespmem:v8+s3+$0x0], vm9;
	(v2sf) =	vpush v11, $0x0;
	_ =	sdelay $0x2  }
0x2db: {  	v9 =	vor.u32 @p1 v3, v9  }
0x2dc: {  	v9 =	vand.u32 @p1 $0xF80, v9;
	v15 =	vand.u32 @p1 $0x7F, v18  }
0x2dd: {  	[tilespmem:s26+$0x10000] =	vst.msk @p3 vm4, v16;
	vm0 =	vmmov @p1 vm10;
	v9 =	vor.u32 @p1 v15, v9;
	v14 =	vshrl.u32 v61, $0x8  }
0x2de: {  	s0 =	spop @p2 (v2sf);
	vm4 =	vmmov @p2 vm7;
	v16 =	vmovc @p2 v25;
	[tilespmem:v20+s15+$0x0] =	vst.idx.add.s32.msk @p2 vm5, v6;
	v9 =	vpsel p1, v9, v13;
	v62 =	vand.u32 $0xFF, v14  }
0x2df: {  	vm11 =	vmmov vm9;
	[tilespmem:s0+$0x1A080] =	vst.msk @p2 vm6, v16;
	v16 =	vpsel p2, v16, v0;
	v63 =	vor.u32 v3, v62  }
0x2e0: {  	s4 =	spop @p2 (v2sf);
	vm12 =	vmmov vm11;
	v14 =	vand.u32 $0x7F, v14;
	v15 =	vand.u32 $0xF80, v63  }
0x2e1: {  	vm4 =	vmmov @p2 vm4;
	s0 =	smov.u32 @p2 s4;
	vm1 =	vmmov @p1 vm8;
	v14 =	vor.u32 v14, v15  }
0x2e2: {  	[tilespmem:s0+$0x10000] =	vst.msk @p2 vm4, v16;
	vm2 =	vmmov @p1 vm2;
	vm1 =	vmmov @p1 vm1;
	v17 =	vmov @p1 v22;
	s0 =	spop @p1 (v2sf)  }
0x2e3: {  	vm3 =	vmmov @p1 vm2;
	vm1 =	vmmov @p1 vm1;
	v12 =	vpsel p1, v17, v12;
	[tilespmem:v9+s15+$0x0] =	vst.idx.add.s32.msk @p1 vm0, v6;
	s4 =	spop @p1 (v2sf)  }
0x2e4: {  	vm13 =	vgt.s32 v62, v10;
	vm14 =	veq.s32 v62, v10;
	v9 =	vpsel p1, v12, v0;
	[tilespmem:s0+$0x1A080] =	vst.msk @p1 vm3, v12;
	s0 =	smov.u32 @p1 s4  }
0x2e5: {  	vm0 =	vmand vm12, vm13;
	vm2 =	vmand vm12, vm14;
	[tilespmem:s0+$0x10000] =	vst.msk @p1 vm1, v9  }
0x2e6: {  	v10 =	vmpcnt.ones.xlane vm2;
	v9 =	vmpcnt.ones.xlane vm0;
	vm0 =	vmmov vm0;
	[tilespmem:v14+s15+$0x0] =	vst.idx.add.s32.msk vm12, v6;
	s30 =	spop (v2sf)  }
0x2e7: {  	vm15 =	vmmov vm2;
	[tilespmem:s30+$0x1A080] =	vst.msk vm0, v8;
	s31 =	spop (v2sf)  }
0x2e8: {  	v7 =	vadd.s32 v7, v9;
	v9 =	vadd.s32 v11, v10;
	[tilespmem:s31+$0x10000] =	vst.msk vm15, v8  }
.Ltmp44:
0x2e9: {  	(pc) =	sbr.rel .LBB2_68-.Ltmp44, $2  }
0x2ea: {  	_ =	sdelay $0x2  }
0x2eb: {  	v8 =	vsub.s32 $0x100, v7  }
.LBB2_48:
0x2ec: {  	v9 =	vimm.s32 $0x0  }
.LBB2_68:
0x2ed: {  	(v2sf) =	vpush v9, $0x0;
	_ =	sdelay $0xe  }
0x2ee: {  	s0 =	spop (v2sf)  }
0x2ef: {  	s0 =	sadd.s32 $0xF, s0  }
0x2f0: {  	s4 =	sand.u32 $0xF, s0  }
0x2f1: {  	s31 =	sshra.s32 s0, $0x1F;
	p1 =	slt.s32 s0, $0x1;
	p0 =	sne.s32 s4, $0x0  }
0x2f2: {  	s4 =	sshrl.u32 s31, $0x1C;
	p0 =	por !p1, !p0  }
0x2f3: {  	s0 =	sadd.s32 s4, s0;
	s4 =	simm.s32 $0x1;
	p0 =	por !p0, !p0  }
0x2f4: {  	s0 =	sshra.s32 s0, $0x4;
	s4 =	simm.s32 @!p0 $0x0  }
0x2f5: {  	s26 =	ssub.s32 s0, s4  }
0x2f6: {  	p1 =	sgt.s32 s26, $0x0  }
.Ltmp45:
0x2f7: {  	_ = 	snop;
	(pc) =	sbr.rel @!p1 .LBB2_69-.Ltmp45, $2  }
0x2f8: {  	_ =	sdelay $0x2  }
0x2f9: {  	p0 =	seq.s32 s26, $0x1  }
.Ltmp46:
0x2fa: {  	(pc) =	sbr.rel @p0 .LBB2_86-.Ltmp46, $3  }
0x2fb: {  	_ =	sdelay $0x1  }
0x2fc: {  	s4 =	simm.s32 $0x10000;
	s0 =	simm.s32 $0x0  }
0x2fd: {  	s28 =	sadd.s32 $0xFFFFFFFF, s26;
	p1 =	por $0x0, $0x0;
	p2 =	por $0x0, $0x0;
	v10 =	vld [tilespmem:s4+$0x0]  }
0x2fe: {  	_ = 	snop  }
0x2ff: {  	v11 =	vor.u32 s0, v0  }
0x300: {  	vm2 =	vlt.s32 v11, v9;
	_ =	sdelay $0x1  }
0x301: {  	p3 =	seq.s32 s28, $0x1  }
.Ltmp47:
0x302: {  	_ = 	snop;
	(pc) =	sbr.rel @p3 .LBB2_88-.Ltmp47, $3  }
0x303: {  	_ =	sdelay $0x1  }
0x304: {  	s31 =	simm.s32 $0x10010;
	v11 =	vld.idx.msk [tilespmem:v10+s3+$0x0], vm2  }
0x305: {  	s29 =	sadd.s32 $0xFFFFFFFF, s28;
	s0 =	simm.s32 $0x10;
	p1 =	por $0x1, $0x1;
	v10 =	vld [tilespmem:s31+$0x0]  }
0x306: {  	_ = 	snop  }
0x307: {  	v12 =	vor.u32 s0, v0  }
0x308: {  	vm1 =	vlt.s32 v12, v9;
	_ =	sdelay $0x1  }
0x309: {  	p3 =	seq.s32 s29, $0x1  }
.Ltmp48:
0x30a: {  	vm0 =	vmmov vm2;
	v12 =	vand.u32 $0xFF, v11;
	(pc) =	sbr.rel @p3 .LBB2_90-.Ltmp48, $3  }
0x30b: {  	v12 =	vor.u32 v3, v12;
	_ =	sdelay $0x1  }
0x30c: {  	s28 =	simm.s32 $0x10020;
	v11 =	vld.idx.msk [tilespmem:v10+s3+$0x0], vm1  }
0x30d: {  	s29 =	sadd.s32 $0xFFFFFFFF, s29;
	s0 =	simm.s32 $0x20;
	p2 =	por $0x1, $0x1;
	v10 =	vld [tilespmem:s28+$0x0]  }
.LBB2_91:
0x30e: {  	p3 =	seq.s32 s29, $0x1;
	v13 =	vor.u32 s0, v0  }
0x30f: {  	[tilespmem:v12+s15+$0x0] =	vst.idx.add.s32.msk vm0, v4;
	vm0 =	vmmov vm1;
	vm1 =	vlt.s32 v13, v9;
	_ =	sdelay $0x2  }
.Ltmp49:
0x310: {  	v11 =	vand.u32 $0xFF, v11;
	(pc) =	sbr.rel @!p3 .LBB2_91-.Ltmp49, $3  }
0x311: {  	v12 =	vor.u32 v3, v11;
	_ =	sdelay $0x1  }
0x312: {  	s28 =	sadd.s32 $0x10, s28;
	v11 =	vld.idx.msk [tilespmem:v10+s3+$0x0], vm1  }
0x313: {  	s29 =	sadd.s32 $0xFFFFFFFF, s29;
	s0 =	sadd.s32 $0x10, s0;
	v10 =	vld [tilespmem:s28+$0x0]  }
0x314: {  	vm2 =	vmmov vm1  }
.LBB2_93:
0x315: {  	v13 =	vor.u32 s0, v0  }
0x316: {  	vm1 =	vlt.s32 v13, v9;
	_ =	sdelay $0x5  }
0x317: {  	v10 =	vld.idx.msk [tilespmem:v10+s3+$0x0], vm1;
	_ =	sdelay $0x2  }
0x318: {  	vm2 =	vmmov @p1 vm2;
	v11 =	vand.u32 @p1 $0xFF, v11  }
0x319: {  	vm2 =	vmmov @p1 vm2;
	v11 =	vor.u32 @p1 v3, v11  }
0x31a: {  	v11 =	vpsel p1, v11, v0;
	vm1 =	vmmov vm1;
	v10 =	vand.u32 $0xFF, v10  }
0x31b: {  	v10 =	vor.u32 v3, v10;
	_ =	sdelay $0x2  }
0x31c: {  	[tilespmem:v12+s15+$0x0] =	vst.idx.add.s32.msk @p2 vm0, v4  }
0x31d: {  	[tilespmem:v11+s15+$0x0] =	vst.idx.add.s32.msk @p1 vm2, v4  }
0x31e: {  	[tilespmem:v10+s15+$0x0] =	vst.idx.add.s32.msk vm1, v4  }
.LBB2_69:
0x31f: {  	s0 =	simm.s32 $0x19970  }
0x320: {  	v12 =	vld [tilespmem:s0+$0xFFFFF800]  }
0x321: {  	v13 =	vld [tilespmem:s0+$0xFFFFF900]  }
0x322: {  	v14 =	vld [tilespmem:s0+$0xFFFFFA00]  }
0x323: {  	v15 =	vld [tilespmem:s0+$0xFFFFFB00]  }
0x324: {  	v16 =	vld [tilespmem:s0+$0xFFFFFC00]  }
0x325: {  	v17 =	vld [tilespmem:s0+$0xFFFFFD00]  }
0x326: {  	v18 =	vld [tilespmem:s0+$0xFFFFFE00];
	v12 =	vadd.s32 v12, v13  }
0x327: {  	v13 =	vld [tilespmem:s0+$0xFFFFFF00];
	v12 =	vadd.s32 v14, v12  }
0x328: {  	v14 =	vld [tilespmem:s0+$0x0];
	v12 =	vadd.s32 v15, v12  }
0x329: {  	v15 =	vld [tilespmem:s0+$0x100];
	v12 =	vadd.s32 v16, v12  }
0x32a: {  	v16 =	vld [tilespmem:s0+$0x200];
	v12 =	vadd.s32 v17, v12  }
0x32b: {  	v17 =	vld [tilespmem:s0+$0x300];
	v12 =	vadd.s32 v18, v12  }
0x32c: {  	v18 =	vld [tilespmem:s0+$0x400];
	v12 =	vadd.s32 v13, v12  }
0x32d: {  	v13 =	vld [tilespmem:s0+$0x500];
	v12 =	vadd.s32 v14, v12  }
0x32e: {  	v14 =	vld [tilespmem:s0+$0x600];
	v12 =	vadd.s32 v15, v12  }
0x32f: {  	s10 =	simm.s32 $0x19960;
	v15 =	vld [tilespmem:s0+$0x700];
	v12 =	vadd.s32 v16, v12  }
0x330: {  	v16 =	vld [tilespmem:s10+$0xFFFFF800];
	v12 =	vadd.s32 v17, v12  }
0x331: {  	v17 =	vld [tilespmem:s10+$0xFFFFF900];
	v12 =	vadd.s32 v18, v12  }
0x332: {  	v18 =	vld [tilespmem:s10+$0xFFFFFA00];
	v12 =	vadd.s32 v13, v12  }
0x333: {  	v13 =	vld [tilespmem:s10+$0xFFFFFB00];
	v12 =	vadd.s32 v14, v12  }
0x334: {  	v14 =	vld [tilespmem:s10+$0xFFFFFC00];
	v12 =	vadd.s32 v15, v12  }
0x335: {  	v15 =	vld [tilespmem:s10+$0xFFFFFD00];
	v12 =	vperm.xlane v12, v5  }
0x336: {  	v19 =	vld [tilespmem:s10+$0xFFFFFE00];
	v16 =	vadd.s32 v16, v17  }
0x337: {  	v17 =	vld [tilespmem:s10+$0xFFFFFF00];
	v16 =	vadd.s32 v18, v16;
	(xrf0) =	vadd.scan.msk.s32 $0xffff, v12  }
0x338: {  	v12 =	vld [tilespmem:s10+$0x0];
	v13 =	vadd.s32 v13, v16  }
0x339: {  	v16 =	vld [tilespmem:s10+$0x100];
	v13 =	vadd.s32 v14, v13  }
0x33a: {  	v18 =	vld [tilespmem:s10+$0x200];
	v13 =	vadd.s32 v15, v13  }
0x33b: {  	v20 =	vld [tilespmem:s10+$0x300];
	v13 =	vadd.s32 v19, v13  }
0x33c: {  	v21 =	vld [tilespmem:s10+$0x400];
	v13 =	vadd.s32 v17, v13  }
0x33d: {  	v11 =	vimm.s32 $0x0;
	v14 =	vld [tilespmem:s10+$0x500];
	v13 =	vadd.s32 v12, v13;
	v12, _, _ =	vpop (xrf0)  }
0x33e: {  	v15 =	vld [tilespmem:s10+$0x600];
	v16 =	vadd.s32 v16, v13;
	v17 =	vadd.s32 v11, v12  }
0x33f: {  	s31 =	simm.s32 $0x19950;
	v13 =	vld [tilespmem:s10+$0x700];
	v16 =	vadd.s32 v18, v16;
	vm0 =	vge.s32 v17, v8  }
0x340: {  	s28 =	simm.s32 $0xFF;
	v19 =	vld [tilespmem:s31+$0xFFFFF900];
	v17 =	vadd.s32 v20, v16;
	v16 =	vmpcnt.ones.xlane vm0  }
0x341: {  	v10 =	vimm.s32 $0xFFFFFFFF;
	s30 =	simm.s32 $0xEF;
	s29 =	simm.s32 $0xDF;
	s0 =	simm.s32 $0xCF;
	v18 =	vld [tilespmem:s31+$0xFFFFF800];
	v20 =	vadd.s32 v21, v17;
	v17 =	vmctz.xlane vm0  }
.LBB2_70:
0x342: {  	p1 =	seq.s32 s0, $0xF;
	v21 =	vld [tilespmem:s31+$0xFFFFFA00];
	v14 =	vadd.s32 v14, v20;
	vm0 =	vgt.s32 v16, $0x0;
	vm1 =	vlt.s32 v10, $0x0  }
0x343: {  	v16 =	vld [tilespmem:s31+$0xFFFFFB00];
	v14 =	vadd.s32 v15, v14;
	v15 =	vsub.s32 s28, v17;
	vm0 =	vmand vm1, vm0;
	s28 =	smov.u32 s30;
	s30 =	smov.u32 s29;
	s29 =	smov.u32 s0  }
0x344: {  	v17 =	vld [tilespmem:s31+$0xFFFFFC00];
	v13 =	vadd.s32 v13, v14;
	v10 =	vsel vm0, v15, v10  }
0x345: {  	v14 =	vld [tilespmem:s31+$0xFFFFFD00];
	v13 =	vperm.xlane v13, v5  }
0x346: {  	v15 =	vld [tilespmem:s31+$0xFFFFFE00];
	v18 =	vadd.s32 v18, v19  }
0x347: {  	v19 =	vld [tilespmem:s31+$0xFFFFFF00];
	v18 =	vadd.s32 v21, v18;
	(xrf0) =	vadd.scan.msk.s32 $0xffff, v13  }
0x348: {  	v13 =	vld [tilespmem:s31+$0x0];
	v16 =	vadd.s32 v16, v18  }
0x349: {  	v18 =	vld [tilespmem:s31+$0x100];
	v16 =	vadd.s32 v17, v16  }
0x34a: {  	v17 =	vld [tilespmem:s31+$0x200];
	v14 =	vadd.s32 v14, v16  }
0x34b: {  	v16 =	vld [tilespmem:s31+$0x300];
	v14 =	vadd.s32 v15, v14;
	v15 =	vbroadcast v12, $0xF  }
0x34c: {  	v20 =	vld [tilespmem:s31+$0x400];
	v19 =	vadd.s32 v19, v14  }
.Ltmp50:
0x34d: {  	v14 =	vld [tilespmem:s31+$0x500];
	v13 =	vadd.s32 v13, v19;
	v12, _, _ =	vpop (xrf0);
	v11 =	vadd.s32 v11, v15;
	(pc) =	sbr.rel @!p1 .LBB2_70-.Ltmp50, $4  }
0x34e: {  	v15 =	vld [tilespmem:s31+$0x600];
	v18 =	vadd.s32 v18, v13;
	v19 =	vadd.s32 v11, v12  }
0x34f: {  	v13 =	vld [tilespmem:s31+$0x700];
	v17 =	vadd.s32 v17, v18;
	s31 =	sadd.s32 $0xFFFFFFF0, s31;
	vm0 =	vge.s32 v19, v8  }
0x350: {  	v18 =	vld [tilespmem:s31+$0xFFFFF800];
	v17 =	vadd.s32 v16, v17;
	v16 =	vmpcnt.ones.xlane vm0  }
0x351: {  	s0 =	sadd.s32 $0xFFFFFFF0, s0;
	v19 =	vld [tilespmem:s31+$0xFFFFF900];
	v20 =	vadd.s32 v20, v17;
	v17 =	vmctz.xlane vm0  }
0x352: {  	v21 =	vld [tilespmem:s31+$0xFFFFFA00]  }
0x353: {  	v22 =	vld [tilespmem:s31+$0xFFFFFB00]  }
0x354: {  	v23 =	vld [tilespmem:s31+$0xFFFFFC00]  }
0x355: {  	v24 =	vld [tilespmem:s31+$0xFFFFFD00]  }
0x356: {  	v46 =	vld [tilespmem:s31+$0xFFFFFE00];
	v18 =	vadd.s32 v18, v19  }
0x357: {  	v47 =	vld [tilespmem:s31+$0xFFFFFF00];
	v18 =	vadd.s32 v21, v18  }
0x358: {  	v48 =	vld [tilespmem:s31+$0x0];
	v18 =	vadd.s32 v22, v18  }
0x359: {  	v49 =	vld [tilespmem:s31+$0x100];
	v18 =	vadd.s32 v23, v18  }
0x35a: {  	v50 =	vld [tilespmem:s31+$0x200];
	v18 =	vadd.s32 v24, v18  }
0x35b: {  	v51 =	vld [tilespmem:s31+$0x300];
	v18 =	vadd.s32 v46, v18  }
0x35c: {  	v52 =	vld [tilespmem:s31+$0x400];
	v18 =	vadd.s32 v47, v18  }
0x35d: {  	v53 =	vld [tilespmem:s31+$0x500];
	v18 =	vadd.s32 v48, v18  }
0x35e: {  	v54 =	vld [tilespmem:s31+$0x600];
	v18 =	vadd.s32 v49, v18  }
0x35f: {  	v14 =	vadd.s32 v14, v20;
	v55 =	vld [tilespmem:s31+$0x700];
	v18 =	vadd.s32 v50, v18  }
0x360: {  	v14 =	vadd.s32 v15, v14;
	v56 =	vadd.s32 v51, v18  }
0x361: {  	v13 =	vadd.s32 v13, v14;
	v57 =	vadd.s32 v52, v56  }
0x362: {  	v13 =	vperm.xlane v13, v5;
	v14 =	vadd.s32 v53, v57  }
0x363: {  	v14 =	vadd.s32 v54, v14  }
0x364: {  	(xrf0) =	vadd.scan.msk.s32 $0xffff, v13;
	v58 =	vadd.s32 v55, v14  }
0x365: {  	v13 =	vperm.xlane v58, v5;
	_ =	sdelay $0x1  }
0x366: {  	(xrf0) =	vadd.scan.msk.s32 $0xffff, v13  }
0x367: {  	v12 =	vbroadcast v12, $0xF;
	_ =	sdelay $0x1  }
0x368: {  	v11 =	vadd.s32 v11, v12;
	v59, _, _ =	vpop (xrf0)  }
0x369: {  	vm0 =	vgt.s32 v16, $0x0;
	v12 =	vadd.s32 v11, v59;
	v13 =	vbroadcast v59, $0xF  }
0x36a: {  	vm1 =	vlt.s32 v10, $0x0;
	v60 =	vsub.s32 s28, v17;
	vm2 =	vge.s32 v12, v8  }
0x36b: {  	vm0 =	vmand vm1, vm0;
	v12 =	vmpcnt.ones.xlane vm2;
	v11 =	vadd.s32 v11, v13;
	v61, _, _ =	vpop (xrf0)  }
0x36c: {  	v10 =	vsel vm0, v60, v10;
	v62 =	vmctz.xlane vm2;
	v11 =	vadd.s32 v11, v61  }
0x36d: {  	p1 =	slt.s32 s26, $0x1;
	vm12 =	vlt.s32 v10, $0x0;
	vm11 =	vgt.s32 v12, $0x0;
	vm13 =	vge.s32 v11, v8  }
.Ltmp51:
0x36e: {  	vm0 =	vmand vm12, vm11;
	v11 =	vsub.s32 s30, v62;
	v63 =	vmpcnt.ones.xlane vm13;
	(pc) =	sbr.rel @p1 .LBB2_95-.Ltmp51, $4  }
0x36f: {  	v10 =	vsel vm0, v11, v10;
	v11 =	vmctz.xlane vm13  }
0x370: {  	vm15 =	vlt.s32 v10, $0x0;
	vm14 =	vgt.s32 v63, $0x0  }
0x371: {  	v11 =	vsub.s32 s29, v11;
	vm0 =	vmand vm15, vm14  }
0x372: {  	v10 =	vsel vm0, v11, v10  }
.Ltmp52:
0x373: {  	(pc) =	sbr.rel @p0 .LBB2_73-.Ltmp52, $3  }
0x374: {  	_ =	sdelay $0x1  }
0x375: {  	s29 =	simm.s32 $0x10000;
	s28 =	simm.s32 $0x0;
	s0 =	sadd.s32 $0xFFFFFFFF, s26  }
0x376: {  	v11 =	vimm.s32 $0x0;
	p1 =	por $0x0, $0x0;
	p2 =	por $0x0, $0x0;
	p3 =	por $0x0, $0x0;
	v12 =	vld [tilespmem:s29+$0x0]  }
0x377: {  	_ = 	snop  }
0x378: {  	v8 =	vor.u32 s28, v0  }
0x379: {  	vm0 =	vlt.s32 v8, v9  }
0x37a: {  	p0 =	seq.s32 s0, $0x1;
	s4 =	simm.s32 $0x10010  }
.Ltmp53:
0x37b: {  	v8 =	vld [tilespmem:s4+$0x0];
	(pc) =	sbr.rel @p0 .LBB2_106-.Ltmp53, $2  }
0x37c: {  	_ =	sdelay $0x2  }
0x37d: {  	s0 =	sadd.s32 $0xFFFFFFFF, s0;
	s28 =	simm.s32 $0x10;
	p1 =	por $0x1, $0x1;
	vm2 =	vmmov vm0;
	v13 =	vld.idx.msk [tilespmem:v12+s3+$0x0], vm0  }
0x37e: {  	v14 =	vor.u32 s28, v0  }
0x37f: {  	vm1 =	vlt.s32 v14, v9;
	_ =	sdelay $0x1  }
0x380: {  	(v2sf) =	vpush v7, $0x0;
	p0 =	seq.s32 s0, $0x1;
	s4 =	simm.s32 $0x10020  }
.Ltmp54:
0x381: {  	vm0 =	vmmov vm2;
	(v2sf) =	vpush v11, $0x0;
	v24 =	vld [tilespmem:s4+$0x0];
	v14 =	vand.u32 $0xFF, v13;
	(pc) =	sbr.rel @p0 .LBB2_108-.Ltmp54, $4  }
0x382: {  	vm2 =	vmmov vm1;
	v16 =	vand.u32 $0x7F, v13;
	v15 =	vor.u32 v3, v14  }
0x383: {  	vm3 =	vgt.s32 v14, v10;
	vm4 =	veq.s32 v14, v10;
	v15 =	vand.u32 $0xF80, v15  }
0x384: {  	vm3 =	vmand vm0, vm3;
	v13 =	vld.idx.msk [tilespmem:v8+s3+$0x0], vm1;
	v14 =	vor.u32 v16, v15;
	vm1 =	vmand vm0, vm4  }
0x385: {  	s0 =	sadd.s32 $0xFFFFFFFF, s0;
	s28 =	simm.s32 $0x20;
	p2 =	por $0x1, $0x1;
	v16 =	vmpcnt.ones.xlane vm3;
	vm3 =	vmmov vm3;
	v18 =	vmpcnt.ones.xlane vm1  }
0x386: {  	_ = 	snop  }
0x387: {  	v15 =	vor.u32 s28, v0  }
0x388: {  	vm6 =	vlt.s32 v15, v9;
	v15 =	vadd.s32 v7, v16  }
0x389: {  	v19 =	vadd.s32 v11, v18;
	(v2sf) =	vpush v15, $0x0  }
0x38a: {  	(v2sf) =	vpush v19, $0x0  }
0x38b: {  	p0 =	seq.s32 s0, $0x1  }
.Ltmp55:
0x38c: {  	vm4 =	vmmov vm1;
	vm5 =	vmmov vm2;
	v17 =	vand.u32 $0xFF, v13;
	(pc) =	sbr.rel @p0 .LBB2_110-.Ltmp55, $4  }
0x38d: {  	v21 =	vand.u32 $0x7F, v13;
	v20 =	vor.u32 v3, v17;
	vm7 =	vgt.s32 v17, v10  }
0x38e: {  	[tilespmem:v14+s15+$0x0] =	vst.idx.add.s32.msk vm0, v6;
	s29 =	simm.s32 $0x10030;
	vm8 =	veq.s32 v17, v10;
	v20 =	vand.u32 $0xF80, v20;
	vm9 =	vmand vm5, vm7  }
0x38f: {  	s0 =	sadd.s32 $0xFFFFFFFF, s0;
	v26 =	vld [tilespmem:s29+$0x0];
	vm7 =	vmand vm5, vm8;
	v20 =	vor.u32 v21, v20;
	v22 =	vmpcnt.ones.xlane vm9;
	s4 =	spop (v2sf)  }
0x390: {  	s28 =	simm.s32 $0x30;
	p3 =	por $0x1, $0x1;
	vm2 =	vmmov vm6;
	v25 =	vmpcnt.ones.xlane vm7;
	v17 =	vmovc v12;
	v13 =	vld.idx.msk [tilespmem:v24+s3+$0x0], vm6;
	vm6 =	vmmov vm9;
	[tilespmem:s4+$0x1A080] =	vst.msk vm3, v12;
	s26 =	spop (v2sf)  }
.LBB2_111:
0x391: {  	p0 =	seq.s32 s0, $0x1;
	s0 =	sadd.s32 $0xFFFFFFFF, s0;
	v21 =	vor.u32 s28, v0;
	v15 =	vadd.s32 v15, v22;
	[tilespmem:s26+$0x10000] =	vst.msk vm4, v17;
	v17 =	vmovc v8;
	v8 =	vmovc v24;
	vm4 =	vmmov vm7  }
0x392: {  	vm7 =	vlt.s32 v21, v9;
	(v2sf) =	vpush v15, $0x0;
	v19 =	vadd.s32 v19, v25  }
0x393: {  	(v2sf) =	vpush v19, $0x0  }
0x394: {  	[tilespmem:v20+s15+$0x0] =	vst.idx.add.s32.msk vm5, v6;
	vm5 =	vmmov vm2;
	vm2 =	vmmov vm7  }
.Ltmp56:
0x395: {  	v20 =	vand.u32 $0xFF, v13;
	v24 =	vmov v26;
	(pc) =	sbr.rel @!p0 .LBB2_111-.Ltmp56, $4  }
0x396: {  	v22 =	vand.u32 $0x7F, v13;
	v21 =	vor.u32 v3, v20;
	vm8 =	vgt.s32 v20, v10  }
0x397: {  	vm9 =	veq.s32 v20, v10;
	v21 =	vand.u32 $0xF80, v21;
	vm8 =	vmand vm5, vm8  }
0x398: {  	s29 =	sadd.s32 $0x10, s29;
	v20 =	vor.u32 v22, v21;
	v22 =	vmpcnt.ones.xlane vm8;
	v13 =	vld.idx.msk [tilespmem:v26+s3+$0x0], vm7;
	vm7 =	vmand vm5, vm9;
	s4 =	spop (v2sf)  }
0x399: {  	s28 =	sadd.s32 $0x10, s28;
	v26 =	vld [tilespmem:s29+$0x0];
	v25 =	vmpcnt.ones.xlane vm7;
	[tilespmem:s4+$0x1A080] =	vst.msk vm6, v17;
	s26 =	spop (v2sf);
	vm6 =	vmmov vm8  }
0x39a: {  	_ =	sdelay $0x3  }
0x39b: {  	v23 =	vmov v8;
	v21 =	vmov v24;
	v8 =	vmov v26  }
.LBB2_113:
0x39c: {  	v24 =	vor.u32 s28, v0;
	v15 =	vadd.s32 @p2 v15, v22;
	v22 =	vand.u32 @p1 $0xFF, v13  }
0x39d: {  	vm10 =	vmmov @p1 vm2;
	vm9 =	vlt.s32 v24, v9;
	vm2 =	vgt.s32 @p1 v22, v10  }
0x39e: {  	v9 =	vpsel p2, v15, v7;
	vm8 =	veq.s32 @p1 v22, v10;
	vm2 =	vmand @p1 vm10, vm2  }
0x39f: {  	v15 =	vadd.s32 @p2 v19, v25;
	vm8 =	vmand @p1 vm10, vm8;
	v19 =	vmpcnt.ones.xlane @p1 vm2  }
0x3a0: {  	(v2sf) =	vpush @p1 v9, $0x0;
	v15 =	vpsel p2, v15, v11;
	v24 =	vmpcnt.ones.xlane @p1 vm8  }
0x3a1: {  	(v2sf) =	vpush @p1 v15, $0x0;
	v16 =	vpsel p1, v19, v16  }
0x3a2: {  	v18 =	vpsel p1, v24, v18;
	v9 =	vadd.s32 @p1 v9, v16  }
0x3a3: {  	v7 =	vpsel p1, v9, v7;
	v9 =	vadd.s32 @p1 v15, v18  }
0x3a4: {  	(v2sf) =	vpush v7, $0x0;
	v9 =	vpsel p1, v9, v11  }
0x3a5: {  	(v2sf) =	vpush v9, $0x0  }
0x3a6: {  	v60 =	vld.idx.msk [tilespmem:v8+s3+$0x0], vm9;
	_ =	sdelay $0x1  }
0x3a7: {  	v11 =	vor.u32 @p1 v3, v22  }
0x3a8: {  	v13 =	vand.u32 @p1 $0x7F, v13;
	v11 =	vand.u32 @p1 $0xF80, v11  }
0x3a9: {  	vm0 =	vmmov @p1 vm10;
	v11 =	vor.u32 @p1 v13, v11  }
0x3aa: {  	v11 =	vpsel p1, v11, v14;
	v61 =	vand.u32 $0xFF, v60  }
0x3ab: {  	s0 =	spop @p2 (v2sf);
	[tilespmem:s26+$0x10000] =	vst.msk @p3 vm4, v17;
	vm4 =	vmmov @p2 vm7;
	vm11 =	vmmov vm9;
	v62 =	vor.u32 v3, v61  }
0x3ac: {  	[tilespmem:v20+s15+$0x0] =	vst.idx.add.s32.msk @p2 vm5, v6;
	s4 =	spop @p2 (v2sf);
	vm12 =	vmmov vm11;
	v15 =	vmovc @p2 v23;
	v9 =	vand.u32 $0x7F, v60;
	v14 =	vand.u32 $0xF80, v62  }
0x3ad: {  	vm4 =	vmmov @p2 vm4;
	[tilespmem:s0+$0x1A080] =	vst.msk @p2 vm6, v15;
	v15 =	vpsel p2, v15, v0;
	s0 =	smov.u32 @p2 s4;
	v9 =	vor.u32 v9, v14  }
0x3ae: {  	vm2 =	vmmov @p1 vm2;
	vm1 =	vmmov @p1 vm8;
	v16 =	vmov @p1 v21;
	[tilespmem:s0+$0x10000] =	vst.msk @p2 vm4, v15;
	s0 =	spop @p1 (v2sf)  }
0x3af: {  	vm3 =	vmmov @p1 vm2;
	vm1 =	vmmov @p1 vm1;
	v12 =	vpsel p1, v16, v12;
	[tilespmem:v11+s15+$0x0] =	vst.idx.add.s32.msk @p1 vm0, v6;
	s4 =	spop @p1 (v2sf)  }
0x3b0: {  	vm1 =	vmmov @p1 vm1;
	vm13 =	vgt.s32 v61, v10;
	v11 =	vpsel p1, v12, v0;
	[tilespmem:s0+$0x1A080] =	vst.msk @p1 vm3, v12;
	s0 =	smov.u32 @p1 s4  }
0x3b1: {  	vm14 =	veq.s32 v61, v10;
	vm0 =	vmand vm12, vm13;
	[tilespmem:s0+$0x10000] =	vst.msk @p1 vm1, v11  }
0x3b2: {  	vm15 =	vmand vm12, vm14;
	v63 =	vmpcnt.ones.xlane vm0;
	vm0 =	vmmov vm0;
	[tilespmem:v9+s15+$0x0] =	vst.idx.add.s32.msk vm12, v6;
	s30 =	spop (v2sf)  }
0x3b3: {  	vm1 =	vmmov vm15;
	[tilespmem:s30+$0x1A080] =	vst.msk vm0, v8;
	s31 =	spop (v2sf)  }
0x3b4: {  	v7 =	vadd.s32 v7, v63;
	[tilespmem:s31+$0x10000] =	vst.msk vm1, v8  }
0x3b5: {  	v8 =	vsub.s32 $0x100, v7  }
.LBB2_95:
0x3b6: {  	(v2sf) =	vpush v8, $0x0;
	_ =	sdelay $0xe  }
0x3b7: {  	s0 =	spop (v2sf)  }
0x3b8: {  	s0 =	sadd.s32 $0xF, s0  }
0x3b9: {  	s4 =	sand.u32 $0xF, s0  }
0x3ba: {  	s31 =	sshra.s32 s0, $0x1F;
	p1 =	slt.s32 s0, $0x1;
	p0 =	sne.s32 s4, $0x0  }
0x3bb: {  	s4 =	sshrl.u32 s31, $0x1C;
	p0 =	por !p1, !p0  }
0x3bc: {  	s0 =	sadd.s32 s4, s0;
	s4 =	simm.s32 $0x1;
	p0 =	por !p0, !p0  }
0x3bd: {  	s0 =	sshra.s32 s0, $0x4;
	s4 =	simm.s32 @!p0 $0x0  }
0x3be: {  	s28 =	ssub.s32 s0, s4  }
0x3bf: {  	p0 =	sgt.s32 s28, $0x0  }
.Ltmp57:
0x3c0: {  	_ = 	snop;
	(pc) =	sbr.rel @!p0 .LBB2_98-.Ltmp57, $1  }
0x3c1: {  	_ =	sdelay $0x3  }
0x3c2: {  	(v2sf) =	vpush v7, $0x0;
	_ =	sdelay $0xa  }
0x3c3: {  	s0 =	simm.s32 $0x10000  }
0x3c4: {  	p0 =	seq.s32 s28, $0x1;
	v7 =	vld [tilespmem:s0+$0x0]  }
.Ltmp58:
0x3c5: {  	_ = 	snop;
	(pc) =	sbr.rel @p0 .LBB2_98-.Ltmp58, $4  }
0x3c6: {  	s0 =	simm.s32 $0x0  }
0x3c7: {  	v9 =	vor.u32 s0, v0;
	s4 =	spop (v2sf)  }
0x3c8: {  	vm0 =	vlt.s32 v9, v8;
	s26 =	sadd.s32 $0x1A080, s4  }
0x3c9: {  	s28 =	sadd.s32 $0xFFFFFFFF, s28;
	s29 =	simm.s32 $0x10010;
	[tilespmem:s26+$0x0] =	vst.msk vm0, v7  }
.LBB2_97:
0x3ca: {  	v7 =	vld [tilespmem:s29+$0x0];
	p0 =	seq.s32 s28, $0x1;
	s28 =	sadd.s32 $0xFFFFFFFF, s28  }
.Ltmp59:
0x3cb: {  	(pc) =	sbr.rel @!p0 .LBB2_97-.Ltmp59, $4  }
0x3cc: {  	s0 =	sadd.s32 $0x10, s0  }
0x3cd: {  	v9 =	vor.u32 s0, v0  }
0x3ce: {  	s26 =	sadd.s32 $0x10, s26;
	vm0 =	vlt.s32 v9, v8  }
0x3cf: {  	s29 =	sadd.s32 $0x10, s29;
	[tilespmem:s26+$0x0] =	vst.msk vm0, v7  }
.LBB2_98:
0x3d0: {  	s0 =	simm.s32 $0x0  }
0x3d1: {  	v7 =	vld [tilespmem:s0+$0x1A080];
	_ =	sdelay $0x6  }
0x3d2: {  	s26 =	simm.s32 $0x10;
	s0 =	simm.s32 $0x80  }
.LBB2_99:
0x3d3: {  	p0 =	sne.s32 s0, $0x3C0;
	[tilespmem:v7+s16+$0x0] =	vst.idx.msk $0xffff, v4;
	v7 =	vld [tilespmem:s26+$0x1A080];
	_ =	sdelay $0x2  }
.Ltmp60:
0x3d4: {  	(pc) =	sbr.rel @p0 .LBB2_99-.Ltmp60, $2  }
0x3d5: {  	_ =	sdelay $0x2  }
0x3d6: {  	s26 =	sshra.s32 s0, $0x2;
	s0 =	sadd.s32 $0x40, s0  }
0x3d7: {  	v8 =	vld [tilespmem:s26+$0x1A080];
	_ =	sdelay $0x6  }
0x3d8: {  	[tilespmem:v7+s16+$0x0] =	vst.idx.msk $0xffff, v4;
	s0 =	sshrl.u32 s25, $0x3  }
0x3d9: {  	s0 =	sadd.s32 s5, s0;
	[tilespmem:v8+s16+$0x0] =	vst.idx.msk $0xffff, v4  }
0x3da: {  	[hbm4b:s0+s11] =	stream.strided.scatter [tilespmem:s16], [sflag:$0x2], $0x8000, s12, s11, $0x38;
	[tilespmem:$0x1A600] =	vst v63  }
0x3db: {  	s0 =	simm.s32 $0x0  }
0x3dc: {  	v7 =	vld [tilespmem:s0+$0x1A080];
	_ =	sdelay $0x7  }
0x3dd: {  	s25 =	simm.s32 $0x10;
	s26 =	simm.s32 $0x80;
	v7 =	vld.idx.msk [tilespmem:v7+s3+$0x0], $0xffff  }
.LBB2_101:
0x3de: {  	p0 =	sne.s32 s26, $0x3C0;
	v8 =	vld [tilespmem:s25+$0x1A080];
	_ =	sdelay $0x3  }
.Ltmp61:
0x3df: {  	(pc) =	sbr.rel @p0 .LBB2_101-.Ltmp61, $2  }
0x3e0: {  	[tilespmem:s0+$0x1A200] =	vst v7;
	s0 =	smov.u32 s25;
	_ =	sdelay $0x2  }
0x3e1: {  	s25 =	sshra.s32 s26, $0x2;
	s26 =	sadd.s32 $0x40, s26;
	v7 =	vld.idx.msk [tilespmem:v8+s3+$0x0], $0xffff  }
0x3e2: {  	v8 =	vld [tilespmem:s25+$0x1A080];
	_ =	sdelay $0x7  }
0x3e3: {  	p0 =	seq.s32 s22, $0x3;
	v8 =	vld.idx.msk [tilespmem:v8+s3+$0x0], $0xffff  }
0x3e4: {  	s4 =	sadd.s32 @!p0 $0x1, s24  }
0x3e5: {  	s7 =	sshll.u32 @!p0 s4, $0x4  }
0x3e6: {  	s4 =	sshll.u32 @!p0 s4, $0xC;
	s7 =	sand.u32 @!p0 $0x70, s7  }
0x3e7: {  	s10 =	simm.s32 @!p0 $0x0;
	s4 =	sand.u32 @!p0 $0xFFF8000, s4;
	s7 =	sadd.s32 @!p0 s1, s7;
	[tilespmem:s0+$0x1A200] =	vst v7  }
0x3e8: {  	s0 =	sadd.s32 @!p0 s4, s7;
	s4 =	simm.s32 @!p0 $0x80;
	s7 =	simm.s32 @!p0 $0x400;
	[tilespmem:s25+$0x1A200] =	vst v8  }
0x3e9: {  	[tilespmem:s10], [sflag:$0x1] =	stream.strided.gather @!p0 [hbm4b:s0+s4], $0x8000, s7, s4, $0x38;
	[tilespmem:$0x1A600] =	vst v63  }
0x3ea: {  	v7 =	vld [tilespmem:$0x1A200]  }
0x3eb: {  	v8 =	vld [tilespmem:$0x1A210]  }
0x3ec: {  	v9 =	vld [tilespmem:$0x1A220]  }
0x3ed: {  	v10 =	vld [tilespmem:$0x1A230]  }
0x3ee: {  	v11 =	vld [tilespmem:$0x1A240]  }
0x3ef: {  	v12 =	vld [tilespmem:$0x1A250];
	(xrf1) =	vsort.ascd.msk.u32 $0xffff, v7, v0;
	v7 =	vor.u32 $0x10, v0  }
0x3f0: {  	v13 =	vld [tilespmem:$0x1A260];
	(xrf1) =	vsort.dscd.msk.u32 $0xffff, v8, v7;
	v7 =	vor.u32 $0x20, v0  }
0x3f1: {  	v8 =	vld [tilespmem:$0x1A270];
	(xrf1) =	vsort.ascd.msk.u32 $0xffff, v9, v7;
	v7 =	vor.u32 $0x30, v0  }
0x3f2: {  	v9 =	vld [tilespmem:$0x1A280];
	(xrf1) =	vsort.dscd.msk.u32 $0xffff, v10, v7;
	v7 =	vor.u32 $0x40, v0  }
0x3f3: {  	v10 =	vld [tilespmem:$0x1A290];
	(xrf1) =	vsort.ascd.msk.u32 $0xffff, v11, v7;
	v7 =	vor.u32 $0x50, v0  }
0x3f4: {  	v11 =	vld [tilespmem:$0x1A2A0];
	(xrf1) =	vsort.dscd.msk.u32 $0xffff, v12, v7;
	v7 =	vor.u32 $0x60, v0  }
0x3f5: {  	v12 =	vld [tilespmem:$0x1A2B0];
	(xrf1) =	vsort.ascd.msk.u32 $0xffff, v13, v7;
	v7 =	vor.u32 $0x70, v0  }
0x3f6: {  	(xrf1) =	vsort.dscd.msk.u32 $0xffff, v8, v7;
	v8 =	vor.u32 $0x80, v0  }
0x3f7: {  	v7 =	vld [tilespmem:$0x1A2C0];
	(xrf1) =	vsort.ascd.msk.u32 $0xffff, v9, v8;
	v8 =	vor.u32 $0x90, v0  }
0x3f8: {  	v13 =	vld [tilespmem:$0x1A2D0];
	(xrf1) =	vsort.dscd.msk.u32 $0xffff, v10, v8;
	v8 =	vor.u32 $0xA0, v0  }
0x3f9: {  	v9 =	vld [tilespmem:$0x1A2E0];
	(xrf1) =	vsort.ascd.msk.u32 $0xffff, v11, v8;
	v8 =	vor.u32 $0xB0, v0  }
0x3fa: {  	(xrf1) =	vsort.dscd.msk.u32 $0xffff, v12, v8;
	v8 =	vor.u32 $0xC0, v0  }
0x3fb: {  	v10 =	vld [tilespmem:$0x1A2F0]  }
0x3fc: {  	(xrf1) =	vsort.ascd.msk.u32 $0xffff, v7, v8;
	v7 =	vor.u32 $0xD0, v0  }
0x3fd: {  	v8, v11, _ =	vpop (xrf1);
	(xrf1) =	vsort.dscd.msk.u32 $0xffff, v13, v7;
	v7 =	vor.u32 $0xE0, v0  }
0x3fe: {  	v12, v13, _ =	vpop (xrf1);
	(xrf1) =	vsort.ascd.msk.u32 $0xffff, v9, v7;
	v7 =	vor.u32 $0xF0, v0;
	_ =	sdelay $0x1  }
0x3ff: {  	v9, v14, _ =	vpop (xrf1);
	(xrf1) =	vsort.dscd.msk.u32 $0xffff, v10, v7;
	vm0 =	vgt.u32 v8, v12  }
0x400: {  	v15 =	vmin.u32 v8, v12;
	v8 =	vmax.u32 v8, v12;
	v12 =	vsel vm0, v13, v11;
	v7, v10, _ =	vpop (xrf1)  }
0x401: {  	v11 =	vsel vm0, v11, v13;
	(xrf1) =	vsort.ascd.msk.u32 $0xffff, v15, v12;
	v16, v17, _ =	vpop (xrf1);
	vm6 =	vgt.u32 v7, v9  }
0x402: {  	v13 =	vmax.u32 v7, v9;
	v7 =	vmin.u32 v7, v9;
	(xrf1) =	vsort.ascd.msk.u32 $0xffff, v8, v11;
	v18, v19, _ =	vpop (xrf1)  }
0x403: {  	v9 =	vsel vm6, v10, v14;
	v10 =	vsel vm6, v14, v10;
	vm7 =	vgt.u32 v16, v18  }
0x404: {  	v14, v20, _ =	vpop (xrf1);
	v21 =	vmin.u32 v16, v18;
	v16 =	vmax.u32 v16, v18;
	v18 =	vsel vm7, v19, v17  }
0x405: {  	(xrf1) =	vsort.dscd.msk.u32 $0xffff, v13, v9;
	v12, v15, _ =	vpop (xrf1);
	v8 =	vsel vm7, v17, v19  }
0x406: {  	(xrf1) =	vsort.dscd.msk.u32 $0xffff, v7, v10;
	vm8 =	vgt.u32 v12, v14;
	v9, v11, _ =	vpop (xrf1);
	v13 =	vmax.u32 v12, v14  }
0x407: {  	v12 =	vmin.u32 v12, v14;
	(xrf1) =	vsort.ascd.msk.u32 $0xffff, v21, v18;
	v7, v10, _ =	vpop (xrf1);
	v14 =	vsel vm8, v15, v20  }
0x408: {  	v15 =	vsel vm8, v20, v15;
	(xrf1) =	vsort.ascd.msk.u32 $0xffff, v16, v8;
	vm9 =	vgt.u32 v9, v7;
	v17, v18, _ =	vpop (xrf1)  }
0x409: {  	v19 =	vmin.u32 v9, v7;
	v7 =	vmax.u32 v9, v7;
	(xrf1) =	vsort.dscd.msk.u32 $0xffff, v13, v14;
	v8, v16, _ =	vpop (xrf1)  }
0x40a: {  	v9 =	vsel vm9, v10, v11;
	v10 =	vsel vm9, v11, v10;
	vm10 =	vgt.u32 v8, v17  }
0x40b: {  	(xrf1) =	vsort.dscd.msk.u32 $0xffff, v12, v15;
	v15 =	vsel vm10, v16, v18  }
0x40c: {  	v11, v12, _ =	vpop (xrf1);
	v13 =	vmax.u32 v8, v17  }
0x40d: {  	(xrf1) =	vsort.ascd.msk.u32 $0xffff, v19, v9;
	v9, v14, _ =	vpop (xrf1)  }
0x40e: {  	v8 =	vmin.u32 v8, v17;
	v16 =	vsel vm10, v18, v16;
	(xrf1) =	vsort.ascd.msk.u32 $0xffff, v7, v10;
	v7, v10, _ =	vpop (xrf1)  }
0x40f: {  	vm11 =	vgt.u32 v11, v9;
	v17 =	vmin.u32 v11, v9;
	(xrf1) =	vsort.dscd.msk.u32 $0xffff, v13, v15;
	v13, v15, _ =	vpop (xrf1)  }
0x410: {  	v9 =	vmax.u32 v11, v9;
	v11 =	vsel vm11, v14, v12;
	vm12 =	vgt.u32 v13, v7  }
0x411: {  	(xrf1) =	vsort.dscd.msk.u32 $0xffff, v8, v16;
	v8 =	vsel vm11, v12, v14;
	v12 =	vsel vm12, v15, v10  }
0x412: {  	(xrf1) =	vsort.ascd.msk.u32 $0xffff, v17, v11;
	v11 =	vmax.u32 v13, v7;
	_ =	sdelay $0x1  }
0x413: {  	(xrf1) =	vsort.ascd.msk.u32 $0xffff, v9, v8;
	v8, v9, _ =	vpop (xrf1)  }
0x414: {  	(xrf1) =	vsort.dscd.msk.u32 $0xffff, v11, v12;
	v11, v12, _ =	vpop (xrf1)  }
0x415: {  	v7 =	vmin.u32 v13, v7;
	v10 =	vsel vm12, v10, v15;
	v14, v16, _ =	vpop (xrf1)  }
0x416: {  	v13, v15, _ =	vpop (xrf1);
	vm13 =	vgt.u32 v8, v14;
	v19 =	vmin.u32 v8, v14;
	v8 =	vmax.u32 v8, v14  }
0x417: {  	v17, v18, _ =	vpop (xrf1);
	(xrf1) =	vsort.dscd.msk.u32 $0xffff, v7, v10;
	v21 =	vsel vm13, v16, v9;
	v9 =	vsel vm13, v9, v16  }
0x418: {  	vm14 =	vgt.u32 v11, v13;
	v23 =	vmin.u32 v11, v13;
	v11 =	vmax.u32 v11, v13  }
0x419: {  	v13 =	vsel vm14, v15, v12;
	v12 =	vsel vm14, v12, v15;
	vm1 =	vgt.u32 v19, v23  }
0x41a: {  	v7, v10, _ =	vpop (xrf1);
	v44 =	vmin.u32 v19, v23;
	vm8 =	vgt.u32 v8, v11;
	v19 =	vmax.u32 v19, v23  }
0x41b: {  	v14, v20, _ =	vpop (xrf1);
	v38 =	vsel vm1, v13, v21;
	v13 =	vsel vm1, v21, v13;
	v21 =	vsel vm8, v12, v9  }
0x41c: {  	v9 =	vsel vm8, v9, v12;
	vm15 =	vgt.u32 v14, v17;
	v15 =	vmax.u32 v14, v17  }
0x41d: {  	v16, v22, _ =	vpop (xrf1);
	v14 =	vmin.u32 v14, v17;
	v17 =	vsel vm15, v20, v18;
	v18 =	vsel vm15, v18, v20  }
0x41e: {  	v24, v25, _ =	vpop (xrf1);
	vm4 =	vgt.u32 v16, v7;
	v29 =	vmax.u32 v16, v7;
	v7 =	vmin.u32 v16, v7  }
0x41f: {  	v26, v27, _ =	vpop (xrf1);
	v31 =	vsel vm4, v22, v10;
	v10 =	vsel vm4, v10, v22;
	vm9 =	vgt.u32 v29, v15  }
0x420: {  	vm2 =	vgt.u32 v7, v14;
	v20, v28, _ =	vpop (xrf1);
	v12 =	vsel vm9, v31, v17;
	v17 =	vsel vm9, v17, v31  }
0x421: {  	(xrf1) =	vsort.ascd.msk.u32 $0xffff, v44, v38;
	vm5 =	vgt.u32 v24, v20;
	v33 =	vmin.u32 v24, v20  }
0x422: {  	v16, v30, _ =	vpop (xrf1);
	v20 =	vmax.u32 v24, v20;
	(xrf1) =	vsort.ascd.msk.u32 $0xffff, v19, v13;
	v19 =	vmin.u32 v8, v11  }
0x423: {  	v8 =	vmax.u32 v8, v11;
	v11 =	vmax.u32 v29, v15;
	v15 =	vmin.u32 v29, v15  }
0x424: {  	v63 =	vsel vm5, v28, v25;
	v25 =	vsel vm5, v25, v28;
	vm6 =	vgt.u32 v26, v16  }
0x425: {  	v22, v32, _ =	vpop (xrf1);
	v42 =	vmin.u32 v26, v16;
	v16 =	vmax.u32 v26, v16;
	v43 =	vsel vm6, v30, v27  }
0x426: {  	v34, v35, _ =	vpop (xrf1);
	v27 =	vsel vm6, v27, v30;
	vm11 =	vgt.u32 v33, v42;
	vm12 =	vgt.u32 v20, v16  }
0x427: {  	v36, v37, _ =	vpop (xrf1);
	(xrf1) =	vsort.ascd.msk.u32 $0xffff, v19, v21;
	v19 =	vmax.u32 v7, v14;
	v7 =	vmin.u32 v7, v14  }
0x428: {  	vm7 =	vgt.u32 v36, v22;
	v47 =	vmax.u32 v36, v22;
	(xrf1) =	vsort.ascd.msk.u32 $0xffff, v8, v9  }
0x429: {  	v8 =	vsel vm2, v10, v18;
	v9 =	vsel vm2, v18, v10;
	(xrf1) =	vsort.dscd.msk.u32 $0xffff, v11, v12  }
0x42a: {  	v10 =	vmin.u32 v33, v42;
	v39 =	vsel vm7, v37, v32;
	(xrf1) =	vsort.dscd.msk.u32 $0xffff, v15, v17  }
0x42b: {  	v11 =	vmax.u32 v33, v42;
	v12 =	vsel vm11, v63, v43;
	v46, v45, _ =	vpop (xrf1);
	(xrf1) =	vsort.dscd.msk.u32 $0xffff, v19, v8  }
0x42c: {  	v8 =	vsel vm11, v43, v63;
	vm10 =	vgt.u32 v46, v34;
	v13 =	vmax.u32 v46, v34  }
0x42d: {  	(xrf1) =	vsort.dscd.msk.u32 $0xffff, v7, v9;
	v7 =	vmin.u32 v20, v16;
	v9 =	vsel vm12, v27, v25  }
0x42e: {  	v23 =	vsel vm10, v45, v35;
	(xrf1) =	vsort.ascd.msk.u32 $0xffff, v10, v8;
	v8 =	vmax.u32 v20, v16  }
0x42f: {  	v10 =	vsel vm12, v25, v27;
	vm13 =	vgt.u32 v13, v47;
	(xrf1) =	vsort.ascd.msk.u32 $0xffff, v11, v12  }
0x430: {  	v11 =	vsel vm13, v39, v23;
	v12 =	vsel vm10, v35, v45;
	(xrf1) =	vsort.ascd.msk.u32 $0xffff, v7, v9  }
0x431: {  	v7 =	vmax.u32 v13, v47;
	v9 =	vsel vm13, v23, v39;
	(xrf1) =	vsort.ascd.msk.u32 $0xffff, v8, v10  }
0x432: {  	v10 =	vmin.u32 v36, v22;
	(xrf1) =	vsort.dscd.msk.u32 $0xffff, v7, v9;
	v7 =	vmin.u32 v46, v34  }
0x433: {  	v8 =	vsel vm7, v32, v37;
	v9 =	vmin.u32 v13, v47;
	vm14 =	vgt.u32 v7, v10  }
0x434: {  	(xrf1) =	vsort.dscd.msk.u32 $0xffff, v9, v11;
	v11 =	vsel vm14, v12, v8  }
0x435: {  	v13, v14, _ =	vpop (xrf1);
	v9 =	vmax.u32 v7, v10;
	v8 =	vsel vm14, v8, v12  }
0x436: {  	v15, v16, _ =	vpop (xrf1);
	v7 =	vmin.u32 v7, v10  }
0x437: {  	v10, v12, _ =	vpop (xrf1)  }
0x438: {  	(xrf1) =	vsort.dscd.msk.u32 $0xffff, v9, v11;
	v9, v11, _ =	vpop (xrf1)  }
0x439: {  	(xrf1) =	vsort.dscd.msk.u32 $0xffff, v7, v8;
	v7, v8, _ =	vpop (xrf1)  }
0x43a: {  	vm15 =	vgt.u32 v13, v7  }
0x43b: {  	v17, v18, _ =	vpop (xrf1);
	v23 =	vmin.u32 v13, v7;
	v7 =	vmax.u32 v13, v7;
	v49 =	vsel vm15, v8, v14  }
0x43c: {  	v8 =	vsel vm15, v14, v8;
	vm4 =	vgt.u32 v15, v17;
	v51 =	vmin.u32 v15, v17  }
0x43d: {  	v19, v20, _ =	vpop (xrf1);
	v15 =	vmax.u32 v15, v17;
	v17 =	vsel vm4, v18, v16;
	v16 =	vsel vm4, v16, v18  }
0x43e: {  	v21, v22, _ =	vpop (xrf1);
	vm5 =	vgt.u32 v10, v19;
	v18 =	vmin.u32 v10, v19;
	v10 =	vmax.u32 v10, v19  }
0x43f: {  	v19 =	vsel vm5, v20, v12;
	v12 =	vsel vm5, v12, v20;
	vm6 =	vgt.u32 v9, v21  }
0x440: {  	v57 =	vmin.u32 v9, v21;
	v9 =	vmax.u32 v9, v21;
	vm11 =	vgt.u32 v23, v18  }
0x441: {  	v47 =	vmin.u32 v23, v18;
	v18 =	vmax.u32 v23, v18;
	vm13 =	vgt.u32 v7, v10  }
0x442: {  	v21 =	vsel vm6, v22, v11;
	v11 =	vsel vm6, v11, v22;
	v23 =	vsel vm11, v19, v49  }
0x443: {  	v13, v48, _ =	vpop (xrf1);
	v19 =	vsel vm11, v49, v19;
	vm12 =	vgt.u32 v51, v57;
	v27 =	vmax.u32 v51, v57  }
0x444: {  	v14, v50, _ =	vpop (xrf1);
	vm14 =	vgt.u32 v15, v9;
	v49 =	vsel vm12, v21, v17;
	v17 =	vsel vm12, v17, v21  }
0x445: {  	v53, v52, _ =	vpop (xrf1);
	v21 =	vmin.u32 v7, v10;
	v7 =	vmax.u32 v7, v10;
	v10 =	vsel vm13, v12, v8  }
0x446: {  	v8 =	vsel vm13, v8, v12;
	v12 =	vmin.u32 v15, v9;
	v9 =	vmax.u32 v15, v9;
	v54, v55, _ =	vpop (xrf1)  }
0x447: {  	v15 =	vsel vm14, v11, v16;
	v11 =	vsel vm14, v16, v11;
	vm6 =	vgt.u32 v18, v27;
	v20, v56, _ =	vpop (xrf1)  }
0x448: {  	vm7 =	vgt.u32 v20, v13;
	v22, v58, _ =	vpop (xrf1);
	v59 =	vmax.u32 v20, v13;
	v13 =	vmin.u32 v20, v13  }
0x449: {  	v20 =	vsel vm7, v56, v48;
	v24 =	vsel vm7, v48, v56;
	vm8 =	vgt.u32 v22, v14  }
0x44a: {  	v60 =	vmax.u32 v22, v14;
	v14 =	vmin.u32 v22, v14;
	v48 =	vmin.u32 v51, v57  }
0x44b: {  	v62, v61, _ =	vpop (xrf1);
	v56 =	vsel vm6, v17, v19;
	v17 =	vsel vm6, v19, v17;
	v19 =	vmin.u32 v21, v12  }
0x44c: {  	v22 =	vsel vm8, v58, v50;
	v26 =	vsel vm8, v50, v58;
	vm9 =	vgt.u32 v62, v53  }
0x44d: {  	v43 =	vmax.u32 v62, v53;
	v28 =	vmin.u32 v62, v53;
	vm5 =	vgt.u32 v47, v48  }
0x44e: {  	v53 =	vmin.u32 v47, v48;
	v25 =	vmax.u32 v47, v48;
	vm8 =	vgt.u32 v21, v12  }
0x44f: {  	v12 =	vmax.u32 v21, v12;
	v44 =	vsel vm9, v61, v52;
	v29 =	vsel vm9, v52, v61  }
0x450: {  	vm15 =	vgt.u32 v43, v59;
	v16 =	vmax.u32 v43, v59;
	v35 =	vmin.u32 v43, v59  }
0x451: {  	vm7 =	vgt.u32 v28, v13;
	v21 =	vsel vm8, v15, v10;
	v10 =	vsel vm8, v10, v15  }
0x452: {  	vm9 =	vgt.u32 v7, v9;
	v15 =	vmin.u32 v7, v9;
	v7 =	vmax.u32 v7, v9;
	v42, v63, _ =	vpop (xrf1)  }
0x453: {  	v50 =	vsel vm15, v44, v20;
	v20 =	vsel vm15, v20, v44;
	vm10 =	vgt.u32 v42, v54  }
0x454: {  	v45 =	vmax.u32 v42, v54;
	v30 =	vmin.u32 v42, v54;
	v54 =	vsel vm5, v49, v23  }
0x455: {  	v23 =	vsel vm5, v23, v49;
	v46 =	vsel vm10, v63, v55;
	(xrf1) =	vsort.ascd.msk.u32 $0xffff, v53, v54  }
0x456: {  	v31 =	vsel vm10, v55, v63;
	v55 =	vmin.u32 v18, v27;
	(xrf1) =	vsort.ascd.msk.u32 $0xffff, v25, v23  }
0x457: {  	v9 =	vsel vm9, v11, v8;
	v18 =	vmax.u32 v18, v27;
	(xrf1) =	vsort.ascd.msk.u32 $0xffff, v55, v56  }
0x458: {  	v8 =	vsel vm9, v8, v11;
	vm4 =	vgt.u32 v45, v60;
	(xrf1) =	vsort.ascd.msk.u32 $0xffff, v18, v17  }
0x459: {  	v51 =	vmax.u32 v45, v60;
	v32 =	vmin.u32 v45, v60;
	(xrf1) =	vsort.ascd.msk.u32 $0xffff, v19, v21  }
0x45a: {  	vm11 =	vgt.u32 v30, v14;
	v52 =	vsel vm4, v46, v22;
	(xrf1) =	vsort.ascd.msk.u32 $0xffff, v12, v10  }
0x45b: {  	v22 =	vsel vm4, v22, v46;
	vm10 =	vgt.u32 v51, v16;
	(xrf1) =	vsort.ascd.msk.u32 $0xffff, v15, v9  }
0x45c: {  	v10 =	vsel vm10, v52, v50;
	v9 =	vmax.u32 v51, v16;
	(xrf1) =	vsort.ascd.msk.u32 $0xffff, v7, v8  }
0x45d: {  	vm12 =	vgt.u32 v32, v35;
	v11 =	vsel vm10, v50, v52;
	(xrf1) =	vsort.dscd.msk.u32 $0xffff, v9, v10  }
0x45e: {  	v18 =	vsel vm11, v26, v31;
	v12 =	vsel vm12, v22, v20;
	v10 =	vmin.u32 v51, v16  }
0x45f: {  	v15 =	vmin.u32 v32, v35;
	v7 =	vmax.u32 v28, v13;
	(xrf1) =	vsort.dscd.msk.u32 $0xffff, v10, v11  }
0x460: {  	v8 =	vsel vm7, v29, v24;
	v16 =	vsel vm12, v20, v22;
	v11 =	vmax.u32 v32, v35  }
0x461: {  	v10 =	vmax.u32 v30, v14;
	(xrf1) =	vsort.dscd.msk.u32 $0xffff, v11, v12;
	v11 =	vsel vm11, v31, v26  }
0x462: {  	vm13 =	vgt.u32 v10, v7;
	v12 =	vmin.u32 v28, v13;
	(xrf1) =	vsort.dscd.msk.u32 $0xffff, v15, v16  }
0x463: {  	v13 =	vmax.u32 v10, v7;
	v15 =	vsel vm13, v11, v8;
	v8 =	vsel vm13, v8, v11;
	v16, v17, _ =	vpop (xrf1)  }
0x464: {  	v14 =	vmin.u32 v30, v14;
	v7 =	vmin.u32 v10, v7;
	(xrf1) =	vsort.dscd.msk.u32 $0xffff, v13, v15;
	v19, v20, _ =	vpop (xrf1)  }
0x465: {  	v9 =	vsel vm7, v24, v29;
	vm14 =	vgt.u32 v14, v12;
	v13 =	vmax.u32 v14, v12;
	v10, v11, _ =	vpop (xrf1)  }
0x466: {  	v15 =	vsel vm14, v18, v9;
	v12 =	vmin.u32 v14, v12;
	v21, v22, _ =	vpop (xrf1)  }
0x467: {  	v9 =	vsel vm14, v9, v18;
	(xrf1) =	vsort.dscd.msk.u32 $0xffff, v7, v8;
	v7, v8, _ =	vpop (xrf1)  }
0x468: {  	(xrf1) =	vsort.dscd.msk.u32 $0xffff, v13, v15;
	v13, v14, _ =	vpop (xrf1)  }
0x469: {  	v15, v18, _ =	vpop (xrf1)  }
0x46a: {  	(xrf1) =	vsort.dscd.msk.u32 $0xffff, v12, v9;
	v9, v12, _ =	vpop (xrf1)  }
0x46b: {  	v23, v57, _ =	vpop (xrf1)  }
0x46c: {  	vm15 =	vgt.u32 v16, v23  }
0x46d: {  	v58, v59, _ =	vpop (xrf1);
	v60 =	vmin.u32 v16, v23;
	v16 =	vmax.u32 v16, v23;
	v23 =	vsel vm15, v57, v17  }
0x46e: {  	v17 =	vsel vm15, v17, v57;
	vm4 =	vgt.u32 v19, v58;
	v24 =	vmin.u32 v19, v58  }
0x46f: {  	v62, v61, _ =	vpop (xrf1);
	v19 =	vmax.u32 v19, v58;
	v63 =	vsel vm4, v59, v20;
	v20 =	vsel vm4, v20, v59  }
0x470: {  	v41, v40, _ =	vpop (xrf1);
	vm5 =	vgt.u32 v10, v62;
	v31 =	vmin.u32 v10, v62;
	v10 =	vmax.u32 v10, v62  }
0x471: {  	v28 =	vsel vm5, v61, v11;
	v11 =	vsel vm5, v11, v61;
	vm6 =	vgt.u32 v21, v41  }
0x472: {  	v44 =	vmin.u32 v21, v41;
	v21 =	vmax.u32 v21, v41;
	v26 =	vsel vm6, v40, v22;
	v43, v42, _ =	vpop (xrf1)  }
0x473: {  	v22 =	vsel vm6, v22, v40;
	vm7 =	vgt.u32 v7, v43;
	v45 =	vmin.u32 v7, v43  }
0x474: {  	v7 =	vmax.u32 v7, v43;
	v48 =	vsel vm7, v42, v8;
	v8 =	vsel vm7, v8, v42  }
0x475: {  	vm11 =	vgt.u32 v60, v45;
	v59 =	vmin.u32 v60, v45;
	v27 =	vmax.u32 v60, v45  }
0x476: {  	v46, v47, _ =	vpop (xrf1);
	vm15 =	vgt.u32 v16, v7;
	v45 =	vmin.u32 v16, v7;
	v7 =	vmax.u32 v16, v7  }
0x477: {  	vm8 =	vgt.u32 v13, v46;
	v51 =	vmin.u32 v13, v46;
	v13 =	vmax.u32 v13, v46  }
0x478: {  	v60 =	vsel vm11, v48, v23;
	v23 =	vsel vm11, v23, v48;
	v16 =	vsel vm15, v8, v17  }
0x479: {  	v50, v49, _ =	vpop (xrf1);
	v8 =	vsel vm15, v17, v8;
	v52 =	vsel vm8, v47, v14;
	v14 =	vsel vm8, v14, v47  }
0x47a: {  	vm9 =	vgt.u32 v15, v50;
	v55 =	vmin.u32 v15, v50;
	v15 =	vmax.u32 v15, v50  }
0x47b: {  	vm12 =	vgt.u32 v24, v51;
	v61 =	vmin.u32 v24, v51;
	v24 =	vmax.u32 v24, v51  }
0x47c: {  	vm4 =	vgt.u32 v19, v13;
	v17 =	vmin.u32 v19, v13;
	v13 =	vmax.u32 v19, v13  }
0x47d: {  	v56 =	vsel vm9, v49, v18;
	v18 =	vsel vm9, v18, v49;
	v62 =	vsel vm12, v52, v63  }
0x47e: {  	v25 =	vsel vm12, v63, v52;
	vm13 =	vgt.u32 v31, v55;
	v63 =	vmin.u32 v31, v55  }
0x47f: {  	v31 =	vmax.u32 v31, v55;
	v19 =	vsel vm4, v14, v20;
	v14 =	vsel vm4, v20, v14  }
0x480: {  	vm5 =	vgt.u32 v10, v15;
	v20 =	vmin.u32 v10, v15;
	v10 =	vmax.u32 v10, v15  }
0x481: {  	v42 =	vsel vm13, v56, v28;
	v28 =	vsel vm13, v28, v56;
	v15 =	vsel vm5, v18, v11  }
0x482: {  	v11 =	vsel vm5, v11, v18;
	vm7 =	vgt.u32 v59, v63;
	v34 =	vmax.u32 v59, v63  }
0x483: {  	v54, v53, _ =	vpop (xrf1);
	vm9 =	vgt.u32 v27, v31;
	v49 =	vmin.u32 v27, v31;
	v27 =	vmax.u32 v27, v31  }
0x484: {  	vm11 =	vgt.u32 v45, v20;
	vm13 =	vgt.u32 v7, v10;
	vm10 =	vgt.u32 v9, v54  }
0x485: {  	v57 =	vmin.u32 v9, v54;
	v9 =	vmax.u32 v9, v54;
	v46 =	vsel vm7, v42, v60  }
0x486: {  	v30 =	vsel vm7, v60, v42;
	v50 =	vsel vm9, v28, v23;
	v23 =	vsel vm9, v23, v28  }
0x487: {  	v54 =	vsel vm11, v15, v16;
	v15 =	vsel vm11, v16, v15;
	v58 =	vsel vm10, v53, v12  }
0x488: {  	v12 =	vsel vm10, v12, v53;
	vm14 =	vgt.u32 v44, v57;
	v43 =	vmin.u32 v44, v57  }
0x489: {  	v33 =	vmax.u32 v44, v57;
	vm6 =	vgt.u32 v21, v9;
	v18 =	vmin.u32 v21, v9  }
0x48a: {  	v9 =	vmax.u32 v21, v9;
	v53 =	vmin.u32 v45, v20;
	v20 =	vmax.u32 v45, v20  }
0x48b: {  	v44 =	vsel vm14, v58, v26;
	v26 =	vsel vm14, v26, v58;
	v21 =	vsel vm6, v12, v22  }
0x48c: {  	v12 =	vsel vm6, v22, v12;
	v22 =	vmin.u32 v59, v63;
	vm8 =	vgt.u32 v61, v43  }
0x48d: {  	v47 =	vmin.u32 v61, v43;
	v29 =	vmax.u32 v61, v43;
	vm10 =	vgt.u32 v24, v33  }
0x48e: {  	v51 =	vmin.u32 v24, v33;
	v24 =	vmax.u32 v24, v33;
	vm12 =	vgt.u32 v17, v18  }
0x48f: {  	v16 =	vmin.u32 v17, v18;
	v17 =	vmax.u32 v17, v18;
	vm14 =	vgt.u32 v13, v9  }
0x490: {  	v48 =	vsel vm8, v44, v62;
	v36 =	vsel vm8, v62, v44;
	v52 =	vsel vm10, v26, v25  }
0x491: {  	v25 =	vsel vm10, v25, v26;
	v18 =	vsel vm12, v21, v19;
	v19 =	vsel vm12, v19, v21  }
0x492: {  	v21 =	vmin.u32 v7, v10;
	v7 =	vmax.u32 v7, v10;
	v10 =	vsel vm13, v11, v8  }
0x493: {  	v8 =	vsel vm13, v8, v11;
	v11 =	vmin.u32 v13, v9;
	v9 =	vmax.u32 v13, v9  }
0x494: {  	v13 =	vsel vm14, v12, v14;
	v12 =	vsel vm14, v14, v12;
	vm15 =	vgt.u32 v22, v47  }
0x495: {  	v14 =	vmin.u32 v22, v47;
	v22 =	vmax.u32 v22, v47;
	vm4 =	vgt.u32 v34, v29  }
0x496: {  	v56 =	vmin.u32 v34, v29;
	v29 =	vmax.u32 v34, v29;
	vm5 =	vgt.u32 v49, v51  }
0x497: {  	v58 =	vmin.u32 v49, v51;
	vm6 =	vgt.u32 v27, v24;
	v55 =	vsel vm15, v48, v46  }
0x498: {  	v60 =	vmin.u32 v27, v24;
	v32 =	vsel vm15, v46, v48;
	(xrf1) =	vsort.ascd.msk.u32 $0xffff, v14, v55  }
0x499: {  	v24 =	vmax.u32 v27, v24;
	v57 =	vsel vm4, v36, v30;
	(xrf1) =	vsort.ascd.msk.u32 $0xffff, v22, v32  }
0x49a: {  	vm7 =	vgt.u32 v53, v16;
	v30 =	vsel vm4, v30, v36;
	(xrf1) =	vsort.ascd.msk.u32 $0xffff, v56, v57  }
0x49b: {  	v62 =	vmin.u32 v53, v16;
	v59 =	vsel vm5, v52, v50;
	(xrf1) =	vsort.ascd.msk.u32 $0xffff, v29, v30  }
0x49c: {  	v14 =	vmax.u32 v49, v51;
	v22 =	vsel vm5, v50, v52;
	(xrf1) =	vsort.ascd.msk.u32 $0xffff, v58, v59  }
0x49d: {  	vm8 =	vgt.u32 v20, v17;
	v61 =	vsel vm6, v25, v23;
	(xrf1) =	vsort.ascd.msk.u32 $0xffff, v14, v22  }
0x49e: {  	v23 =	vsel vm6, v23, v25;
	vm9 =	vgt.u32 v21, v11;
	(xrf1) =	vsort.ascd.msk.u32 $0xffff, v60, v61  }
0x49f: {  	v14 =	vmax.u32 v53, v16;
	v16 =	vsel vm7, v18, v54;
	(xrf1) =	vsort.ascd.msk.u32 $0xffff, v24, v23  }
0x4a0: {  	vm10 =	vgt.u32 v7, v9;
	v18 =	vsel vm7, v54, v18;
	(xrf1) =	vsort.ascd.msk.u32 $0xffff, v62, v16  }
0x4a1: {  	v22 =	vmin.u32 v20, v17;
	v16 =	vsel vm8, v19, v15;
	(xrf1) =	vsort.ascd.msk.u32 $0xffff, v14, v18  }
0x4a2: {  	v17 =	vmax.u32 v20, v17;
	v15 =	vsel vm8, v15, v19;
	(xrf1) =	vsort.ascd.msk.u32 $0xffff, v22, v16  }
0x4a3: {  	v14 =	vmin.u32 v21, v11;
	v16 =	vsel vm9, v13, v10;
	(xrf1) =	vsort.ascd.msk.u32 $0xffff, v17, v15  }
0x4a4: {  	(xrf1) =	vsort.ascd.msk.u32 $0xffff, v14, v16;
	v14 =	vsel vm10, v12, v8  }
0x4a5: {  	v11 =	vmax.u32 v21, v11;
	v10 =	vsel vm9, v10, v13  }
0x4a6: {  	v13 =	vmin.u32 v7, v9;
	v7 =	vmax.u32 v7, v9;
	(xrf1) =	vsort.ascd.msk.u32 $0xffff, v11, v10  }
0x4a7: {  	v8 =	vsel vm10, v8, v12;
	v17, v16, _ =	vpop (xrf1);
	(xrf1) =	vsort.ascd.msk.u32 $0xffff, v13, v14  }
0x4a8: {  	[tilespmem:$0x1A380] =	vst v17;
	v23, v14, _ =	vpop (xrf1);
	(xrf1) =	vsort.ascd.msk.u32 $0xffff, v7, v8  }
0x4a9: {  	v18, v15, _ =	vpop (xrf1);
	[tilespmem:$0x1A390] =	vst v23  }
0x4aa: {  	v19, v7, _ =	vpop (xrf1);
	[tilespmem:$0x1A3A0] =	vst v18;
	v20 =	vld [tilespmem:$0x1A381]  }
0x4ab: {  	v21, v8, _ =	vpop (xrf1);
	[tilespmem:$0x1A3B0] =	vst v19;
	v22 =	vld [tilespmem:$0x1A391]  }
0x4ac: {  	v63, v9, _ =	vpop (xrf1);
	[tilespmem:$0x1A3C0] =	vst v21;
	v40 =	vld [tilespmem:$0x1A3A1]  }
0x4ad: {  	v41, v10, _ =	vpop (xrf1);
	[tilespmem:$0x1A3D0] =	vst v63;
	v42 =	vld [tilespmem:$0x1A3B1]  }
0x4ae: {  	v43, v11, _ =	vpop (xrf1);
	[tilespmem:$0x1A3E0] =	vst v41;
	v44 =	vld [tilespmem:$0x1A3C1]  }
0x4af: {  	v45, v12, _ =	vpop (xrf1);
	[tilespmem:$0x1A3F0] =	vst v43;
	v46 =	vld [tilespmem:$0x1A3D1]  }
0x4b0: {  	vm11 =	veq.s32 v17, v20;
	v47, v13, _ =	vpop (xrf1);
	[tilespmem:$0x1A400] =	vst v45;
	vm12 =	veq.s32 v23, v22;
	v22 =	vld [tilespmem:$0x1A3E1]  }
0x4b1: {  	v48, v17, _ =	vpop (xrf1);
	[tilespmem:$0x1A410] =	vst v47;
	vm0 =	vmor vm11, vm12;
	vm13 =	veq.s32 v18, v40;
	v49 =	vld [tilespmem:$0x1A3F1]  }
0x4b2: {  	v50, v18, _ =	vpop (xrf1);
	[tilespmem:$0x1A420] =	vst v48;
	vm0 =	vmor vm13, vm0;
	vm14 =	veq.s32 v19, v42;
	v51 =	vld [tilespmem:$0x1A401]  }
0x4b3: {  	v52, v19, _ =	vpop (xrf1);
	[tilespmem:$0x1A430] =	vst v50;
	vm0 =	vmor vm14, vm0;
	vm15 =	veq.s32 v21, v44;
	v53 =	vld [tilespmem:$0x1A411]  }
0x4b4: {  	v54, v20, _ =	vpop (xrf1);
	[tilespmem:$0x1A440] =	vst v52;
	vm0 =	vmor vm15, vm0;
	vm4 =	veq.s32 v63, v46;
	v55 =	vld [tilespmem:$0x1A421]  }
0x4b5: {  	v56, v21, _ =	vpop (xrf1);
	[tilespmem:$0x1A450] =	vst v54;
	vm0 =	vmor vm4, vm0;
	vm5 =	veq.s32 v41, v22;
	v57 =	vld [tilespmem:$0x1A431]  }
0x4b6: {  	v58, v22, _ =	vpop (xrf1);
	[tilespmem:$0x1A460] =	vst v56;
	vm0 =	vmor vm5, vm0;
	vm6 =	veq.s32 v43, v49;
	v59 =	vld [tilespmem:$0x1A441]  }
0x4b7: {  	[tilespmem:$0x1A470] =	vst v58;
	vm0 =	vmor vm6, vm0;
	vm7 =	veq.s32 v45, v51;
	v60 =	vld [tilespmem:$0x1A451]  }
0x4b8: {  	[tilespmem:$0x1A480] =	vst v2;
	vm0 =	vmor vm7, vm0;
	vm8 =	veq.s32 v47, v53;
	v61 =	vld [tilespmem:$0x1A461]  }
0x4b9: {  	v62 =	vld [tilespmem:$0x1A471];
	vm0 =	vmor vm8, vm0;
	vm9 =	veq.s32 v48, v55  }
0x4ba: {  	v63 =	vld [tilespmem:$0x1A38F];
	vm0 =	vmor vm9, vm0;
	vm10 =	veq.s32 v50, v57  }
0x4bb: {  	vm0 =	vmor vm10, vm0;
	vm11 =	veq.s32 v52, v59  }
0x4bc: {  	vm0 =	vmor vm11, vm0;
	vm12 =	veq.s32 v54, v60  }
0x4bd: {  	vm0 =	vmor vm12, vm0;
	vm13 =	veq.s32 v56, v61  }
0x4be: {  	vm14 =	veq.s32 v58, v62;
	vm0 =	vmor vm13, vm0  }
0x4bf: {  	vm15 =	veq.s32 v63, v23;
	vm0 =	vmor vm14, vm0  }
0x4c0: {  	vm0 =	vmor vm15, vm0  }
0x4c1: {  	v23 =	vmpcnt.ones.xlane vm0;
	_ =	sdelay $0x1  }
0x4c2: {  	(v2sf) =	vpush v23, $0x0;
	_ =	sdelay $0xe  }
0x4c3: {  	s31 =	spop (v2sf)  }
0x4c4: {  	p0 =	slt.s32 s31, $0x1  }
.Ltmp62:
0x4c5: {  	_ = 	snop;
	(pc) =	sbr.rel @!p0 .LBB2_103-.Ltmp62, $2  }
0x4c6: {  	_ =	sdelay $0x2  }
0x4c7: {  	s26 =	simm.s32 $0x0  }
0x4c8: {  	_ =	sdelay $0x3  }
0x4c9: {  	v16 =	vld.idx.msk [tilespmem:v16+s20+$0x0], $0xffff;
	v23 =	vadd.s32 $0xFF, v1;
	_ =	sdelay $0x4  }
0x4ca: {  	[tilespmem:v23+s17+$0x0] =	vst.idx.msk $0xffff, v16  }
0x4cb: {  	v61 =	vadd.s32 $0xEF, v1;
	v14 =	vld.idx.msk [tilespmem:v14+s20+$0x0], $0xffff;
	_ =	sdelay $0x4  }
0x4cc: {  	[tilespmem:v61+s17+$0x0] =	vst.idx.msk $0xffff, v14  }
0x4cd: {  	v62 =	vadd.s32 $0xDF, v1;
	v14 =	vld.idx.msk [tilespmem:v15+s20+$0x0], $0xffff;
	_ =	sdelay $0x4  }
0x4ce: {  	[tilespmem:v62+s17+$0x0] =	vst.idx.msk $0xffff, v14  }
0x4cf: {  	v63 =	vadd.s32 $0xCF, v1;
	v7 =	vld.idx.msk [tilespmem:v7+s20+$0x0], $0xffff;
	_ =	sdelay $0x4  }
0x4d0: {  	[tilespmem:v63+s17+$0x0] =	vst.idx.msk $0xffff, v7  }
0x4d1: {  	v7 =	vld.idx.msk [tilespmem:v8+s20+$0x0], $0xffff;
	v8 =	vadd.s32 $0xBF, v1;
	_ =	sdelay $0x4  }
0x4d2: {  	[tilespmem:v8+s17+$0x0] =	vst.idx.msk $0xffff, v7  }
0x4d3: {  	v8 =	vadd.s32 $0xAF, v1;
	v7 =	vld.idx.msk [tilespmem:v9+s20+$0x0], $0xffff;
	_ =	sdelay $0x4  }
0x4d4: {  	[tilespmem:v8+s17+$0x0] =	vst.idx.msk $0xffff, v7  }
0x4d5: {  	v8 =	vadd.s32 $0x9F, v1;
	v7 =	vld.idx.msk [tilespmem:v10+s20+$0x0], $0xffff;
	_ =	sdelay $0x4  }
0x4d6: {  	[tilespmem:v8+s17+$0x0] =	vst.idx.msk $0xffff, v7  }
0x4d7: {  	v8 =	vadd.s32 $0x8F, v1;
	v7 =	vld.idx.msk [tilespmem:v11+s20+$0x0], $0xffff;
	_ =	sdelay $0x4  }
0x4d8: {  	[tilespmem:v8+s17+$0x0] =	vst.idx.msk $0xffff, v7  }
0x4d9: {  	v8 =	vadd.s32 $0x7F, v1;
	v7 =	vld.idx.msk [tilespmem:v12+s20+$0x0], $0xffff;
	_ =	sdelay $0x4  }
0x4da: {  	[tilespmem:v8+s17+$0x0] =	vst.idx.msk $0xffff, v7  }
0x4db: {  	v8 =	vadd.s32 $0x6F, v1;
	v7 =	vld.idx.msk [tilespmem:v13+s20+$0x0], $0xffff;
	_ =	sdelay $0x4  }
0x4dc: {  	[tilespmem:v8+s17+$0x0] =	vst.idx.msk $0xffff, v7  }
0x4dd: {  	v8 =	vadd.s32 $0x5F, v1;
	v7 =	vld.idx.msk [tilespmem:v17+s20+$0x0], $0xffff;
	_ =	sdelay $0x4  }
0x4de: {  	[tilespmem:v8+s17+$0x0] =	vst.idx.msk $0xffff, v7  }
0x4df: {  	v8 =	vadd.s32 $0x4F, v1;
	v7 =	vld.idx.msk [tilespmem:v18+s20+$0x0], $0xffff;
	_ =	sdelay $0x4  }
0x4e0: {  	[tilespmem:v8+s17+$0x0] =	vst.idx.msk $0xffff, v7  }
0x4e1: {  	v8 =	vadd.s32 $0x3F, v1;
	v7 =	vld.idx.msk [tilespmem:v19+s20+$0x0], $0xffff;
	_ =	sdelay $0x4  }
0x4e2: {  	[tilespmem:v8+s17+$0x0] =	vst.idx.msk $0xffff, v7  }
0x4e3: {  	v8 =	vadd.s32 $0x2F, v1;
	v7 =	vld.idx.msk [tilespmem:v20+s20+$0x0], $0xffff;
	_ =	sdelay $0x4  }
0x4e4: {  	[tilespmem:v8+s17+$0x0] =	vst.idx.msk $0xffff, v7  }
0x4e5: {  	v8 =	vadd.s32 $0x1F, v1;
	v7 =	vld.idx.msk [tilespmem:v21+s20+$0x0], $0xffff;
	_ =	sdelay $0x4  }
0x4e6: {  	[tilespmem:v8+s17+$0x0] =	vst.idx.msk $0xffff, v7  }
0x4e7: {  	v7 =	vld.idx.msk [tilespmem:v22+s20+$0x0], $0xffff  }
.Ltmp63:
0x4e8: {  	_ = 	snop;
	(pc) =	sbr.rel .LBB2_122-.Ltmp63, $2  }
0x4e9: {  	_ =	sdelay $0x2  }
0x4ea: {  	[tilespmem:v5+s17+$0x0] =	vst.idx.msk $0xffff, v7  }
.LBB2_119:
0x4eb: {  	v11 =	vsel vm0, $0x1, v2  }
0x4ec: {  	v12 =	vsel vm1, $0x1, v2;
	v8 =	vadd.s32 v11, v8  }
0x4ed: {  	v13 =	vsel vm2, $0x1, v2;
	v62 =	vsel vm3, $0x1, v2;
	v8 =	vadd.s32 v12, v8  }
0x4ee: {  	vm13 =	vgt.u32 v10, v7;
	v11 =	vbroadcast v9, $0xE;
	v8 =	vadd.s32 v13, v8  }
0x4ef: {  	v10 =	vsel vm4, $0x1, v2;
	v9 =	vbroadcast v9, $0xF;
	v8 =	vadd.s32 v62, v8  }
0x4f0: {  	v63 =	vsel vm13, $0x1, v2;
	vm14 =	vgt.u32 v11, v7;
	v8 =	vadd.s32 v10, v8  }
0x4f1: {  	vm15 =	vgt.u32 v9, v7;
	v9 =	vsel vm14, $0x1, v2;
	v8 =	vadd.s32 v63, v8  }
0x4f2: {  	v10 =	vsel vm15, $0x1, v2;
	v8 =	vadd.s32 v9, v8  }
0x4f3: {  	v8 =	vadd.s32 v10, v8  }
.LBB2_120:
0x4f4: {  	v9 =	vbroadcast v7, $0x0;
	v47 =	vbroadcast v7, $0x1  }
0x4f5: {  	v48 =	vbroadcast v7, $0x2;
	v49 =	vbroadcast v7, $0x3  }
0x4f6: {  	v50 =	vbroadcast v7, $0x4;
	v51 =	vbroadcast v7, $0x5  }
0x4f7: {  	vm1 =	vmmov $0x1;
	v52 =	vbroadcast v7, $0x6;
	v53 =	vbroadcast v7, $0x7  }
0x4f8: {  	vm11 =	vmmov $0x3;
	v54 =	vbroadcast v7, $0x8;
	v55 =	vbroadcast v7, $0x9  }
0x4f9: {  	vm14 =	vmmov $0x7;
	v56 =	vbroadcast v7, $0xA;
	v19 =	vbroadcast v7, $0xB  }
0x4fa: {  	vm6 =	vmmov $0x3ff;
	v21 =	vbroadcast v7, $0xF;
	v58 =	vbroadcast v7, $0xC  }
0x4fb: {  	v59 =	vbroadcast v7, $0xD;
	v60 =	vbroadcast v7, $0xE;
	vm3 =	vmneg vm1  }
0x4fc: {  	vm5 =	vmneg vm11;
	vm9 =	vmneg vm14;
	vm0 =	vge.u32 v9, v7  }
0x4fd: {  	vm2 =	vgt.u32 v9, v7;
	vm12 =	vge.u32 v47, v7;
	vm4 =	vgt.u32 v47, v7  }
0x4fe: {  	vm15 =	vge.u32 v48, v7;
	vm8 =	vgt.u32 v48, v7;
	vm7 =	vgt.u32 v55, v7  }
0x4ff: {  	vm0 =	vmand vm3, vm0;
	vm1 =	vmand vm2, vm1;
	vm3 =	vmand vm5, vm12  }
0x500: {  	vm2 =	vmand vm4, vm11;
	vm11 =	vge.u32 v49, v7;
	vm12 =	vmmov $0xf  }
0x501: {  	vm0 =	vmor vm1, vm0;
	vm13 =	vmor vm2, vm3;
	vm3 =	vmand vm9, vm15  }
0x502: {  	vm2 =	vmand vm8, vm14;
	vm14 =	vmneg vm12;
	vm15 =	vmmov $0x1f  }
0x503: {  	vm8 =	vge.u32 v50, v7;
	vm9 =	vgt.u32 v50, v7;
	v10 =	vsel vm0, $0x1, v2  }
0x504: {  	v11 =	vsel vm13, $0x1, v2;
	vm10 =	vmor vm2, vm3;
	vm13 =	vgt.u32 v49, v7  }
0x505: {  	vm0 =	vmand vm14, vm11;
	vm2 =	vmand vm9, vm15;
	vm14 =	vgt.u32 v51, v7  }
0x506: {  	vm9 =	vge.u32 v52, v7;
	v12 =	vsel vm10, $0x1, v2;
	vm1 =	vmand vm13, vm12  }
0x507: {  	vm10 =	vmneg vm15;
	vm12 =	vmmov $0x3f;
	vm13 =	vge.u32 v51, v7  }
0x508: {  	vm3 =	vmand vm10, vm8;
	vm0 =	vmor vm1, vm0;
	vm15 =	vmneg vm12  }
0x509: {  	vm10 =	vmmov $0x7f;
	vm11 =	vmor vm2, vm3;
	vm3 =	vmand vm15, vm13  }
0x50a: {  	vm2 =	vmand vm14, vm12;
	v13 =	vsel vm0, $0x1, v2;
	vm12 =	vmneg vm10  }
0x50b: {  	vm13 =	vmmov $0xff;
	vm14 =	vge.u32 v53, v7;
	vm15 =	vgt.u32 v53, v7  }
0x50c: {  	v14 =	vsel vm11, $0x1, v2;
	vm8 =	vmor vm2, vm3;
	vm11 =	vgt.u32 v52, v7  }
0x50d: {  	vm0 =	vmand vm12, vm9;
	vm2 =	vmand vm15, vm13;
	vm12 =	vgt.u32 v54, v7  }
0x50e: {  	vm15 =	vge.u32 v55, v7;
	v15 =	vsel vm8, $0x1, v2;
	vm1 =	vmand vm11, vm10  }
0x50f: {  	vm8 =	vmneg vm13;
	vm10 =	vmmov $0x1ff;
	vm11 =	vge.u32 v54, v7  }
0x510: {  	vm3 =	vmand vm8, vm14;
	vm0 =	vmor vm1, vm0;
	vm13 =	vmneg vm10  }
0x511: {  	vm8 =	vmneg vm6;
	vm1 =	vmand vm7, vm6;
	vm6 =	vge.u32 v19, v7  }
0x512: {  	vm7 =	vgt.u32 v19, v7;
	vm9 =	vmor vm2, vm3;
	vm3 =	vmand vm13, vm11  }
0x513: {  	vm2 =	vmand vm12, vm10;
	v16 =	vsel vm0, $0x1, v2;
	vm0 =	vmand vm8, vm15  }
0x514: {  	vm10 =	vge.u32 v56, v7;
	vm11 =	vgt.u32 v56, v7;
	vm15 =	vmmov $0xfff  }
0x515: {  	v17 =	vsel vm9, $0x1, v2;
	vm14 =	vmor vm2, vm3;
	vm9 =	vmmov $0x7ff  }
0x516: {  	vm0 =	vmor vm1, vm0;
	vm8 =	vmneg vm15;
	v18 =	vsel vm14, $0x1, v2  }
0x517: {  	vm12 =	vmneg vm9;
	vm2 =	vmand vm11, vm9;
	v57 =	vsel vm0, $0x1, v2  }
0x518: {  	vm1 =	vmand vm8, vm6;
	vm0 =	vmand vm7, vm15;
	vm9 =	vgt.u32 v21, v7  }
0x519: {  	vm11 =	vge.u32 v58, v7;
	vm15 =	vge.u32 v59, v7;
	v21 =	vsel vm9, $0x1, v2  }
0x51a: {  	vm13 =	vmand vm12, vm10;
	vm0 =	vmor vm0, vm1;
	v10 =	vadd.s32 v21, v10  }
0x51b: {  	vm10 =	vmmov $0x1fff;
	vm9 =	vgt.u32 v59, v7;
	v10 =	vadd.s32 v11, v10  }
0x51c: {  	vm14 =	vmor vm2, vm13;
	v22 =	vsel vm0, $0x1, v2;
	v10 =	vadd.s32 v12, v10  }
0x51d: {  	vm12 =	vmneg vm10;
	vm13 =	vgt.u32 v58, v7;
	v10 =	vadd.s32 v13, v10  }
0x51e: {  	v20 =	vsel vm14, $0x1, v2;
	vm1 =	vmand vm12, vm11;
	v10 =	vadd.s32 v14, v10  }
0x51f: {  	vm0 =	vmand vm13, vm10;
	vm14 =	vmmov $0x3fff;
	v10 =	vadd.s32 v15, v10  }
0x520: {  	vm11 =	vge.u32 v60, v7;
	vm12 =	vmmov $0x7fff;
	v10 =	vadd.s32 v16, v10  }
0x521: {  	vm13 =	vgt.u32 v60, v7;
	vm0 =	vmor vm0, vm1;
	v10 =	vadd.s32 v17, v10  }
0x522: {  	vm8 =	vmneg vm14;
	vm1 =	vmand vm9, vm14;
	v10 =	vadd.s32 v18, v10  }
0x523: {  	vm14 =	vmneg vm12;
	vm2 =	vmand vm8, vm15;
	v9 =	vadd.s32 v57, v10  }
0x524: {  	v61 =	vsel vm0, $0x1, v2;
	vm10 =	vmor vm1, vm2;
	v7 =	vadd.s32 v20, v9  }
0x525: {  	vm1 =	vmand vm14, vm11;
	vm2 =	vmand vm13, vm12;
	v7 =	vadd.s32 v22, v7  }
0x526: {  	v62 =	vsel vm10, $0x1, v2;
	vm15 =	vmor vm2, vm1;
	v7 =	vadd.s32 v61, v7  }
0x527: {  	v63 =	vsel vm15, $0x1, v2;
	v7 =	vadd.s32 v62, v7  }
0x528: {  	v7 =	vadd.s32 v63, v7  }
0x529: {  	p0 =	seq.s32 s25, $0x10;
	v7 =	vadd.s32 v8, v7;
	v8 =	vld [tilespmem:s24+$0x1A080]  }
.Ltmp64:
0x52a: {  	_ = 	snop;
	(pc) =	sbr.rel @p0 .LBB2_122-.Ltmp64, $2  }
0x52b: {  	_ =	sdelay $0x2  }
0x52c: {  	s26 =	smov.u32 s25;
	[tilespmem:v7+s17+$0x0] =	vst.idx.msk $0xffff, v8  }
.LBB2_103:
0x52d: {  	p0 =	seq.s32 s26, $0x0  }
.Ltmp65:
0x52e: {  	s24 =	sshll.u32 s26, $0x4;
	(pc) =	sbr.rel @p0 .LBB2_104-.Ltmp65, $2  }
0x52f: {  	v7 =	vld [tilespmem:s24+$0x1A200];
	_ =	sdelay $0x2  }
0x530: {  	s0 =	simm.s32 $0x1A200;
	v8 =	vimm.s32 $0x0  }
0x531: {  	v9 =	vld [tilespmem:s0+$0x0];
	_ =	sdelay $0x4  }
0x532: {  	v10 =	vbroadcast v9, $0x0  }
0x533: {  	v11 =	vbroadcast v9, $0x2;
	v12 =	vbroadcast v9, $0x3  }
0x534: {  	v13 =	vbroadcast v9, $0x4;
	v15 =	vbroadcast v9, $0x1  }
0x535: {  	v62 =	vbroadcast v9, $0x7;
	v16 =	vbroadcast v9, $0x8  }
0x536: {  	v17 =	vbroadcast v9, $0xA;
	vm0 =	vge.u32 v10, v7;
	v10 =	vbroadcast v9, $0x5  }
0x537: {  	vm2 =	vge.u32 v12, v7;
	vm3 =	vge.u32 v13, v7;
	v14 =	vsel vm0, $0x1, v2  }
0x538: {  	vm0 =	vge.u32 v11, v7;
	v12 =	vsel vm2, $0x1, v2;
	v13 =	vsel vm3, $0x1, v2  }
0x539: {  	vm2 =	vge.u32 v15, v7;
	vm3 =	vge.u32 v62, v7;
	vm1 =	vge.u32 v10, v7  }
0x53a: {  	v10 =	vbroadcast v9, $0x6;
	v8 =	vadd.s32 v14, v8;
	v60 =	vsel vm2, $0x1, v2  }
0x53b: {  	v11 =	vsel vm0, $0x1, v2;
	vm2 =	vge.u32 v17, v7;
	v8 =	vadd.s32 v60, v8  }
0x53c: {  	p0 =	sne.s32 s26, $0x1;
	v63 =	vsel vm3, $0x1, v2;
	v8 =	vadd.s32 v11, v8;
	v11 =	vbroadcast v9, $0x9  }
.Ltmp66:
0x53d: {  	vm0 =	vge.u32 v10, v7;
	v10 =	vsel vm1, $0x1, v2;
	v8 =	vadd.s32 v12, v8;
	(pc) =	sbr.rel @!p0 .LBB2_116-.Ltmp66, $4  }
0x53e: {  	v8 =	vadd.s32 v13, v8;
	vm1 =	vge.u32 v11, v7;
	v11 =	vbroadcast v9, $0xB  }
0x53f: {  	v61 =	vsel vm0, $0x1, v2;
	v8 =	vadd.s32 v10, v8;
	v10 =	vbroadcast v9, $0xC  }
0x540: {  	vm0 =	vge.u32 v16, v7;
	v8 =	vadd.s32 v61, v8;
	vm3 =	vge.u32 v11, v7  }
0x541: {  	s25 =	sadd.s32 $0xFFFFFFFF, s26;
	s28 =	sadd.s32 $0x10, s0;
	v8 =	vadd.s32 v63, v8;
	vm4 =	vge.u32 v10, v7;
	v10 =	vbroadcast v9, $0xD  }
.LBB2_115:
0x542: {  	p0 =	sne.s32 s25, $0x1;
	s25 =	sadd.s32 $0xFFFFFFFF, s25;
	v11 =	vbroadcast v9, $0xE;
	v12 =	vbroadcast v9, $0xF;
	v9 =	vld [tilespmem:s28+$0x0]  }
0x543: {  	v13 =	vsel vm2, $0x1, v2;
	vm2 =	vge.u32 v10, v7  }
0x544: {  	v10 =	vsel vm2, $0x1, v2;
	vm2 =	vge.u32 v11, v7;
	vm5 =	vge.u32 v12, v7  }
0x545: {  	v11 =	vsel vm3, $0x1, v2;
	v12 =	vsel vm4, $0x1, v2;
	v14 =	vsel vm5, $0x1, v2  }
0x546: {  	v15 =	vsel vm0, $0x1, v2;
	v16 =	vsel vm1, $0x1, v2;
	v17 =	vsel vm2, $0x1, v2  }
0x547: {  	v8 =	vadd.s32 v15, v8;
	v18 =	vbroadcast v9, $0x0;
	v19 =	vbroadcast v9, $0x3  }
0x548: {  	v8 =	vadd.s32 v16, v8;
	v15 =	vbroadcast v9, $0x2;
	v20 =	vbroadcast v9, $0x4  }
0x549: {  	v8 =	vadd.s32 v13, v8;
	v16 =	vbroadcast v9, $0x5;
	vm0 =	vge.u32 v18, v7  }
0x54a: {  	v8 =	vadd.s32 v11, v8;
	v18 =	vbroadcast v9, $0x1;
	v13 =	vsel vm0, $0x1, v2  }
0x54b: {  	v8 =	vadd.s32 v12, v8;
	vm1 =	vge.u32 v16, v7;
	vm0 =	vge.u32 v15, v7  }
0x54c: {  	v12 =	vbroadcast v9, $0x6;
	v11 =	vsel vm0, $0x1, v2;
	vm0 =	vge.u32 v19, v7  }
0x54d: {  	v8 =	vadd.s32 v10, v8;
	v15 =	vsel vm0, $0x1, v2;
	vm0 =	vge.u32 v20, v7  }
0x54e: {  	v8 =	vadd.s32 v17, v8;
	v10 =	vsel vm0, $0x1, v2;
	vm0 =	vge.u32 v12, v7  }
0x54f: {  	v8 =	vadd.s32 v14, v8;
	vm2 =	vge.u32 v18, v7;
	v12 =	vsel vm1, $0x1, v2  }
0x550: {  	v8 =	vadd.s32 v13, v8;
	v13 =	vsel vm2, $0x1, v2;
	v14 =	vsel vm0, $0x1, v2  }
0x551: {  	v16 =	vbroadcast v9, $0x8;
	v8 =	vadd.s32 v13, v8;
	v13 =	vbroadcast v9, $0x7  }
0x552: {  	v17 =	vbroadcast v9, $0xA;
	v8 =	vadd.s32 v11, v8;
	v11 =	vbroadcast v9, $0x9  }
.Ltmp67:
0x553: {  	vm0 =	vge.u32 v16, v7;
	v8 =	vadd.s32 v15, v8;
	vm3 =	vge.u32 v13, v7;
	(pc) =	sbr.rel @p0 .LBB2_115-.Ltmp67, $4  }
0x554: {  	v8 =	vadd.s32 v10, v8;
	vm1 =	vge.u32 v11, v7;
	v10 =	vbroadcast v9, $0xB  }
0x555: {  	vm2 =	vge.u32 v17, v7;
	v11 =	vbroadcast v9, $0xC;
	v8 =	vadd.s32 v12, v8  }
0x556: {  	v12 =	vsel vm3, $0x1, v2;
	v8 =	vadd.s32 v14, v8;
	vm3 =	vge.u32 v10, v7  }
0x557: {  	s28 =	sadd.s32 $0x10, s28;
	vm4 =	vge.u32 v11, v7;
	v10 =	vbroadcast v9, $0xD;
	v8 =	vadd.s32 v12, v8  }
.LBB2_116:
0x558: {  	v11 =	vsel vm0, $0x1, v2  }
0x559: {  	v12 =	vsel vm1, $0x1, v2;
	v8 =	vadd.s32 v11, v8  }
0x55a: {  	v13 =	vsel vm2, $0x1, v2;
	v62 =	vsel vm3, $0x1, v2;
	v8 =	vadd.s32 v12, v8  }
0x55b: {  	p0 =	sgt.u32 s26, $0xE;
	v11 =	vbroadcast v9, $0xE;
	v9 =	vbroadcast v9, $0xF;
	v8 =	vadd.s32 v13, v8  }
.Ltmp68:
0x55c: {  	vm13 =	vge.u32 v10, v7;
	v10 =	vsel vm4, $0x1, v2;
	v8 =	vadd.s32 v62, v8;
	(pc) =	sbr.rel @p0 .LBB2_120-.Ltmp68, $4  }
.Ltmp69:
0x55d: {  	v63 =	vsel vm13, $0x1, v2;
	vm14 =	vge.u32 v11, v7;
	v8 =	vadd.s32 v10, v8;
	(pc) =	sbr.rel @!p0 .LBB2_117-.Ltmp69, $4  }
0x55e: {  	vm15 =	vge.u32 v9, v7;
	v9 =	vsel vm14, $0x1, v2;
	v8 =	vadd.s32 v63, v8  }
0x55f: {  	v10 =	vsel vm15, $0x1, v2;
	v8 =	vadd.s32 v9, v8  }
0x560: {  	s25 =	sadd.s32 $0x1, s26;
	v8 =	vadd.s32 v10, v8  }
0x561: {  	_ = 	snop  }
.LBB2_104:
0x562: {  	s25 =	simm.s32 $0x1  }
.LBB2_117:
0x563: {  	s0 =	sshll.u32 s26, $0x6  }
0x564: {  	s0 =	sshra.s32 s0, $0x2  }
0x565: {  	s0 =	sadd.s32 $0x1A210, s0  }
0x566: {  	v9 =	vld [tilespmem:s0+$0x0];
	_ =	sdelay $0x4  }
0x567: {  	v10 =	vbroadcast v9, $0x0  }
0x568: {  	v11 =	vbroadcast v9, $0x2;
	v12 =	vbroadcast v9, $0x3  }
0x569: {  	v13 =	vbroadcast v9, $0x4;
	v15 =	vbroadcast v9, $0x1  }
0x56a: {  	v62 =	vbroadcast v9, $0x7;
	v16 =	vbroadcast v9, $0x8  }
0x56b: {  	v17 =	vbroadcast v9, $0xA;
	vm0 =	vgt.u32 v10, v7;
	v10 =	vbroadcast v9, $0x5  }
0x56c: {  	vm2 =	vgt.u32 v12, v7;
	vm3 =	vgt.u32 v13, v7;
	v14 =	vsel vm0, $0x1, v2  }
0x56d: {  	vm0 =	vgt.u32 v11, v7;
	v12 =	vsel vm2, $0x1, v2;
	v13 =	vsel vm3, $0x1, v2  }
0x56e: {  	vm2 =	vgt.u32 v15, v7;
	vm3 =	vgt.u32 v62, v7;
	vm1 =	vgt.u32 v10, v7  }
0x56f: {  	v10 =	vbroadcast v9, $0x6;
	v8 =	vadd.s32 v14, v8;
	v60 =	vsel vm2, $0x1, v2  }
0x570: {  	s4 =	ssub.s32 $0xF, s26;
	v11 =	vsel vm0, $0x1, v2;
	vm2 =	vgt.u32 v17, v7;
	v8 =	vadd.s32 v60, v8  }
0x571: {  	p0 =	sne.s32 s4, $0x1;
	v63 =	vsel vm3, $0x1, v2;
	v8 =	vadd.s32 v11, v8;
	v11 =	vbroadcast v9, $0x9  }
.Ltmp70:
0x572: {  	vm0 =	vgt.u32 v10, v7;
	v10 =	vsel vm1, $0x1, v2;
	v8 =	vadd.s32 v12, v8;
	(pc) =	sbr.rel @!p0 .LBB2_119-.Ltmp70, $4  }
0x573: {  	v8 =	vadd.s32 v13, v8;
	vm1 =	vgt.u32 v11, v7;
	v11 =	vbroadcast v9, $0xB  }
0x574: {  	v61 =	vsel vm0, $0x1, v2;
	v8 =	vadd.s32 v10, v8;
	v10 =	vbroadcast v9, $0xC  }
0x575: {  	vm0 =	vgt.u32 v16, v7;
	v8 =	vadd.s32 v61, v8;
	vm3 =	vgt.u32 v11, v7  }
0x576: {  	s26 =	sadd.s32 $0xFFFFFFFF, s4;
	s28 =	sadd.s32 $0x10, s0;
	v8 =	vadd.s32 v63, v8;
	vm4 =	vgt.u32 v10, v7;
	v10 =	vbroadcast v9, $0xD  }
.LBB2_118:
0x577: {  	p0 =	sne.s32 s26, $0x1;
	s26 =	sadd.s32 $0xFFFFFFFF, s26;
	v11 =	vbroadcast v9, $0xE;
	v12 =	vbroadcast v9, $0xF;
	v9 =	vld [tilespmem:s28+$0x0]  }
0x578: {  	v13 =	vsel vm2, $0x1, v2;
	vm2 =	vgt.u32 v10, v7  }
0x579: {  	v10 =	vsel vm2, $0x1, v2;
	vm2 =	vgt.u32 v11, v7;
	vm5 =	vgt.u32 v12, v7  }
0x57a: {  	v11 =	vsel vm3, $0x1, v2;
	v12 =	vsel vm4, $0x1, v2;
	v14 =	vsel vm5, $0x1, v2  }
0x57b: {  	v15 =	vsel vm0, $0x1, v2;
	v16 =	vsel vm1, $0x1, v2;
	v17 =	vsel vm2, $0x1, v2  }
0x57c: {  	v8 =	vadd.s32 v15, v8;
	v18 =	vbroadcast v9, $0x0;
	v19 =	vbroadcast v9, $0x3  }
0x57d: {  	v8 =	vadd.s32 v16, v8;
	v15 =	vbroadcast v9, $0x2;
	v20 =	vbroadcast v9, $0x4  }
0x57e: {  	v8 =	vadd.s32 v13, v8;
	v16 =	vbroadcast v9, $0x5;
	vm0 =	vgt.u32 v18, v7  }
0x57f: {  	v8 =	vadd.s32 v11, v8;
	v18 =	vbroadcast v9, $0x1;
	v13 =	vsel vm0, $0x1, v2  }
0x580: {  	v8 =	vadd.s32 v12, v8;
	vm1 =	vgt.u32 v16, v7;
	vm0 =	vgt.u32 v15, v7  }
0x581: {  	v12 =	vbroadcast v9, $0x6;
	v11 =	vsel vm0, $0x1, v2;
	vm0 =	vgt.u32 v19, v7  }
0x582: {  	v8 =	vadd.s32 v10, v8;
	v15 =	vsel vm0, $0x1, v2;
	vm0 =	vgt.u32 v20, v7  }
0x583: {  	v8 =	vadd.s32 v17, v8;
	v10 =	vsel vm0, $0x1, v2;
	vm0 =	vgt.u32 v12, v7  }
0x584: {  	v8 =	vadd.s32 v14, v8;
	vm2 =	vgt.u32 v18, v7;
	v12 =	vsel vm1, $0x1, v2  }
0x585: {  	v8 =	vadd.s32 v13, v8;
	v13 =	vsel vm2, $0x1, v2;
	v14 =	vsel vm0, $0x1, v2  }
0x586: {  	v16 =	vbroadcast v9, $0x8;
	v8 =	vadd.s32 v13, v8;
	v13 =	vbroadcast v9, $0x7  }
0x587: {  	v17 =	vbroadcast v9, $0xA;
	v8 =	vadd.s32 v11, v8;
	v11 =	vbroadcast v9, $0x9  }
.Ltmp71:
0x588: {  	vm0 =	vgt.u32 v16, v7;
	v8 =	vadd.s32 v15, v8;
	vm3 =	vgt.u32 v13, v7;
	(pc) =	sbr.rel @p0 .LBB2_118-.Ltmp71, $4  }
0x589: {  	v8 =	vadd.s32 v10, v8;
	vm1 =	vgt.u32 v11, v7;
	v10 =	vbroadcast v9, $0xB  }
0x58a: {  	vm2 =	vgt.u32 v17, v7;
	v11 =	vbroadcast v9, $0xC;
	v8 =	vadd.s32 v12, v8  }
0x58b: {  	v12 =	vsel vm3, $0x1, v2;
	v8 =	vadd.s32 v14, v8;
	vm3 =	vgt.u32 v10, v7  }
0x58c: {  	s28 =	sadd.s32 $0x10, s28;
	vm4 =	vgt.u32 v11, v7;
	v10 =	vbroadcast v9, $0xD;
	v8 =	vadd.s32 v12, v8  }
.Ltmp72:
0x58d: {  	_ = 	snop;
	(pc) =	sbr.rel .LBB2_119-.Ltmp72, $1  }
0x58e: {  	_ =	sdelay $0x3  }
.LBB2_9:
.Ltmp73:
0x58f: {  	(pc) =	sbr.rel .LBB2_16-.Ltmp73, $2  }
0x590: {  	_ =	sdelay $0x2  }
0x591: {  	v9 =	vimm.s32 $0xFFFFFFFF;
	v12 =	vimm.s32 $0x0  }
.LBB2_11:
.Ltmp74:
0x592: {  	(pc) =	sbr.rel .LBB2_16-.Ltmp74, $2  }
0x593: {  	_ =	sdelay $0x2  }
0x594: {  	v9 =	vimm.s32 $0xFFFFFFFF;
	s24 =	simm.s32 $0xFF;
	s23 =	simm.s32 $0xEF;
	v12 =	vimm.s32 $0x0  }
.LBB2_13:
.Ltmp75:
0x595: {  	(pc) =	sbr.rel .LBB2_16-.Ltmp75, $2  }
0x596: {  	_ =	sdelay $0x2  }
0x597: {  	v9 =	vimm.s32 $0xFFFFFFFF;
	s0 =	simm.s32 $0xFF;
	s23 =	simm.s32 $0xDF;
	v12 =	vimm.s32 $0x0  }
.LBB2_26:
.Ltmp76:
0x598: {  	_ = 	snop;
	(pc) =	sbr.rel .LBB2_35-.Ltmp76, $2  }
0x599: {  	_ =	sdelay $0x2  }
0x59a: {  	v12 =	vimm.s32 $0x0;
	v16 =	vimm.s32 $0x0;
	v10 =	vmov v11  }
.LBB2_37:
.Ltmp77:
0x59b: {  	(pc) =	sbr.rel .LBB2_42-.Ltmp77, $2  }
0x59c: {  	_ =	sdelay $0x2  }
0x59d: {  	_ = 	snop  }
.LBB2_50:
.Ltmp78:
0x59e: {  	_ = 	snop;
	(pc) =	sbr.rel .LBB2_59-.Ltmp78, $2  }
0x59f: {  	_ =	sdelay $0x2  }
0x5a0: {  	v14 =	vmov v7;
	v19 =	vimm.s32 $0x0;
	v8 =	vmov v12  }
.LBB2_61:
.Ltmp79:
0x5a1: {  	(pc) =	sbr.rel .LBB2_66-.Ltmp79, $2  }
0x5a2: {  	_ =	sdelay $0x2  }
0x5a3: {  	_ = 	snop  }
.LBB2_75:
.Ltmp80:
0x5a4: {  	_ = 	snop;
	(pc) =	sbr.rel .LBB2_84-.Ltmp80, $2  }
0x5a5: {  	_ =	sdelay $0x2  }
0x5a6: {  	v14 =	vmov v7;
	v19 =	vimm.s32 $0x0;
	v8 =	vmov v12  }
.LBB2_86:
.Ltmp81:
0x5a7: {  	(pc) =	sbr.rel .LBB2_93-.Ltmp81, $2  }
0x5a8: {  	_ =	sdelay $0x2  }
0x5a9: {  	_ = 	snop  }
.LBB2_73:
.Ltmp82:
0x5aa: {  	_ = 	snop;
	(pc) =	sbr.rel .LBB2_113-.Ltmp82, $2  }
0x5ab: {  	_ =	sdelay $0x2  }
0x5ac: {  	v15 =	vmov v7;
	v19 =	vimm.s32 $0x0;
	v8 =	vmov v12  }
.LBB2_28:
.Ltmp83:
0x5ad: {  	(pc) =	sbr.rel .LBB2_35-.Ltmp83, $2  }
0x5ae: {  	_ =	sdelay $0x2  }
0x5af: {  	v21 =	vmov v11;
	v12 =	vimm.s32 $0x0;
	v16 =	vimm.s32 $0x0  }
.LBB2_39:
.Ltmp84:
0x5b0: {  	(pc) =	sbr.rel .LBB2_42-.Ltmp84, $2  }
0x5b1: {  	_ =	sdelay $0x2  }
0x5b2: {  	_ = 	snop  }
.LBB2_52:
.Ltmp85:
0x5b3: {  	(pc) =	sbr.rel .LBB2_59-.Ltmp85, $2  }
0x5b4: {  	_ =	sdelay $0x2  }
0x5b5: {  	v22 =	vmov v12;
	v14 =	vmov v7;
	v19 =	vimm.s32 $0x0  }
.LBB2_63:
.Ltmp86:
0x5b6: {  	(pc) =	sbr.rel .LBB2_66-.Ltmp86, $2  }
0x5b7: {  	_ =	sdelay $0x2  }
0x5b8: {  	_ = 	snop  }
.LBB2_77:
.Ltmp87:
0x5b9: {  	(pc) =	sbr.rel .LBB2_84-.Ltmp87, $2  }
0x5ba: {  	_ =	sdelay $0x2  }
0x5bb: {  	v22 =	vmov v12;
	v14 =	vmov v7;
	v19 =	vimm.s32 $0x0  }
.LBB2_88:
.Ltmp88:
0x5bc: {  	(pc) =	sbr.rel .LBB2_93-.Ltmp88, $2  }
0x5bd: {  	_ =	sdelay $0x2  }
0x5be: {  	_ = 	snop  }
.LBB2_106:
.Ltmp89:
0x5bf: {  	(pc) =	sbr.rel .LBB2_113-.Ltmp89, $2  }
0x5c0: {  	_ =	sdelay $0x2  }
0x5c1: {  	v21 =	vmov v12;
	v15 =	vmov v7;
	v19 =	vimm.s32 $0x0  }
.LBB2_30:
.Ltmp90:
0x5c2: {  	(pc) =	sbr.rel .LBB2_35-.Ltmp90, $3  }
0x5c3: {  	_ =	sdelay $0x1  }
0x5c4: {  	v21 =	vmovc v10;
	v12 =	vimm.s32 $0x0;
	v16 =	vimm.s32 $0x0;
	v22 =	vmov v11  }
0x5c5: {  	vm4 =	vmmov vm0;
	vm5 =	vmmov vm2;
	v18 =	vmovc v13;
	v19 =	vmovc v15;
	v10 =	vmov v20  }
.LBB2_54:
.Ltmp91:
0x5c6: {  	(pc) =	sbr.rel .LBB2_59-.Ltmp91, $4  }
0x5c7: {  	_ = 	snop  }
0x5c8: {  	v22 =	vmov v8  }
0x5c9: {  	v14 =	vmovc v7;
	v25 =	vmovc v12;
	v19 =	vimm.s32 $0x0;
	vm7 =	vmmov vm1;
	vm5 =	vmmov vm0  }
0x5ca: {  	v20 =	vmovc v13;
	v8 =	vmovc v24;
	vm6 =	vmmov vm3;
	v23 =	vmov v15;
	v26 =	vmov v17  }
.LBB2_79:
.Ltmp92:
0x5cb: {  	(pc) =	sbr.rel .LBB2_84-.Ltmp92, $4  }
0x5cc: {  	_ = 	snop  }
0x5cd: {  	v22 =	vmov v8  }
0x5ce: {  	v14 =	vmovc v7;
	v25 =	vmovc v12;
	v19 =	vimm.s32 $0x0;
	vm7 =	vmmov vm1;
	vm5 =	vmmov vm0  }
0x5cf: {  	v20 =	vmovc v13;
	v8 =	vmovc v24;
	vm6 =	vmmov vm3;
	v23 =	vmov v15;
	v26 =	vmov v17  }
.LBB2_90:
.Ltmp93:
0x5d0: {  	(pc) =	sbr.rel .LBB2_93-.Ltmp93, $2  }
0x5d1: {  	_ =	sdelay $0x2  }
0x5d2: {  	vm2 =	vmmov vm1  }
.LBB2_108:
.Ltmp94:
0x5d3: {  	(pc) =	sbr.rel .LBB2_113-.Ltmp94, $4  }
0x5d4: {  	_ = 	snop  }
0x5d5: {  	v21 =	vmov v8  }
0x5d6: {  	v15 =	vmovc v7;
	v23 =	vmovc v12;
	vm7 =	vmmov vm1;
	v19 =	vimm.s32 $0x0;
	vm5 =	vmmov vm0  }
0x5d7: {  	v20 =	vmovc v14;
	v8 =	vmovc v24;
	vm6 =	vmmov vm3;
	v22 =	vmov v16;
	v25 =	vmov v18  }
.LBB2_32:
.Ltmp95:
0x5d8: {  	(pc) =	sbr.rel .LBB2_35-.Ltmp95, $2  }
0x5d9: {  	_ =	sdelay $0x2  }
0x5da: {  	v22 =	vmovc v10;
	v17 =	vmov v11;
	v21 =	vmov v20;
	v10 =	vmov v23  }
.LBB2_56:
.Ltmp96:
0x5db: {  	(pc) =	sbr.rel .LBB2_59-.Ltmp96, $2  }
0x5dc: {  	_ =	sdelay $0x2  }
0x5dd: {  	v25 =	vmovc v8;
	v16 =	vmov v12;
	v22 =	vmov v24;
	v8 =	vmov v27  }
.LBB2_81:
.Ltmp97:
0x5de: {  	(pc) =	sbr.rel .LBB2_84-.Ltmp97, $2  }
0x5df: {  	_ =	sdelay $0x2  }
0x5e0: {  	v25 =	vmovc v8;
	v16 =	vmov v12;
	v22 =	vmov v24;
	v8 =	vmov v27  }
.LBB2_110:
.Ltmp98:
0x5e1: {  	(pc) =	sbr.rel .LBB2_113-.Ltmp98, $2  }
0x5e2: {  	_ =	sdelay $0x2  }
0x5e3: {  	v23 =	vmovc v8;
	v17 =	vmov v12;
	v21 =	vmov v24;
	v8 =	vmov v26  }
.LBB2_124:
0x5e4: {  	_ =	sfence.sel $0x180000  }
0x5e5: {  	[bflag:$0x0] =	sbarrier.arrive $0xFFFF  }
0x5e6: {  	_ =	strace $0x90000047  }
0x5e7: {  	s0 =	stileid.u32;
	[bflag:$0x2] =	sbarrier.arrive $0xFFFF  }
0x5e8: {  	p0 =	sne.s32 s0, $0x0;
	s0 =	rddreg [dreg:$0x3]  }
0x5e9: {  	s0 =	sadd.s32 @!p0 $0x100000, s0  }
0x5ea: {  	[sflag:s0] =	ssyncadd.tile.s32 @!p0 $0x1;
	_ =	shalt  }
.Lfunc_end2:
_tile_overlayer_lowered:
.L_overlay_start_2:
0x5eb: {  	(tag) =	ssettag $0x2  }
0x5ec: {  	s0 =	rddreg [dreg:$0x0];
	s2 =	stileid.u32  }
0x5ed: {  	s1 =	rddreg [dreg:$0x1];
	p0 =	sne.s32 s2, $0x0  }
0x5ee: {  	s3 =	rddreg [dreg:$0x2];
	[bflag:$0x3] =	sbarrier.arrive $0xFFFF;
	s2 =	simm.s32 @!p0 $0x1C04  }
0x5ef: {  	[timem:s3], [sflag:s2] =	dma.local @!p0 [hbm:s0], s1  }
0x5f0: {  	s0 =	simm.s32 @!p0 $0x4  }
0x5f1: {  	_ =	swait.ge @!p0 [sflag:s0], s1  }
0x5f2: {  	s1 =	ssub.s32 @!p0 $0x0, s1;
	[sflag:s0] =	ssyncset.done @!p0 $0x0  }
0x5f3: {  	[sflag:s0] =	ssyncadd.s32 @!p0 s1  }
0x5f4: {  	[bflag:$0x3] =	sbarrier.arrive $0xFFFF  }
0x5f5: {  	_ =	shalt  }

</sc_bundles>
